<compile_context>
chip_gen: v7x
topology: tpu7x:2x2x1
jax: 0.10.2.dev20260603
libtpu: 0.0.44.dev20260713+nightly
codegen_flags: <defaults>
</compile_context>

<pallas_src>
import functools

import jax
import jax.numpy as jnp
from jax import lax
from jax.experimental import pallas as pl
from jax.experimental.pallas import tpu as pltpu
from jax.experimental.pallas import tpu_sc as plsc

N = 10000
D = 128
E = 320000
NC = 2
NS = 16
NW = NC * NS
EPW = E // NW
K = 50
NCHUNK = EPW // K
NBUF = 4
RPZ = 1000
ZT = N // RPZ
CW = 16

_mesh = plsc.VectorSubcoreMesh(core_axis_name="c", subcore_axis_name="s")


@functools.partial(
    pl.kernel,
    out_type=jax.ShapeDtypeStruct((NC, N, CW), jnp.float32),
    mesh=_mesh,
    compiler_params=pltpu.CompilerParams(use_tc_tiling_on_sc=False),
    scratch_types=[
        pltpu.VMEM((NCHUNK, K), jnp.int32),
        pltpu.VMEM((K, CW), jnp.float32),
        pltpu.VMEM((RPZ, CW), jnp.float32),
        pltpu.VMEM_SHARED((N, CW), jnp.float32),
        pltpu.SemaphoreType.DMA,
    ],
)
def _count_kernel(dst_hbm, ones_hbm, out_hbm, dst_v, ones_v, zb_v, acc_sh, csem):
    c = lax.axis_index("c")
    s = lax.axis_index("s")
    wid = s * NC + c
    pltpu.sync_copy(dst_hbm.at[wid], dst_v)
    pltpu.sync_copy(ones_hbm, ones_v)

    def _zrow(r, carry):
        zb_v[r, :] = jnp.zeros((CW,), jnp.float32)
        return carry

    lax.fori_loop(0, RPZ, _zrow, 0)
    row0 = s * RPZ

    @pl.when(s < ZT)
    def _zero():
        pltpu.sync_copy(zb_v, acc_sh.at[pl.ds(row0, RPZ)])

    plsc.subcore_barrier()

    def _chunk(j, carry):
        pltpu.async_copy(ones_v, acc_sh.at[dst_v.at[j]], csem, add=True)
        return carry

    lax.fori_loop(0, NCHUNK, _chunk, 0)

    def _drain(j, carry):
        pltpu.make_async_copy(ones_v, acc_sh.at[dst_v.at[j]], csem).wait()
        return carry

    lax.fori_loop(0, NCHUNK, _drain, 0)
    plsc.subcore_barrier()

    @pl.when(s < ZT)
    def _dump():
        pltpu.sync_copy(acc_sh.at[pl.ds(row0, RPZ)], out_hbm.at[c, pl.ds(row0, RPZ)])


@functools.partial(
    pl.kernel,
    out_type=jax.ShapeDtypeStruct((NC, N, D), jnp.float32),
    mesh=_mesh,
    compiler_params=pltpu.CompilerParams(use_tc_tiling_on_sc=False),
    scratch_types=[
        pltpu.VMEM((NCHUNK, K), jnp.int32),
        pltpu.VMEM((NCHUNK, K), jnp.int32),
        pltpu.VMEM((NBUF, K, D), jnp.float32),
        pltpu.VMEM_SHARED((N, D), jnp.float32),
        [pltpu.SemaphoreType.DMA] * NBUF,
        [pltpu.SemaphoreType.DMA] * NBUF,
    ],
)
def _agg_kernel(
    table_hbm, src_hbm, dstr_hbm, out_hbm, src_v, dst_v, bufs, acc_sh, semG, semS
):
    c = lax.axis_index("c")
    s = lax.axis_index("s")
    wid = s * NC + c
    pltpu.sync_copy(src_hbm.at[wid], src_v)
    pltpu.sync_copy(dstr_hbm.at[wid], dst_v)

    zb = bufs.at[0]

    def _zrow(r, carry):
        def _zcol(i, carry2):
            bufs[0, r, pl.ds(i * 16, 16)] = jnp.zeros((16,), jnp.float32)
            return carry2

        return lax.fori_loop(0, D // 16, _zcol, carry)

    lax.fori_loop(0, K, _zrow, 0)
    row0 = s * RPZ

    @pl.when(s < ZT)
    def _zero():
        for t in range(RPZ // K):
            pltpu.sync_copy(zb, acc_sh.at[pl.ds(row0 + t * K, K)])

    plsc.subcore_barrier()

    for b in range(NBUF):
        pltpu.async_copy(table_hbm.at[src_v.at[b]], bufs.at[b], semG[b])

    def _round(t, carry):
        j0 = NBUF * t
        for b in range(NBUF):
            jj = j0 + b
            pltpu.make_async_copy(
                table_hbm.at[src_v.at[jj]], bufs.at[b], semG[b]
            ).wait()
            pltpu.async_copy(bufs.at[b], acc_sh.at[dst_v.at[jj]], semS[b], add=True)
        for b in range(NBUF):
            jj = j0 + b
            jn = jj + NBUF
            pltpu.make_async_copy(
                bufs.at[b], acc_sh.at[dst_v.at[jj]], semS[b]
            ).wait()

            @pl.when(jn < NCHUNK)
            def _next():
                pltpu.async_copy(table_hbm.at[src_v.at[jn]], bufs.at[b], semG[b])

        return carry

    lax.fori_loop(0, NCHUNK // NBUF, _round, 0)
    plsc.subcore_barrier()

    @pl.when(s < ZT)
    def _dump():
        pltpu.sync_copy(acc_sh.at[pl.ds(row0, RPZ)], out_hbm.at[c, pl.ds(row0, RPZ)])


def _mm_body(x_ref, w_ref, o_ref):
    o_ref[...] = jnp.dot(x_ref[...], w_ref[...], preferred_element_type=jnp.float32)


def _prescale_body(xw_ref, cnt_ref, xws_ref, dis_ref, ic_ref):
    ce = cnt_ref[0, :, 0:1] + cnt_ref[1, :, 0:1]
    dis = lax.rsqrt(ce + 1.0)
    xws_ref[...] = dis * xw_ref[...]
    dis_ref[...] = dis
    ic_ref[...] = 1.0 / jnp.maximum(ce, 1.0)


def _gcn_finish_body(s_ref, xws_ref, dis_ref, b_ref, h_ref):
    tot = s_ref[0] + s_ref[1] + xws_ref[...]
    h_ref[...] = jnp.maximum(dis_ref[...] * tot + b_ref[...], 0.0)


def _sage_body(t_ref, h_ref, ic_ref, wl_ref, bl_ref, wr_ref, out_ref):
    mean = (t_ref[0] + t_ref[1]) * ic_ref[...]
    out = (
        jnp.dot(mean, wl_ref[...], preferred_element_type=jnp.float32)
        + bl_ref[...]
        + jnp.dot(h_ref[...], wr_ref[...], preferred_element_type=jnp.float32)
    )
    out_ref[...] = jnp.maximum(out, 0.0)


def kernel(feat, ei, W_gcn, b_gcn, W_l, b_l, W_r):
    src = ei[0].astype(jnp.int32).reshape(NW, NCHUNK, K)
    dst = ei[1].astype(jnp.int32).reshape(NW, NCHUNK, K)
    ones = jnp.ones((K, CW), jnp.float32)

    xw = pl.pallas_call(
        _mm_body,
        out_shape=jax.ShapeDtypeStruct((N, D), jnp.float32),
    )(feat, W_gcn)

    cnt_parts = _count_kernel(dst, ones)

    xws, dis, ic = pl.pallas_call(
        _prescale_body,
        out_shape=[
            jax.ShapeDtypeStruct((N, D), jnp.float32),
            jax.ShapeDtypeStruct((N, 1), jnp.float32),
            jax.ShapeDtypeStruct((N, 1), jnp.float32),
        ],
    )(xw, cnt_parts)

    S = _agg_kernel(xws, src, dst)

    h = pl.pallas_call(
        _gcn_finish_body,
        out_shape=jax.ShapeDtypeStruct((N, D), jnp.float32),
    )(S, xws, dis, jnp.reshape(b_gcn, (1, D)))

    T = _agg_kernel(h, src, dst)

    out = pl.pallas_call(
        _sage_body,
        out_shape=jax.ShapeDtypeStruct((N, D), jnp.float32),
    )(T, h, ic, W_l, jnp.reshape(b_l, (1, D)), W_r)
    return out

# --- scband reference (transcript-rebuilt; emitter-appended) ---
"""Pipeline reference for scband-agent-gnn-74174085202349 (READ-ONLY COPY).

The authoritative reference and input builder live on the scoring server;
editing this copy changes nothing except your own understanding.
"""

import jax, jax.numpy as jnp
import numpy as np

N_NODES = 10000
IN_DIM = 128
HID = 128
N_EDGES = 320000


def setup_inputs(seed: int = 0) -> dict:
    key = jax.random.key(seed)
    k1, k2, k3, k4, k5, k6, k7 = jax.random.split(key, 7)
    feat = jax.random.normal(k1, (N_NODES, IN_DIM), dtype=jnp.float32)
    ei = jax.random.randint(k2, (2, N_EDGES), 0, N_NODES, dtype=jnp.int64)
    # GCNConv params: linear weight (no bias in lin), bias added after propagation
    W_gcn = jax.random.normal(k3, (IN_DIM, HID), dtype=jnp.float32) * (1.0 / np.sqrt(IN_DIM))
    b_gcn = jnp.zeros((HID,), dtype=jnp.float32)
    # SAGEConv params: lin_l (neighbor agg, with bias), lin_r (root, no bias)
    W_l = jax.random.normal(k4, (HID, HID), dtype=jnp.float32) * (1.0 / np.sqrt(HID))
    b_l = jnp.zeros((HID,), dtype=jnp.float32)
    W_r = jax.random.normal(k5, (HID, HID), dtype=jnp.float32) * (1.0 / np.sqrt(HID))
    return {"feat": feat, "ei": ei, "W_gcn": W_gcn, "b_gcn": b_gcn, "W_l": W_l, "b_l": b_l, "W_r": W_r}


def _gcn_conv(x, ei, W, b):
    # PyG GCNConv: add self-loops, symmetric normalization deg^-1/2 A deg^-1/2
    N = x.shape[0]
    loop = jnp.arange(N, dtype=ei.dtype)
    src = jnp.concatenate([ei[0], loop])
    dst = jnp.concatenate([ei[1], loop])
    deg = jnp.zeros((N,), dtype=jnp.float32).at[dst].add(1.0)
    deg_inv_sqrt = jnp.where(deg > 0, deg ** -0.5, 0.0)
    norm = deg_inv_sqrt[src] * deg_inv_sqrt[dst]
    xw = x @ W
    msg = norm[:, None] * jnp.take(xw, src, axis=0)
    out = jnp.zeros((N, W.shape[1]), dtype=jnp.float32).at[dst].add(msg)
    return out + b


def _sage_conv(x, ei, W_l, b_l, W_r):
    # PyG SAGEConv(aggr='mean'): mean over incoming neighbor messages + root transform
    N = x.shape[0]
    src, dst = ei[0], ei[1]
    summed = jnp.zeros((N, x.shape[1]), dtype=jnp.float32).at[dst].add(jnp.take(x, src, axis=0))
    count = jnp.zeros((N,), dtype=jnp.float32).at[dst].add(1.0)
    mean_agg = summed / jnp.clip(count, 1.0, None)[:, None]
    return mean_agg @ W_l + b_l + x @ W_r


def reference(feat, ei, W_gcn, b_gcn, W_l, b_l, W_r):
    h = _gcn_conv(feat, ei, W_gcn, b_gcn)
    h = jax.nn.relu(h)
    h = _sage_conv(h, ei, W_l, b_l, W_r)
    h = jax.nn.relu(h)
    return h

if __name__ == "__main__":
    import jax
    _d = setup_inputs()
    print(jax.jit(kernel)(*tuple(_d.values())))

</pallas_src>

<mosaic_0001>
#map = affine_map<(d0, d1) -> (0, 0)>
#map1 = affine_map<(d0, d1) -> (0, 0, 0)>
module attributes {stable_mosaic.version = 14 : i64} {
  func.func @_agg_kernel(%arg0: i32, %arg1: i32, %arg2: memref<10000x128xf32, #tpu.memory_space<hbm>>, %arg3: memref<32x200x50xi32, #tpu.memory_space<hbm>>, %arg4: memref<32x200x50xi32, #tpu.memory_space<hbm>>, %arg5: memref<2x10000x128xf32, #tpu.memory_space<hbm>>, %arg6: memref<200x50xi32, #tpu.memory_space<vmem>>, %arg7: memref<200x50xi32, #tpu.memory_space<vmem>>, %arg8: memref<4x50x128xf32, #tpu.memory_space<vmem>>, %arg9: memref<10000x128xf32, #tpu.memory_space<vmem_shared>>, %arg10: memref<!tpu.dma_semaphore, #tpu.memory_space<semaphore_mem>>, %arg11: memref<!tpu.dma_semaphore, #tpu.memory_space<semaphore_mem>>, %arg12: memref<!tpu.dma_semaphore, #tpu.memory_space<semaphore_mem>>, %arg13: memref<!tpu.dma_semaphore, #tpu.memory_space<semaphore_mem>>, %arg14: memref<!tpu.dma_semaphore, #tpu.memory_space<semaphore_mem>>, %arg15: memref<!tpu.dma_semaphore, #tpu.memory_space<semaphore_mem>>, %arg16: memref<!tpu.dma_semaphore, #tpu.memory_space<semaphore_mem>>, %arg17: memref<!tpu.dma_semaphore, #tpu.memory_space<semaphore_mem>>) attributes {dimension_semantics = [#tpu.dimension_semantics<core_parallel>, #tpu.dimension_semantics<subcore_parallel>], iteration_bounds = array<i64: 2, 16>, scalar_prefetch = 0 : i64, scratch_operands = 12 : i64, tpu.core_type = #tpu.core_type<sc_vector_subcore>, window_params = [{transform_indices = #map}, {transform_indices = #map1}, {transform_indices = #map1}, {transform_indices = #map1}]} {
    %mul3A = arith.constant 2 : i32
    %mul3A_0 = arith.muli %arg1, %mul3A : i32
    %add3A = arith.addi %mul3A_0, %arg0 : i32
    "tpu.region"() ({
      %run_scoped3A = tpu.sem_alloc : memref<!tpu.dma_semaphore, #tpu.memory_space<semaphore_mem>>
      %dma_start3A_70 = arith.constant 0 : i32
      %dma_start3A_71 = arith.constant 0 : i32
      %dma_start3A_72 = tpu.memref_slice %arg3[%add3A, %dma_start3A_70, %dma_start3A_71] : memref<32x200x50xi32, #tpu.memory_space<hbm>> -> memref<1x200x50xi32, #tpu.memory_space<hbm>>
      %dma_start3A_73 = tpu.memref_squeeze %dma_start3A_72 : memref<1x200x50xi32, #tpu.memory_space<hbm>> -> memref<200x50xi32, #tpu.memory_space<hbm>>
      %dma_start3A_74 = arith.constant 0 : i32
      %dma_start3A_75 = arith.constant 0 : i32
      %dma_start3A_76 = tpu.memref_slice %arg3[%add3A, %dma_start3A_74, %dma_start3A_75] : memref<32x200x50xi32, #tpu.memory_space<hbm>> -> memref<1x200x50xi32, #tpu.memory_space<hbm>>
      %dma_start3A_77 = tpu.memref_squeeze %dma_start3A_76 : memref<1x200x50xi32, #tpu.memory_space<hbm>> -> memref<200x50xi32, #tpu.memory_space<hbm>>
      tpu.enqueue_dma source(%dma_start3A_77 : memref<200x50xi32, #tpu.memory_space<hbm>>) target(%arg6 : memref<200x50xi32, #tpu.memory_space<vmem>>) target_semaphore(%run_scoped3A : memref<!tpu.dma_semaphore, #tpu.memory_space<semaphore_mem>>)
      %dma_wait3A = arith.constant 0 : i32
      %dma_wait3A_78 = arith.constant 0 : i32
      %dma_wait3A_79 = tpu.memref_slice %arg3[%add3A, %dma_wait3A, %dma_wait3A_78] : memref<32x200x50xi32, #tpu.memory_space<hbm>> -> memref<1x200x50xi32, #tpu.memory_space<hbm>>
      %dma_wait3A_80 = tpu.memref_squeeze %dma_wait3A_79 : memref<1x200x50xi32, #tpu.memory_space<hbm>> -> memref<200x50xi32, #tpu.memory_space<hbm>>
      %dma_wait3A_81 = arith.constant 0 : i32
      %dma_wait3A_82 = arith.constant 0 : i32
      %dma_wait3A_83 = tpu.memref_slice %arg3[%add3A, %dma_wait3A_81, %dma_wait3A_82] : memref<32x200x50xi32, #tpu.memory_space<hbm>> -> memref<1x200x50xi32, #tpu.memory_space<hbm>>
      %dma_wait3A_84 = tpu.memref_squeeze %dma_wait3A_83 : memref<1x200x50xi32, #tpu.memory_space<hbm>> -> memref<200x50xi32, #tpu.memory_space<hbm>>
      tpu.wait_dma2 semaphore(%run_scoped3A : memref<!tpu.dma_semaphore, #tpu.memory_space<semaphore_mem>>) src(%dma_wait3A_84 : memref<200x50xi32, #tpu.memory_space<hbm>>) dst(%arg6 : memref<200x50xi32, #tpu.memory_space<vmem>>)
      tpu.yield
    }) : () -> ()
    "tpu.region"() ({
      %run_scoped3A = tpu.sem_alloc : memref<!tpu.dma_semaphore, #tpu.memory_space<semaphore_mem>>
      %dma_start3A_70 = arith.constant 0 : i32
      %dma_start3A_71 = arith.constant 0 : i32
      %dma_start3A_72 = tpu.memref_slice %arg4[%add3A, %dma_start3A_70, %dma_start3A_71] : memref<32x200x50xi32, #tpu.memory_space<hbm>> -> memref<1x200x50xi32, #tpu.memory_space<hbm>>
      %dma_start3A_73 = tpu.memref_squeeze %dma_start3A_72 : memref<1x200x50xi32, #tpu.memory_space<hbm>> -> memref<200x50xi32, #tpu.memory_space<hbm>>
      %dma_start3A_74 = arith.constant 0 : i32
      %dma_start3A_75 = arith.constant 0 : i32
      %dma_start3A_76 = tpu.memref_slice %arg4[%add3A, %dma_start3A_74, %dma_start3A_75] : memref<32x200x50xi32, #tpu.memory_space<hbm>> -> memref<1x200x50xi32, #tpu.memory_space<hbm>>
      %dma_start3A_77 = tpu.memref_squeeze %dma_start3A_76 : memref<1x200x50xi32, #tpu.memory_space<hbm>> -> memref<200x50xi32, #tpu.memory_space<hbm>>
      tpu.enqueue_dma source(%dma_start3A_77 : memref<200x50xi32, #tpu.memory_space<hbm>>) target(%arg7 : memref<200x50xi32, #tpu.memory_space<vmem>>) target_semaphore(%run_scoped3A : memref<!tpu.dma_semaphore, #tpu.memory_space<semaphore_mem>>)
      %dma_wait3A = arith.constant 0 : i32
      %dma_wait3A_78 = arith.constant 0 : i32
      %dma_wait3A_79 = tpu.memref_slice %arg4[%add3A, %dma_wait3A, %dma_wait3A_78] : memref<32x200x50xi32, #tpu.memory_space<hbm>> -> memref<1x200x50xi32, #tpu.memory_space<hbm>>
      %dma_wait3A_80 = tpu.memref_squeeze %dma_wait3A_79 : memref<1x200x50xi32, #tpu.memory_space<hbm>> -> memref<200x50xi32, #tpu.memory_space<hbm>>
      %dma_wait3A_81 = arith.constant 0 : i32
      %dma_wait3A_82 = arith.constant 0 : i32
      %dma_wait3A_83 = tpu.memref_slice %arg4[%add3A, %dma_wait3A_81, %dma_wait3A_82] : memref<32x200x50xi32, #tpu.memory_space<hbm>> -> memref<1x200x50xi32, #tpu.memory_space<hbm>>
      %dma_wait3A_84 = tpu.memref_squeeze %dma_wait3A_83 : memref<1x200x50xi32, #tpu.memory_space<hbm>> -> memref<200x50xi32, #tpu.memory_space<hbm>>
      tpu.wait_dma2 semaphore(%run_scoped3A : memref<!tpu.dma_semaphore, #tpu.memory_space<semaphore_mem>>) src(%dma_wait3A_84 : memref<200x50xi32, #tpu.memory_space<hbm>>) dst(%arg7 : memref<200x50xi32, #tpu.memory_space<vmem>>)
      tpu.yield
    }) : () -> ()
    %scan3A = arith.constant 0 : i32
    %scan3A_1 = arith.constant 0 : i32
    %scan3A_2 = arith.constant 50 : i32
    %scan3A_3 = arith.addi %scan3A_1, %scan3A_2 : i32
    %scan3A_4 = arith.constant 1 : i32
    scf.for %scan3A_70 = %scan3A_1 to %scan3A_3 step %scan3A_4  : i32 {
      %scan3A_71 = arith.constant 0 : i32
      %scan3A_72 = arith.constant 8 : i32
      %scan3A_73 = arith.addi %scan3A_71, %scan3A_72 : i32
      %scan3A_74 = arith.constant 1 : i32
      scf.for %scan3A_76 = %scan3A_71 to %scan3A_73 step %scan3A_74  : i32 {
        %broadcast_in_dim3A = arith.constant 0.000000e+00 : f32
        %broadcast_in_dim3A_77 = vector.broadcast %broadcast_in_dim3A : f32 to vector<16xf32>
        %mul3A_78 = arith.constant 16 : i32
        %mul3A_79 = arith.muli %scan3A_76, %mul3A_78 : i32
        %swap3A = arith.constant 0 : i32
        %swap3A_80 = arith.index_cast %swap3A : i32 to index
        %swap3A_81 = arith.index_cast %scan3A_70 : i32 to index
        %swap3A_82 = arith.index_cast %mul3A_79 : i32 to index
        %swap3A_83 = tpu.vector_load %arg8[%swap3A_80, %swap3A_81, %swap3A_82] {strides = array<i32>} : memref<4x50x128xf32, #tpu.memory_space<vmem>>, vector<1x1x16xf32>,
        %swap3A_84 = vector.shape_cast %swap3A_83 : vector<1x1x16xf32> to vector<16xf32>
        %swap3A_85 = vector.shape_cast %broadcast_in_dim3A_77 : vector<16xf32> to vector<1x1x16xf32>
        tpu.vector_store %arg8[%swap3A_80, %swap3A_81, %swap3A_82], %swap3A_85 {strides = array<i32>} : memref<4x50x128xf32, #tpu.memory_space<vmem>>, vector<1x1x16xf32>,
      }
      %scan3A_75 = arith.constant 8 : i32
    }
    %scan3A_5 = arith.constant 50 : i32
    %mul3A_6 = arith.constant 1000 : i32
    %mul3A_7 = arith.muli %arg1, %mul3A_6 : i32
    %lt3A = arith.constant 10 : i32
    %lt3A_8 = arith.cmpi slt, %arg1, %lt3A : i32
    %convert_element_type3A = arith.extui %lt3A_8 : i1 to i32
    %cond3A = arith.constant 0 : i32
    %cond3A_9 = arith.constant 0 : i32
    %cond3A_10 = arith.cmpi ne, %convert_element_type3A, %cond3A_9 : i32
    scf.if %cond3A_10 {
      %add3A_70 = arith.constant 0 : i32
      %add3A_71 = arith.addi %mul3A_7, %add3A_70 : i32
      "tpu.region"() ({
        %run_scoped3A = tpu.sem_alloc : memref<!tpu.dma_semaphore, #tpu.memory_space<semaphore_mem>>
        %dma_start3A_110 = arith.constant 0 : i32
        %dma_start3A_111 = arith.constant 0 : i32
        %dma_start3A_112 = tpu.memref_slice %arg8[%cond3A, %dma_start3A_110, %dma_start3A_111] : memref<4x50x128xf32, #tpu.memory_space<vmem>> -> memref<1x50x128xf32, #tpu.memory_space<vmem>>
        %dma_start3A_113 = tpu.memref_squeeze %dma_start3A_112 : memref<1x50x128xf32, #tpu.memory_space<vmem>> -> memref<50x128xf32, #tpu.memory_space<vmem>>
        %dma_start3A_114 = arith.constant 0 : i32
        %dma_start3A_115 = tpu.memref_slice %arg9[%add3A_71, %dma_start3A_114] : memref<10000x128xf32, #tpu.memory_space<vmem_shared>> -> memref<50x128xf32, #tpu.memory_space<vmem_shared>>
        %dma_start3A_116 = arith.constant 0 : i32
        %dma_start3A_117 = tpu.memref_slice %arg9[%add3A_71, %dma_start3A_116] : memref<10000x128xf32, #tpu.memory_space<vmem_shared>> -> memref<50x128xf32, #tpu.memory_space<vmem_shared>>
        %dma_start3A_118 = arith.constant 0 : i32
        %dma_start3A_119 = arith.constant 0 : i32
        %dma_start3A_120 = tpu.memref_slice %arg8[%cond3A, %dma_start3A_118, %dma_start3A_119] : memref<4x50x128xf32, #tpu.memory_space<vmem>> -> memref<1x50x128xf32, #tpu.memory_space<vmem>>
        %dma_start3A_121 = tpu.memref_squeeze %dma_start3A_120 : memref<1x50x128xf32, #tpu.memory_space<vmem>> -> memref<50x128xf32, #tpu.memory_space<vmem>>
        tpu.enqueue_dma source(%dma_start3A_121 : memref<50x128xf32, #tpu.memory_space<vmem>>) target(%dma_start3A_117 : memref<50x128xf32, #tpu.memory_space<vmem_shared>>) target_semaphore(%run_scoped3A : memref<!tpu.dma_semaphore, #tpu.memory_space<semaphore_mem>>)
        %dma_wait3A = arith.constant 0 : i32
        %dma_wait3A_122 = arith.constant 0 : i32
        %dma_wait3A_123 = tpu.memref_slice %arg8[%cond3A, %dma_wait3A, %dma_wait3A_122] : memref<4x50x128xf32, #tpu.memory_space<vmem>> -> memref<1x50x128xf32, #tpu.memory_space<vmem>>
        %dma_wait3A_124 = tpu.memref_squeeze %dma_wait3A_123 : memref<1x50x128xf32, #tpu.memory_space<vmem>> -> memref<50x128xf32, #tpu.memory_space<vmem>>
        %dma_wait3A_125 = arith.constant 0 : i32
        %dma_wait3A_126 = tpu.memref_slice %arg9[%add3A_71, %dma_wait3A_125] : memref<10000x128xf32, #tpu.memory_space<vmem_shared>> -> memref<50x128xf32, #tpu.memory_space<vmem_shared>>
        %dma_wait3A_127 = arith.constant 0 : i32
        %dma_wait3A_128 = tpu.memref_slice %arg9[%add3A_71, %dma_wait3A_127] : memref<10000x128xf32, #tpu.memory_space<vmem_shared>> -> memref<50x128xf32, #tpu.memory_space<vmem_shared>>
        %dma_wait3A_129 = arith.constant 0 : i32
        %dma_wait3A_130 = arith.constant 0 : i32
        %dma_wait3A_131 = tpu.memref_slice %arg8[%cond3A, %dma_wait3A_129, %dma_wait3A_130] : memref<4x50x128xf32, #tpu.memory_space<vmem>> -> memref<1x50x128xf32, #tpu.memory_space<vmem>>
        %dma_wait3A_132 = tpu.memref_squeeze %dma_wait3A_131 : memref<1x50x128xf32, #tpu.memory_space<vmem>> -> memref<50x128xf32, #tpu.memory_space<vmem>>
        tpu.wait_dma2 semaphore(%run_scoped3A : memref<!tpu.dma_semaphore, #tpu.memory_space<semaphore_mem>>) src(%dma_wait3A_132 : memref<50x128xf32, #tpu.memory_space<vmem>>) dst(%dma_wait3A_128 : memref<50x128xf32, #tpu.memory_space<vmem_shared>>)
        tpu.yield
      }) : () -> ()
      %add3A_72 = arith.constant 50 : i32
      %add3A_73 = arith.addi %mul3A_7, %add3A_72 : i32
      "tpu.region"() ({
        %run_scoped3A = tpu.sem_alloc : memref<!tpu.dma_semaphore, #tpu.memory_space<semaphore_mem>>
        %dma_start3A_110 = arith.constant 0 : i32
        %dma_start3A_111 = arith.constant 0 : i32
        %dma_start3A_112 = tpu.memref_slice %arg8[%cond3A, %dma_start3A_110, %dma_start3A_111] : memref<4x50x128xf32, #tpu.memory_space<vmem>> -> memref<1x50x128xf32, #tpu.memory_space<vmem>>
        %dma_start3A_113 = tpu.memref_squeeze %dma_start3A_112 : memref<1x50x128xf32, #tpu.memory_space<vmem>> -> memref<50x128xf32, #tpu.memory_space<vmem>>
        %dma_start3A_114 = arith.constant 0 : i32
        %dma_start3A_115 = tpu.memref_slice %arg9[%add3A_73, %dma_start3A_114] : memref<10000x128xf32, #tpu.memory_space<vmem_shared>> -> memref<50x128xf32, #tpu.memory_space<vmem_shared>>
        %dma_start3A_116 = arith.constant 0 : i32
        %dma_start3A_117 = tpu.memref_slice %arg9[%add3A_73, %dma_start3A_116] : memref<10000x128xf32, #tpu.memory_space<vmem_shared>> -> memref<50x128xf32, #tpu.memory_space<vmem_shared>>
        %dma_start3A_118 = arith.constant 0 : i32
        %dma_start3A_119 = arith.constant 0 : i32
        %dma_start3A_120 = tpu.memref_slice %arg8[%cond3A, %dma_start3A_118, %dma_start3A_119] : memref<4x50x128xf32, #tpu.memory_space<vmem>> -> memref<1x50x128xf32, #tpu.memory_space<vmem>>
        %dma_start3A_121 = tpu.memref_squeeze %dma_start3A_120 : memref<1x50x128xf32, #tpu.memory_space<vmem>> -> memref<50x128xf32, #tpu.memory_space<vmem>>
        tpu.enqueue_dma source(%dma_start3A_121 : memref<50x128xf32, #tpu.memory_space<vmem>>) target(%dma_start3A_117 : memref<50x128xf32, #tpu.memory_space<vmem_shared>>) target_semaphore(%run_scoped3A : memref<!tpu.dma_semaphore, #tpu.memory_space<semaphore_mem>>)
        %dma_wait3A = arith.constant 0 : i32
        %dma_wait3A_122 = arith.constant 0 : i32
        %dma_wait3A_123 = tpu.memref_slice %arg8[%cond3A, %dma_wait3A, %dma_wait3A_122] : memref<4x50x128xf32, #tpu.memory_space<vmem>> -> memref<1x50x128xf32, #tpu.memory_space<vmem>>
        %dma_wait3A_124 = tpu.memref_squeeze %dma_wait3A_123 : memref<1x50x128xf32, #tpu.memory_space<vmem>> -> memref<50x128xf32, #tpu.memory_space<vmem>>
        %dma_wait3A_125 = arith.constant 0 : i32
        %dma_wait3A_126 = tpu.memref_slice %arg9[%add3A_73, %dma_wait3A_125] : memref<10000x128xf32, #tpu.memory_space<vmem_shared>> -> memref<50x128xf32, #tpu.memory_space<vmem_shared>>
        %dma_wait3A_127 = arith.constant 0 : i32
        %dma_wait3A_128 = tpu.memref_slice %arg9[%add3A_73, %dma_wait3A_127] : memref<10000x128xf32, #tpu.memory_space<vmem_shared>> -> memref<50x128xf32, #tpu.memory_space<vmem_shared>>
        %dma_wait3A_129 = arith.constant 0 : i32
        %dma_wait3A_130 = arith.constant 0 : i32
        %dma_wait3A_131 = tpu.memref_slice %arg8[%cond3A, %dma_wait3A_129, %dma_wait3A_130] : memref<4x50x128xf32, #tpu.memory_space<vmem>> -> memref<1x50x128xf32, #tpu.memory_space<vmem>>
        %dma_wait3A_132 = tpu.memref_squeeze %dma_wait3A_131 : memref<1x50x128xf32, #tpu.memory_space<vmem>> -> memref<50x128xf32, #tpu.memory_space<vmem>>
        tpu.wait_dma2 semaphore(%run_scoped3A : memref<!tpu.dma_semaphore, #tpu.memory_space<semaphore_mem>>) src(%dma_wait3A_132 : memref<50x128xf32, #tpu.memory_space<vmem>>) dst(%dma_wait3A_128 : memref<50x128xf32, #tpu.memory_space<vmem_shared>>)
        tpu.yield
      }) : () -> ()
      %add3A_74 = arith.constant 100 : i32
      %add3A_75 = arith.addi %mul3A_7, %add3A_74 : i32
      "tpu.region"() ({
        %run_scoped3A = tpu.sem_alloc : memref<!tpu.dma_semaphore, #tpu.memory_space<semaphore_mem>>
        %dma_start3A_110 = arith.constant 0 : i32
        %dma_start3A_111 = arith.constant 0 : i32
        %dma_start3A_112 = tpu.memref_slice %arg8[%cond3A, %dma_start3A_110, %dma_start3A_111] : memref<4x50x128xf32, #tpu.memory_space<vmem>> -> memref<1x50x128xf32, #tpu.memory_space<vmem>>
        %dma_start3A_113 = tpu.memref_squeeze %dma_start3A_112 : memref<1x50x128xf32, #tpu.memory_space<vmem>> -> memref<50x128xf32, #tpu.memory_space<vmem>>
        %dma_start3A_114 = arith.constant 0 : i32
        %dma_start3A_115 = tpu.memref_slice %arg9[%add3A_75, %dma_start3A_114] : memref<10000x128xf32, #tpu.memory_space<vmem_shared>> -> memref<50x128xf32, #tpu.memory_space<vmem_shared>>
        %dma_start3A_116 = arith.constant 0 : i32
        %dma_start3A_117 = tpu.memref_slice %arg9[%add3A_75, %dma_start3A_116] : memref<10000x128xf32, #tpu.memory_space<vmem_shared>> -> memref<50x128xf32, #tpu.memory_space<vmem_shared>>
        %dma_start3A_118 = arith.constant 0 : i32
        %dma_start3A_119 = arith.constant 0 : i32
        %dma_start3A_120 = tpu.memref_slice %arg8[%cond3A, %dma_start3A_118, %dma_start3A_119] : memref<4x50x128xf32, #tpu.memory_space<vmem>> -> memref<1x50x128xf32, #tpu.memory_space<vmem>>
        %dma_start3A_121 = tpu.memref_squeeze %dma_start3A_120 : memref<1x50x128xf32, #tpu.memory_space<vmem>> -> memref<50x128xf32, #tpu.memory_space<vmem>>
        tpu.enqueue_dma source(%dma_start3A_121 : memref<50x128xf32, #tpu.memory_space<vmem>>) target(%dma_start3A_117 : memref<50x128xf32, #tpu.memory_space<vmem_shared>>) target_semaphore(%run_scoped3A : memref<!tpu.dma_semaphore, #tpu.memory_space<semaphore_mem>>)
        %dma_wait3A = arith.constant 0 : i32
        %dma_wait3A_122 = arith.constant 0 : i32
        %dma_wait3A_123 = tpu.memref_slice %arg8[%cond3A, %dma_wait3A, %dma_wait3A_122] : memref<4x50x128xf32, #tpu.memory_space<vmem>> -> memref<1x50x128xf32, #tpu.memory_space<vmem>>
        %dma_wait3A_124 = tpu.memref_squeeze %dma_wait3A_123 : memref<1x50x128xf32, #tpu.memory_space<vmem>> -> memref<50x128xf32, #tpu.memory_space<vmem>>
        %dma_wait3A_125 = arith.constant 0 : i32
        %dma_wait3A_126 = tpu.memref_slice %arg9[%add3A_75, %dma_wait3A_125] : memref<10000x128xf32, #tpu.memory_space<vmem_shared>> -> memref<50x128xf32, #tpu.memory_space<vmem_shared>>
        %dma_wait3A_127 = arith.constant 0 : i32
        %dma_wait3A_128 = tpu.memref_slice %arg9[%add3A_75, %dma_wait3A_127] : memref<10000x128xf32, #tpu.memory_space<vmem_shared>> -> memref<50x128xf32, #tpu.memory_space<vmem_shared>>
        %dma_wait3A_129 = arith.constant 0 : i32
        %dma_wait3A_130 = arith.constant 0 : i32
        %dma_wait3A_131 = tpu.memref_slice %arg8[%cond3A, %dma_wait3A_129, %dma_wait3A_130] : memref<4x50x128xf32, #tpu.memory_space<vmem>> -> memref<1x50x128xf32, #tpu.memory_space<vmem>>
        %dma_wait3A_132 = tpu.memref_squeeze %dma_wait3A_131 : memref<1x50x128xf32, #tpu.memory_space<vmem>> -> memref<50x128xf32, #tpu.memory_space<vmem>>
        tpu.wait_dma2 semaphore(%run_scoped3A : memref<!tpu.dma_semaphore, #tpu.memory_space<semaphore_mem>>) src(%dma_wait3A_132 : memref<50x128xf32, #tpu.memory_space<vmem>>) dst(%dma_wait3A_128 : memref<50x128xf32, #tpu.memory_space<vmem_shared>>)
        tpu.yield
      }) : () -> ()
      %add3A_76 = arith.constant 150 : i32
      %add3A_77 = arith.addi %mul3A_7, %add3A_76 : i32
      "tpu.region"() ({
        %run_scoped3A = tpu.sem_alloc : memref<!tpu.dma_semaphore, #tpu.memory_space<semaphore_mem>>
        %dma_start3A_110 = arith.constant 0 : i32
        %dma_start3A_111 = arith.constant 0 : i32
        %dma_start3A_112 = tpu.memref_slice %arg8[%cond3A, %dma_start3A_110, %dma_start3A_111] : memref<4x50x128xf32, #tpu.memory_space<vmem>> -> memref<1x50x128xf32, #tpu.memory_space<vmem>>
        %dma_start3A_113 = tpu.memref_squeeze %dma_start3A_112 : memref<1x50x128xf32, #tpu.memory_space<vmem>> -> memref<50x128xf32, #tpu.memory_space<vmem>>
        %dma_start3A_114 = arith.constant 0 : i32
        %dma_start3A_115 = tpu.memref_slice %arg9[%add3A_77, %dma_start3A_114] : memref<10000x128xf32, #tpu.memory_space<vmem_shared>> -> memref<50x128xf32, #tpu.memory_space<vmem_shared>>
        %dma_start3A_116 = arith.constant 0 : i32
        %dma_start3A_117 = tpu.memref_slice %arg9[%add3A_77, %dma_start3A_116] : memref<10000x128xf32, #tpu.memory_space<vmem_shared>> -> memref<50x128xf32, #tpu.memory_space<vmem_shared>>
        %dma_start3A_118 = arith.constant 0 : i32
        %dma_start3A_119 = arith.constant 0 : i32
        %dma_start3A_120 = tpu.memref_slice %arg8[%cond3A, %dma_start3A_118, %dma_start3A_119] : memref<4x50x128xf32, #tpu.memory_space<vmem>> -> memref<1x50x128xf32, #tpu.memory_space<vmem>>
        %dma_start3A_121 = tpu.memref_squeeze %dma_start3A_120 : memref<1x50x128xf32, #tpu.memory_space<vmem>> -> memref<50x128xf32, #tpu.memory_space<vmem>>
        tpu.enqueue_dma source(%dma_start3A_121 : memref<50x128xf32, #tpu.memory_space<vmem>>) target(%dma_start3A_117 : memref<50x128xf32, #tpu.memory_space<vmem_shared>>) target_semaphore(%run_scoped3A : memref<!tpu.dma_semaphore, #tpu.memory_space<semaphore_mem>>)
        %dma_wait3A = arith.constant 0 : i32
        %dma_wait3A_122 = arith.constant 0 : i32
        %dma_wait3A_123 = tpu.memref_slice %arg8[%cond3A, %dma_wait3A, %dma_wait3A_122] : memref<4x50x128xf32, #tpu.memory_space<vmem>> -> memref<1x50x128xf32, #tpu.memory_space<vmem>>
        %dma_wait3A_124 = tpu.memref_squeeze %dma_wait3A_123 : memref<1x50x128xf32, #tpu.memory_space<vmem>> -> memref<50x128xf32, #tpu.memory_space<vmem>>
        %dma_wait3A_125 = arith.constant 0 : i32
        %dma_wait3A_126 = tpu.memref_slice %arg9[%add3A_77, %dma_wait3A_125] : memref<10000x128xf32, #tpu.memory_space<vmem_shared>> -> memref<50x128xf32, #tpu.memory_space<vmem_shared>>
        %dma_wait3A_127 = arith.constant 0 : i32
        %dma_wait3A_128 = tpu.memref_slice %arg9[%add3A_77, %dma_wait3A_127] : memref<10000x128xf32, #tpu.memory_space<vmem_shared>> -> memref<50x128xf32, #tpu.memory_space<vmem_shared>>
        %dma_wait3A_129 = arith.constant 0 : i32
        %dma_wait3A_130 = arith.constant 0 : i32
        %dma_wait3A_131 = tpu.memref_slice %arg8[%cond3A, %dma_wait3A_129, %dma_wait3A_130] : memref<4x50x128xf32, #tpu.memory_space<vmem>> -> memref<1x50x128xf32, #tpu.memory_space<vmem>>
        %dma_wait3A_132 = tpu.memref_squeeze %dma_wait3A_131 : memref<1x50x128xf32, #tpu.memory_space<vmem>> -> memref<50x128xf32, #tpu.memory_space<vmem>>
        tpu.wait_dma2 semaphore(%run_scoped3A : memref<!tpu.dma_semaphore, #tpu.memory_space<semaphore_mem>>) src(%dma_wait3A_132 : memref<50x128xf32, #tpu.memory_space<vmem>>) dst(%dma_wait3A_128 : memref<50x128xf32, #tpu.memory_space<vmem_shared>>)
        tpu.yield
      }) : () -> ()
      %add3A_78 = arith.constant 200 : i32
      %add3A_79 = arith.addi %mul3A_7, %add3A_78 : i32
      "tpu.region"() ({
        %run_scoped3A = tpu.sem_alloc : memref<!tpu.dma_semaphore, #tpu.memory_space<semaphore_mem>>
        %dma_start3A_110 = arith.constant 0 : i32
        %dma_start3A_111 = arith.constant 0 : i32
        %dma_start3A_112 = tpu.memref_slice %arg8[%cond3A, %dma_start3A_110, %dma_start3A_111] : memref<4x50x128xf32, #tpu.memory_space<vmem>> -> memref<1x50x128xf32, #tpu.memory_space<vmem>>
        %dma_start3A_113 = tpu.memref_squeeze %dma_start3A_112 : memref<1x50x128xf32, #tpu.memory_space<vmem>> -> memref<50x128xf32, #tpu.memory_space<vmem>>
        %dma_start3A_114 = arith.constant 0 : i32
        %dma_start3A_115 = tpu.memref_slice %arg9[%add3A_79, %dma_start3A_114] : memref<10000x128xf32, #tpu.memory_space<vmem_shared>> -> memref<50x128xf32, #tpu.memory_space<vmem_shared>>
        %dma_start3A_116 = arith.constant 0 : i32
        %dma_start3A_117 = tpu.memref_slice %arg9[%add3A_79, %dma_start3A_116] : memref<10000x128xf32, #tpu.memory_space<vmem_shared>> -> memref<50x128xf32, #tpu.memory_space<vmem_shared>>
        %dma_start3A_118 = arith.constant 0 : i32
        %dma_start3A_119 = arith.constant 0 : i32
        %dma_start3A_120 = tpu.memref_slice %arg8[%cond3A, %dma_start3A_118, %dma_start3A_119] : memref<4x50x128xf32, #tpu.memory_space<vmem>> -> memref<1x50x128xf32, #tpu.memory_space<vmem>>
        %dma_start3A_121 = tpu.memref_squeeze %dma_start3A_120 : memref<1x50x128xf32, #tpu.memory_space<vmem>> -> memref<50x128xf32, #tpu.memory_space<vmem>>
        tpu.enqueue_dma source(%dma_start3A_121 : memref<50x128xf32, #tpu.memory_space<vmem>>) target(%dma_start3A_117 : memref<50x128xf32, #tpu.memory_space<vmem_shared>>) target_semaphore(%run_scoped3A : memref<!tpu.dma_semaphore, #tpu.memory_space<semaphore_mem>>)
        %dma_wait3A = arith.constant 0 : i32
        %dma_wait3A_122 = arith.constant 0 : i32
        %dma_wait3A_123 = tpu.memref_slice %arg8[%cond3A, %dma_wait3A, %dma_wait3A_122] : memref<4x50x128xf32, #tpu.memory_space<vmem>> -> memref<1x50x128xf32, #tpu.memory_space<vmem>>
        %dma_wait3A_124 = tpu.memref_squeeze %dma_wait3A_123 : memref<1x50x128xf32, #tpu.memory_space<vmem>> -> memref<50x128xf32, #tpu.memory_space<vmem>>
        %dma_wait3A_125 = arith.constant 0 : i32
        %dma_wait3A_126 = tpu.memref_slice %arg9[%add3A_79, %dma_wait3A_125] : memref<10000x128xf32, #tpu.memory_space<vmem_shared>> -> memref<50x128xf32, #tpu.memory_space<vmem_shared>>
        %dma_wait3A_127 = arith.constant 0 : i32
        %dma_wait3A_128 = tpu.memref_slice %arg9[%add3A_79, %dma_wait3A_127] : memref<10000x128xf32, #tpu.memory_space<vmem_shared>> -> memref<50x128xf32, #tpu.memory_space<vmem_shared>>
        %dma_wait3A_129 = arith.constant 0 : i32
        %dma_wait3A_130 = arith.constant 0 : i32
        %dma_wait3A_131 = tpu.memref_slice %arg8[%cond3A, %dma_wait3A_129, %dma_wait3A_130] : memref<4x50x128xf32, #tpu.memory_space<vmem>> -> memref<1x50x128xf32, #tpu.memory_space<vmem>>
        %dma_wait3A_132 = tpu.memref_squeeze %dma_wait3A_131 : memref<1x50x128xf32, #tpu.memory_space<vmem>> -> memref<50x128xf32, #tpu.memory_space<vmem>>
        tpu.wait_dma2 semaphore(%run_scoped3A : memref<!tpu.dma_semaphore, #tpu.memory_space<semaphore_mem>>) src(%dma_wait3A_132 : memref<50x128xf32, #tpu.memory_space<vmem>>) dst(%dma_wait3A_128 : memref<50x128xf32, #tpu.memory_space<vmem_shared>>)
        tpu.yield
      }) : () -> ()
      %add3A_80 = arith.constant 250 : i32
      %add3A_81 = arith.addi %mul3A_7, %add3A_80 : i32
      "tpu.region"() ({
        %run_scoped3A = tpu.sem_alloc : memref<!tpu.dma_semaphore, #tpu.memory_space<semaphore_mem>>
        %dma_start3A_110 = arith.constant 0 : i32
        %dma_start3A_111 = arith.constant 0 : i32
        %dma_start3A_112 = tpu.memref_slice %arg8[%cond3A, %dma_start3A_110, %dma_start3A_111] : memref<4x50x128xf32, #tpu.memory_space<vmem>> -> memref<1x50x128xf32, #tpu.memory_space<vmem>>
        %dma_start3A_113 = tpu.memref_squeeze %dma_start3A_112 : memref<1x50x128xf32, #tpu.memory_space<vmem>> -> memref<50x128xf32, #tpu.memory_space<vmem>>
        %dma_start3A_114 = arith.constant 0 : i32
        %dma_start3A_115 = tpu.memref_slice %arg9[%add3A_81, %dma_start3A_114] : memref<10000x128xf32, #tpu.memory_space<vmem_shared>> -> memref<50x128xf32, #tpu.memory_space<vmem_shared>>
        %dma_start3A_116 = arith.constant 0 : i32
        %dma_start3A_117 = tpu.memref_slice %arg9[%add3A_81, %dma_start3A_116] : memref<10000x128xf32, #tpu.memory_space<vmem_shared>> -> memref<50x128xf32, #tpu.memory_space<vmem_shared>>
        %dma_start3A_118 = arith.constant 0 : i32
        %dma_start3A_119 = arith.constant 0 : i32
        %dma_start3A_120 = tpu.memref_slice %arg8[%cond3A, %dma_start3A_118, %dma_start3A_119] : memref<4x50x128xf32, #tpu.memory_space<vmem>> -> memref<1x50x128xf32, #tpu.memory_space<vmem>>
        %dma_start3A_121 = tpu.memref_squeeze %dma_start3A_120 : memref<1x50x128xf32, #tpu.memory_space<vmem>> -> memref<50x128xf32, #tpu.memory_space<vmem>>
        tpu.enqueue_dma source(%dma_start3A_121 : memref<50x128xf32, #tpu.memory_space<vmem>>) target(%dma_start3A_117 : memref<50x128xf32, #tpu.memory_space<vmem_shared>>) target_semaphore(%run_scoped3A : memref<!tpu.dma_semaphore, #tpu.memory_space<semaphore_mem>>)
        %dma_wait3A = arith.constant 0 : i32
        %dma_wait3A_122 = arith.constant 0 : i32
        %dma_wait3A_123 = tpu.memref_slice %arg8[%cond3A, %dma_wait3A, %dma_wait3A_122] : memref<4x50x128xf32, #tpu.memory_space<vmem>> -> memref<1x50x128xf32, #tpu.memory_space<vmem>>
        %dma_wait3A_124 = tpu.memref_squeeze %dma_wait3A_123 : memref<1x50x128xf32, #tpu.memory_space<vmem>> -> memref<50x128xf32, #tpu.memory_space<vmem>>
        %dma_wait3A_125 = arith.constant 0 : i32
        %dma_wait3A_126 = tpu.memref_slice %arg9[%add3A_81, %dma_wait3A_125] : memref<10000x128xf32, #tpu.memory_space<vmem_shared>> -> memref<50x128xf32, #tpu.memory_space<vmem_shared>>
        %dma_wait3A_127 = arith.constant 0 : i32
        %dma_wait3A_128 = tpu.memref_slice %arg9[%add3A_81, %dma_wait3A_127] : memref<10000x128xf32, #tpu.memory_space<vmem_shared>> -> memref<50x128xf32, #tpu.memory_space<vmem_shared>>
        %dma_wait3A_129 = arith.constant 0 : i32
        %dma_wait3A_130 = arith.constant 0 : i32
        %dma_wait3A_131 = tpu.memref_slice %arg8[%cond3A, %dma_wait3A_129, %dma_wait3A_130] : memref<4x50x128xf32, #tpu.memory_space<vmem>> -> memref<1x50x128xf32, #tpu.memory_space<vmem>>
        %dma_wait3A_132 = tpu.memref_squeeze %dma_wait3A_131 : memref<1x50x128xf32, #tpu.memory_space<vmem>> -> memref<50x128xf32, #tpu.memory_space<vmem>>
        tpu.wait_dma2 semaphore(%run_scoped3A : memref<!tpu.dma_semaphore, #tpu.memory_space<semaphore_mem>>) src(%dma_wait3A_132 : memref<50x128xf32, #tpu.memory_space<vmem>>) dst(%dma_wait3A_128 : memref<50x128xf32, #tpu.memory_space<vmem_shared>>)
        tpu.yield
      }) : () -> ()
      %add3A_82 = arith.constant 300 : i32
      %add3A_83 = arith.addi %mul3A_7, %add3A_82 : i32
      "tpu.region"() ({
        %run_scoped3A = tpu.sem_alloc : memref<!tpu.dma_semaphore, #tpu.memory_space<semaphore_mem>>
        %dma_start3A_110 = arith.constant 0 : i32
        %dma_start3A_111 = arith.constant 0 : i32
        %dma_start3A_112 = tpu.memref_slice %arg8[%cond3A, %dma_start3A_110, %dma_start3A_111] : memref<4x50x128xf32, #tpu.memory_space<vmem>> -> memref<1x50x128xf32, #tpu.memory_space<vmem>>
        %dma_start3A_113 = tpu.memref_squeeze %dma_start3A_112 : memref<1x50x128xf32, #tpu.memory_space<vmem>> -> memref<50x128xf32, #tpu.memory_space<vmem>>
        %dma_start3A_114 = arith.constant 0 : i32
        %dma_start3A_115 = tpu.memref_slice %arg9[%add3A_83, %dma_start3A_114] : memref<10000x128xf32, #tpu.memory_space<vmem_shared>> -> memref<50x128xf32, #tpu.memory_space<vmem_shared>>
        %dma_start3A_116 = arith.constant 0 : i32
        %dma_start3A_117 = tpu.memref_slice %arg9[%add3A_83, %dma_start3A_116] : memref<10000x128xf32, #tpu.memory_space<vmem_shared>> -> memref<50x128xf32, #tpu.memory_space<vmem_shared>>
        %dma_start3A_118 = arith.constant 0 : i32
        %dma_start3A_119 = arith.constant 0 : i32
        %dma_start3A_120 = tpu.memref_slice %arg8[%cond3A, %dma_start3A_118, %dma_start3A_119] : memref<4x50x128xf32, #tpu.memory_space<vmem>> -> memref<1x50x128xf32, #tpu.memory_space<vmem>>
        %dma_start3A_121 = tpu.memref_squeeze %dma_start3A_120 : memref<1x50x128xf32, #tpu.memory_space<vmem>> -> memref<50x128xf32, #tpu.memory_space<vmem>>
        tpu.enqueue_dma source(%dma_start3A_121 : memref<50x128xf32, #tpu.memory_space<vmem>>) target(%dma_start3A_117 : memref<50x128xf32, #tpu.memory_space<vmem_shared>>) target_semaphore(%run_scoped3A : memref<!tpu.dma_semaphore, #tpu.memory_space<semaphore_mem>>)
        %dma_wait3A = arith.constant 0 : i32
        %dma_wait3A_122 = arith.constant 0 : i32
        %dma_wait3A_123 = tpu.memref_slice %arg8[%cond3A, %dma_wait3A, %dma_wait3A_122] : memref<4x50x128xf32, #tpu.memory_space<vmem>> -> memref<1x50x128xf32, #tpu.memory_space<vmem>>
        %dma_wait3A_124 = tpu.memref_squeeze %dma_wait3A_123 : memref<1x50x128xf32, #tpu.memory_space<vmem>> -> memref<50x128xf32, #tpu.memory_space<vmem>>
        %dma_wait3A_125 = arith.constant 0 : i32
        %dma_wait3A_126 = tpu.memref_slice %arg9[%add3A_83, %dma_wait3A_125] : memref<10000x128xf32, #tpu.memory_space<vmem_shared>> -> memref<50x128xf32, #tpu.memory_space<vmem_shared>>
        %dma_wait3A_127 = arith.constant 0 : i32
        %dma_wait3A_128 = tpu.memref_slice %arg9[%add3A_83, %dma_wait3A_127] : memref<10000x128xf32, #tpu.memory_space<vmem_shared>> -> memref<50x128xf32, #tpu.memory_space<vmem_shared>>
        %dma_wait3A_129 = arith.constant 0 : i32
        %dma_wait3A_130 = arith.constant 0 : i32
        %dma_wait3A_131 = tpu.memref_slice %arg8[%cond3A, %dma_wait3A_129, %dma_wait3A_130] : memref<4x50x128xf32, #tpu.memory_space<vmem>> -> memref<1x50x128xf32, #tpu.memory_space<vmem>>
        %dma_wait3A_132 = tpu.memref_squeeze %dma_wait3A_131 : memref<1x50x128xf32, #tpu.memory_space<vmem>> -> memref<50x128xf32, #tpu.memory_space<vmem>>
        tpu.wait_dma2 semaphore(%run_scoped3A : memref<!tpu.dma_semaphore, #tpu.memory_space<semaphore_mem>>) src(%dma_wait3A_132 : memref<50x128xf32, #tpu.memory_space<vmem>>) dst(%dma_wait3A_128 : memref<50x128xf32, #tpu.memory_space<vmem_shared>>)
        tpu.yield
      }) : () -> ()
      %add3A_84 = arith.constant 350 : i32
      %add3A_85 = arith.addi %mul3A_7, %add3A_84 : i32
      "tpu.region"() ({
        %run_scoped3A = tpu.sem_alloc : memref<!tpu.dma_semaphore, #tpu.memory_space<semaphore_mem>>
        %dma_start3A_110 = arith.constant 0 : i32
        %dma_start3A_111 = arith.constant 0 : i32
        %dma_start3A_112 = tpu.memref_slice %arg8[%cond3A, %dma_start3A_110, %dma_start3A_111] : memref<4x50x128xf32, #tpu.memory_space<vmem>> -> memref<1x50x128xf32, #tpu.memory_space<vmem>>
        %dma_start3A_113 = tpu.memref_squeeze %dma_start3A_112 : memref<1x50x128xf32, #tpu.memory_space<vmem>> -> memref<50x128xf32, #tpu.memory_space<vmem>>
        %dma_start3A_114 = arith.constant 0 : i32
        %dma_start3A_115 = tpu.memref_slice %arg9[%add3A_85, %dma_start3A_114] : memref<10000x128xf32, #tpu.memory_space<vmem_shared>> -> memref<50x128xf32, #tpu.memory_space<vmem_shared>>
        %dma_start3A_116 = arith.constant 0 : i32
        %dma_start3A_117 = tpu.memref_slice %arg9[%add3A_85, %dma_start3A_116] : memref<10000x128xf32, #tpu.memory_space<vmem_shared>> -> memref<50x128xf32, #tpu.memory_space<vmem_shared>>
        %dma_start3A_118 = arith.constant 0 : i32
        %dma_start3A_119 = arith.constant 0 : i32
        %dma_start3A_120 = tpu.memref_slice %arg8[%cond3A, %dma_start3A_118, %dma_start3A_119] : memref<4x50x128xf32, #tpu.memory_space<vmem>> -> memref<1x50x128xf32, #tpu.memory_space<vmem>>
        %dma_start3A_121 = tpu.memref_squeeze %dma_start3A_120 : memref<1x50x128xf32, #tpu.memory_space<vmem>> -> memref<50x128xf32, #tpu.memory_space<vmem>>
        tpu.enqueue_dma source(%dma_start3A_121 : memref<50x128xf32, #tpu.memory_space<vmem>>) target(%dma_start3A_117 : memref<50x128xf32, #tpu.memory_space<vmem_shared>>) target_semaphore(%run_scoped3A : memref<!tpu.dma_semaphore, #tpu.memory_space<semaphore_mem>>)
        %dma_wait3A = arith.constant 0 : i32
        %dma_wait3A_122 = arith.constant 0 : i32
        %dma_wait3A_123 = tpu.memref_slice %arg8[%cond3A, %dma_wait3A, %dma_wait3A_122] : memref<4x50x128xf32, #tpu.memory_space<vmem>> -> memref<1x50x128xf32, #tpu.memory_space<vmem>>
        %dma_wait3A_124 = tpu.memref_squeeze %dma_wait3A_123 : memref<1x50x128xf32, #tpu.memory_space<vmem>> -> memref<50x128xf32, #tpu.memory_space<vmem>>
        %dma_wait3A_125 = arith.constant 0 : i32
        %dma_wait3A_126 = tpu.memref_slice %arg9[%add3A_85, %dma_wait3A_125] : memref<10000x128xf32, #tpu.memory_space<vmem_shared>> -> memref<50x128xf32, #tpu.memory_space<vmem_shared>>
        %dma_wait3A_127 = arith.constant 0 : i32
        %dma_wait3A_128 = tpu.memref_slice %arg9[%add3A_85, %dma_wait3A_127] : memref<10000x128xf32, #tpu.memory_space<vmem_shared>> -> memref<50x128xf32, #tpu.memory_space<vmem_shared>>
        %dma_wait3A_129 = arith.constant 0 : i32
        %dma_wait3A_130 = arith.constant 0 : i32
        %dma_wait3A_131 = tpu.memref_slice %arg8[%cond3A, %dma_wait3A_129, %dma_wait3A_130] : memref<4x50x128xf32, #tpu.memory_space<vmem>> -> memref<1x50x128xf32, #tpu.memory_space<vmem>>
        %dma_wait3A_132 = tpu.memref_squeeze %dma_wait3A_131 : memref<1x50x128xf32, #tpu.memory_space<vmem>> -> memref<50x128xf32, #tpu.memory_space<vmem>>
        tpu.wait_dma2 semaphore(%run_scoped3A : memref<!tpu.dma_semaphore, #tpu.memory_space<semaphore_mem>>) src(%dma_wait3A_132 : memref<50x128xf32, #tpu.memory_space<vmem>>) dst(%dma_wait3A_128 : memref<50x128xf32, #tpu.memory_space<vmem_shared>>)
        tpu.yield
      }) : () -> ()
      %add3A_86 = arith.constant 400 : i32
      %add3A_87 = arith.addi %mul3A_7, %add3A_86 : i32
      "tpu.region"() ({
        %run_scoped3A = tpu.sem_alloc : memref<!tpu.dma_semaphore, #tpu.memory_space<semaphore_mem>>
        %dma_start3A_110 = arith.constant 0 : i32
        %dma_start3A_111 = arith.constant 0 : i32
        %dma_start3A_112 = tpu.memref_slice %arg8[%cond3A, %dma_start3A_110, %dma_start3A_111] : memref<4x50x128xf32, #tpu.memory_space<vmem>> -> memref<1x50x128xf32, #tpu.memory_space<vmem>>
        %dma_start3A_113 = tpu.memref_squeeze %dma_start3A_112 : memref<1x50x128xf32, #tpu.memory_space<vmem>> -> memref<50x128xf32, #tpu.memory_space<vmem>>
        %dma_start3A_114 = arith.constant 0 : i32
        %dma_start3A_115 = tpu.memref_slice %arg9[%add3A_87, %dma_start3A_114] : memref<10000x128xf32, #tpu.memory_space<vmem_shared>> -> memref<50x128xf32, #tpu.memory_space<vmem_shared>>
        %dma_start3A_116 = arith.constant 0 : i32
        %dma_start3A_117 = tpu.memref_slice %arg9[%add3A_87, %dma_start3A_116] : memref<10000x128xf32, #tpu.memory_space<vmem_shared>> -> memref<50x128xf32, #tpu.memory_space<vmem_shared>>
        %dma_start3A_118 = arith.constant 0 : i32
        %dma_start3A_119 = arith.constant 0 : i32
        %dma_start3A_120 = tpu.memref_slice %arg8[%cond3A, %dma_start3A_118, %dma_start3A_119] : memref<4x50x128xf32, #tpu.memory_space<vmem>> -> memref<1x50x128xf32, #tpu.memory_space<vmem>>
        %dma_start3A_121 = tpu.memref_squeeze %dma_start3A_120 : memref<1x50x128xf32, #tpu.memory_space<vmem>> -> memref<50x128xf32, #tpu.memory_space<vmem>>
        tpu.enqueue_dma source(%dma_start3A_121 : memref<50x128xf32, #tpu.memory_space<vmem>>) target(%dma_start3A_117 : memref<50x128xf32, #tpu.memory_space<vmem_shared>>) target_semaphore(%run_scoped3A : memref<!tpu.dma_semaphore, #tpu.memory_space<semaphore_mem>>)
        %dma_wait3A = arith.constant 0 : i32
        %dma_wait3A_122 = arith.constant 0 : i32
        %dma_wait3A_123 = tpu.memref_slice %arg8[%cond3A, %dma_wait3A, %dma_wait3A_122] : memref<4x50x128xf32, #tpu.memory_space<vmem>> -> memref<1x50x128xf32, #tpu.memory_space<vmem>>
        %dma_wait3A_124 = tpu.memref_squeeze %dma_wait3A_123 : memref<1x50x128xf32, #tpu.memory_space<vmem>> -> memref<50x128xf32, #tpu.memory_space<vmem>>
        %dma_wait3A_125 = arith.constant 0 : i32
        %dma_wait3A_126 = tpu.memref_slice %arg9[%add3A_87, %dma_wait3A_125] : memref<10000x128xf32, #tpu.memory_space<vmem_shared>> -> memref<50x128xf32, #tpu.memory_space<vmem_shared>>
        %dma_wait3A_127 = arith.constant 0 : i32
        %dma_wait3A_128 = tpu.memref_slice %arg9[%add3A_87, %dma_wait3A_127] : memref<10000x128xf32, #tpu.memory_space<vmem_shared>> -> memref<50x128xf32, #tpu.memory_space<vmem_shared>>
        %dma_wait3A_129 = arith.constant 0 : i32
        %dma_wait3A_130 = arith.constant 0 : i32
        %dma_wait3A_131 = tpu.memref_slice %arg8[%cond3A, %dma_wait3A_129, %dma_wait3A_130] : memref<4x50x128xf32, #tpu.memory_space<vmem>> -> memref<1x50x128xf32, #tpu.memory_space<vmem>>
        %dma_wait3A_132 = tpu.memref_squeeze %dma_wait3A_131 : memref<1x50x128xf32, #tpu.memory_space<vmem>> -> memref<50x128xf32, #tpu.memory_space<vmem>>
        tpu.wait_dma2 semaphore(%run_scoped3A : memref<!tpu.dma_semaphore, #tpu.memory_space<semaphore_mem>>) src(%dma_wait3A_132 : memref<50x128xf32, #tpu.memory_space<vmem>>) dst(%dma_wait3A_128 : memref<50x128xf32, #tpu.memory_space<vmem_shared>>)
        tpu.yield
      }) : () -> ()
      %add3A_88 = arith.constant 450 : i32
      %add3A_89 = arith.addi %mul3A_7, %add3A_88 : i32
      "tpu.region"() ({
        %run_scoped3A = tpu.sem_alloc : memref<!tpu.dma_semaphore, #tpu.memory_space<semaphore_mem>>
        %dma_start3A_110 = arith.constant 0 : i32
        %dma_start3A_111 = arith.constant 0 : i32
        %dma_start3A_112 = tpu.memref_slice %arg8[%cond3A, %dma_start3A_110, %dma_start3A_111] : memref<4x50x128xf32, #tpu.memory_space<vmem>> -> memref<1x50x128xf32, #tpu.memory_space<vmem>>
        %dma_start3A_113 = tpu.memref_squeeze %dma_start3A_112 : memref<1x50x128xf32, #tpu.memory_space<vmem>> -> memref<50x128xf32, #tpu.memory_space<vmem>>
        %dma_start3A_114 = arith.constant 0 : i32
        %dma_start3A_115 = tpu.memref_slice %arg9[%add3A_89, %dma_start3A_114] : memref<10000x128xf32, #tpu.memory_space<vmem_shared>> -> memref<50x128xf32, #tpu.memory_space<vmem_shared>>
        %dma_start3A_116 = arith.constant 0 : i32
        %dma_start3A_117 = tpu.memref_slice %arg9[%add3A_89, %dma_start3A_116] : memref<10000x128xf32, #tpu.memory_space<vmem_shared>> -> memref<50x128xf32, #tpu.memory_space<vmem_shared>>
        %dma_start3A_118 = arith.constant 0 : i32
        %dma_start3A_119 = arith.constant 0 : i32
        %dma_start3A_120 = tpu.memref_slice %arg8[%cond3A, %dma_start3A_118, %dma_start3A_119] : memref<4x50x128xf32, #tpu.memory_space<vmem>> -> memref<1x50x128xf32, #tpu.memory_space<vmem>>
        %dma_start3A_121 = tpu.memref_squeeze %dma_start3A_120 : memref<1x50x128xf32, #tpu.memory_space<vmem>> -> memref<50x128xf32, #tpu.memory_space<vmem>>
        tpu.enqueue_dma source(%dma_start3A_121 : memref<50x128xf32, #tpu.memory_space<vmem>>) target(%dma_start3A_117 : memref<50x128xf32, #tpu.memory_space<vmem_shared>>) target_semaphore(%run_scoped3A : memref<!tpu.dma_semaphore, #tpu.memory_space<semaphore_mem>>)
        %dma_wait3A = arith.constant 0 : i32
        %dma_wait3A_122 = arith.constant 0 : i32
        %dma_wait3A_123 = tpu.memref_slice %arg8[%cond3A, %dma_wait3A, %dma_wait3A_122] : memref<4x50x128xf32, #tpu.memory_space<vmem>> -> memref<1x50x128xf32, #tpu.memory_space<vmem>>
        %dma_wait3A_124 = tpu.memref_squeeze %dma_wait3A_123 : memref<1x50x128xf32, #tpu.memory_space<vmem>> -> memref<50x128xf32, #tpu.memory_space<vmem>>
        %dma_wait3A_125 = arith.constant 0 : i32
        %dma_wait3A_126 = tpu.memref_slice %arg9[%add3A_89, %dma_wait3A_125] : memref<10000x128xf32, #tpu.memory_space<vmem_shared>> -> memref<50x128xf32, #tpu.memory_space<vmem_shared>>
        %dma_wait3A_127 = arith.constant 0 : i32
        %dma_wait3A_128 = tpu.memref_slice %arg9[%add3A_89, %dma_wait3A_127] : memref<10000x128xf32, #tpu.memory_space<vmem_shared>> -> memref<50x128xf32, #tpu.memory_space<vmem_shared>>
        %dma_wait3A_129 = arith.constant 0 : i32
        %dma_wait3A_130 = arith.constant 0 : i32
        %dma_wait3A_131 = tpu.memref_slice %arg8[%cond3A, %dma_wait3A_129, %dma_wait3A_130] : memref<4x50x128xf32, #tpu.memory_space<vmem>> -> memref<1x50x128xf32, #tpu.memory_space<vmem>>
        %dma_wait3A_132 = tpu.memref_squeeze %dma_wait3A_131 : memref<1x50x128xf32, #tpu.memory_space<vmem>> -> memref<50x128xf32, #tpu.memory_space<vmem>>
        tpu.wait_dma2 semaphore(%run_scoped3A : memref<!tpu.dma_semaphore, #tpu.memory_space<semaphore_mem>>) src(%dma_wait3A_132 : memref<50x128xf32, #tpu.memory_space<vmem>>) dst(%dma_wait3A_128 : memref<50x128xf32, #tpu.memory_space<vmem_shared>>)
        tpu.yield
      }) : () -> ()
      %add3A_90 = arith.constant 500 : i32
      %add3A_91 = arith.addi %mul3A_7, %add3A_90 : i32
      "tpu.region"() ({
        %run_scoped3A = tpu.sem_alloc : memref<!tpu.dma_semaphore, #tpu.memory_space<semaphore_mem>>
        %dma_start3A_110 = arith.constant 0 : i32
        %dma_start3A_111 = arith.constant 0 : i32
        %dma_start3A_112 = tpu.memref_slice %arg8[%cond3A, %dma_start3A_110, %dma_start3A_111] : memref<4x50x128xf32, #tpu.memory_space<vmem>> -> memref<1x50x128xf32, #tpu.memory_space<vmem>>
        %dma_start3A_113 = tpu.memref_squeeze %dma_start3A_112 : memref<1x50x128xf32, #tpu.memory_space<vmem>> -> memref<50x128xf32, #tpu.memory_space<vmem>>
        %dma_start3A_114 = arith.constant 0 : i32
        %dma_start3A_115 = tpu.memref_slice %arg9[%add3A_91, %dma_start3A_114] : memref<10000x128xf32, #tpu.memory_space<vmem_shared>> -> memref<50x128xf32, #tpu.memory_space<vmem_shared>>
        %dma_start3A_116 = arith.constant 0 : i32
        %dma_start3A_117 = tpu.memref_slice %arg9[%add3A_91, %dma_start3A_116] : memref<10000x128xf32, #tpu.memory_space<vmem_shared>> -> memref<50x128xf32, #tpu.memory_space<vmem_shared>>
        %dma_start3A_118 = arith.constant 0 : i32
        %dma_start3A_119 = arith.constant 0 : i32
        %dma_start3A_120 = tpu.memref_slice %arg8[%cond3A, %dma_start3A_118, %dma_start3A_119] : memref<4x50x128xf32, #tpu.memory_space<vmem>> -> memref<1x50x128xf32, #tpu.memory_space<vmem>>
        %dma_start3A_121 = tpu.memref_squeeze %dma_start3A_120 : memref<1x50x128xf32, #tpu.memory_space<vmem>> -> memref<50x128xf32, #tpu.memory_space<vmem>>
        tpu.enqueue_dma source(%dma_start3A_121 : memref<50x128xf32, #tpu.memory_space<vmem>>) target(%dma_start3A_117 : memref<50x128xf32, #tpu.memory_space<vmem_shared>>) target_semaphore(%run_scoped3A : memref<!tpu.dma_semaphore, #tpu.memory_space<semaphore_mem>>)
        %dma_wait3A = arith.constant 0 : i32
        %dma_wait3A_122 = arith.constant 0 : i32
        %dma_wait3A_123 = tpu.memref_slice %arg8[%cond3A, %dma_wait3A, %dma_wait3A_122] : memref<4x50x128xf32, #tpu.memory_space<vmem>> -> memref<1x50x128xf32, #tpu.memory_space<vmem>>
        %dma_wait3A_124 = tpu.memref_squeeze %dma_wait3A_123 : memref<1x50x128xf32, #tpu.memory_space<vmem>> -> memref<50x128xf32, #tpu.memory_space<vmem>>
        %dma_wait3A_125 = arith.constant 0 : i32
        %dma_wait3A_126 = tpu.memref_slice %arg9[%add3A_91, %dma_wait3A_125] : memref<10000x128xf32, #tpu.memory_space<vmem_shared>> -> memref<50x128xf32, #tpu.memory_space<vmem_shared>>
        %dma_wait3A_127 = arith.constant 0 : i32
        %dma_wait3A_128 = tpu.memref_slice %arg9[%add3A_91, %dma_wait3A_127] : memref<10000x128xf32, #tpu.memory_space<vmem_shared>> -> memref<50x128xf32, #tpu.memory_space<vmem_shared>>
        %dma_wait3A_129 = arith.constant 0 : i32
        %dma_wait3A_130 = arith.constant 0 : i32
        %dma_wait3A_131 = tpu.memref_slice %arg8[%cond3A, %dma_wait3A_129, %dma_wait3A_130] : memref<4x50x128xf32, #tpu.memory_space<vmem>> -> memref<1x50x128xf32, #tpu.memory_space<vmem>>
        %dma_wait3A_132 = tpu.memref_squeeze %dma_wait3A_131 : memref<1x50x128xf32, #tpu.memory_space<vmem>> -> memref<50x128xf32, #tpu.memory_space<vmem>>
        tpu.wait_dma2 semaphore(%run_scoped3A : memref<!tpu.dma_semaphore, #tpu.memory_space<semaphore_mem>>) src(%dma_wait3A_132 : memref<50x128xf32, #tpu.memory_space<vmem>>) dst(%dma_wait3A_128 : memref<50x128xf32, #tpu.memory_space<vmem_shared>>)
        tpu.yield
      }) : () -> ()
      %add3A_92 = arith.constant 550 : i32
      %add3A_93 = arith.addi %mul3A_7, %add3A_92 : i32
      "tpu.region"() ({
        %run_scoped3A = tpu.sem_alloc : memref<!tpu.dma_semaphore, #tpu.memory_space<semaphore_mem>>
        %dma_start3A_110 = arith.constant 0 : i32
        %dma_start3A_111 = arith.constant 0 : i32
        %dma_start3A_112 = tpu.memref_slice %arg8[%cond3A, %dma_start3A_110, %dma_start3A_111] : memref<4x50x128xf32, #tpu.memory_space<vmem>> -> memref<1x50x128xf32, #tpu.memory_space<vmem>>
        %dma_start3A_113 = tpu.memref_squeeze %dma_start3A_112 : memref<1x50x128xf32, #tpu.memory_space<vmem>> -> memref<50x128xf32, #tpu.memory_space<vmem>>
        %dma_start3A_114 = arith.constant 0 : i32
        %dma_start3A_115 = tpu.memref_slice %arg9[%add3A_93, %dma_start3A_114] : memref<10000x128xf32, #tpu.memory_space<vmem_shared>> -> memref<50x128xf32, #tpu.memory_space<vmem_shared>>
        %dma_start3A_116 = arith.constant 0 : i32
        %dma_start3A_117 = tpu.memref_slice %arg9[%add3A_93, %dma_start3A_116] : memref<10000x128xf32, #tpu.memory_space<vmem_shared>> -> memref<50x128xf32, #tpu.memory_space<vmem_shared>>
        %dma_start3A_118 = arith.constant 0 : i32
        %dma_start3A_119 = arith.constant 0 : i32
        %dma_start3A_120 = tpu.memref_slice %arg8[%cond3A, %dma_start3A_118, %dma_start3A_119] : memref<4x50x128xf32, #tpu.memory_space<vmem>> -> memref<1x50x128xf32, #tpu.memory_space<vmem>>
        %dma_start3A_121 = tpu.memref_squeeze %dma_start3A_120 : memref<1x50x128xf32, #tpu.memory_space<vmem>> -> memref<50x128xf32, #tpu.memory_space<vmem>>
        tpu.enqueue_dma source(%dma_start3A_121 : memref<50x128xf32, #tpu.memory_space<vmem>>) target(%dma_start3A_117 : memref<50x128xf32, #tpu.memory_space<vmem_shared>>) target_semaphore(%run_scoped3A : memref<!tpu.dma_semaphore, #tpu.memory_space<semaphore_mem>>)
        %dma_wait3A = arith.constant 0 : i32
        %dma_wait3A_122 = arith.constant 0 : i32
        %dma_wait3A_123 = tpu.memref_slice %arg8[%cond3A, %dma_wait3A, %dma_wait3A_122] : memref<4x50x128xf32, #tpu.memory_space<vmem>> -> memref<1x50x128xf32, #tpu.memory_space<vmem>>
        %dma_wait3A_124 = tpu.memref_squeeze %dma_wait3A_123 : memref<1x50x128xf32, #tpu.memory_space<vmem>> -> memref<50x128xf32, #tpu.memory_space<vmem>>
        %dma_wait3A_125 = arith.constant 0 : i32
        %dma_wait3A_126 = tpu.memref_slice %arg9[%add3A_93, %dma_wait3A_125] : memref<10000x128xf32, #tpu.memory_space<vmem_shared>> -> memref<50x128xf32, #tpu.memory_space<vmem_shared>>
        %dma_wait3A_127 = arith.constant 0 : i32
        %dma_wait3A_128 = tpu.memref_slice %arg9[%add3A_93, %dma_wait3A_127] : memref<10000x128xf32, #tpu.memory_space<vmem_shared>> -> memref<50x128xf32, #tpu.memory_space<vmem_shared>>
        %dma_wait3A_129 = arith.constant 0 : i32
        %dma_wait3A_130 = arith.constant 0 : i32
        %dma_wait3A_131 = tpu.memref_slice %arg8[%cond3A, %dma_wait3A_129, %dma_wait3A_130] : memref<4x50x128xf32, #tpu.memory_space<vmem>> -> memref<1x50x128xf32, #tpu.memory_space<vmem>>
        %dma_wait3A_132 = tpu.memref_squeeze %dma_wait3A_131 : memref<1x50x128xf32, #tpu.memory_space<vmem>> -> memref<50x128xf32, #tpu.memory_space<vmem>>
        tpu.wait_dma2 semaphore(%run_scoped3A : memref<!tpu.dma_semaphore, #tpu.memory_space<semaphore_mem>>) src(%dma_wait3A_132 : memref<50x128xf32, #tpu.memory_space<vmem>>) dst(%dma_wait3A_128 : memref<50x128xf32, #tpu.memory_space<vmem_shared>>)
        tpu.yield
      }) : () -> ()
      %add3A_94 = arith.constant 600 : i32
      %add3A_95 = arith.addi %mul3A_7, %add3A_94 : i32
      "tpu.region"() ({
        %run_scoped3A = tpu.sem_alloc : memref<!tpu.dma_semaphore, #tpu.memory_space<semaphore_mem>>
        %dma_start3A_110 = arith.constant 0 : i32
        %dma_start3A_111 = arith.constant 0 : i32
        %dma_start3A_112 = tpu.memref_slice %arg8[%cond3A, %dma_start3A_110, %dma_start3A_111] : memref<4x50x128xf32, #tpu.memory_space<vmem>> -> memref<1x50x128xf32, #tpu.memory_space<vmem>>
        %dma_start3A_113 = tpu.memref_squeeze %dma_start3A_112 : memref<1x50x128xf32, #tpu.memory_space<vmem>> -> memref<50x128xf32, #tpu.memory_space<vmem>>
        %dma_start3A_114 = arith.constant 0 : i32
        %dma_start3A_115 = tpu.memref_slice %arg9[%add3A_95, %dma_start3A_114] : memref<10000x128xf32, #tpu.memory_space<vmem_shared>> -> memref<50x128xf32, #tpu.memory_space<vmem_shared>>
        %dma_start3A_116 = arith.constant 0 : i32
        %dma_start3A_117 = tpu.memref_slice %arg9[%add3A_95, %dma_start3A_116] : memref<10000x128xf32, #tpu.memory_space<vmem_shared>> -> memref<50x128xf32, #tpu.memory_space<vmem_shared>>
        %dma_start3A_118 = arith.constant 0 : i32
        %dma_start3A_119 = arith.constant 0 : i32
        %dma_start3A_120 = tpu.memref_slice %arg8[%cond3A, %dma_start3A_118, %dma_start3A_119] : memref<4x50x128xf32, #tpu.memory_space<vmem>> -> memref<1x50x128xf32, #tpu.memory_space<vmem>>
        %dma_start3A_121 = tpu.memref_squeeze %dma_start3A_120 : memref<1x50x128xf32, #tpu.memory_space<vmem>> -> memref<50x128xf32, #tpu.memory_space<vmem>>
        tpu.enqueue_dma source(%dma_start3A_121 : memref<50x128xf32, #tpu.memory_space<vmem>>) target(%dma_start3A_117 : memref<50x128xf32, #tpu.memory_space<vmem_shared>>) target_semaphore(%run_scoped3A : memref<!tpu.dma_semaphore, #tpu.memory_space<semaphore_mem>>)
        %dma_wait3A = arith.constant 0 : i32
        %dma_wait3A_122 = arith.constant 0 : i32
        %dma_wait3A_123 = tpu.memref_slice %arg8[%cond3A, %dma_wait3A, %dma_wait3A_122] : memref<4x50x128xf32, #tpu.memory_space<vmem>> -> memref<1x50x128xf32, #tpu.memory_space<vmem>>
        %dma_wait3A_124 = tpu.memref_squeeze %dma_wait3A_123 : memref<1x50x128xf32, #tpu.memory_space<vmem>> -> memref<50x128xf32, #tpu.memory_space<vmem>>
        %dma_wait3A_125 = arith.constant 0 : i32
        %dma_wait3A_126 = tpu.memref_slice %arg9[%add3A_95, %dma_wait3A_125] : memref<10000x128xf32, #tpu.memory_space<vmem_shared>> -> memref<50x128xf32, #tpu.memory_space<vmem_shared>>
        %dma_wait3A_127 = arith.constant 0 : i32
        %dma_wait3A_128 = tpu.memref_slice %arg9[%add3A_95, %dma_wait3A_127] : memref<10000x128xf32, #tpu.memory_space<vmem_shared>> -> memref<50x128xf32, #tpu.memory_space<vmem_shared>>
        %dma_wait3A_129 = arith.constant 0 : i32
        %dma_wait3A_130 = arith.constant 0 : i32
        %dma_wait3A_131 = tpu.memref_slice %arg8[%cond3A, %dma_wait3A_129, %dma_wait3A_130] : memref<4x50x128xf32, #tpu.memory_space<vmem>> -> memref<1x50x128xf32, #tpu.memory_space<vmem>>
        %dma_wait3A_132 = tpu.memref_squeeze %dma_wait3A_131 : memref<1x50x128xf32, #tpu.memory_space<vmem>> -> memref<50x128xf32, #tpu.memory_space<vmem>>
        tpu.wait_dma2 semaphore(%run_scoped3A : memref<!tpu.dma_semaphore, #tpu.memory_space<semaphore_mem>>) src(%dma_wait3A_132 : memref<50x128xf32, #tpu.memory_space<vmem>>) dst(%dma_wait3A_128 : memref<50x128xf32, #tpu.memory_space<vmem_shared>>)
        tpu.yield
      }) : () -> ()
      %add3A_96 = arith.constant 650 : i32
      %add3A_97 = arith.addi %mul3A_7, %add3A_96 : i32
      "tpu.region"() ({
        %run_scoped3A = tpu.sem_alloc : memref<!tpu.dma_semaphore, #tpu.memory_space<semaphore_mem>>
        %dma_start3A_110 = arith.constant 0 : i32
        %dma_start3A_111 = arith.constant 0 : i32
        %dma_start3A_112 = tpu.memref_slice %arg8[%cond3A, %dma_start3A_110, %dma_start3A_111] : memref<4x50x128xf32, #tpu.memory_space<vmem>> -> memref<1x50x128xf32, #tpu.memory_space<vmem>>
        %dma_start3A_113 = tpu.memref_squeeze %dma_start3A_112 : memref<1x50x128xf32, #tpu.memory_space<vmem>> -> memref<50x128xf32, #tpu.memory_space<vmem>>
        %dma_start3A_114 = arith.constant 0 : i32
        %dma_start3A_115 = tpu.memref_slice %arg9[%add3A_97, %dma_start3A_114] : memref<10000x128xf32, #tpu.memory_space<vmem_shared>> -> memref<50x128xf32, #tpu.memory_space<vmem_shared>>
        %dma_start3A_116 = arith.constant 0 : i32
        %dma_start3A_117 = tpu.memref_slice %arg9[%add3A_97, %dma_start3A_116] : memref<10000x128xf32, #tpu.memory_space<vmem_shared>> -> memref<50x128xf32, #tpu.memory_space<vmem_shared>>
        %dma_start3A_118 = arith.constant 0 : i32
        %dma_start3A_119 = arith.constant 0 : i32
        %dma_start3A_120 = tpu.memref_slice %arg8[%cond3A, %dma_start3A_118, %dma_start3A_119] : memref<4x50x128xf32, #tpu.memory_space<vmem>> -> memref<1x50x128xf32, #tpu.memory_space<vmem>>
        %dma_start3A_121 = tpu.memref_squeeze %dma_start3A_120 : memref<1x50x128xf32, #tpu.memory_space<vmem>> -> memref<50x128xf32, #tpu.memory_space<vmem>>
        tpu.enqueue_dma source(%dma_start3A_121 : memref<50x128xf32, #tpu.memory_space<vmem>>) target(%dma_start3A_117 : memref<50x128xf32, #tpu.memory_space<vmem_shared>>) target_semaphore(%run_scoped3A : memref<!tpu.dma_semaphore, #tpu.memory_space<semaphore_mem>>)
        %dma_wait3A = arith.constant 0 : i32
        %dma_wait3A_122 = arith.constant 0 : i32
        %dma_wait3A_123 = tpu.memref_slice %arg8[%cond3A, %dma_wait3A, %dma_wait3A_122] : memref<4x50x128xf32, #tpu.memory_space<vmem>> -> memref<1x50x128xf32, #tpu.memory_space<vmem>>
        %dma_wait3A_124 = tpu.memref_squeeze %dma_wait3A_123 : memref<1x50x128xf32, #tpu.memory_space<vmem>> -> memref<50x128xf32, #tpu.memory_space<vmem>>
        %dma_wait3A_125 = arith.constant 0 : i32
        %dma_wait3A_126 = tpu.memref_slice %arg9[%add3A_97, %dma_wait3A_125] : memref<10000x128xf32, #tpu.memory_space<vmem_shared>> -> memref<50x128xf32, #tpu.memory_space<vmem_shared>>
        %dma_wait3A_127 = arith.constant 0 : i32
        %dma_wait3A_128 = tpu.memref_slice %arg9[%add3A_97, %dma_wait3A_127] : memref<10000x128xf32, #tpu.memory_space<vmem_shared>> -> memref<50x128xf32, #tpu.memory_space<vmem_shared>>
        %dma_wait3A_129 = arith.constant 0 : i32
        %dma_wait3A_130 = arith.constant 0 : i32
        %dma_wait3A_131 = tpu.memref_slice %arg8[%cond3A, %dma_wait3A_129, %dma_wait3A_130] : memref<4x50x128xf32, #tpu.memory_space<vmem>> -> memref<1x50x128xf32, #tpu.memory_space<vmem>>
        %dma_wait3A_132 = tpu.memref_squeeze %dma_wait3A_131 : memref<1x50x128xf32, #tpu.memory_space<vmem>> -> memref<50x128xf32, #tpu.memory_space<vmem>>
        tpu.wait_dma2 semaphore(%run_scoped3A : memref<!tpu.dma_semaphore, #tpu.memory_space<semaphore_mem>>) src(%dma_wait3A_132 : memref<50x128xf32, #tpu.memory_space<vmem>>) dst(%dma_wait3A_128 : memref<50x128xf32, #tpu.memory_space<vmem_shared>>)
        tpu.yield
      }) : () -> ()
      %add3A_98 = arith.constant 700 : i32
      %add3A_99 = arith.addi %mul3A_7, %add3A_98 : i32
      "tpu.region"() ({
        %run_scoped3A = tpu.sem_alloc : memref<!tpu.dma_semaphore, #tpu.memory_space<semaphore_mem>>
        %dma_start3A_110 = arith.constant 0 : i32
        %dma_start3A_111 = arith.constant 0 : i32
        %dma_start3A_112 = tpu.memref_slice %arg8[%cond3A, %dma_start3A_110, %dma_start3A_111] : memref<4x50x128xf32, #tpu.memory_space<vmem>> -> memref<1x50x128xf32, #tpu.memory_space<vmem>>
        %dma_start3A_113 = tpu.memref_squeeze %dma_start3A_112 : memref<1x50x128xf32, #tpu.memory_space<vmem>> -> memref<50x128xf32, #tpu.memory_space<vmem>>
        %dma_start3A_114 = arith.constant 0 : i32
        %dma_start3A_115 = tpu.memref_slice %arg9[%add3A_99, %dma_start3A_114] : memref<10000x128xf32, #tpu.memory_space<vmem_shared>> -> memref<50x128xf32, #tpu.memory_space<vmem_shared>>
        %dma_start3A_116 = arith.constant 0 : i32
        %dma_start3A_117 = tpu.memref_slice %arg9[%add3A_99, %dma_start3A_116] : memref<10000x128xf32, #tpu.memory_space<vmem_shared>> -> memref<50x128xf32, #tpu.memory_space<vmem_shared>>
        %dma_start3A_118 = arith.constant 0 : i32
        %dma_start3A_119 = arith.constant 0 : i32
        %dma_start3A_120 = tpu.memref_slice %arg8[%cond3A, %dma_start3A_118, %dma_start3A_119] : memref<4x50x128xf32, #tpu.memory_space<vmem>> -> memref<1x50x128xf32, #tpu.memory_space<vmem>>
        %dma_start3A_121 = tpu.memref_squeeze %dma_start3A_120 : memref<1x50x128xf32, #tpu.memory_space<vmem>> -> memref<50x128xf32, #tpu.memory_space<vmem>>
        tpu.enqueue_dma source(%dma_start3A_121 : memref<50x128xf32, #tpu.memory_space<vmem>>) target(%dma_start3A_117 : memref<50x128xf32, #tpu.memory_space<vmem_shared>>) target_semaphore(%run_scoped3A : memref<!tpu.dma_semaphore, #tpu.memory_space<semaphore_mem>>)
        %dma_wait3A = arith.constant 0 : i32
        %dma_wait3A_122 = arith.constant 0 : i32
        %dma_wait3A_123 = tpu.memref_slice %arg8[%cond3A, %dma_wait3A, %dma_wait3A_122] : memref<4x50x128xf32, #tpu.memory_space<vmem>> -> memref<1x50x128xf32, #tpu.memory_space<vmem>>
        %dma_wait3A_124 = tpu.memref_squeeze %dma_wait3A_123 : memref<1x50x128xf32, #tpu.memory_space<vmem>> -> memref<50x128xf32, #tpu.memory_space<vmem>>
        %dma_wait3A_125 = arith.constant 0 : i32
        %dma_wait3A_126 = tpu.memref_slice %arg9[%add3A_99, %dma_wait3A_125] : memref<10000x128xf32, #tpu.memory_space<vmem_shared>> -> memref<50x128xf32, #tpu.memory_space<vmem_shared>>
        %dma_wait3A_127 = arith.constant 0 : i32
        %dma_wait3A_128 = tpu.memref_slice %arg9[%add3A_99, %dma_wait3A_127] : memref<10000x128xf32, #tpu.memory_space<vmem_shared>> -> memref<50x128xf32, #tpu.memory_space<vmem_shared>>
        %dma_wait3A_129 = arith.constant 0 : i32
        %dma_wait3A_130 = arith.constant 0 : i32
        %dma_wait3A_131 = tpu.memref_slice %arg8[%cond3A, %dma_wait3A_129, %dma_wait3A_130] : memref<4x50x128xf32, #tpu.memory_space<vmem>> -> memref<1x50x128xf32, #tpu.memory_space<vmem>>
        %dma_wait3A_132 = tpu.memref_squeeze %dma_wait3A_131 : memref<1x50x128xf32, #tpu.memory_space<vmem>> -> memref<50x128xf32, #tpu.memory_space<vmem>>
        tpu.wait_dma2 semaphore(%run_scoped3A : memref<!tpu.dma_semaphore, #tpu.memory_space<semaphore_mem>>) src(%dma_wait3A_132 : memref<50x128xf32, #tpu.memory_space<vmem>>) dst(%dma_wait3A_128 : memref<50x128xf32, #tpu.memory_space<vmem_shared>>)
        tpu.yield
      }) : () -> ()
      %add3A_100 = arith.constant 750 : i32
      %add3A_101 = arith.addi %mul3A_7, %add3A_100 : i32
      "tpu.region"() ({
        %run_scoped3A = tpu.sem_alloc : memref<!tpu.dma_semaphore, #tpu.memory_space<semaphore_mem>>
        %dma_start3A_110 = arith.constant 0 : i32
        %dma_start3A_111 = arith.constant 0 : i32
        %dma_start3A_112 = tpu.memref_slice %arg8[%cond3A, %dma_start3A_110, %dma_start3A_111] : memref<4x50x128xf32, #tpu.memory_space<vmem>> -> memref<1x50x128xf32, #tpu.memory_space<vmem>>
        %dma_start3A_113 = tpu.memref_squeeze %dma_start3A_112 : memref<1x50x128xf32, #tpu.memory_space<vmem>> -> memref<50x128xf32, #tpu.memory_space<vmem>>
        %dma_start3A_114 = arith.constant 0 : i32
        %dma_start3A_115 = tpu.memref_slice %arg9[%add3A_101, %dma_start3A_114] : memref<10000x128xf32, #tpu.memory_space<vmem_shared>> -> memref<50x128xf32, #tpu.memory_space<vmem_shared>>
        %dma_start3A_116 = arith.constant 0 : i32
        %dma_start3A_117 = tpu.memref_slice %arg9[%add3A_101, %dma_start3A_116] : memref<10000x128xf32, #tpu.memory_space<vmem_shared>> -> memref<50x128xf32, #tpu.memory_space<vmem_shared>>
        %dma_start3A_118 = arith.constant 0 : i32
        %dma_start3A_119 = arith.constant 0 : i32
        %dma_start3A_120 = tpu.memref_slice %arg8[%cond3A, %dma_start3A_118, %dma_start3A_119] : memref<4x50x128xf32, #tpu.memory_space<vmem>> -> memref<1x50x128xf32, #tpu.memory_space<vmem>>
        %dma_start3A_121 = tpu.memref_squeeze %dma_start3A_120 : memref<1x50x128xf32, #tpu.memory_space<vmem>> -> memref<50x128xf32, #tpu.memory_space<vmem>>
        tpu.enqueue_dma source(%dma_start3A_121 : memref<50x128xf32, #tpu.memory_space<vmem>>) target(%dma_start3A_117 : memref<50x128xf32, #tpu.memory_space<vmem_shared>>) target_semaphore(%run_scoped3A : memref<!tpu.dma_semaphore, #tpu.memory_space<semaphore_mem>>)
        %dma_wait3A = arith.constant 0 : i32
        %dma_wait3A_122 = arith.constant 0 : i32
        %dma_wait3A_123 = tpu.memref_slice %arg8[%cond3A, %dma_wait3A, %dma_wait3A_122] : memref<4x50x128xf32, #tpu.memory_space<vmem>> -> memref<1x50x128xf32, #tpu.memory_space<vmem>>
        %dma_wait3A_124 = tpu.memref_squeeze %dma_wait3A_123 : memref<1x50x128xf32, #tpu.memory_space<vmem>> -> memref<50x128xf32, #tpu.memory_space<vmem>>
        %dma_wait3A_125 = arith.constant 0 : i32
        %dma_wait3A_126 = tpu.memref_slice %arg9[%add3A_101, %dma_wait3A_125] : memref<10000x128xf32, #tpu.memory_space<vmem_shared>> -> memref<50x128xf32, #tpu.memory_space<vmem_shared>>
        %dma_wait3A_127 = arith.constant 0 : i32
        %dma_wait3A_128 = tpu.memref_slice %arg9[%add3A_101, %dma_wait3A_127] : memref<10000x128xf32, #tpu.memory_space<vmem_shared>> -> memref<50x128xf32, #tpu.memory_space<vmem_shared>>
        %dma_wait3A_129 = arith.constant 0 : i32
        %dma_wait3A_130 = arith.constant 0 : i32
        %dma_wait3A_131 = tpu.memref_slice %arg8[%cond3A, %dma_wait3A_129, %dma_wait3A_130] : memref<4x50x128xf32, #tpu.memory_space<vmem>> -> memref<1x50x128xf32, #tpu.memory_space<vmem>>
        %dma_wait3A_132 = tpu.memref_squeeze %dma_wait3A_131 : memref<1x50x128xf32, #tpu.memory_space<vmem>> -> memref<50x128xf32, #tpu.memory_space<vmem>>
        tpu.wait_dma2 semaphore(%run_scoped3A : memref<!tpu.dma_semaphore, #tpu.memory_space<semaphore_mem>>) src(%dma_wait3A_132 : memref<50x128xf32, #tpu.memory_space<vmem>>) dst(%dma_wait3A_128 : memref<50x128xf32, #tpu.memory_space<vmem_shared>>)
        tpu.yield
      }) : () -> ()
      %add3A_102 = arith.constant 800 : i32
      %add3A_103 = arith.addi %mul3A_7, %add3A_102 : i32
      "tpu.region"() ({
        %run_scoped3A = tpu.sem_alloc : memref<!tpu.dma_semaphore, #tpu.memory_space<semaphore_mem>>
        %dma_start3A_110 = arith.constant 0 : i32
        %dma_start3A_111 = arith.constant 0 : i32
        %dma_start3A_112 = tpu.memref_slice %arg8[%cond3A, %dma_start3A_110, %dma_start3A_111] : memref<4x50x128xf32, #tpu.memory_space<vmem>> -> memref<1x50x128xf32, #tpu.memory_space<vmem>>
        %dma_start3A_113 = tpu.memref_squeeze %dma_start3A_112 : memref<1x50x128xf32, #tpu.memory_space<vmem>> -> memref<50x128xf32, #tpu.memory_space<vmem>>
        %dma_start3A_114 = arith.constant 0 : i32
        %dma_start3A_115 = tpu.memref_slice %arg9[%add3A_103, %dma_start3A_114] : memref<10000x128xf32, #tpu.memory_space<vmem_shared>> -> memref<50x128xf32, #tpu.memory_space<vmem_shared>>
        %dma_start3A_116 = arith.constant 0 : i32
        %dma_start3A_117 = tpu.memref_slice %arg9[%add3A_103, %dma_start3A_116] : memref<10000x128xf32, #tpu.memory_space<vmem_shared>> -> memref<50x128xf32, #tpu.memory_space<vmem_shared>>
        %dma_start3A_118 = arith.constant 0 : i32
        %dma_start3A_119 = arith.constant 0 : i32
        %dma_start3A_120 = tpu.memref_slice %arg8[%cond3A, %dma_start3A_118, %dma_start3A_119] : memref<4x50x128xf32, #tpu.memory_space<vmem>> -> memref<1x50x128xf32, #tpu.memory_space<vmem>>
        %dma_start3A_121 = tpu.memref_squeeze %dma_start3A_120 : memref<1x50x128xf32, #tpu.memory_space<vmem>> -> memref<50x128xf32, #tpu.memory_space<vmem>>
        tpu.enqueue_dma source(%dma_start3A_121 : memref<50x128xf32, #tpu.memory_space<vmem>>) target(%dma_start3A_117 : memref<50x128xf32, #tpu.memory_space<vmem_shared>>) target_semaphore(%run_scoped3A : memref<!tpu.dma_semaphore, #tpu.memory_space<semaphore_mem>>)
        %dma_wait3A = arith.constant 0 : i32
        %dma_wait3A_122 = arith.constant 0 : i32
        %dma_wait3A_123 = tpu.memref_slice %arg8[%cond3A, %dma_wait3A, %dma_wait3A_122] : memref<4x50x128xf32, #tpu.memory_space<vmem>> -> memref<1x50x128xf32, #tpu.memory_space<vmem>>
        %dma_wait3A_124 = tpu.memref_squeeze %dma_wait3A_123 : memref<1x50x128xf32, #tpu.memory_space<vmem>> -> memref<50x128xf32, #tpu.memory_space<vmem>>
        %dma_wait3A_125 = arith.constant 0 : i32
        %dma_wait3A_126 = tpu.memref_slice %arg9[%add3A_103, %dma_wait3A_125] : memref<10000x128xf32, #tpu.memory_space<vmem_shared>> -> memref<50x128xf32, #tpu.memory_space<vmem_shared>>
        %dma_wait3A_127 = arith.constant 0 : i32
        %dma_wait3A_128 = tpu.memref_slice %arg9[%add3A_103, %dma_wait3A_127] : memref<10000x128xf32, #tpu.memory_space<vmem_shared>> -> memref<50x128xf32, #tpu.memory_space<vmem_shared>>
        %dma_wait3A_129 = arith.constant 0 : i32
        %dma_wait3A_130 = arith.constant 0 : i32
        %dma_wait3A_131 = tpu.memref_slice %arg8[%cond3A, %dma_wait3A_129, %dma_wait3A_130] : memref<4x50x128xf32, #tpu.memory_space<vmem>> -> memref<1x50x128xf32, #tpu.memory_space<vmem>>
        %dma_wait3A_132 = tpu.memref_squeeze %dma_wait3A_131 : memref<1x50x128xf32, #tpu.memory_space<vmem>> -> memref<50x128xf32, #tpu.memory_space<vmem>>
        tpu.wait_dma2 semaphore(%run_scoped3A : memref<!tpu.dma_semaphore, #tpu.memory_space<semaphore_mem>>) src(%dma_wait3A_132 : memref<50x128xf32, #tpu.memory_space<vmem>>) dst(%dma_wait3A_128 : memref<50x128xf32, #tpu.memory_space<vmem_shared>>)
        tpu.yield
      }) : () -> ()
      %add3A_104 = arith.constant 850 : i32
      %add3A_105 = arith.addi %mul3A_7, %add3A_104 : i32
      "tpu.region"() ({
        %run_scoped3A = tpu.sem_alloc : memref<!tpu.dma_semaphore, #tpu.memory_space<semaphore_mem>>
        %dma_start3A_110 = arith.constant 0 : i32
        %dma_start3A_111 = arith.constant 0 : i32
        %dma_start3A_112 = tpu.memref_slice %arg8[%cond3A, %dma_start3A_110, %dma_start3A_111] : memref<4x50x128xf32, #tpu.memory_space<vmem>> -> memref<1x50x128xf32, #tpu.memory_space<vmem>>
        %dma_start3A_113 = tpu.memref_squeeze %dma_start3A_112 : memref<1x50x128xf32, #tpu.memory_space<vmem>> -> memref<50x128xf32, #tpu.memory_space<vmem>>
        %dma_start3A_114 = arith.constant 0 : i32
        %dma_start3A_115 = tpu.memref_slice %arg9[%add3A_105, %dma_start3A_114] : memref<10000x128xf32, #tpu.memory_space<vmem_shared>> -> memref<50x128xf32, #tpu.memory_space<vmem_shared>>
        %dma_start3A_116 = arith.constant 0 : i32
        %dma_start3A_117 = tpu.memref_slice %arg9[%add3A_105, %dma_start3A_116] : memref<10000x128xf32, #tpu.memory_space<vmem_shared>> -> memref<50x128xf32, #tpu.memory_space<vmem_shared>>
        %dma_start3A_118 = arith.constant 0 : i32
        %dma_start3A_119 = arith.constant 0 : i32
        %dma_start3A_120 = tpu.memref_slice %arg8[%cond3A, %dma_start3A_118, %dma_start3A_119] : memref<4x50x128xf32, #tpu.memory_space<vmem>> -> memref<1x50x128xf32, #tpu.memory_space<vmem>>
        %dma_start3A_121 = tpu.memref_squeeze %dma_start3A_120 : memref<1x50x128xf32, #tpu.memory_space<vmem>> -> memref<50x128xf32, #tpu.memory_space<vmem>>
        tpu.enqueue_dma source(%dma_start3A_121 : memref<50x128xf32, #tpu.memory_space<vmem>>) target(%dma_start3A_117 : memref<50x128xf32, #tpu.memory_space<vmem_shared>>) target_semaphore(%run_scoped3A : memref<!tpu.dma_semaphore, #tpu.memory_space<semaphore_mem>>)
        %dma_wait3A = arith.constant 0 : i32
        %dma_wait3A_122 = arith.constant 0 : i32
        %dma_wait3A_123 = tpu.memref_slice %arg8[%cond3A, %dma_wait3A, %dma_wait3A_122] : memref<4x50x128xf32, #tpu.memory_space<vmem>> -> memref<1x50x128xf32, #tpu.memory_space<vmem>>
        %dma_wait3A_124 = tpu.memref_squeeze %dma_wait3A_123 : memref<1x50x128xf32, #tpu.memory_space<vmem>> -> memref<50x128xf32, #tpu.memory_space<vmem>>
        %dma_wait3A_125 = arith.constant 0 : i32
        %dma_wait3A_126 = tpu.memref_slice %arg9[%add3A_105, %dma_wait3A_125] : memref<10000x128xf32, #tpu.memory_space<vmem_shared>> -> memref<50x128xf32, #tpu.memory_space<vmem_shared>>
        %dma_wait3A_127 = arith.constant 0 : i32
        %dma_wait3A_128 = tpu.memref_slice %arg9[%add3A_105, %dma_wait3A_127] : memref<10000x128xf32, #tpu.memory_space<vmem_shared>> -> memref<50x128xf32, #tpu.memory_space<vmem_shared>>
        %dma_wait3A_129 = arith.constant 0 : i32
        %dma_wait3A_130 = arith.constant 0 : i32
        %dma_wait3A_131 = tpu.memref_slice %arg8[%cond3A, %dma_wait3A_129, %dma_wait3A_130] : memref<4x50x128xf32, #tpu.memory_space<vmem>> -> memref<1x50x128xf32, #tpu.memory_space<vmem>>
        %dma_wait3A_132 = tpu.memref_squeeze %dma_wait3A_131 : memref<1x50x128xf32, #tpu.memory_space<vmem>> -> memref<50x128xf32, #tpu.memory_space<vmem>>
        tpu.wait_dma2 semaphore(%run_scoped3A : memref<!tpu.dma_semaphore, #tpu.memory_space<semaphore_mem>>) src(%dma_wait3A_132 : memref<50x128xf32, #tpu.memory_space<vmem>>) dst(%dma_wait3A_128 : memref<50x128xf32, #tpu.memory_space<vmem_shared>>)
        tpu.yield
      }) : () -> ()
      %add3A_106 = arith.constant 900 : i32
      %add3A_107 = arith.addi %mul3A_7, %add3A_106 : i32
      "tpu.region"() ({
        %run_scoped3A = tpu.sem_alloc : memref<!tpu.dma_semaphore, #tpu.memory_space<semaphore_mem>>
        %dma_start3A_110 = arith.constant 0 : i32
        %dma_start3A_111 = arith.constant 0 : i32
        %dma_start3A_112 = tpu.memref_slice %arg8[%cond3A, %dma_start3A_110, %dma_start3A_111] : memref<4x50x128xf32, #tpu.memory_space<vmem>> -> memref<1x50x128xf32, #tpu.memory_space<vmem>>
        %dma_start3A_113 = tpu.memref_squeeze %dma_start3A_112 : memref<1x50x128xf32, #tpu.memory_space<vmem>> -> memref<50x128xf32, #tpu.memory_space<vmem>>
        %dma_start3A_114 = arith.constant 0 : i32
        %dma_start3A_115 = tpu.memref_slice %arg9[%add3A_107, %dma_start3A_114] : memref<10000x128xf32, #tpu.memory_space<vmem_shared>> -> memref<50x128xf32, #tpu.memory_space<vmem_shared>>
        %dma_start3A_116 = arith.constant 0 : i32
        %dma_start3A_117 = tpu.memref_slice %arg9[%add3A_107, %dma_start3A_116] : memref<10000x128xf32, #tpu.memory_space<vmem_shared>> -> memref<50x128xf32, #tpu.memory_space<vmem_shared>>
        %dma_start3A_118 = arith.constant 0 : i32
        %dma_start3A_119 = arith.constant 0 : i32
        %dma_start3A_120 = tpu.memref_slice %arg8[%cond3A, %dma_start3A_118, %dma_start3A_119] : memref<4x50x128xf32, #tpu.memory_space<vmem>> -> memref<1x50x128xf32, #tpu.memory_space<vmem>>
        %dma_start3A_121 = tpu.memref_squeeze %dma_start3A_120 : memref<1x50x128xf32, #tpu.memory_space<vmem>> -> memref<50x128xf32, #tpu.memory_space<vmem>>
        tpu.enqueue_dma source(%dma_start3A_121 : memref<50x128xf32, #tpu.memory_space<vmem>>) target(%dma_start3A_117 : memref<50x128xf32, #tpu.memory_space<vmem_shared>>) target_semaphore(%run_scoped3A : memref<!tpu.dma_semaphore, #tpu.memory_space<semaphore_mem>>)
        %dma_wait3A = arith.constant 0 : i32
        %dma_wait3A_122 = arith.constant 0 : i32
        %dma_wait3A_123 = tpu.memref_slice %arg8[%cond3A, %dma_wait3A, %dma_wait3A_122] : memref<4x50x128xf32, #tpu.memory_space<vmem>> -> memref<1x50x128xf32, #tpu.memory_space<vmem>>
        %dma_wait3A_124 = tpu.memref_squeeze %dma_wait3A_123 : memref<1x50x128xf32, #tpu.memory_space<vmem>> -> memref<50x128xf32, #tpu.memory_space<vmem>>
        %dma_wait3A_125 = arith.constant 0 : i32
        %dma_wait3A_126 = tpu.memref_slice %arg9[%add3A_107, %dma_wait3A_125] : memref<10000x128xf32, #tpu.memory_space<vmem_shared>> -> memref<50x128xf32, #tpu.memory_space<vmem_shared>>
        %dma_wait3A_127 = arith.constant 0 : i32
        %dma_wait3A_128 = tpu.memref_slice %arg9[%add3A_107, %dma_wait3A_127] : memref<10000x128xf32, #tpu.memory_space<vmem_shared>> -> memref<50x128xf32, #tpu.memory_space<vmem_shared>>
        %dma_wait3A_129 = arith.constant 0 : i32
        %dma_wait3A_130 = arith.constant 0 : i32
        %dma_wait3A_131 = tpu.memref_slice %arg8[%cond3A, %dma_wait3A_129, %dma_wait3A_130] : memref<4x50x128xf32, #tpu.memory_space<vmem>> -> memref<1x50x128xf32, #tpu.memory_space<vmem>>
        %dma_wait3A_132 = tpu.memref_squeeze %dma_wait3A_131 : memref<1x50x128xf32, #tpu.memory_space<vmem>> -> memref<50x128xf32, #tpu.memory_space<vmem>>
        tpu.wait_dma2 semaphore(%run_scoped3A : memref<!tpu.dma_semaphore, #tpu.memory_space<semaphore_mem>>) src(%dma_wait3A_132 : memref<50x128xf32, #tpu.memory_space<vmem>>) dst(%dma_wait3A_128 : memref<50x128xf32, #tpu.memory_space<vmem_shared>>)
        tpu.yield
      }) : () -> ()
      %add3A_108 = arith.constant 950 : i32
      %add3A_109 = arith.addi %mul3A_7, %add3A_108 : i32
      "tpu.region"() ({
        %run_scoped3A = tpu.sem_alloc : memref<!tpu.dma_semaphore, #tpu.memory_space<semaphore_mem>>
        %dma_start3A_110 = arith.constant 0 : i32
        %dma_start3A_111 = arith.constant 0 : i32
        %dma_start3A_112 = tpu.memref_slice %arg8[%cond3A, %dma_start3A_110, %dma_start3A_111] : memref<4x50x128xf32, #tpu.memory_space<vmem>> -> memref<1x50x128xf32, #tpu.memory_space<vmem>>
        %dma_start3A_113 = tpu.memref_squeeze %dma_start3A_112 : memref<1x50x128xf32, #tpu.memory_space<vmem>> -> memref<50x128xf32, #tpu.memory_space<vmem>>
        %dma_start3A_114 = arith.constant 0 : i32
        %dma_start3A_115 = tpu.memref_slice %arg9[%add3A_109, %dma_start3A_114] : memref<10000x128xf32, #tpu.memory_space<vmem_shared>> -> memref<50x128xf32, #tpu.memory_space<vmem_shared>>
        %dma_start3A_116 = arith.constant 0 : i32
        %dma_start3A_117 = tpu.memref_slice %arg9[%add3A_109, %dma_start3A_116] : memref<10000x128xf32, #tpu.memory_space<vmem_shared>> -> memref<50x128xf32, #tpu.memory_space<vmem_shared>>
        %dma_start3A_118 = arith.constant 0 : i32
        %dma_start3A_119 = arith.constant 0 : i32
        %dma_start3A_120 = tpu.memref_slice %arg8[%cond3A, %dma_start3A_118, %dma_start3A_119] : memref<4x50x128xf32, #tpu.memory_space<vmem>> -> memref<1x50x128xf32, #tpu.memory_space<vmem>>
        %dma_start3A_121 = tpu.memref_squeeze %dma_start3A_120 : memref<1x50x128xf32, #tpu.memory_space<vmem>> -> memref<50x128xf32, #tpu.memory_space<vmem>>
        tpu.enqueue_dma source(%dma_start3A_121 : memref<50x128xf32, #tpu.memory_space<vmem>>) target(%dma_start3A_117 : memref<50x128xf32, #tpu.memory_space<vmem_shared>>) target_semaphore(%run_scoped3A : memref<!tpu.dma_semaphore, #tpu.memory_space<semaphore_mem>>)
        %dma_wait3A = arith.constant 0 : i32
        %dma_wait3A_122 = arith.constant 0 : i32
        %dma_wait3A_123 = tpu.memref_slice %arg8[%cond3A, %dma_wait3A, %dma_wait3A_122] : memref<4x50x128xf32, #tpu.memory_space<vmem>> -> memref<1x50x128xf32, #tpu.memory_space<vmem>>
        %dma_wait3A_124 = tpu.memref_squeeze %dma_wait3A_123 : memref<1x50x128xf32, #tpu.memory_space<vmem>> -> memref<50x128xf32, #tpu.memory_space<vmem>>
        %dma_wait3A_125 = arith.constant 0 : i32
        %dma_wait3A_126 = tpu.memref_slice %arg9[%add3A_109, %dma_wait3A_125] : memref<10000x128xf32, #tpu.memory_space<vmem_shared>> -> memref<50x128xf32, #tpu.memory_space<vmem_shared>>
        %dma_wait3A_127 = arith.constant 0 : i32
        %dma_wait3A_128 = tpu.memref_slice %arg9[%add3A_109, %dma_wait3A_127] : memref<10000x128xf32, #tpu.memory_space<vmem_shared>> -> memref<50x128xf32, #tpu.memory_space<vmem_shared>>
        %dma_wait3A_129 = arith.constant 0 : i32
        %dma_wait3A_130 = arith.constant 0 : i32
        %dma_wait3A_131 = tpu.memref_slice %arg8[%cond3A, %dma_wait3A_129, %dma_wait3A_130] : memref<4x50x128xf32, #tpu.memory_space<vmem>> -> memref<1x50x128xf32, #tpu.memory_space<vmem>>
        %dma_wait3A_132 = tpu.memref_squeeze %dma_wait3A_131 : memref<1x50x128xf32, #tpu.memory_space<vmem>> -> memref<50x128xf32, #tpu.memory_space<vmem>>
        tpu.wait_dma2 semaphore(%run_scoped3A : memref<!tpu.dma_semaphore, #tpu.memory_space<semaphore_mem>>) src(%dma_wait3A_132 : memref<50x128xf32, #tpu.memory_space<vmem>>) dst(%dma_wait3A_128 : memref<50x128xf32, #tpu.memory_space<vmem_shared>>)
        tpu.yield
      }) : () -> ()
    } else {
    }
    %barrier3A = arith.constant 0 : index
    tpu.barrier barrier_id(%barrier3A)
    %dma_start3A = arith.constant 0 : i32
    %dma_start3A_11 = arith.constant 0 : i32
    %dma_start3A_12 = arith.constant 0 : i32
    %dma_start3A_13 = arith.constant 0 : i32
    %dma_start3A_14 = tpu.memref_slice %arg8[%dma_start3A_11, %dma_start3A_12, %dma_start3A_13] : memref<4x50x128xf32, #tpu.memory_space<vmem>> -> memref<1x50x128xf32, #tpu.memory_space<vmem>>
    %dma_start3A_15 = tpu.memref_squeeze %dma_start3A_14 : memref<1x50x128xf32, #tpu.memory_space<vmem>> -> memref<50x128xf32, #tpu.memory_space<vmem>>
    %dma_start3A_16 = arith.constant 0 : i32
    %dma_start3A_17 = tpu.memref_slice %arg6[%dma_start3A, %dma_start3A_16] : memref<200x50xi32, #tpu.memory_space<vmem>> -> memref<1x50xi32, #tpu.memory_space<vmem>>
    %dma_start3A_18 = tpu.memref_squeeze %dma_start3A_17 : memref<1x50xi32, #tpu.memory_space<vmem>> -> memref<50xi32, #tpu.memory_space<vmem>>
    %dma_start3A_19 = arith.constant 0 : i32
    %dma_start3A_20 = arith.constant 0 : i32
    %dma_start3A_21 = tpu.memref_slice %arg2[%dma_start3A_19, %dma_start3A_20] : memref<10000x128xf32, #tpu.memory_space<hbm>> -> memref<10000x128xf32, #tpu.memory_space<hbm>>
    tpu.enqueue_indirect_dma source(%dma_start3A_21 : memref<10000x128xf32, #tpu.memory_space<hbm>>) target(%dma_start3A_15 : memref<50x128xf32, #tpu.memory_space<vmem>>) offsets(%dma_start3A_18 : memref<50xi32, #tpu.memory_space<vmem>>) semaphore(%arg10 : memref<!tpu.dma_semaphore, #tpu.memory_space<semaphore_mem>>)
    %dma_start3A_22 = arith.constant 1 : i32
    %dma_start3A_23 = arith.constant 1 : i32
    %dma_start3A_24 = arith.constant 0 : i32
    %dma_start3A_25 = arith.constant 0 : i32
    %dma_start3A_26 = tpu.memref_slice %arg8[%dma_start3A_23, %dma_start3A_24, %dma_start3A_25] : memref<4x50x128xf32, #tpu.memory_space<vmem>> -> memref<1x50x128xf32, #tpu.memory_space<vmem>>
    %dma_start3A_27 = tpu.memref_squeeze %dma_start3A_26 : memref<1x50x128xf32, #tpu.memory_space<vmem>> -> memref<50x128xf32, #tpu.memory_space<vmem>>
    %dma_start3A_28 = arith.constant 0 : i32
    %dma_start3A_29 = tpu.memref_slice %arg6[%dma_start3A_22, %dma_start3A_28] : memref<200x50xi32, #tpu.memory_space<vmem>> -> memref<1x50xi32, #tpu.memory_space<vmem>>
    %dma_start3A_30 = tpu.memref_squeeze %dma_start3A_29 : memref<1x50xi32, #tpu.memory_space<vmem>> -> memref<50xi32, #tpu.memory_space<vmem>>
    %dma_start3A_31 = arith.constant 0 : i32
    %dma_start3A_32 = arith.constant 0 : i32
    %dma_start3A_33 = tpu.memref_slice %arg2[%dma_start3A_31, %dma_start3A_32] : memref<10000x128xf32, #tpu.memory_space<hbm>> -> memref<10000x128xf32, #tpu.memory_space<hbm>>
    tpu.enqueue_indirect_dma source(%dma_start3A_33 : memref<10000x128xf32, #tpu.memory_space<hbm>>) target(%dma_start3A_27 : memref<50x128xf32, #tpu.memory_space<vmem>>) offsets(%dma_start3A_30 : memref<50xi32, #tpu.memory_space<vmem>>) semaphore(%arg11 : memref<!tpu.dma_semaphore, #tpu.memory_space<semaphore_mem>>)
    %dma_start3A_34 = arith.constant 2 : i32
    %dma_start3A_35 = arith.constant 2 : i32
    %dma_start3A_36 = arith.constant 0 : i32
    %dma_start3A_37 = arith.constant 0 : i32
    %dma_start3A_38 = tpu.memref_slice %arg8[%dma_start3A_35, %dma_start3A_36, %dma_start3A_37] : memref<4x50x128xf32, #tpu.memory_space<vmem>> -> memref<1x50x128xf32, #tpu.memory_space<vmem>>
    %dma_start3A_39 = tpu.memref_squeeze %dma_start3A_38 : memref<1x50x128xf32, #tpu.memory_space<vmem>> -> memref<50x128xf32, #tpu.memory_space<vmem>>
    %dma_start3A_40 = arith.constant 0 : i32
    %dma_start3A_41 = tpu.memref_slice %arg6[%dma_start3A_34, %dma_start3A_40] : memref<200x50xi32, #tpu.memory_space<vmem>> -> memref<1x50xi32, #tpu.memory_space<vmem>>
    %dma_start3A_42 = tpu.memref_squeeze %dma_start3A_41 : memref<1x50xi32, #tpu.memory_space<vmem>> -> memref<50xi32, #tpu.memory_space<vmem>>
    %dma_start3A_43 = arith.constant 0 : i32
    %dma_start3A_44 = arith.constant 0 : i32
    %dma_start3A_45 = tpu.memref_slice %arg2[%dma_start3A_43, %dma_start3A_44] : memref<10000x128xf32, #tpu.memory_space<hbm>> -> memref<10000x128xf32, #tpu.memory_space<hbm>>
    tpu.enqueue_indirect_dma source(%dma_start3A_45 : memref<10000x128xf32, #tpu.memory_space<hbm>>) target(%dma_start3A_39 : memref<50x128xf32, #tpu.memory_space<vmem>>) offsets(%dma_start3A_42 : memref<50xi32, #tpu.memory_space<vmem>>) semaphore(%arg12 : memref<!tpu.dma_semaphore, #tpu.memory_space<semaphore_mem>>)
    %dma_start3A_46 = arith.constant 3 : i32
    %dma_start3A_47 = arith.constant 3 : i32
    %dma_start3A_48 = arith.constant 0 : i32
    %dma_start3A_49 = arith.constant 0 : i32
    %dma_start3A_50 = tpu.memref_slice %arg8[%dma_start3A_47, %dma_start3A_48, %dma_start3A_49] : memref<4x50x128xf32, #tpu.memory_space<vmem>> -> memref<1x50x128xf32, #tpu.memory_space<vmem>>
    %dma_start3A_51 = tpu.memref_squeeze %dma_start3A_50 : memref<1x50x128xf32, #tpu.memory_space<vmem>> -> memref<50x128xf32, #tpu.memory_space<vmem>>
    %dma_start3A_52 = arith.constant 0 : i32
    %dma_start3A_53 = tpu.memref_slice %arg6[%dma_start3A_46, %dma_start3A_52] : memref<200x50xi32, #tpu.memory_space<vmem>> -> memref<1x50xi32, #tpu.memory_space<vmem>>
    %dma_start3A_54 = tpu.memref_squeeze %dma_start3A_53 : memref<1x50xi32, #tpu.memory_space<vmem>> -> memref<50xi32, #tpu.memory_space<vmem>>
    %dma_start3A_55 = arith.constant 0 : i32
    %dma_start3A_56 = arith.constant 0 : i32
    %dma_start3A_57 = tpu.memref_slice %arg2[%dma_start3A_55, %dma_start3A_56] : memref<10000x128xf32, #tpu.memory_space<hbm>> -> memref<10000x128xf32, #tpu.memory_space<hbm>>
    tpu.enqueue_indirect_dma source(%dma_start3A_57 : memref<10000x128xf32, #tpu.memory_space<hbm>>) target(%dma_start3A_51 : memref<50x128xf32, #tpu.memory_space<vmem>>) offsets(%dma_start3A_54 : memref<50xi32, #tpu.memory_space<vmem>>) semaphore(%arg13 : memref<!tpu.dma_semaphore, #tpu.memory_space<semaphore_mem>>)
    %scan3A_58 = arith.constant 0 : i32
    %scan3A_59 = arith.constant 0 : i32
    %scan3A_60 = arith.constant 50 : i32
    %scan3A_61 = arith.addi %scan3A_59, %scan3A_60 : i32
    %scan3A_62 = arith.constant 1 : i32
    scf.for %scan3A_70 = %scan3A_59 to %scan3A_61 step %scan3A_62  : i32 {
      %mul3A_71 = arith.constant 4 : i32
      %mul3A_72 = arith.muli %mul3A_71, %scan3A_70 : i32
      %add3A_73 = arith.constant 0 : i32
      %add3A_74 = arith.addi %mul3A_72, %add3A_73 : i32
      %dma_wait3A = arith.constant 0 : i32
      %dma_wait3A_75 = arith.constant 0 : i32
      %dma_wait3A_76 = arith.constant 0 : i32
      %dma_wait3A_77 = tpu.memref_slice %arg8[%dma_wait3A, %dma_wait3A_75, %dma_wait3A_76] : memref<4x50x128xf32, #tpu.memory_space<vmem>> -> memref<1x50x128xf32, #tpu.memory_space<vmem>>
      %dma_wait3A_78 = tpu.memref_squeeze %dma_wait3A_77 : memref<1x50x128xf32, #tpu.memory_space<vmem>> -> memref<50x128xf32, #tpu.memory_space<vmem>>
      %dma_wait3A_79 = arith.constant 0 : i32
      %dma_wait3A_80 = tpu.memref_slice %arg6[%add3A_74, %dma_wait3A_79] : memref<200x50xi32, #tpu.memory_space<vmem>> -> memref<1x50xi32, #tpu.memory_space<vmem>>
      %dma_wait3A_81 = tpu.memref_squeeze %dma_wait3A_80 : memref<1x50xi32, #tpu.memory_space<vmem>> -> memref<50xi32, #tpu.memory_space<vmem>>
      %dma_wait3A_82 = arith.constant 0 : i32
      %dma_wait3A_83 = arith.constant 0 : i32
      %dma_wait3A_84 = tpu.memref_slice %arg2[%dma_wait3A_82, %dma_wait3A_83] : memref<10000x128xf32, #tpu.memory_space<hbm>> -> memref<10000x128xf32, #tpu.memory_space<hbm>>
      tpu.wait_indirect_dma semaphore(%arg10 : memref<!tpu.dma_semaphore, #tpu.memory_space<semaphore_mem>>) src(%dma_wait3A_84 : memref<10000x128xf32, #tpu.memory_space<hbm>>) dst(%dma_wait3A_78 : memref<50x128xf32, #tpu.memory_space<vmem>>)
      %dma_start3A_85 = arith.constant 0 : i32
      %dma_start3A_86 = arith.constant 0 : i32
      %dma_start3A_87 = arith.constant 0 : i32
      %dma_start3A_88 = tpu.memref_slice %arg8[%dma_start3A_85, %dma_start3A_86, %dma_start3A_87] : memref<4x50x128xf32, #tpu.memory_space<vmem>> -> memref<1x50x128xf32, #tpu.memory_space<vmem>>
      %dma_start3A_89 = tpu.memref_squeeze %dma_start3A_88 : memref<1x50x128xf32, #tpu.memory_space<vmem>> -> memref<50x128xf32, #tpu.memory_space<vmem>>
      %dma_start3A_90 = arith.constant 0 : i32
      %dma_start3A_91 = tpu.memref_slice %arg7[%add3A_74, %dma_start3A_90] : memref<200x50xi32, #tpu.memory_space<vmem>> -> memref<1x50xi32, #tpu.memory_space<vmem>>
      %dma_start3A_92 = tpu.memref_squeeze %dma_start3A_91 : memref<1x50xi32, #tpu.memory_space<vmem>> -> memref<50xi32, #tpu.memory_space<vmem>>
      %dma_start3A_93 = arith.constant 0 : i32
      %dma_start3A_94 = arith.constant 0 : i32
      %dma_start3A_95 = tpu.memref_slice %arg9[%dma_start3A_93, %dma_start3A_94] : memref<10000x128xf32, #tpu.memory_space<vmem_shared>> -> memref<10000x128xf32, #tpu.memory_space<vmem_shared>>
      tpu.enqueue_indirect_dma source(%dma_start3A_89 : memref<50x128xf32, #tpu.memory_space<vmem>>) target(%dma_start3A_95 : memref<10000x128xf32, #tpu.memory_space<vmem_shared>>) offsets(%dma_start3A_92 : memref<50xi32, #tpu.memory_space<vmem>>) semaphore(%arg14 : memref<!tpu.dma_semaphore, #tpu.memory_space<semaphore_mem>>) {add = true}
      %add3A_96 = arith.constant 1 : i32
      %add3A_97 = arith.addi %mul3A_72, %add3A_96 : i32
      %dma_wait3A_98 = arith.constant 1 : i32
      %dma_wait3A_99 = arith.constant 0 : i32
      %dma_wait3A_100 = arith.constant 0 : i32
      %dma_wait3A_101 = tpu.memref_slice %arg8[%dma_wait3A_98, %dma_wait3A_99, %dma_wait3A_100] : memref<4x50x128xf32, #tpu.memory_space<vmem>> -> memref<1x50x128xf32, #tpu.memory_space<vmem>>
      %dma_wait3A_102 = tpu.memref_squeeze %dma_wait3A_101 : memref<1x50x128xf32, #tpu.memory_space<vmem>> -> memref<50x128xf32, #tpu.memory_space<vmem>>
      %dma_wait3A_103 = arith.constant 0 : i32
      %dma_wait3A_104 = tpu.memref_slice %arg6[%add3A_97, %dma_wait3A_103] : memref<200x50xi32, #tpu.memory_space<vmem>> -> memref<1x50xi32, #tpu.memory_space<vmem>>
      %dma_wait3A_105 = tpu.memref_squeeze %dma_wait3A_104 : memref<1x50xi32, #tpu.memory_space<vmem>> -> memref<50xi32, #tpu.memory_space<vmem>>
      %dma_wait3A_106 = arith.constant 0 : i32
      %dma_wait3A_107 = arith.constant 0 : i32
      %dma_wait3A_108 = tpu.memref_slice %arg2[%dma_wait3A_106, %dma_wait3A_107] : memref<10000x128xf32, #tpu.memory_space<hbm>> -> memref<10000x128xf32, #tpu.memory_space<hbm>>
      tpu.wait_indirect_dma semaphore(%arg11 : memref<!tpu.dma_semaphore, #tpu.memory_space<semaphore_mem>>) src(%dma_wait3A_108 : memref<10000x128xf32, #tpu.memory_space<hbm>>) dst(%dma_wait3A_102 : memref<50x128xf32, #tpu.memory_space<vmem>>)
      %dma_start3A_109 = arith.constant 1 : i32
      %dma_start3A_110 = arith.constant 0 : i32
      %dma_start3A_111 = arith.constant 0 : i32
      %dma_start3A_112 = tpu.memref_slice %arg8[%dma_start3A_109, %dma_start3A_110, %dma_start3A_111] : memref<4x50x128xf32, #tpu.memory_space<vmem>> -> memref<1x50x128xf32, #tpu.memory_space<vmem>>
      %dma_start3A_113 = tpu.memref_squeeze %dma_start3A_112 : memref<1x50x128xf32, #tpu.memory_space<vmem>> -> memref<50x128xf32, #tpu.memory_space<vmem>>
      %dma_start3A_114 = arith.constant 0 : i32
      %dma_start3A_115 = tpu.memref_slice %arg7[%add3A_97, %dma_start3A_114] : memref<200x50xi32, #tpu.memory_space<vmem>> -> memref<1x50xi32, #tpu.memory_space<vmem>>
      %dma_start3A_116 = tpu.memref_squeeze %dma_start3A_115 : memref<1x50xi32, #tpu.memory_space<vmem>> -> memref<50xi32, #tpu.memory_space<vmem>>
      %dma_start3A_117 = arith.constant 0 : i32
      %dma_start3A_118 = arith.constant 0 : i32
      %dma_start3A_119 = tpu.memref_slice %arg9[%dma_start3A_117, %dma_start3A_118] : memref<10000x128xf32, #tpu.memory_space<vmem_shared>> -> memref<10000x128xf32, #tpu.memory_space<vmem_shared>>
      tpu.enqueue_indirect_dma source(%dma_start3A_113 : memref<50x128xf32, #tpu.memory_space<vmem>>) target(%dma_start3A_119 : memref<10000x128xf32, #tpu.memory_space<vmem_shared>>) offsets(%dma_start3A_116 : memref<50xi32, #tpu.memory_space<vmem>>) semaphore(%arg15 : memref<!tpu.dma_semaphore, #tpu.memory_space<semaphore_mem>>) {add = true}
      %add3A_120 = arith.constant 2 : i32
      %add3A_121 = arith.addi %mul3A_72, %add3A_120 : i32
      %dma_wait3A_122 = arith.constant 2 : i32
      %dma_wait3A_123 = arith.constant 0 : i32
      %dma_wait3A_124 = arith.constant 0 : i32
      %dma_wait3A_125 = tpu.memref_slice %arg8[%dma_wait3A_122, %dma_wait3A_123, %dma_wait3A_124] : memref<4x50x128xf32, #tpu.memory_space<vmem>> -> memref<1x50x128xf32, #tpu.memory_space<vmem>>
      %dma_wait3A_126 = tpu.memref_squeeze %dma_wait3A_125 : memref<1x50x128xf32, #tpu.memory_space<vmem>> -> memref<50x128xf32, #tpu.memory_space<vmem>>
      %dma_wait3A_127 = arith.constant 0 : i32
      %dma_wait3A_128 = tpu.memref_slice %arg6[%add3A_121, %dma_wait3A_127] : memref<200x50xi32, #tpu.memory_space<vmem>> -> memref<1x50xi32, #tpu.memory_space<vmem>>
      %dma_wait3A_129 = tpu.memref_squeeze %dma_wait3A_128 : memref<1x50xi32, #tpu.memory_space<vmem>> -> memref<50xi32, #tpu.memory_space<vmem>>
      %dma_wait3A_130 = arith.constant 0 : i32
      %dma_wait3A_131 = arith.constant 0 : i32
      %dma_wait3A_132 = tpu.memref_slice %arg2[%dma_wait3A_130, %dma_wait3A_131] : memref<10000x128xf32, #tpu.memory_space<hbm>> -> memref<10000x128xf32, #tpu.memory_space<hbm>>
      tpu.wait_indirect_dma semaphore(%arg12 : memref<!tpu.dma_semaphore, #tpu.memory_space<semaphore_mem>>) src(%dma_wait3A_132 : memref<10000x128xf32, #tpu.memory_space<hbm>>) dst(%dma_wait3A_126 : memref<50x128xf32, #tpu.memory_space<vmem>>)
      %dma_start3A_133 = arith.constant 2 : i32
      %dma_start3A_134 = arith.constant 0 : i32
      %dma_start3A_135 = arith.constant 0 : i32
      %dma_start3A_136 = tpu.memref_slice %arg8[%dma_start3A_133, %dma_start3A_134, %dma_start3A_135] : memref<4x50x128xf32, #tpu.memory_space<vmem>> -> memref<1x50x128xf32, #tpu.memory_space<vmem>>
      %dma_start3A_137 = tpu.memref_squeeze %dma_start3A_136 : memref<1x50x128xf32, #tpu.memory_space<vmem>> -> memref<50x128xf32, #tpu.memory_space<vmem>>
      %dma_start3A_138 = arith.constant 0 : i32
      %dma_start3A_139 = tpu.memref_slice %arg7[%add3A_121, %dma_start3A_138] : memref<200x50xi32, #tpu.memory_space<vmem>> -> memref<1x50xi32, #tpu.memory_space<vmem>>
      %dma_start3A_140 = tpu.memref_squeeze %dma_start3A_139 : memref<1x50xi32, #tpu.memory_space<vmem>> -> memref<50xi32, #tpu.memory_space<vmem>>
      %dma_start3A_141 = arith.constant 0 : i32
      %dma_start3A_142 = arith.constant 0 : i32
      %dma_start3A_143 = tpu.memref_slice %arg9[%dma_start3A_141, %dma_start3A_142] : memref<10000x128xf32, #tpu.memory_space<vmem_shared>> -> memref<10000x128xf32, #tpu.memory_space<vmem_shared>>
      tpu.enqueue_indirect_dma source(%dma_start3A_137 : memref<50x128xf32, #tpu.memory_space<vmem>>) target(%dma_start3A_143 : memref<10000x128xf32, #tpu.memory_space<vmem_shared>>) offsets(%dma_start3A_140 : memref<50xi32, #tpu.memory_space<vmem>>) semaphore(%arg16 : memref<!tpu.dma_semaphore, #tpu.memory_space<semaphore_mem>>) {add = true}
      %add3A_144 = arith.constant 3 : i32
      %add3A_145 = arith.addi %mul3A_72, %add3A_144 : i32
      %dma_wait3A_146 = arith.constant 3 : i32
      %dma_wait3A_147 = arith.constant 0 : i32
      %dma_wait3A_148 = arith.constant 0 : i32
      %dma_wait3A_149 = tpu.memref_slice %arg8[%dma_wait3A_146, %dma_wait3A_147, %dma_wait3A_148] : memref<4x50x128xf32, #tpu.memory_space<vmem>> -> memref<1x50x128xf32, #tpu.memory_space<vmem>>
      %dma_wait3A_150 = tpu.memref_squeeze %dma_wait3A_149 : memref<1x50x128xf32, #tpu.memory_space<vmem>> -> memref<50x128xf32, #tpu.memory_space<vmem>>
      %dma_wait3A_151 = arith.constant 0 : i32
      %dma_wait3A_152 = tpu.memref_slice %arg6[%add3A_145, %dma_wait3A_151] : memref<200x50xi32, #tpu.memory_space<vmem>> -> memref<1x50xi32, #tpu.memory_space<vmem>>
      %dma_wait3A_153 = tpu.memref_squeeze %dma_wait3A_152 : memref<1x50xi32, #tpu.memory_space<vmem>> -> memref<50xi32, #tpu.memory_space<vmem>>
      %dma_wait3A_154 = arith.constant 0 : i32
      %dma_wait3A_155 = arith.constant 0 : i32
      %dma_wait3A_156 = tpu.memref_slice %arg2[%dma_wait3A_154, %dma_wait3A_155] : memref<10000x128xf32, #tpu.memory_space<hbm>> -> memref<10000x128xf32, #tpu.memory_space<hbm>>
      tpu.wait_indirect_dma semaphore(%arg13 : memref<!tpu.dma_semaphore, #tpu.memory_space<semaphore_mem>>) src(%dma_wait3A_156 : memref<10000x128xf32, #tpu.memory_space<hbm>>) dst(%dma_wait3A_150 : memref<50x128xf32, #tpu.memory_space<vmem>>)
      %dma_start3A_157 = arith.constant 3 : i32
      %dma_start3A_158 = arith.constant 0 : i32
      %dma_start3A_159 = arith.constant 0 : i32
      %dma_start3A_160 = tpu.memref_slice %arg8[%dma_start3A_157, %dma_start3A_158, %dma_start3A_159] : memref<4x50x128xf32, #tpu.memory_space<vmem>> -> memref<1x50x128xf32, #tpu.memory_space<vmem>>
      %dma_start3A_161 = tpu.memref_squeeze %dma_start3A_160 : memref<1x50x128xf32, #tpu.memory_space<vmem>> -> memref<50x128xf32, #tpu.memory_space<vmem>>
      %dma_start3A_162 = arith.constant 0 : i32
      %dma_start3A_163 = tpu.memref_slice %arg7[%add3A_145, %dma_start3A_162] : memref<200x50xi32, #tpu.memory_space<vmem>> -> memref<1x50xi32, #tpu.memory_space<vmem>>
      %dma_start3A_164 = tpu.memref_squeeze %dma_start3A_163 : memref<1x50xi32, #tpu.memory_space<vmem>> -> memref<50xi32, #tpu.memory_space<vmem>>
      %dma_start3A_165 = arith.constant 0 : i32
      %dma_start3A_166 = arith.constant 0 : i32
      %dma_start3A_167 = tpu.memref_slice %arg9[%dma_start3A_165, %dma_start3A_166] : memref<10000x128xf32, #tpu.memory_space<vmem_shared>> -> memref<10000x128xf32, #tpu.memory_space<vmem_shared>>
      tpu.enqueue_indirect_dma source(%dma_start3A_161 : memref<50x128xf32, #tpu.memory_space<vmem>>) target(%dma_start3A_167 : memref<10000x128xf32, #tpu.memory_space<vmem_shared>>) offsets(%dma_start3A_164 : memref<50xi32, #tpu.memory_space<vmem>>) semaphore(%arg17 : memref<!tpu.dma_semaphore, #tpu.memory_space<semaphore_mem>>) {add = true}
      %add3A_168 = arith.constant 0 : i32
      %add3A_169 = arith.addi %mul3A_72, %add3A_168 : i32
      %add3A_170 = arith.constant 4 : i32
      %add3A_171 = arith.addi %add3A_169, %add3A_170 : i32
      %dma_wait3A_172 = arith.constant 0 : i32
      %dma_wait3A_173 = arith.constant 0 : i32
      %dma_wait3A_174 = arith.constant 0 : i32
      %dma_wait3A_175 = tpu.memref_slice %arg8[%dma_wait3A_172, %dma_wait3A_173, %dma_wait3A_174] : memref<4x50x128xf32, #tpu.memory_space<vmem>> -> memref<1x50x128xf32, #tpu.memory_space<vmem>>
      %dma_wait3A_176 = tpu.memref_squeeze %dma_wait3A_175 : memref<1x50x128xf32, #tpu.memory_space<vmem>> -> memref<50x128xf32, #tpu.memory_space<vmem>>
      %dma_wait3A_177 = arith.constant 0 : i32
      %dma_wait3A_178 = tpu.memref_slice %arg7[%add3A_169, %dma_wait3A_177] : memref<200x50xi32, #tpu.memory_space<vmem>> -> memref<1x50xi32, #tpu.memory_space<vmem>>
      %dma_wait3A_179 = tpu.memref_squeeze %dma_wait3A_178 : memref<1x50xi32, #tpu.memory_space<vmem>> -> memref<50xi32, #tpu.memory_space<vmem>>
      %dma_wait3A_180 = arith.constant 0 : i32
      %dma_wait3A_181 = arith.constant 0 : i32
      %dma_wait3A_182 = tpu.memref_slice %arg9[%dma_wait3A_180, %dma_wait3A_181] : memref<10000x128xf32, #tpu.memory_space<vmem_shared>> -> memref<10000x128xf32, #tpu.memory_space<vmem_shared>>
      tpu.wait_indirect_dma semaphore(%arg14 : memref<!tpu.dma_semaphore, #tpu.memory_space<semaphore_mem>>) src(%dma_wait3A_176 : memref<50x128xf32, #tpu.memory_space<vmem>>) dst(%dma_wait3A_182 : memref<10000x128xf32, #tpu.memory_space<vmem_shared>>)
      %lt3A_183 = arith.constant 200 : i32
      %lt3A_184 = arith.cmpi slt, %add3A_171, %lt3A_183 : i32
      %convert_element_type3A_185 = arith.extui %lt3A_184 : i1 to i32
      %cond3A_186 = arith.constant 0 : i32
      %cond3A_187 = arith.cmpi ne, %convert_element_type3A_185, %cond3A_186 : i32
      scf.if %cond3A_187 {
        %dma_start3A_248 = arith.constant 0 : i32
        %dma_start3A_249 = arith.constant 0 : i32
        %dma_start3A_250 = arith.constant 0 : i32
        %dma_start3A_251 = tpu.memref_slice %arg8[%dma_start3A_248, %dma_start3A_249, %dma_start3A_250] : memref<4x50x128xf32, #tpu.memory_space<vmem>> -> memref<1x50x128xf32, #tpu.memory_space<vmem>>
        %dma_start3A_252 = tpu.memref_squeeze %dma_start3A_251 : memref<1x50x128xf32, #tpu.memory_space<vmem>> -> memref<50x128xf32, #tpu.memory_space<vmem>>
        %dma_start3A_253 = arith.constant 0 : i32
        %dma_start3A_254 = tpu.memref_slice %arg6[%add3A_171, %dma_start3A_253] : memref<200x50xi32, #tpu.memory_space<vmem>> -> memref<1x50xi32, #tpu.memory_space<vmem>>
        %dma_start3A_255 = tpu.memref_squeeze %dma_start3A_254 : memref<1x50xi32, #tpu.memory_space<vmem>> -> memref<50xi32, #tpu.memory_space<vmem>>
        %dma_start3A_256 = arith.constant 0 : i32
        %dma_start3A_257 = arith.constant 0 : i32
        %dma_start3A_258 = tpu.memref_slice %arg2[%dma_start3A_256, %dma_start3A_257] : memref<10000x128xf32, #tpu.memory_space<hbm>> -> memref<10000x128xf32, #tpu.memory_space<hbm>>
        tpu.enqueue_indirect_dma source(%dma_start3A_258 : memref<10000x128xf32, #tpu.memory_space<hbm>>) target(%dma_start3A_252 : memref<50x128xf32, #tpu.memory_space<vmem>>) offsets(%dma_start3A_255 : memref<50xi32, #tpu.memory_space<vmem>>) semaphore(%arg10 : memref<!tpu.dma_semaphore, #tpu.memory_space<semaphore_mem>>)
      } else {
      }
      %add3A_188 = arith.constant 1 : i32
      %add3A_189 = arith.addi %mul3A_72, %add3A_188 : i32
      %add3A_190 = arith.constant 4 : i32
      %add3A_191 = arith.addi %add3A_189, %add3A_190 : i32
      %dma_wait3A_192 = arith.constant 1 : i32
      %dma_wait3A_193 = arith.constant 0 : i32
      %dma_wait3A_194 = arith.constant 0 : i32
      %dma_wait3A_195 = tpu.memref_slice %arg8[%dma_wait3A_192, %dma_wait3A_193, %dma_wait3A_194] : memref<4x50x128xf32, #tpu.memory_space<vmem>> -> memref<1x50x128xf32, #tpu.memory_space<vmem>>
      %dma_wait3A_196 = tpu.memref_squeeze %dma_wait3A_195 : memref<1x50x128xf32, #tpu.memory_space<vmem>> -> memref<50x128xf32, #tpu.memory_space<vmem>>
      %dma_wait3A_197 = arith.constant 0 : i32
      %dma_wait3A_198 = tpu.memref_slice %arg7[%add3A_189, %dma_wait3A_197] : memref<200x50xi32, #tpu.memory_space<vmem>> -> memref<1x50xi32, #tpu.memory_space<vmem>>
      %dma_wait3A_199 = tpu.memref_squeeze %dma_wait3A_198 : memref<1x50xi32, #tpu.memory_space<vmem>> -> memref<50xi32, #tpu.memory_space<vmem>>
      %dma_wait3A_200 = arith.constant 0 : i32
      %dma_wait3A_201 = arith.constant 0 : i32
      %dma_wait3A_202 = tpu.memref_slice %arg9[%dma_wait3A_200, %dma_wait3A_201] : memref<10000x128xf32, #tpu.memory_space<vmem_shared>> -> memref<10000x128xf32, #tpu.memory_space<vmem_shared>>
      tpu.wait_indirect_dma semaphore(%arg15 : memref<!tpu.dma_semaphore, #tpu.memory_space<semaphore_mem>>) src(%dma_wait3A_196 : memref<50x128xf32, #tpu.memory_space<vmem>>) dst(%dma_wait3A_202 : memref<10000x128xf32, #tpu.memory_space<vmem_shared>>)
      %lt3A_203 = arith.constant 200 : i32
      %lt3A_204 = arith.cmpi slt, %add3A_191, %lt3A_203 : i32
      %convert_element_type3A_205 = arith.extui %lt3A_204 : i1 to i32
      %cond3A_206 = arith.constant 0 : i32
      %cond3A_207 = arith.cmpi ne, %convert_element_type3A_205, %cond3A_206 : i32
      scf.if %cond3A_207 {
        %dma_start3A_248 = arith.constant 1 : i32
        %dma_start3A_249 = arith.constant 0 : i32
        %dma_start3A_250 = arith.constant 0 : i32
        %dma_start3A_251 = tpu.memref_slice %arg8[%dma_start3A_248, %dma_start3A_249, %dma_start3A_250] : memref<4x50x128xf32, #tpu.memory_space<vmem>> -> memref<1x50x128xf32, #tpu.memory_space<vmem>>
        %dma_start3A_252 = tpu.memref_squeeze %dma_start3A_251 : memref<1x50x128xf32, #tpu.memory_space<vmem>> -> memref<50x128xf32, #tpu.memory_space<vmem>>
        %dma_start3A_253 = arith.constant 0 : i32
        %dma_start3A_254 = tpu.memref_slice %arg6[%add3A_191, %dma_start3A_253] : memref<200x50xi32, #tpu.memory_space<vmem>> -> memref<1x50xi32, #tpu.memory_space<vmem>>
        %dma_start3A_255 = tpu.memref_squeeze %dma_start3A_254 : memref<1x50xi32, #tpu.memory_space<vmem>> -> memref<50xi32, #tpu.memory_space<vmem>>
        %dma_start3A_256 = arith.constant 0 : i32
        %dma_start3A_257 = arith.constant 0 : i32
        %dma_start3A_258 = tpu.memref_slice %arg2[%dma_start3A_256, %dma_start3A_257] : memref<10000x128xf32, #tpu.memory_space<hbm>> -> memref<10000x128xf32, #tpu.memory_space<hbm>>
        tpu.enqueue_indirect_dma source(%dma_start3A_258 : memref<10000x128xf32, #tpu.memory_space<hbm>>) target(%dma_start3A_252 : memref<50x128xf32, #tpu.memory_space<vmem>>) offsets(%dma_start3A_255 : memref<50xi32, #tpu.memory_space<vmem>>) semaphore(%arg11 : memref<!tpu.dma_semaphore, #tpu.memory_space<semaphore_mem>>)
      } else {
      }
      %add3A_208 = arith.constant 2 : i32
      %add3A_209 = arith.addi %mul3A_72, %add3A_208 : i32
      %add3A_210 = arith.constant 4 : i32
      %add3A_211 = arith.addi %add3A_209, %add3A_210 : i32
      %dma_wait3A_212 = arith.constant 2 : i32
      %dma_wait3A_213 = arith.constant 0 : i32
      %dma_wait3A_214 = arith.constant 0 : i32
      %dma_wait3A_215 = tpu.memref_slice %arg8[%dma_wait3A_212, %dma_wait3A_213, %dma_wait3A_214] : memref<4x50x128xf32, #tpu.memory_space<vmem>> -> memref<1x50x128xf32, #tpu.memory_space<vmem>>
      %dma_wait3A_216 = tpu.memref_squeeze %dma_wait3A_215 : memref<1x50x128xf32, #tpu.memory_space<vmem>> -> memref<50x128xf32, #tpu.memory_space<vmem>>
      %dma_wait3A_217 = arith.constant 0 : i32
      %dma_wait3A_218 = tpu.memref_slice %arg7[%add3A_209, %dma_wait3A_217] : memref<200x50xi32, #tpu.memory_space<vmem>> -> memref<1x50xi32, #tpu.memory_space<vmem>>
      %dma_wait3A_219 = tpu.memref_squeeze %dma_wait3A_218 : memref<1x50xi32, #tpu.memory_space<vmem>> -> memref<50xi32, #tpu.memory_space<vmem>>
      %dma_wait3A_220 = arith.constant 0 : i32
      %dma_wait3A_221 = arith.constant 0 : i32
      %dma_wait3A_222 = tpu.memref_slice %arg9[%dma_wait3A_220, %dma_wait3A_221] : memref<10000x128xf32, #tpu.memory_space<vmem_shared>> -> memref<10000x128xf32, #tpu.memory_space<vmem_shared>>
      tpu.wait_indirect_dma semaphore(%arg16 : memref<!tpu.dma_semaphore, #tpu.memory_space<semaphore_mem>>) src(%dma_wait3A_216 : memref<50x128xf32, #tpu.memory_space<vmem>>) dst(%dma_wait3A_222 : memref<10000x128xf32, #tpu.memory_space<vmem_shared>>)
      %lt3A_223 = arith.constant 200 : i32
      %lt3A_224 = arith.cmpi slt, %add3A_211, %lt3A_223 : i32
      %convert_element_type3A_225 = arith.extui %lt3A_224 : i1 to i32
      %cond3A_226 = arith.constant 0 : i32
      %cond3A_227 = arith.cmpi ne, %convert_element_type3A_225, %cond3A_226 : i32
      scf.if %cond3A_227 {
        %dma_start3A_248 = arith.constant 2 : i32
        %dma_start3A_249 = arith.constant 0 : i32
        %dma_start3A_250 = arith.constant 0 : i32
        %dma_start3A_251 = tpu.memref_slice %arg8[%dma_start3A_248, %dma_start3A_249, %dma_start3A_250] : memref<4x50x128xf32, #tpu.memory_space<vmem>> -> memref<1x50x128xf32, #tpu.memory_space<vmem>>
        %dma_start3A_252 = tpu.memref_squeeze %dma_start3A_251 : memref<1x50x128xf32, #tpu.memory_space<vmem>> -> memref<50x128xf32, #tpu.memory_space<vmem>>
        %dma_start3A_253 = arith.constant 0 : i32
        %dma_start3A_254 = tpu.memref_slice %arg6[%add3A_211, %dma_start3A_253] : memref<200x50xi32, #tpu.memory_space<vmem>> -> memref<1x50xi32, #tpu.memory_space<vmem>>
        %dma_start3A_255 = tpu.memref_squeeze %dma_start3A_254 : memref<1x50xi32, #tpu.memory_space<vmem>> -> memref<50xi32, #tpu.memory_space<vmem>>
        %dma_start3A_256 = arith.constant 0 : i32
        %dma_start3A_257 = arith.constant 0 : i32
        %dma_start3A_258 = tpu.memref_slice %arg2[%dma_start3A_256, %dma_start3A_257] : memref<10000x128xf32, #tpu.memory_space<hbm>> -> memref<10000x128xf32, #tpu.memory_space<hbm>>
        tpu.enqueue_indirect_dma source(%dma_start3A_258 : memref<10000x128xf32, #tpu.memory_space<hbm>>) target(%dma_start3A_252 : memref<50x128xf32, #tpu.memory_space<vmem>>) offsets(%dma_start3A_255 : memref<50xi32, #tpu.memory_space<vmem>>) semaphore(%arg12 : memref<!tpu.dma_semaphore, #tpu.memory_space<semaphore_mem>>)
      } else {
      }
      %add3A_228 = arith.constant 3 : i32
      %add3A_229 = arith.addi %mul3A_72, %add3A_228 : i32
      %add3A_230 = arith.constant 4 : i32
      %add3A_231 = arith.addi %add3A_229, %add3A_230 : i32
      %dma_wait3A_232 = arith.constant 3 : i32
      %dma_wait3A_233 = arith.constant 0 : i32
      %dma_wait3A_234 = arith.constant 0 : i32
      %dma_wait3A_235 = tpu.memref_slice %arg8[%dma_wait3A_232, %dma_wait3A_233, %dma_wait3A_234] : memref<4x50x128xf32, #tpu.memory_space<vmem>> -> memref<1x50x128xf32, #tpu.memory_space<vmem>>
      %dma_wait3A_236 = tpu.memref_squeeze %dma_wait3A_235 : memref<1x50x128xf32, #tpu.memory_space<vmem>> -> memref<50x128xf32, #tpu.memory_space<vmem>>
      %dma_wait3A_237 = arith.constant 0 : i32
      %dma_wait3A_238 = tpu.memref_slice %arg7[%add3A_229, %dma_wait3A_237] : memref<200x50xi32, #tpu.memory_space<vmem>> -> memref<1x50xi32, #tpu.memory_space<vmem>>
      %dma_wait3A_239 = tpu.memref_squeeze %dma_wait3A_238 : memref<1x50xi32, #tpu.memory_space<vmem>> -> memref<50xi32, #tpu.memory_space<vmem>>
      %dma_wait3A_240 = arith.constant 0 : i32
      %dma_wait3A_241 = arith.constant 0 : i32
      %dma_wait3A_242 = tpu.memref_slice %arg9[%dma_wait3A_240, %dma_wait3A_241] : memref<10000x128xf32, #tpu.memory_space<vmem_shared>> -> memref<10000x128xf32, #tpu.memory_space<vmem_shared>>
      tpu.wait_indirect_dma semaphore(%arg17 : memref<!tpu.dma_semaphore, #tpu.memory_space<semaphore_mem>>) src(%dma_wait3A_236 : memref<50x128xf32, #tpu.memory_space<vmem>>) dst(%dma_wait3A_242 : memref<10000x128xf32, #tpu.memory_space<vmem_shared>>)
      %lt3A_243 = arith.constant 200 : i32
      %lt3A_244 = arith.cmpi slt, %add3A_231, %lt3A_243 : i32
      %convert_element_type3A_245 = arith.extui %lt3A_244 : i1 to i32
      %cond3A_246 = arith.constant 0 : i32
      %cond3A_247 = arith.cmpi ne, %convert_element_type3A_245, %cond3A_246 : i32
      scf.if %cond3A_247 {
        %dma_start3A_248 = arith.constant 3 : i32
        %dma_start3A_249 = arith.constant 0 : i32
        %dma_start3A_250 = arith.constant 0 : i32
        %dma_start3A_251 = tpu.memref_slice %arg8[%dma_start3A_248, %dma_start3A_249, %dma_start3A_250] : memref<4x50x128xf32, #tpu.memory_space<vmem>> -> memref<1x50x128xf32, #tpu.memory_space<vmem>>
        %dma_start3A_252 = tpu.memref_squeeze %dma_start3A_251 : memref<1x50x128xf32, #tpu.memory_space<vmem>> -> memref<50x128xf32, #tpu.memory_space<vmem>>
        %dma_start3A_253 = arith.constant 0 : i32
        %dma_start3A_254 = tpu.memref_slice %arg6[%add3A_231, %dma_start3A_253] : memref<200x50xi32, #tpu.memory_space<vmem>> -> memref<1x50xi32, #tpu.memory_space<vmem>>
        %dma_start3A_255 = tpu.memref_squeeze %dma_start3A_254 : memref<1x50xi32, #tpu.memory_space<vmem>> -> memref<50xi32, #tpu.memory_space<vmem>>
        %dma_start3A_256 = arith.constant 0 : i32
        %dma_start3A_257 = arith.constant 0 : i32
        %dma_start3A_258 = tpu.memref_slice %arg2[%dma_start3A_256, %dma_start3A_257] : memref<10000x128xf32, #tpu.memory_space<hbm>> -> memref<10000x128xf32, #tpu.memory_space<hbm>>
        tpu.enqueue_indirect_dma source(%dma_start3A_258 : memref<10000x128xf32, #tpu.memory_space<hbm>>) target(%dma_start3A_252 : memref<50x128xf32, #tpu.memory_space<vmem>>) offsets(%dma_start3A_255 : memref<50xi32, #tpu.memory_space<vmem>>) semaphore(%arg13 : memref<!tpu.dma_semaphore, #tpu.memory_space<semaphore_mem>>)
      } else {
      }
    }
    %scan3A_63 = arith.constant 50 : i32
    %barrier3A_64 = arith.constant 0 : index
    tpu.barrier barrier_id(%barrier3A_64)
    %lt3A_65 = arith.constant 10 : i32
    %lt3A_66 = arith.cmpi slt, %arg1, %lt3A_65 : i32
    %convert_element_type3A_67 = arith.extui %lt3A_66 : i1 to i32
    %cond3A_68 = arith.constant 0 : i32
    %cond3A_69 = arith.cmpi ne, %convert_element_type3A_67, %cond3A_68 : i32
    scf.if %cond3A_69 {
      "tpu.region"() ({
        %run_scoped3A = tpu.sem_alloc : memref<!tpu.dma_semaphore, #tpu.memory_space<semaphore_mem>>
        %dma_start3A_70 = arith.constant 0 : i32
        %dma_start3A_71 = tpu.memref_slice %arg5[%arg0, %mul3A_7, %dma_start3A_70] : memref<2x10000x128xf32, #tpu.memory_space<hbm>> -> memref<1x1000x128xf32, #tpu.memory_space<hbm>>
        %dma_start3A_72 = tpu.memref_squeeze %dma_start3A_71 : memref<1x1000x128xf32, #tpu.memory_space<hbm>> -> memref<1000x128xf32, #tpu.memory_space<hbm>>
        %dma_start3A_73 = arith.constant 0 : i32
        %dma_start3A_74 = tpu.memref_slice %arg9[%mul3A_7, %dma_start3A_73] : memref<10000x128xf32, #tpu.memory_space<vmem_shared>> -> memref<1000x128xf32, #tpu.memory_space<vmem_shared>>
        tpu.enqueue_dma source(%dma_start3A_74 : memref<1000x128xf32, #tpu.memory_space<vmem_shared>>) target(%dma_start3A_72 : memref<1000x128xf32, #tpu.memory_space<hbm>>) target_semaphore(%run_scoped3A : memref<!tpu.dma_semaphore, #tpu.memory_space<semaphore_mem>>)
        %dma_wait3A = arith.constant 0 : i32
        %dma_wait3A_75 = tpu.memref_slice %arg5[%arg0, %mul3A_7, %dma_wait3A] : memref<2x10000x128xf32, #tpu.memory_space<hbm>> -> memref<1x1000x128xf32, #tpu.memory_space<hbm>>
        %dma_wait3A_76 = tpu.memref_squeeze %dma_wait3A_75 : memref<1x1000x128xf32, #tpu.memory_space<hbm>> -> memref<1000x128xf32, #tpu.memory_space<hbm>>
        %dma_wait3A_77 = arith.constant 0 : i32
        %dma_wait3A_78 = tpu.memref_slice %arg9[%mul3A_7, %dma_wait3A_77] : memref<10000x128xf32, #tpu.memory_space<vmem_shared>> -> memref<1000x128xf32, #tpu.memory_space<vmem_shared>>
        tpu.wait_dma2 semaphore(%run_scoped3A : memref<!tpu.dma_semaphore, #tpu.memory_space<semaphore_mem>>) src(%dma_wait3A_78 : memref<1000x128xf32, #tpu.memory_space<vmem_shared>>) dst(%dma_wait3A_76 : memref<1000x128xf32, #tpu.memory_space<hbm>>)
        tpu.yield
      }) : () -> ()
    } else {
    }
    return
  }
}

#map = affine_map<(d0, d1) -> (0, 0, 0)>
#map1 = affine_map<(d0, d1) -> (0, 0)>
module attributes {stable_mosaic.version = 14 : i64} {
  func.func @_count_kernel(%arg0: i32, %arg1: i32, %arg2: memref<32x200x50xi32, #tpu.memory_space<hbm>>, %arg3: memref<50x16xf32, #tpu.memory_space<hbm>>, %arg4: memref<2x10000x16xf32, #tpu.memory_space<hbm>>, %arg5: memref<200x50xi32, #tpu.memory_space<vmem>>, %arg6: memref<50x16xf32, #tpu.memory_space<vmem>>, %arg7: memref<1000x16xf32, #tpu.memory_space<vmem>>, %arg8: memref<10000x16xf32, #tpu.memory_space<vmem_shared>>, %arg9: memref<!tpu.dma_semaphore, #tpu.memory_space<semaphore_mem>>) attributes {dimension_semantics = [#tpu.dimension_semantics<core_parallel>, #tpu.dimension_semantics<subcore_parallel>], iteration_bounds = array<i64: 2, 16>, scalar_prefetch = 0 : i64, scratch_operands = 5 : i64, tpu.core_type = #tpu.core_type<sc_vector_subcore>, window_params = [{transform_indices = #map}, {transform_indices = #map1}, {transform_indices = #map}]} {
    %mul3A = arith.constant 2 : i32
    %mul3A_0 = arith.muli %arg1, %mul3A : i32
    %add3A = arith.addi %mul3A_0, %arg0 : i32
    "tpu.region"() ({
      %run_scoped3A = tpu.sem_alloc : memref<!tpu.dma_semaphore, #tpu.memory_space<semaphore_mem>>
      %dma_start3A = arith.constant 0 : i32
      %dma_start3A_28 = arith.constant 0 : i32
      %dma_start3A_29 = tpu.memref_slice %arg2[%add3A, %dma_start3A, %dma_start3A_28] : memref<32x200x50xi32, #tpu.memory_space<hbm>> -> memref<1x200x50xi32, #tpu.memory_space<hbm>>
      %dma_start3A_30 = tpu.memref_squeeze %dma_start3A_29 : memref<1x200x50xi32, #tpu.memory_space<hbm>> -> memref<200x50xi32, #tpu.memory_space<hbm>>
      %dma_start3A_31 = arith.constant 0 : i32
      %dma_start3A_32 = arith.constant 0 : i32
      %dma_start3A_33 = tpu.memref_slice %arg2[%add3A, %dma_start3A_31, %dma_start3A_32] : memref<32x200x50xi32, #tpu.memory_space<hbm>> -> memref<1x200x50xi32, #tpu.memory_space<hbm>>
      %dma_start3A_34 = tpu.memref_squeeze %dma_start3A_33 : memref<1x200x50xi32, #tpu.memory_space<hbm>> -> memref<200x50xi32, #tpu.memory_space<hbm>>
      tpu.enqueue_dma source(%dma_start3A_34 : memref<200x50xi32, #tpu.memory_space<hbm>>) target(%arg5 : memref<200x50xi32, #tpu.memory_space<vmem>>) target_semaphore(%run_scoped3A : memref<!tpu.dma_semaphore, #tpu.memory_space<semaphore_mem>>)
      %dma_wait3A = arith.constant 0 : i32
      %dma_wait3A_35 = arith.constant 0 : i32
      %dma_wait3A_36 = tpu.memref_slice %arg2[%add3A, %dma_wait3A, %dma_wait3A_35] : memref<32x200x50xi32, #tpu.memory_space<hbm>> -> memref<1x200x50xi32, #tpu.memory_space<hbm>>
      %dma_wait3A_37 = tpu.memref_squeeze %dma_wait3A_36 : memref<1x200x50xi32, #tpu.memory_space<hbm>> -> memref<200x50xi32, #tpu.memory_space<hbm>>
      %dma_wait3A_38 = arith.constant 0 : i32
      %dma_wait3A_39 = arith.constant 0 : i32
      %dma_wait3A_40 = tpu.memref_slice %arg2[%add3A, %dma_wait3A_38, %dma_wait3A_39] : memref<32x200x50xi32, #tpu.memory_space<hbm>> -> memref<1x200x50xi32, #tpu.memory_space<hbm>>
      %dma_wait3A_41 = tpu.memref_squeeze %dma_wait3A_40 : memref<1x200x50xi32, #tpu.memory_space<hbm>> -> memref<200x50xi32, #tpu.memory_space<hbm>>
      tpu.wait_dma2 semaphore(%run_scoped3A : memref<!tpu.dma_semaphore, #tpu.memory_space<semaphore_mem>>) src(%dma_wait3A_41 : memref<200x50xi32, #tpu.memory_space<hbm>>) dst(%arg5 : memref<200x50xi32, #tpu.memory_space<vmem>>)
      tpu.yield
    }) : () -> ()
    "tpu.region"() ({
      %run_scoped3A = tpu.sem_alloc : memref<!tpu.dma_semaphore, #tpu.memory_space<semaphore_mem>>
      tpu.enqueue_dma source(%arg3 : memref<50x16xf32, #tpu.memory_space<hbm>>) target(%arg6 : memref<50x16xf32, #tpu.memory_space<vmem>>) target_semaphore(%run_scoped3A : memref<!tpu.dma_semaphore, #tpu.memory_space<semaphore_mem>>)
      tpu.wait_dma2 semaphore(%run_scoped3A : memref<!tpu.dma_semaphore, #tpu.memory_space<semaphore_mem>>) src(%arg3 : memref<50x16xf32, #tpu.memory_space<hbm>>) dst(%arg6 : memref<50x16xf32, #tpu.memory_space<vmem>>)
      tpu.yield
    }) : () -> ()
    %scan3A = arith.constant 0 : i32
    %scan3A_1 = arith.constant 0 : i32
    %scan3A_2 = arith.constant 1000 : i32
    %scan3A_3 = arith.addi %scan3A_1, %scan3A_2 : i32
    %scan3A_4 = arith.constant 1 : i32
    scf.for %scan3A_28 = %scan3A_1 to %scan3A_3 step %scan3A_4  : i32 {
      %broadcast_in_dim3A = arith.constant 0.000000e+00 : f32
      %broadcast_in_dim3A_29 = vector.broadcast %broadcast_in_dim3A : f32 to vector<16xf32>
      %swap3A = arith.index_cast %scan3A_28 : i32 to index
      %swap3A_30 = arith.constant 0 : index
      %swap3A_31 = tpu.vector_load %arg7[%swap3A, %swap3A_30] {strides = array<i32>} : memref<1000x16xf32, #tpu.memory_space<vmem>>, vector<1x16xf32>,
      %swap3A_32 = vector.shape_cast %swap3A_31 : vector<1x16xf32> to vector<16xf32>
      %swap3A_33 = vector.shape_cast %broadcast_in_dim3A_29 : vector<16xf32> to vector<1x16xf32>
      tpu.vector_store %arg7[%swap3A, %swap3A_30], %swap3A_33 {strides = array<i32>} : memref<1000x16xf32, #tpu.memory_space<vmem>>, vector<1x16xf32>,
    }
    %scan3A_5 = arith.constant 1000 : i32
    %mul3A_6 = arith.constant 1000 : i32
    %mul3A_7 = arith.muli %arg1, %mul3A_6 : i32
    %lt3A = arith.constant 10 : i32
    %lt3A_8 = arith.cmpi slt, %arg1, %lt3A : i32
    %convert_element_type3A = arith.extui %lt3A_8 : i1 to i32
    %cond3A = arith.constant 0 : i32
    %cond3A_9 = arith.cmpi ne, %convert_element_type3A, %cond3A : i32
    scf.if %cond3A_9 {
      "tpu.region"() ({
        %run_scoped3A = tpu.sem_alloc : memref<!tpu.dma_semaphore, #tpu.memory_space<semaphore_mem>>
        %dma_start3A = arith.constant 0 : i32
        %dma_start3A_28 = tpu.memref_slice %arg8[%mul3A_7, %dma_start3A] : memref<10000x16xf32, #tpu.memory_space<vmem_shared>> -> memref<1000x16xf32, #tpu.memory_space<vmem_shared>>
        %dma_start3A_29 = arith.constant 0 : i32
        %dma_start3A_30 = tpu.memref_slice %arg8[%mul3A_7, %dma_start3A_29] : memref<10000x16xf32, #tpu.memory_space<vmem_shared>> -> memref<1000x16xf32, #tpu.memory_space<vmem_shared>>
        tpu.enqueue_dma source(%arg7 : memref<1000x16xf32, #tpu.memory_space<vmem>>) target(%dma_start3A_30 : memref<1000x16xf32, #tpu.memory_space<vmem_shared>>) target_semaphore(%run_scoped3A : memref<!tpu.dma_semaphore, #tpu.memory_space<semaphore_mem>>)
        %dma_wait3A = arith.constant 0 : i32
        %dma_wait3A_31 = tpu.memref_slice %arg8[%mul3A_7, %dma_wait3A] : memref<10000x16xf32, #tpu.memory_space<vmem_shared>> -> memref<1000x16xf32, #tpu.memory_space<vmem_shared>>
        %dma_wait3A_32 = arith.constant 0 : i32
        %dma_wait3A_33 = tpu.memref_slice %arg8[%mul3A_7, %dma_wait3A_32] : memref<10000x16xf32, #tpu.memory_space<vmem_shared>> -> memref<1000x16xf32, #tpu.memory_space<vmem_shared>>
        tpu.wait_dma2 semaphore(%run_scoped3A : memref<!tpu.dma_semaphore, #tpu.memory_space<semaphore_mem>>) src(%arg7 : memref<1000x16xf32, #tpu.memory_space<vmem>>) dst(%dma_wait3A_33 : memref<1000x16xf32, #tpu.memory_space<vmem_shared>>)
        tpu.yield
      }) : () -> ()
    } else {
    }
    %barrier3A = arith.constant 0 : index
    tpu.barrier barrier_id(%barrier3A)
    %scan3A_10 = arith.constant 0 : i32
    %scan3A_11 = arith.constant 0 : i32
    %scan3A_12 = arith.constant 200 : i32
    %scan3A_13 = arith.addi %scan3A_11, %scan3A_12 : i32
    %scan3A_14 = arith.constant 1 : i32
    scf.for %scan3A_28 = %scan3A_11 to %scan3A_13 step %scan3A_14  : i32 {
      %dma_start3A = arith.constant 0 : i32
      %dma_start3A_29 = tpu.memref_slice %arg5[%scan3A_28, %dma_start3A] : memref<200x50xi32, #tpu.memory_space<vmem>> -> memref<1x50xi32, #tpu.memory_space<vmem>>
      %dma_start3A_30 = tpu.memref_squeeze %dma_start3A_29 : memref<1x50xi32, #tpu.memory_space<vmem>> -> memref<50xi32, #tpu.memory_space<vmem>>
      %dma_start3A_31 = arith.constant 0 : i32
      %dma_start3A_32 = arith.constant 0 : i32
      %dma_start3A_33 = tpu.memref_slice %arg8[%dma_start3A_31, %dma_start3A_32] : memref<10000x16xf32, #tpu.memory_space<vmem_shared>> -> memref<10000x16xf32, #tpu.memory_space<vmem_shared>>
      tpu.enqueue_indirect_dma source(%arg6 : memref<50x16xf32, #tpu.memory_space<vmem>>) target(%dma_start3A_33 : memref<10000x16xf32, #tpu.memory_space<vmem_shared>>) offsets(%dma_start3A_30 : memref<50xi32, #tpu.memory_space<vmem>>) semaphore(%arg9 : memref<!tpu.dma_semaphore, #tpu.memory_space<semaphore_mem>>) {add = true}
    }
    %scan3A_15 = arith.constant 200 : i32
    %scan3A_16 = arith.constant 0 : i32
    %scan3A_17 = arith.constant 0 : i32
    %scan3A_18 = arith.constant 200 : i32
    %scan3A_19 = arith.addi %scan3A_17, %scan3A_18 : i32
    %scan3A_20 = arith.constant 1 : i32
    scf.for %scan3A_28 = %scan3A_17 to %scan3A_19 step %scan3A_20  : i32 {
      %dma_wait3A = arith.constant 0 : i32
      %dma_wait3A_29 = tpu.memref_slice %arg5[%scan3A_28, %dma_wait3A] : memref<200x50xi32, #tpu.memory_space<vmem>> -> memref<1x50xi32, #tpu.memory_space<vmem>>
      %dma_wait3A_30 = tpu.memref_squeeze %dma_wait3A_29 : memref<1x50xi32, #tpu.memory_space<vmem>> -> memref<50xi32, #tpu.memory_space<vmem>>
      %dma_wait3A_31 = arith.constant 0 : i32
      %dma_wait3A_32 = arith.constant 0 : i32
      %dma_wait3A_33 = tpu.memref_slice %arg8[%dma_wait3A_31, %dma_wait3A_32] : memref<10000x16xf32, #tpu.memory_space<vmem_shared>> -> memref<10000x16xf32, #tpu.memory_space<vmem_shared>>
      tpu.wait_indirect_dma semaphore(%arg9 : memref<!tpu.dma_semaphore, #tpu.memory_space<semaphore_mem>>) src(%arg6 : memref<50x16xf32, #tpu.memory_space<vmem>>) dst(%dma_wait3A_33 : memref<10000x16xf32, #tpu.memory_space<vmem_shared>>)
    }
    %scan3A_21 = arith.constant 200 : i32
    %barrier3A_22 = arith.constant 0 : index
    tpu.barrier barrier_id(%barrier3A_22)
    %lt3A_23 = arith.constant 10 : i32
    %lt3A_24 = arith.cmpi slt, %arg1, %lt3A_23 : i32
    %convert_element_type3A_25 = arith.extui %lt3A_24 : i1 to i32
    %cond3A_26 = arith.constant 0 : i32
    %cond3A_27 = arith.cmpi ne, %convert_element_type3A_25, %cond3A_26 : i32
    scf.if %cond3A_27 {
      "tpu.region"() ({
        %run_scoped3A = tpu.sem_alloc : memref<!tpu.dma_semaphore, #tpu.memory_space<semaphore_mem>>
        %dma_start3A = arith.constant 0 : i32
        %dma_start3A_28 = tpu.memref_slice %arg4[%arg0, %mul3A_7, %dma_start3A] : memref<2x10000x16xf32, #tpu.memory_space<hbm>> -> memref<1x1000x16xf32, #tpu.memory_space<hbm>>
        %dma_start3A_29 = tpu.memref_squeeze %dma_start3A_28 : memref<1x1000x16xf32, #tpu.memory_space<hbm>> -> memref<1000x16xf32, #tpu.memory_space<hbm>>
        %dma_start3A_30 = arith.constant 0 : i32
        %dma_start3A_31 = tpu.memref_slice %arg8[%mul3A_7, %dma_start3A_30] : memref<10000x16xf32, #tpu.memory_space<vmem_shared>> -> memref<1000x16xf32, #tpu.memory_space<vmem_shared>>
        tpu.enqueue_dma source(%dma_start3A_31 : memref<1000x16xf32, #tpu.memory_space<vmem_shared>>) target(%dma_start3A_29 : memref<1000x16xf32, #tpu.memory_space<hbm>>) target_semaphore(%run_scoped3A : memref<!tpu.dma_semaphore, #tpu.memory_space<semaphore_mem>>)
        %dma_wait3A = arith.constant 0 : i32
        %dma_wait3A_32 = tpu.memref_slice %arg4[%arg0, %mul3A_7, %dma_wait3A] : memref<2x10000x16xf32, #tpu.memory_space<hbm>> -> memref<1x1000x16xf32, #tpu.memory_space<hbm>>
        %dma_wait3A_33 = tpu.memref_squeeze %dma_wait3A_32 : memref<1x1000x16xf32, #tpu.memory_space<hbm>> -> memref<1000x16xf32, #tpu.memory_space<hbm>>
        %dma_wait3A_34 = arith.constant 0 : i32
        %dma_wait3A_35 = tpu.memref_slice %arg8[%mul3A_7, %dma_wait3A_34] : memref<10000x16xf32, #tpu.memory_space<vmem_shared>> -> memref<1000x16xf32, #tpu.memory_space<vmem_shared>>
        tpu.wait_dma2 semaphore(%run_scoped3A : memref<!tpu.dma_semaphore, #tpu.memory_space<semaphore_mem>>) src(%dma_wait3A_35 : memref<1000x16xf32, #tpu.memory_space<vmem_shared>>) dst(%dma_wait3A_33 : memref<1000x16xf32, #tpu.memory_space<hbm>>)
        tpu.yield
      }) : () -> ()
    } else {
    }
    return
  }
}

#map = affine_map<(d0, d1) -> (0, 0)>
#map1 = affine_map<(d0, d1) -> (0, 0, 0)>
module attributes {stable_mosaic.version = 14 : i64} {
  func.func @_agg_kernel(%arg0: i32, %arg1: i32, %arg2: memref<10000x128xf32, #tpu.memory_space<hbm>>, %arg3: memref<32x200x50xi32, #tpu.memory_space<hbm>>, %arg4: memref<32x200x50xi32, #tpu.memory_space<hbm>>, %arg5: memref<2x10000x128xf32, #tpu.memory_space<hbm>>, %arg6: memref<200x50xi32, #tpu.memory_space<vmem>>, %arg7: memref<200x50xi32, #tpu.memory_space<vmem>>, %arg8: memref<4x50x128xf32, #tpu.memory_space<vmem>>, %arg9: memref<10000x128xf32, #tpu.memory_space<vmem_shared>>, %arg10: memref<!tpu.dma_semaphore, #tpu.memory_space<semaphore_mem>>, %arg11: memref<!tpu.dma_semaphore, #tpu.memory_space<semaphore_mem>>, %arg12: memref<!tpu.dma_semaphore, #tpu.memory_space<semaphore_mem>>, %arg13: memref<!tpu.dma_semaphore, #tpu.memory_space<semaphore_mem>>, %arg14: memref<!tpu.dma_semaphore, #tpu.memory_space<semaphore_mem>>, %arg15: memref<!tpu.dma_semaphore, #tpu.memory_space<semaphore_mem>>, %arg16: memref<!tpu.dma_semaphore, #tpu.memory_space<semaphore_mem>>, %arg17: memref<!tpu.dma_semaphore, #tpu.memory_space<semaphore_mem>>) attributes {dimension_semantics = [#tpu.dimension_semantics<core_parallel>, #tpu.dimension_semantics<subcore_parallel>], iteration_bounds = array<i64: 2, 16>, scalar_prefetch = 0 : i64, scratch_operands = 12 : i64, tpu.core_type = #tpu.core_type<sc_vector_subcore>, window_params = [{transform_indices = #map}, {transform_indices = #map1}, {transform_indices = #map1}, {transform_indices = #map1}]} {
    %mul3A = arith.constant 2 : i32
    %mul3A_0 = arith.muli %arg1, %mul3A : i32
    %add3A = arith.addi %mul3A_0, %arg0 : i32
    "tpu.region"() ({
      %run_scoped3A = tpu.sem_alloc : memref<!tpu.dma_semaphore, #tpu.memory_space<semaphore_mem>>
      %dma_start3A_70 = arith.constant 0 : i32
      %dma_start3A_71 = arith.constant 0 : i32
      %dma_start3A_72 = tpu.memref_slice %arg3[%add3A, %dma_start3A_70, %dma_start3A_71] : memref<32x200x50xi32, #tpu.memory_space<hbm>> -> memref<1x200x50xi32, #tpu.memory_space<hbm>>
      %dma_start3A_73 = tpu.memref_squeeze %dma_start3A_72 : memref<1x200x50xi32, #tpu.memory_space<hbm>> -> memref<200x50xi32, #tpu.memory_space<hbm>>
      %dma_start3A_74 = arith.constant 0 : i32
      %dma_start3A_75 = arith.constant 0 : i32
      %dma_start3A_76 = tpu.memref_slice %arg3[%add3A, %dma_start3A_74, %dma_start3A_75] : memref<32x200x50xi32, #tpu.memory_space<hbm>> -> memref<1x200x50xi32, #tpu.memory_space<hbm>>
      %dma_start3A_77 = tpu.memref_squeeze %dma_start3A_76 : memref<1x200x50xi32, #tpu.memory_space<hbm>> -> memref<200x50xi32, #tpu.memory_space<hbm>>
      tpu.enqueue_dma source(%dma_start3A_77 : memref<200x50xi32, #tpu.memory_space<hbm>>) target(%arg6 : memref<200x50xi32, #tpu.memory_space<vmem>>) target_semaphore(%run_scoped3A : memref<!tpu.dma_semaphore, #tpu.memory_space<semaphore_mem>>)
      %dma_wait3A = arith.constant 0 : i32
      %dma_wait3A_78 = arith.constant 0 : i32
      %dma_wait3A_79 = tpu.memref_slice %arg3[%add3A, %dma_wait3A, %dma_wait3A_78] : memref<32x200x50xi32, #tpu.memory_space<hbm>> -> memref<1x200x50xi32, #tpu.memory_space<hbm>>
      %dma_wait3A_80 = tpu.memref_squeeze %dma_wait3A_79 : memref<1x200x50xi32, #tpu.memory_space<hbm>> -> memref<200x50xi32, #tpu.memory_space<hbm>>
      %dma_wait3A_81 = arith.constant 0 : i32
      %dma_wait3A_82 = arith.constant 0 : i32
      %dma_wait3A_83 = tpu.memref_slice %arg3[%add3A, %dma_wait3A_81, %dma_wait3A_82] : memref<32x200x50xi32, #tpu.memory_space<hbm>> -> memref<1x200x50xi32, #tpu.memory_space<hbm>>
      %dma_wait3A_84 = tpu.memref_squeeze %dma_wait3A_83 : memref<1x200x50xi32, #tpu.memory_space<hbm>> -> memref<200x50xi32, #tpu.memory_space<hbm>>
      tpu.wait_dma2 semaphore(%run_scoped3A : memref<!tpu.dma_semaphore, #tpu.memory_space<semaphore_mem>>) src(%dma_wait3A_84 : memref<200x50xi32, #tpu.memory_space<hbm>>) dst(%arg6 : memref<200x50xi32, #tpu.memory_space<vmem>>)
      tpu.yield
    }) : () -> ()
    "tpu.region"() ({
      %run_scoped3A = tpu.sem_alloc : memref<!tpu.dma_semaphore, #tpu.memory_space<semaphore_mem>>
      %dma_start3A_70 = arith.constant 0 : i32
      %dma_start3A_71 = arith.constant 0 : i32
      %dma_start3A_72 = tpu.memref_slice %arg4[%add3A, %dma_start3A_70, %dma_start3A_71] : memref<32x200x50xi32, #tpu.memory_space<hbm>> -> memref<1x200x50xi32, #tpu.memory_space<hbm>>
      %dma_start3A_73 = tpu.memref_squeeze %dma_start3A_72 : memref<1x200x50xi32, #tpu.memory_space<hbm>> -> memref<200x50xi32, #tpu.memory_space<hbm>>
      %dma_start3A_74 = arith.constant 0 : i32
      %dma_start3A_75 = arith.constant 0 : i32
      %dma_start3A_76 = tpu.memref_slice %arg4[%add3A, %dma_start3A_74, %dma_start3A_75] : memref<32x200x50xi32, #tpu.memory_space<hbm>> -> memref<1x200x50xi32, #tpu.memory_space<hbm>>
      %dma_start3A_77 = tpu.memref_squeeze %dma_start3A_76 : memref<1x200x50xi32, #tpu.memory_space<hbm>> -> memref<200x50xi32, #tpu.memory_space<hbm>>
      tpu.enqueue_dma source(%dma_start3A_77 : memref<200x50xi32, #tpu.memory_space<hbm>>) target(%arg7 : memref<200x50xi32, #tpu.memory_space<vmem>>) target_semaphore(%run_scoped3A : memref<!tpu.dma_semaphore, #tpu.memory_space<semaphore_mem>>)
      %dma_wait3A = arith.constant 0 : i32
      %dma_wait3A_78 = arith.constant 0 : i32
      %dma_wait3A_79 = tpu.memref_slice %arg4[%add3A, %dma_wait3A, %dma_wait3A_78] : memref<32x200x50xi32, #tpu.memory_space<hbm>> -> memref<1x200x50xi32, #tpu.memory_space<hbm>>
      %dma_wait3A_80 = tpu.memref_squeeze %dma_wait3A_79 : memref<1x200x50xi32, #tpu.memory_space<hbm>> -> memref<200x50xi32, #tpu.memory_space<hbm>>
      %dma_wait3A_81 = arith.constant 0 : i32
      %dma_wait3A_82 = arith.constant 0 : i32
      %dma_wait3A_83 = tpu.memref_slice %arg4[%add3A, %dma_wait3A_81, %dma_wait3A_82] : memref<32x200x50xi32, #tpu.memory_space<hbm>> -> memref<1x200x50xi32, #tpu.memory_space<hbm>>
      %dma_wait3A_84 = tpu.memref_squeeze %dma_wait3A_83 : memref<1x200x50xi32, #tpu.memory_space<hbm>> -> memref<200x50xi32, #tpu.memory_space<hbm>>
      tpu.wait_dma2 semaphore(%run_scoped3A : memref<!tpu.dma_semaphore, #tpu.memory_space<semaphore_mem>>) src(%dma_wait3A_84 : memref<200x50xi32, #tpu.memory_space<hbm>>) dst(%arg7 : memref<200x50xi32, #tpu.memory_space<vmem>>)
      tpu.yield
    }) : () -> ()
    %scan3A = arith.constant 0 : i32
    %scan3A_1 = arith.constant 0 : i32
    %scan3A_2 = arith.constant 50 : i32
    %scan3A_3 = arith.addi %scan3A_1, %scan3A_2 : i32
    %scan3A_4 = arith.constant 1 : i32
    scf.for %scan3A_70 = %scan3A_1 to %scan3A_3 step %scan3A_4  : i32 {
      %scan3A_71 = arith.constant 0 : i32
      %scan3A_72 = arith.constant 8 : i32
      %scan3A_73 = arith.addi %scan3A_71, %scan3A_72 : i32
      %scan3A_74 = arith.constant 1 : i32
      scf.for %scan3A_76 = %scan3A_71 to %scan3A_73 step %scan3A_74  : i32 {
        %broadcast_in_dim3A = arith.constant 0.000000e+00 : f32
        %broadcast_in_dim3A_77 = vector.broadcast %broadcast_in_dim3A : f32 to vector<16xf32>
        %mul3A_78 = arith.constant 16 : i32
        %mul3A_79 = arith.muli %scan3A_76, %mul3A_78 : i32
        %swap3A = arith.constant 0 : i32
        %swap3A_80 = arith.index_cast %swap3A : i32 to index
        %swap3A_81 = arith.index_cast %scan3A_70 : i32 to index
        %swap3A_82 = arith.index_cast %mul3A_79 : i32 to index
        %swap3A_83 = tpu.vector_load %arg8[%swap3A_80, %swap3A_81, %swap3A_82] {strides = array<i32>} : memref<4x50x128xf32, #tpu.memory_space<vmem>>, vector<1x1x16xf32>,
        %swap3A_84 = vector.shape_cast %swap3A_83 : vector<1x1x16xf32> to vector<16xf32>
        %swap3A_85 = vector.shape_cast %broadcast_in_dim3A_77 : vector<16xf32> to vector<1x1x16xf32>
        tpu.vector_store %arg8[%swap3A_80, %swap3A_81, %swap3A_82], %swap3A_85 {strides = array<i32>} : memref<4x50x128xf32, #tpu.memory_space<vmem>>, vector<1x1x16xf32>,
      }
      %scan3A_75 = arith.constant 8 : i32
    }
    %scan3A_5 = arith.constant 50 : i32
    %mul3A_6 = arith.constant 1000 : i32
    %mul3A_7 = arith.muli %arg1, %mul3A_6 : i32
    %lt3A = arith.constant 10 : i32
    %lt3A_8 = arith.cmpi slt, %arg1, %lt3A : i32
    %convert_element_type3A = arith.extui %lt3A_8 : i1 to i32
    %cond3A = arith.constant 0 : i32
    %cond3A_9 = arith.constant 0 : i32
    %cond3A_10 = arith.cmpi ne, %convert_element_type3A, %cond3A_9 : i32
    scf.if %cond3A_10 {
      %add3A_70 = arith.constant 0 : i32
      %add3A_71 = arith.addi %mul3A_7, %add3A_70 : i32
      "tpu.region"() ({
        %run_scoped3A = tpu.sem_alloc : memref<!tpu.dma_semaphore, #tpu.memory_space<semaphore_mem>>
        %dma_start3A_110 = arith.constant 0 : i32
        %dma_start3A_111 = arith.constant 0 : i32
        %dma_start3A_112 = tpu.memref_slice %arg8[%cond3A, %dma_start3A_110, %dma_start3A_111] : memref<4x50x128xf32, #tpu.memory_space<vmem>> -> memref<1x50x128xf32, #tpu.memory_space<vmem>>
        %dma_start3A_113 = tpu.memref_squeeze %dma_start3A_112 : memref<1x50x128xf32, #tpu.memory_space<vmem>> -> memref<50x128xf32, #tpu.memory_space<vmem>>
        %dma_start3A_114 = arith.constant 0 : i32
        %dma_start3A_115 = tpu.memref_slice %arg9[%add3A_71, %dma_start3A_114] : memref<10000x128xf32, #tpu.memory_space<vmem_shared>> -> memref<50x128xf32, #tpu.memory_space<vmem_shared>>
        %dma_start3A_116 = arith.constant 0 : i32
        %dma_start3A_117 = tpu.memref_slice %arg9[%add3A_71, %dma_start3A_116] : memref<10000x128xf32, #tpu.memory_space<vmem_shared>> -> memref<50x128xf32, #tpu.memory_space<vmem_shared>>
        %dma_start3A_118 = arith.constant 0 : i32
        %dma_start3A_119 = arith.constant 0 : i32
        %dma_start3A_120 = tpu.memref_slice %arg8[%cond3A, %dma_start3A_118, %dma_start3A_119] : memref<4x50x128xf32, #tpu.memory_space<vmem>> -> memref<1x50x128xf32, #tpu.memory_space<vmem>>
        %dma_start3A_121 = tpu.memref_squeeze %dma_start3A_120 : memref<1x50x128xf32, #tpu.memory_space<vmem>> -> memref<50x128xf32, #tpu.memory_space<vmem>>
        tpu.enqueue_dma source(%dma_start3A_121 : memref<50x128xf32, #tpu.memory_space<vmem>>) target(%dma_start3A_117 : memref<50x128xf32, #tpu.memory_space<vmem_shared>>) target_semaphore(%run_scoped3A : memref<!tpu.dma_semaphore, #tpu.memory_space<semaphore_mem>>)
        %dma_wait3A = arith.constant 0 : i32
        %dma_wait3A_122 = arith.constant 0 : i32
        %dma_wait3A_123 = tpu.memref_slice %arg8[%cond3A, %dma_wait3A, %dma_wait3A_122] : memref<4x50x128xf32, #tpu.memory_space<vmem>> -> memref<1x50x128xf32, #tpu.memory_space<vmem>>
        %dma_wait3A_124 = tpu.memref_squeeze %dma_wait3A_123 : memref<1x50x128xf32, #tpu.memory_space<vmem>> -> memref<50x128xf32, #tpu.memory_space<vmem>>
        %dma_wait3A_125 = arith.constant 0 : i32
        %dma_wait3A_126 = tpu.memref_slice %arg9[%add3A_71, %dma_wait3A_125] : memref<10000x128xf32, #tpu.memory_space<vmem_shared>> -> memref<50x128xf32, #tpu.memory_space<vmem_shared>>
        %dma_wait3A_127 = arith.constant 0 : i32
        %dma_wait3A_128 = tpu.memref_slice %arg9[%add3A_71, %dma_wait3A_127] : memref<10000x128xf32, #tpu.memory_space<vmem_shared>> -> memref<50x128xf32, #tpu.memory_space<vmem_shared>>
        %dma_wait3A_129 = arith.constant 0 : i32
        %dma_wait3A_130 = arith.constant 0 : i32
        %dma_wait3A_131 = tpu.memref_slice %arg8[%cond3A, %dma_wait3A_129, %dma_wait3A_130] : memref<4x50x128xf32, #tpu.memory_space<vmem>> -> memref<1x50x128xf32, #tpu.memory_space<vmem>>
        %dma_wait3A_132 = tpu.memref_squeeze %dma_wait3A_131 : memref<1x50x128xf32, #tpu.memory_space<vmem>> -> memref<50x128xf32, #tpu.memory_space<vmem>>
        tpu.wait_dma2 semaphore(%run_scoped3A : memref<!tpu.dma_semaphore, #tpu.memory_space<semaphore_mem>>) src(%dma_wait3A_132 : memref<50x128xf32, #tpu.memory_space<vmem>>) dst(%dma_wait3A_128 : memref<50x128xf32, #tpu.memory_space<vmem_shared>>)
        tpu.yield
      }) : () -> ()
      %add3A_72 = arith.constant 50 : i32
      %add3A_73 = arith.addi %mul3A_7, %add3A_72 : i32
      "tpu.region"() ({
        %run_scoped3A = tpu.sem_alloc : memref<!tpu.dma_semaphore, #tpu.memory_space<semaphore_mem>>
        %dma_start3A_110 = arith.constant 0 : i32
        %dma_start3A_111 = arith.constant 0 : i32
        %dma_start3A_112 = tpu.memref_slice %arg8[%cond3A, %dma_start3A_110, %dma_start3A_111] : memref<4x50x128xf32, #tpu.memory_space<vmem>> -> memref<1x50x128xf32, #tpu.memory_space<vmem>>
        %dma_start3A_113 = tpu.memref_squeeze %dma_start3A_112 : memref<1x50x128xf32, #tpu.memory_space<vmem>> -> memref<50x128xf32, #tpu.memory_space<vmem>>
        %dma_start3A_114 = arith.constant 0 : i32
        %dma_start3A_115 = tpu.memref_slice %arg9[%add3A_73, %dma_start3A_114] : memref<10000x128xf32, #tpu.memory_space<vmem_shared>> -> memref<50x128xf32, #tpu.memory_space<vmem_shared>>
        %dma_start3A_116 = arith.constant 0 : i32
        %dma_start3A_117 = tpu.memref_slice %arg9[%add3A_73, %dma_start3A_116] : memref<10000x128xf32, #tpu.memory_space<vmem_shared>> -> memref<50x128xf32, #tpu.memory_space<vmem_shared>>
        %dma_start3A_118 = arith.constant 0 : i32
        %dma_start3A_119 = arith.constant 0 : i32
        %dma_start3A_120 = tpu.memref_slice %arg8[%cond3A, %dma_start3A_118, %dma_start3A_119] : memref<4x50x128xf32, #tpu.memory_space<vmem>> -> memref<1x50x128xf32, #tpu.memory_space<vmem>>
        %dma_start3A_121 = tpu.memref_squeeze %dma_start3A_120 : memref<1x50x128xf32, #tpu.memory_space<vmem>> -> memref<50x128xf32, #tpu.memory_space<vmem>>
        tpu.enqueue_dma source(%dma_start3A_121 : memref<50x128xf32, #tpu.memory_space<vmem>>) target(%dma_start3A_117 : memref<50x128xf32, #tpu.memory_space<vmem_shared>>) target_semaphore(%run_scoped3A : memref<!tpu.dma_semaphore, #tpu.memory_space<semaphore_mem>>)
        %dma_wait3A = arith.constant 0 : i32
        %dma_wait3A_122 = arith.constant 0 : i32
        %dma_wait3A_123 = tpu.memref_slice %arg8[%cond3A, %dma_wait3A, %dma_wait3A_122] : memref<4x50x128xf32, #tpu.memory_space<vmem>> -> memref<1x50x128xf32, #tpu.memory_space<vmem>>
        %dma_wait3A_124 = tpu.memref_squeeze %dma_wait3A_123 : memref<1x50x128xf32, #tpu.memory_space<vmem>> -> memref<50x128xf32, #tpu.memory_space<vmem>>
        %dma_wait3A_125 = arith.constant 0 : i32
        %dma_wait3A_126 = tpu.memref_slice %arg9[%add3A_73, %dma_wait3A_125] : memref<10000x128xf32, #tpu.memory_space<vmem_shared>> -> memref<50x128xf32, #tpu.memory_space<vmem_shared>>
        %dma_wait3A_127 = arith.constant 0 : i32
        %dma_wait3A_128 = tpu.memref_slice %arg9[%add3A_73, %dma_wait3A_127] : memref<10000x128xf32, #tpu.memory_space<vmem_shared>> -> memref<50x128xf32, #tpu.memory_space<vmem_shared>>
        %dma_wait3A_129 = arith.constant 0 : i32
        %dma_wait3A_130 = arith.constant 0 : i32
        %dma_wait3A_131 = tpu.memref_slice %arg8[%cond3A, %dma_wait3A_129, %dma_wait3A_130] : memref<4x50x128xf32, #tpu.memory_space<vmem>> -> memref<1x50x128xf32, #tpu.memory_space<vmem>>
        %dma_wait3A_132 = tpu.memref_squeeze %dma_wait3A_131 : memref<1x50x128xf32, #tpu.memory_space<vmem>> -> memref<50x128xf32, #tpu.memory_space<vmem>>
        tpu.wait_dma2 semaphore(%run_scoped3A : memref<!tpu.dma_semaphore, #tpu.memory_space<semaphore_mem>>) src(%dma_wait3A_132 : memref<50x128xf32, #tpu.memory_space<vmem>>) dst(%dma_wait3A_128 : memref<50x128xf32, #tpu.memory_space<vmem_shared>>)
        tpu.yield
      }) : () -> ()
      %add3A_74 = arith.constant 100 : i32
      %add3A_75 = arith.addi %mul3A_7, %add3A_74 : i32
      "tpu.region"() ({
        %run_scoped3A = tpu.sem_alloc : memref<!tpu.dma_semaphore, #tpu.memory_space<semaphore_mem>>
        %dma_start3A_110 = arith.constant 0 : i32
        %dma_start3A_111 = arith.constant 0 : i32
        %dma_start3A_112 = tpu.memref_slice %arg8[%cond3A, %dma_start3A_110, %dma_start3A_111] : memref<4x50x128xf32, #tpu.memory_space<vmem>> -> memref<1x50x128xf32, #tpu.memory_space<vmem>>
        %dma_start3A_113 = tpu.memref_squeeze %dma_start3A_112 : memref<1x50x128xf32, #tpu.memory_space<vmem>> -> memref<50x128xf32, #tpu.memory_space<vmem>>
        %dma_start3A_114 = arith.constant 0 : i32
        %dma_start3A_115 = tpu.memref_slice %arg9[%add3A_75, %dma_start3A_114] : memref<10000x128xf32, #tpu.memory_space<vmem_shared>> -> memref<50x128xf32, #tpu.memory_space<vmem_shared>>
        %dma_start3A_116 = arith.constant 0 : i32
        %dma_start3A_117 = tpu.memref_slice %arg9[%add3A_75, %dma_start3A_116] : memref<10000x128xf32, #tpu.memory_space<vmem_shared>> -> memref<50x128xf32, #tpu.memory_space<vmem_shared>>
        %dma_start3A_118 = arith.constant 0 : i32
        %dma_start3A_119 = arith.constant 0 : i32
        %dma_start3A_120 = tpu.memref_slice %arg8[%cond3A, %dma_start3A_118, %dma_start3A_119] : memref<4x50x128xf32, #tpu.memory_space<vmem>> -> memref<1x50x128xf32, #tpu.memory_space<vmem>>
        %dma_start3A_121 = tpu.memref_squeeze %dma_start3A_120 : memref<1x50x128xf32, #tpu.memory_space<vmem>> -> memref<50x128xf32, #tpu.memory_space<vmem>>
        tpu.enqueue_dma source(%dma_start3A_121 : memref<50x128xf32, #tpu.memory_space<vmem>>) target(%dma_start3A_117 : memref<50x128xf32, #tpu.memory_space<vmem_shared>>) target_semaphore(%run_scoped3A : memref<!tpu.dma_semaphore, #tpu.memory_space<semaphore_mem>>)
        %dma_wait3A = arith.constant 0 : i32
        %dma_wait3A_122 = arith.constant 0 : i32
        %dma_wait3A_123 = tpu.memref_slice %arg8[%cond3A, %dma_wait3A, %dma_wait3A_122] : memref<4x50x128xf32, #tpu.memory_space<vmem>> -> memref<1x50x128xf32, #tpu.memory_space<vmem>>
        %dma_wait3A_124 = tpu.memref_squeeze %dma_wait3A_123 : memref<1x50x128xf32, #tpu.memory_space<vmem>> -> memref<50x128xf32, #tpu.memory_space<vmem>>
        %dma_wait3A_125 = arith.constant 0 : i32
        %dma_wait3A_126 = tpu.memref_slice %arg9[%add3A_75, %dma_wait3A_125] : memref<10000x128xf32, #tpu.memory_space<vmem_shared>> -> memref<50x128xf32, #tpu.memory_space<vmem_shared>>
        %dma_wait3A_127 = arith.constant 0 : i32
        %dma_wait3A_128 = tpu.memref_slice %arg9[%add3A_75, %dma_wait3A_127] : memref<10000x128xf32, #tpu.memory_space<vmem_shared>> -> memref<50x128xf32, #tpu.memory_space<vmem_shared>>
        %dma_wait3A_129 = arith.constant 0 : i32
        %dma_wait3A_130 = arith.constant 0 : i32
        %dma_wait3A_131 = tpu.memref_slice %arg8[%cond3A, %dma_wait3A_129, %dma_wait3A_130] : memref<4x50x128xf32, #tpu.memory_space<vmem>> -> memref<1x50x128xf32, #tpu.memory_space<vmem>>
        %dma_wait3A_132 = tpu.memref_squeeze %dma_wait3A_131 : memref<1x50x128xf32, #tpu.memory_space<vmem>> -> memref<50x128xf32, #tpu.memory_space<vmem>>
        tpu.wait_dma2 semaphore(%run_scoped3A : memref<!tpu.dma_semaphore, #tpu.memory_space<semaphore_mem>>) src(%dma_wait3A_132 : memref<50x128xf32, #tpu.memory_space<vmem>>) dst(%dma_wait3A_128 : memref<50x128xf32, #tpu.memory_space<vmem_shared>>)
        tpu.yield
      }) : () -> ()
      %add3A_76 = arith.constant 150 : i32
      %add3A_77 = arith.addi %mul3A_7, %add3A_76 : i32
      "tpu.region"() ({
        %run_scoped3A = tpu.sem_alloc : memref<!tpu.dma_semaphore, #tpu.memory_space<semaphore_mem>>
        %dma_start3A_110 = arith.constant 0 : i32
        %dma_start3A_111 = arith.constant 0 : i32
        %dma_start3A_112 = tpu.memref_slice %arg8[%cond3A, %dma_start3A_110, %dma_start3A_111] : memref<4x50x128xf32, #tpu.memory_space<vmem>> -> memref<1x50x128xf32, #tpu.memory_space<vmem>>
        %dma_start3A_113 = tpu.memref_squeeze %dma_start3A_112 : memref<1x50x128xf32, #tpu.memory_space<vmem>> -> memref<50x128xf32, #tpu.memory_space<vmem>>
        %dma_start3A_114 = arith.constant 0 : i32
        %dma_start3A_115 = tpu.memref_slice %arg9[%add3A_77, %dma_start3A_114] : memref<10000x128xf32, #tpu.memory_space<vmem_shared>> -> memref<50x128xf32, #tpu.memory_space<vmem_shared>>
        %dma_start3A_116 = arith.constant 0 : i32
        %dma_start3A_117 = tpu.memref_slice %arg9[%add3A_77, %dma_start3A_116] : memref<10000x128xf32, #tpu.memory_space<vmem_shared>> -> memref<50x128xf32, #tpu.memory_space<vmem_shared>>
        %dma_start3A_118 = arith.constant 0 : i32
        %dma_start3A_119 = arith.constant 0 : i32
        %dma_start3A_120 = tpu.memref_slice %arg8[%cond3A, %dma_start3A_118, %dma_start3A_119] : memref<4x50x128xf32, #tpu.memory_space<vmem>> -> memref<1x50x128xf32, #tpu.memory_space<vmem>>
        %dma_start3A_121 = tpu.memref_squeeze %dma_start3A_120 : memref<1x50x128xf32, #tpu.memory_space<vmem>> -> memref<50x128xf32, #tpu.memory_space<vmem>>
        tpu.enqueue_dma source(%dma_start3A_121 : memref<50x128xf32, #tpu.memory_space<vmem>>) target(%dma_start3A_117 : memref<50x128xf32, #tpu.memory_space<vmem_shared>>) target_semaphore(%run_scoped3A : memref<!tpu.dma_semaphore, #tpu.memory_space<semaphore_mem>>)
        %dma_wait3A = arith.constant 0 : i32
        %dma_wait3A_122 = arith.constant 0 : i32
        %dma_wait3A_123 = tpu.memref_slice %arg8[%cond3A, %dma_wait3A, %dma_wait3A_122] : memref<4x50x128xf32, #tpu.memory_space<vmem>> -> memref<1x50x128xf32, #tpu.memory_space<vmem>>
        %dma_wait3A_124 = tpu.memref_squeeze %dma_wait3A_123 : memref<1x50x128xf32, #tpu.memory_space<vmem>> -> memref<50x128xf32, #tpu.memory_space<vmem>>
        %dma_wait3A_125 = arith.constant 0 : i32
        %dma_wait3A_126 = tpu.memref_slice %arg9[%add3A_77, %dma_wait3A_125] : memref<10000x128xf32, #tpu.memory_space<vmem_shared>> -> memref<50x128xf32, #tpu.memory_space<vmem_shared>>
        %dma_wait3A_127 = arith.constant 0 : i32
        %dma_wait3A_128 = tpu.memref_slice %arg9[%add3A_77, %dma_wait3A_127] : memref<10000x128xf32, #tpu.memory_space<vmem_shared>> -> memref<50x128xf32, #tpu.memory_space<vmem_shared>>
        %dma_wait3A_129 = arith.constant 0 : i32
        %dma_wait3A_130 = arith.constant 0 : i32
        %dma_wait3A_131 = tpu.memref_slice %arg8[%cond3A, %dma_wait3A_129, %dma_wait3A_130] : memref<4x50x128xf32, #tpu.memory_space<vmem>> -> memref<1x50x128xf32, #tpu.memory_space<vmem>>
        %dma_wait3A_132 = tpu.memref_squeeze %dma_wait3A_131 : memref<1x50x128xf32, #tpu.memory_space<vmem>> -> memref<50x128xf32, #tpu.memory_space<vmem>>
        tpu.wait_dma2 semaphore(%run_scoped3A : memref<!tpu.dma_semaphore, #tpu.memory_space<semaphore_mem>>) src(%dma_wait3A_132 : memref<50x128xf32, #tpu.memory_space<vmem>>) dst(%dma_wait3A_128 : memref<50x128xf32, #tpu.memory_space<vmem_shared>>)
        tpu.yield
      }) : () -> ()
      %add3A_78 = arith.constant 200 : i32
      %add3A_79 = arith.addi %mul3A_7, %add3A_78 : i32
      "tpu.region"() ({
        %run_scoped3A = tpu.sem_alloc : memref<!tpu.dma_semaphore, #tpu.memory_space<semaphore_mem>>
        %dma_start3A_110 = arith.constant 0 : i32
        %dma_start3A_111 = arith.constant 0 : i32
        %dma_start3A_112 = tpu.memref_slice %arg8[%cond3A, %dma_start3A_110, %dma_start3A_111] : memref<4x50x128xf32, #tpu.memory_space<vmem>> -> memref<1x50x128xf32, #tpu.memory_space<vmem>>
        %dma_start3A_113 = tpu.memref_squeeze %dma_start3A_112 : memref<1x50x128xf32, #tpu.memory_space<vmem>> -> memref<50x128xf32, #tpu.memory_space<vmem>>
        %dma_start3A_114 = arith.constant 0 : i32
        %dma_start3A_115 = tpu.memref_slice %arg9[%add3A_79, %dma_start3A_114] : memref<10000x128xf32, #tpu.memory_space<vmem_shared>> -> memref<50x128xf32, #tpu.memory_space<vmem_shared>>
        %dma_start3A_116 = arith.constant 0 : i32
        %dma_start3A_117 = tpu.memref_slice %arg9[%add3A_79, %dma_start3A_116] : memref<10000x128xf32, #tpu.memory_space<vmem_shared>> -> memref<50x128xf32, #tpu.memory_space<vmem_shared>>
        %dma_start3A_118 = arith.constant 0 : i32
        %dma_start3A_119 = arith.constant 0 : i32
        %dma_start3A_120 = tpu.memref_slice %arg8[%cond3A, %dma_start3A_118, %dma_start3A_119] : memref<4x50x128xf32, #tpu.memory_space<vmem>> -> memref<1x50x128xf32, #tpu.memory_space<vmem>>
        %dma_start3A_121 = tpu.memref_squeeze %dma_start3A_120 : memref<1x50x128xf32, #tpu.memory_space<vmem>> -> memref<50x128xf32, #tpu.memory_space<vmem>>
        tpu.enqueue_dma source(%dma_start3A_121 : memref<50x128xf32, #tpu.memory_space<vmem>>) target(%dma_start3A_117 : memref<50x128xf32, #tpu.memory_space<vmem_shared>>) target_semaphore(%run_scoped3A : memref<!tpu.dma_semaphore, #tpu.memory_space<semaphore_mem>>)
        %dma_wait3A = arith.constant 0 : i32
        %dma_wait3A_122 = arith.constant 0 : i32
        %dma_wait3A_123 = tpu.memref_slice %arg8[%cond3A, %dma_wait3A, %dma_wait3A_122] : memref<4x50x128xf32, #tpu.memory_space<vmem>> -> memref<1x50x128xf32, #tpu.memory_space<vmem>>
        %dma_wait3A_124 = tpu.memref_squeeze %dma_wait3A_123 : memref<1x50x128xf32, #tpu.memory_space<vmem>> -> memref<50x128xf32, #tpu.memory_space<vmem>>
        %dma_wait3A_125 = arith.constant 0 : i32
        %dma_wait3A_126 = tpu.memref_slice %arg9[%add3A_79, %dma_wait3A_125] : memref<10000x128xf32, #tpu.memory_space<vmem_shared>> -> memref<50x128xf32, #tpu.memory_space<vmem_shared>>
        %dma_wait3A_127 = arith.constant 0 : i32
        %dma_wait3A_128 = tpu.memref_slice %arg9[%add3A_79, %dma_wait3A_127] : memref<10000x128xf32, #tpu.memory_space<vmem_shared>> -> memref<50x128xf32, #tpu.memory_space<vmem_shared>>
        %dma_wait3A_129 = arith.constant 0 : i32
        %dma_wait3A_130 = arith.constant 0 : i32
        %dma_wait3A_131 = tpu.memref_slice %arg8[%cond3A, %dma_wait3A_129, %dma_wait3A_130] : memref<4x50x128xf32, #tpu.memory_space<vmem>> -> memref<1x50x128xf32, #tpu.memory_space<vmem>>
        %dma_wait3A_132 = tpu.memref_squeeze %dma_wait3A_131 : memref<1x50x128xf32, #tpu.memory_space<vmem>> -> memref<50x128xf32, #tpu.memory_space<vmem>>
        tpu.wait_dma2 semaphore(%run_scoped3A : memref<!tpu.dma_semaphore, #tpu.memory_space<semaphore_mem>>) src(%dma_wait3A_132 : memref<50x128xf32, #tpu.memory_space<vmem>>) dst(%dma_wait3A_128 : memref<50x128xf32, #tpu.memory_space<vmem_shared>>)
        tpu.yield
      }) : () -> ()
      %add3A_80 = arith.constant 250 : i32
      %add3A_81 = arith.addi %mul3A_7, %add3A_80 : i32
      "tpu.region"() ({
        %run_scoped3A = tpu.sem_alloc : memref<!tpu.dma_semaphore, #tpu.memory_space<semaphore_mem>>
        %dma_start3A_110 = arith.constant 0 : i32
        %dma_start3A_111 = arith.constant 0 : i32
        %dma_start3A_112 = tpu.memref_slice %arg8[%cond3A, %dma_start3A_110, %dma_start3A_111] : memref<4x50x128xf32, #tpu.memory_space<vmem>> -> memref<1x50x128xf32, #tpu.memory_space<vmem>>
        %dma_start3A_113 = tpu.memref_squeeze %dma_start3A_112 : memref<1x50x128xf32, #tpu.memory_space<vmem>> -> memref<50x128xf32, #tpu.memory_space<vmem>>
        %dma_start3A_114 = arith.constant 0 : i32
        %dma_start3A_115 = tpu.memref_slice %arg9[%add3A_81, %dma_start3A_114] : memref<10000x128xf32, #tpu.memory_space<vmem_shared>> -> memref<50x128xf32, #tpu.memory_space<vmem_shared>>
        %dma_start3A_116 = arith.constant 0 : i32
        %dma_start3A_117 = tpu.memref_slice %arg9[%add3A_81, %dma_start3A_116] : memref<10000x128xf32, #tpu.memory_space<vmem_shared>> -> memref<50x128xf32, #tpu.memory_space<vmem_shared>>
        %dma_start3A_118 = arith.constant 0 : i32
        %dma_start3A_119 = arith.constant 0 : i32
        %dma_start3A_120 = tpu.memref_slice %arg8[%cond3A, %dma_start3A_118, %dma_start3A_119] : memref<4x50x128xf32, #tpu.memory_space<vmem>> -> memref<1x50x128xf32, #tpu.memory_space<vmem>>
        %dma_start3A_121 = tpu.memref_squeeze %dma_start3A_120 : memref<1x50x128xf32, #tpu.memory_space<vmem>> -> memref<50x128xf32, #tpu.memory_space<vmem>>
        tpu.enqueue_dma source(%dma_start3A_121 : memref<50x128xf32, #tpu.memory_space<vmem>>) target(%dma_start3A_117 : memref<50x128xf32, #tpu.memory_space<vmem_shared>>) target_semaphore(%run_scoped3A : memref<!tpu.dma_semaphore, #tpu.memory_space<semaphore_mem>>)
        %dma_wait3A = arith.constant 0 : i32
        %dma_wait3A_122 = arith.constant 0 : i32
        %dma_wait3A_123 = tpu.memref_slice %arg8[%cond3A, %dma_wait3A, %dma_wait3A_122] : memref<4x50x128xf32, #tpu.memory_space<vmem>> -> memref<1x50x128xf32, #tpu.memory_space<vmem>>
        %dma_wait3A_124 = tpu.memref_squeeze %dma_wait3A_123 : memref<1x50x128xf32, #tpu.memory_space<vmem>> -> memref<50x128xf32, #tpu.memory_space<vmem>>
        %dma_wait3A_125 = arith.constant 0 : i32
        %dma_wait3A_126 = tpu.memref_slice %arg9[%add3A_81, %dma_wait3A_125] : memref<10000x128xf32, #tpu.memory_space<vmem_shared>> -> memref<50x128xf32, #tpu.memory_space<vmem_shared>>
        %dma_wait3A_127 = arith.constant 0 : i32
        %dma_wait3A_128 = tpu.memref_slice %arg9[%add3A_81, %dma_wait3A_127] : memref<10000x128xf32, #tpu.memory_space<vmem_shared>> -> memref<50x128xf32, #tpu.memory_space<vmem_shared>>
        %dma_wait3A_129 = arith.constant 0 : i32
        %dma_wait3A_130 = arith.constant 0 : i32
        %dma_wait3A_131 = tpu.memref_slice %arg8[%cond3A, %dma_wait3A_129, %dma_wait3A_130] : memref<4x50x128xf32, #tpu.memory_space<vmem>> -> memref<1x50x128xf32, #tpu.memory_space<vmem>>
        %dma_wait3A_132 = tpu.memref_squeeze %dma_wait3A_131 : memref<1x50x128xf32, #tpu.memory_space<vmem>> -> memref<50x128xf32, #tpu.memory_space<vmem>>
        tpu.wait_dma2 semaphore(%run_scoped3A : memref<!tpu.dma_semaphore, #tpu.memory_space<semaphore_mem>>) src(%dma_wait3A_132 : memref<50x128xf32, #tpu.memory_space<vmem>>) dst(%dma_wait3A_128 : memref<50x128xf32, #tpu.memory_space<vmem_shared>>)
        tpu.yield
      }) : () -> ()
      %add3A_82 = arith.constant 300 : i32
      %add3A_83 = arith.addi %mul3A_7, %add3A_82 : i32
      "tpu.region"() ({
        %run_scoped3A = tpu.sem_alloc : memref<!tpu.dma_semaphore, #tpu.memory_space<semaphore_mem>>
        %dma_start3A_110 = arith.constant 0 : i32
        %dma_start3A_111 = arith.constant 0 : i32
        %dma_start3A_112 = tpu.memref_slice %arg8[%cond3A, %dma_start3A_110, %dma_start3A_111] : memref<4x50x128xf32, #tpu.memory_space<vmem>> -> memref<1x50x128xf32, #tpu.memory_space<vmem>>
        %dma_start3A_113 = tpu.memref_squeeze %dma_start3A_112 : memref<1x50x128xf32, #tpu.memory_space<vmem>> -> memref<50x128xf32, #tpu.memory_space<vmem>>
        %dma_start3A_114 = arith.constant 0 : i32
        %dma_start3A_115 = tpu.memref_slice %arg9[%add3A_83, %dma_start3A_114] : memref<10000x128xf32, #tpu.memory_space<vmem_shared>> -> memref<50x128xf32, #tpu.memory_space<vmem_shared>>
        %dma_start3A_116 = arith.constant 0 : i32
        %dma_start3A_117 = tpu.memref_slice %arg9[%add3A_83, %dma_start3A_116] : memref<10000x128xf32, #tpu.memory_space<vmem_shared>> -> memref<50x128xf32, #tpu.memory_space<vmem_shared>>
        %dma_start3A_118 = arith.constant 0 : i32
        %dma_start3A_119 = arith.constant 0 : i32
        %dma_start3A_120 = tpu.memref_slice %arg8[%cond3A, %dma_start3A_118, %dma_start3A_119] : memref<4x50x128xf32, #tpu.memory_space<vmem>> -> memref<1x50x128xf32, #tpu.memory_space<vmem>>
        %dma_start3A_121 = tpu.memref_squeeze %dma_start3A_120 : memref<1x50x128xf32, #tpu.memory_space<vmem>> -> memref<50x128xf32, #tpu.memory_space<vmem>>
        tpu.enqueue_dma source(%dma_start3A_121 : memref<50x128xf32, #tpu.memory_space<vmem>>) target(%dma_start3A_117 : memref<50x128xf32, #tpu.memory_space<vmem_shared>>) target_semaphore(%run_scoped3A : memref<!tpu.dma_semaphore, #tpu.memory_space<semaphore_mem>>)
        %dma_wait3A = arith.constant 0 : i32
        %dma_wait3A_122 = arith.constant 0 : i32
        %dma_wait3A_123 = tpu.memref_slice %arg8[%cond3A, %dma_wait3A, %dma_wait3A_122] : memref<4x50x128xf32, #tpu.memory_space<vmem>> -> memref<1x50x128xf32, #tpu.memory_space<vmem>>
        %dma_wait3A_124 = tpu.memref_squeeze %dma_wait3A_123 : memref<1x50x128xf32, #tpu.memory_space<vmem>> -> memref<50x128xf32, #tpu.memory_space<vmem>>
        %dma_wait3A_125 = arith.constant 0 : i32
        %dma_wait3A_126 = tpu.memref_slice %arg9[%add3A_83, %dma_wait3A_125] : memref<10000x128xf32, #tpu.memory_space<vmem_shared>> -> memref<50x128xf32, #tpu.memory_space<vmem_shared>>
        %dma_wait3A_127 = arith.constant 0 : i32
        %dma_wait3A_128 = tpu.memref_slice %arg9[%add3A_83, %dma_wait3A_127] : memref<10000x128xf32, #tpu.memory_space<vmem_shared>> -> memref<50x128xf32, #tpu.memory_space<vmem_shared>>
        %dma_wait3A_129 = arith.constant 0 : i32
        %dma_wait3A_130 = arith.constant 0 : i32
        %dma_wait3A_131 = tpu.memref_slice %arg8[%cond3A, %dma_wait3A_129, %dma_wait3A_130] : memref<4x50x128xf32, #tpu.memory_space<vmem>> -> memref<1x50x128xf32, #tpu.memory_space<vmem>>
        %dma_wait3A_132 = tpu.memref_squeeze %dma_wait3A_131 : memref<1x50x128xf32, #tpu.memory_space<vmem>> -> memref<50x128xf32, #tpu.memory_space<vmem>>
        tpu.wait_dma2 semaphore(%run_scoped3A : memref<!tpu.dma_semaphore, #tpu.memory_space<semaphore_mem>>) src(%dma_wait3A_132 : memref<50x128xf32, #tpu.memory_space<vmem>>) dst(%dma_wait3A_128 : memref<50x128xf32, #tpu.memory_space<vmem_shared>>)
        tpu.yield
      }) : () -> ()
      %add3A_84 = arith.constant 350 : i32
      %add3A_85 = arith.addi %mul3A_7, %add3A_84 : i32
      "tpu.region"() ({
        %run_scoped3A = tpu.sem_alloc : memref<!tpu.dma_semaphore, #tpu.memory_space<semaphore_mem>>
        %dma_start3A_110 = arith.constant 0 : i32
        %dma_start3A_111 = arith.constant 0 : i32
        %dma_start3A_112 = tpu.memref_slice %arg8[%cond3A, %dma_start3A_110, %dma_start3A_111] : memref<4x50x128xf32, #tpu.memory_space<vmem>> -> memref<1x50x128xf32, #tpu.memory_space<vmem>>
        %dma_start3A_113 = tpu.memref_squeeze %dma_start3A_112 : memref<1x50x128xf32, #tpu.memory_space<vmem>> -> memref<50x128xf32, #tpu.memory_space<vmem>>
        %dma_start3A_114 = arith.constant 0 : i32
        %dma_start3A_115 = tpu.memref_slice %arg9[%add3A_85, %dma_start3A_114] : memref<10000x128xf32, #tpu.memory_space<vmem_shared>> -> memref<50x128xf32, #tpu.memory_space<vmem_shared>>
        %dma_start3A_116 = arith.constant 0 : i32
        %dma_start3A_117 = tpu.memref_slice %arg9[%add3A_85, %dma_start3A_116] : memref<10000x128xf32, #tpu.memory_space<vmem_shared>> -> memref<50x128xf32, #tpu.memory_space<vmem_shared>>
        %dma_start3A_118 = arith.constant 0 : i32
        %dma_start3A_119 = arith.constant 0 : i32
        %dma_start3A_120 = tpu.memref_slice %arg8[%cond3A, %dma_start3A_118, %dma_start3A_119] : memref<4x50x128xf32, #tpu.memory_space<vmem>> -> memref<1x50x128xf32, #tpu.memory_space<vmem>>
        %dma_start3A_121 = tpu.memref_squeeze %dma_start3A_120 : memref<1x50x128xf32, #tpu.memory_space<vmem>> -> memref<50x128xf32, #tpu.memory_space<vmem>>
        tpu.enqueue_dma source(%dma_start3A_121 : memref<50x128xf32, #tpu.memory_space<vmem>>) target(%dma_start3A_117 : memref<50x128xf32, #tpu.memory_space<vmem_shared>>) target_semaphore(%run_scoped3A : memref<!tpu.dma_semaphore, #tpu.memory_space<semaphore_mem>>)
        %dma_wait3A = arith.constant 0 : i32
        %dma_wait3A_122 = arith.constant 0 : i32
        %dma_wait3A_123 = tpu.memref_slice %arg8[%cond3A, %dma_wait3A, %dma_wait3A_122] : memref<4x50x128xf32, #tpu.memory_space<vmem>> -> memref<1x50x128xf32, #tpu.memory_space<vmem>>
        %dma_wait3A_124 = tpu.memref_squeeze %dma_wait3A_123 : memref<1x50x128xf32, #tpu.memory_space<vmem>> -> memref<50x128xf32, #tpu.memory_space<vmem>>
        %dma_wait3A_125 = arith.constant 0 : i32
        %dma_wait3A_126 = tpu.memref_slice %arg9[%add3A_85, %dma_wait3A_125] : memref<10000x128xf32, #tpu.memory_space<vmem_shared>> -> memref<50x128xf32, #tpu.memory_space<vmem_shared>>
        %dma_wait3A_127 = arith.constant 0 : i32
        %dma_wait3A_128 = tpu.memref_slice %arg9[%add3A_85, %dma_wait3A_127] : memref<10000x128xf32, #tpu.memory_space<vmem_shared>> -> memref<50x128xf32, #tpu.memory_space<vmem_shared>>
        %dma_wait3A_129 = arith.constant 0 : i32
        %dma_wait3A_130 = arith.constant 0 : i32
        %dma_wait3A_131 = tpu.memref_slice %arg8[%cond3A, %dma_wait3A_129, %dma_wait3A_130] : memref<4x50x128xf32, #tpu.memory_space<vmem>> -> memref<1x50x128xf32, #tpu.memory_space<vmem>>
        %dma_wait3A_132 = tpu.memref_squeeze %dma_wait3A_131 : memref<1x50x128xf32, #tpu.memory_space<vmem>> -> memref<50x128xf32, #tpu.memory_space<vmem>>
        tpu.wait_dma2 semaphore(%run_scoped3A : memref<!tpu.dma_semaphore, #tpu.memory_space<semaphore_mem>>) src(%dma_wait3A_132 : memref<50x128xf32, #tpu.memory_space<vmem>>) dst(%dma_wait3A_128 : memref<50x128xf32, #tpu.memory_space<vmem_shared>>)
        tpu.yield
      }) : () -> ()
      %add3A_86 = arith.constant 400 : i32
      %add3A_87 = arith.addi %mul3A_7, %add3A_86 : i32
      "tpu.region"() ({
        %run_scoped3A = tpu.sem_alloc : memref<!tpu.dma_semaphore, #tpu.memory_space<semaphore_mem>>
        %dma_start3A_110 = arith.constant 0 : i32
        %dma_start3A_111 = arith.constant 0 : i32
        %dma_start3A_112 = tpu.memref_slice %arg8[%cond3A, %dma_start3A_110, %dma_start3A_111] : memref<4x50x128xf32, #tpu.memory_space<vmem>> -> memref<1x50x128xf32, #tpu.memory_space<vmem>>
        %dma_start3A_113 = tpu.memref_squeeze %dma_start3A_112 : memref<1x50x128xf32, #tpu.memory_space<vmem>> -> memref<50x128xf32, #tpu.memory_space<vmem>>
        %dma_start3A_114 = arith.constant 0 : i32
        %dma_start3A_115 = tpu.memref_slice %arg9[%add3A_87, %dma_start3A_114] : memref<10000x128xf32, #tpu.memory_space<vmem_shared>> -> memref<50x128xf32, #tpu.memory_space<vmem_shared>>
        %dma_start3A_116 = arith.constant 0 : i32
        %dma_start3A_117 = tpu.memref_slice %arg9[%add3A_87, %dma_start3A_116] : memref<10000x128xf32, #tpu.memory_space<vmem_shared>> -> memref<50x128xf32, #tpu.memory_space<vmem_shared>>
        %dma_start3A_118 = arith.constant 0 : i32
        %dma_start3A_119 = arith.constant 0 : i32
        %dma_start3A_120 = tpu.memref_slice %arg8[%cond3A, %dma_start3A_118, %dma_start3A_119] : memref<4x50x128xf32, #tpu.memory_space<vmem>> -> memref<1x50x128xf32, #tpu.memory_space<vmem>>
        %dma_start3A_121 = tpu.memref_squeeze %dma_start3A_120 : memref<1x50x128xf32, #tpu.memory_space<vmem>> -> memref<50x128xf32, #tpu.memory_space<vmem>>
        tpu.enqueue_dma source(%dma_start3A_121 : memref<50x128xf32, #tpu.memory_space<vmem>>) target(%dma_start3A_117 : memref<50x128xf32, #tpu.memory_space<vmem_shared>>) target_semaphore(%run_scoped3A : memref<!tpu.dma_semaphore, #tpu.memory_space<semaphore_mem>>)
        %dma_wait3A = arith.constant 0 : i32
        %dma_wait3A_122 = arith.constant 0 : i32
        %dma_wait3A_123 = tpu.memref_slice %arg8[%cond3A, %dma_wait3A, %dma_wait3A_122] : memref<4x50x128xf32, #tpu.memory_space<vmem>> -> memref<1x50x128xf32, #tpu.memory_space<vmem>>
        %dma_wait3A_124 = tpu.memref_squeeze %dma_wait3A_123 : memref<1x50x128xf32, #tpu.memory_space<vmem>> -> memref<50x128xf32, #tpu.memory_space<vmem>>
        %dma_wait3A_125 = arith.constant 0 : i32
        %dma_wait3A_126 = tpu.memref_slice %arg9[%add3A_87, %dma_wait3A_125] : memref<10000x128xf32, #tpu.memory_space<vmem_shared>> -> memref<50x128xf32, #tpu.memory_space<vmem_shared>>
        %dma_wait3A_127 = arith.constant 0 : i32
        %dma_wait3A_128 = tpu.memref_slice %arg9[%add3A_87, %dma_wait3A_127] : memref<10000x128xf32, #tpu.memory_space<vmem_shared>> -> memref<50x128xf32, #tpu.memory_space<vmem_shared>>
        %dma_wait3A_129 = arith.constant 0 : i32
        %dma_wait3A_130 = arith.constant 0 : i32
        %dma_wait3A_131 = tpu.memref_slice %arg8[%cond3A, %dma_wait3A_129, %dma_wait3A_130] : memref<4x50x128xf32, #tpu.memory_space<vmem>> -> memref<1x50x128xf32, #tpu.memory_space<vmem>>
        %dma_wait3A_132 = tpu.memref_squeeze %dma_wait3A_131 : memref<1x50x128xf32, #tpu.memory_space<vmem>> -> memref<50x128xf32, #tpu.memory_space<vmem>>
        tpu.wait_dma2 semaphore(%run_scoped3A : memref<!tpu.dma_semaphore, #tpu.memory_space<semaphore_mem>>) src(%dma_wait3A_132 : memref<50x128xf32, #tpu.memory_space<vmem>>) dst(%dma_wait3A_128 : memref<50x128xf32, #tpu.memory_space<vmem_shared>>)
        tpu.yield
      }) : () -> ()
      %add3A_88 = arith.constant 450 : i32
      %add3A_89 = arith.addi %mul3A_7, %add3A_88 : i32
      "tpu.region"() ({
        %run_scoped3A = tpu.sem_alloc : memref<!tpu.dma_semaphore, #tpu.memory_space<semaphore_mem>>
        %dma_start3A_110 = arith.constant 0 : i32
        %dma_start3A_111 = arith.constant 0 : i32
        %dma_start3A_112 = tpu.memref_slice %arg8[%cond3A, %dma_start3A_110, %dma_start3A_111] : memref<4x50x128xf32, #tpu.memory_space<vmem>> -> memref<1x50x128xf32, #tpu.memory_space<vmem>>
        %dma_start3A_113 = tpu.memref_squeeze %dma_start3A_112 : memref<1x50x128xf32, #tpu.memory_space<vmem>> -> memref<50x128xf32, #tpu.memory_space<vmem>>
        %dma_start3A_114 = arith.constant 0 : i32
        %dma_start3A_115 = tpu.memref_slice %arg9[%add3A_89, %dma_start3A_114] : memref<10000x128xf32, #tpu.memory_space<vmem_shared>> -> memref<50x128xf32, #tpu.memory_space<vmem_shared>>
        %dma_start3A_116 = arith.constant 0 : i32
        %dma_start3A_117 = tpu.memref_slice %arg9[%add3A_89, %dma_start3A_116] : memref<10000x128xf32, #tpu.memory_space<vmem_shared>> -> memref<50x128xf32, #tpu.memory_space<vmem_shared>>
        %dma_start3A_118 = arith.constant 0 : i32
        %dma_start3A_119 = arith.constant 0 : i32
        %dma_start3A_120 = tpu.memref_slice %arg8[%cond3A, %dma_start3A_118, %dma_start3A_119] : memref<4x50x128xf32, #tpu.memory_space<vmem>> -> memref<1x50x128xf32, #tpu.memory_space<vmem>>
        %dma_start3A_121 = tpu.memref_squeeze %dma_start3A_120 : memref<1x50x128xf32, #tpu.memory_space<vmem>> -> memref<50x128xf32, #tpu.memory_space<vmem>>
        tpu.enqueue_dma source(%dma_start3A_121 : memref<50x128xf32, #tpu.memory_space<vmem>>) target(%dma_start3A_117 : memref<50x128xf32, #tpu.memory_space<vmem_shared>>) target_semaphore(%run_scoped3A : memref<!tpu.dma_semaphore, #tpu.memory_space<semaphore_mem>>)
        %dma_wait3A = arith.constant 0 : i32
        %dma_wait3A_122 = arith.constant 0 : i32
        %dma_wait3A_123 = tpu.memref_slice %arg8[%cond3A, %dma_wait3A, %dma_wait3A_122] : memref<4x50x128xf32, #tpu.memory_space<vmem>> -> memref<1x50x128xf32, #tpu.memory_space<vmem>>
        %dma_wait3A_124 = tpu.memref_squeeze %dma_wait3A_123 : memref<1x50x128xf32, #tpu.memory_space<vmem>> -> memref<50x128xf32, #tpu.memory_space<vmem>>
        %dma_wait3A_125 = arith.constant 0 : i32
        %dma_wait3A_126 = tpu.memref_slice %arg9[%add3A_89, %dma_wait3A_125] : memref<10000x128xf32, #tpu.memory_space<vmem_shared>> -> memref<50x128xf32, #tpu.memory_space<vmem_shared>>
        %dma_wait3A_127 = arith.constant 0 : i32
        %dma_wait3A_128 = tpu.memref_slice %arg9[%add3A_89, %dma_wait3A_127] : memref<10000x128xf32, #tpu.memory_space<vmem_shared>> -> memref<50x128xf32, #tpu.memory_space<vmem_shared>>
        %dma_wait3A_129 = arith.constant 0 : i32
        %dma_wait3A_130 = arith.constant 0 : i32
        %dma_wait3A_131 = tpu.memref_slice %arg8[%cond3A, %dma_wait3A_129, %dma_wait3A_130] : memref<4x50x128xf32, #tpu.memory_space<vmem>> -> memref<1x50x128xf32, #tpu.memory_space<vmem>>
        %dma_wait3A_132 = tpu.memref_squeeze %dma_wait3A_131 : memref<1x50x128xf32, #tpu.memory_space<vmem>> -> memref<50x128xf32, #tpu.memory_space<vmem>>
        tpu.wait_dma2 semaphore(%run_scoped3A : memref<!tpu.dma_semaphore, #tpu.memory_space<semaphore_mem>>) src(%dma_wait3A_132 : memref<50x128xf32, #tpu.memory_space<vmem>>) dst(%dma_wait3A_128 : memref<50x128xf32, #tpu.memory_space<vmem_shared>>)
        tpu.yield
      }) : () -> ()
      %add3A_90 = arith.constant 500 : i32
      %add3A_91 = arith.addi %mul3A_7, %add3A_90 : i32
      "tpu.region"() ({
        %run_scoped3A = tpu.sem_alloc : memref<!tpu.dma_semaphore, #tpu.memory_space<semaphore_mem>>
        %dma_start3A_110 = arith.constant 0 : i32
        %dma_start3A_111 = arith.constant 0 : i32
        %dma_start3A_112 = tpu.memref_slice %arg8[%cond3A, %dma_start3A_110, %dma_start3A_111] : memref<4x50x128xf32, #tpu.memory_space<vmem>> -> memref<1x50x128xf32, #tpu.memory_space<vmem>>
        %dma_start3A_113 = tpu.memref_squeeze %dma_start3A_112 : memref<1x50x128xf32, #tpu.memory_space<vmem>> -> memref<50x128xf32, #tpu.memory_space<vmem>>
        %dma_start3A_114 = arith.constant 0 : i32
        %dma_start3A_115 = tpu.memref_slice %arg9[%add3A_91, %dma_start3A_114] : memref<10000x128xf32, #tpu.memory_space<vmem_shared>> -> memref<50x128xf32, #tpu.memory_space<vmem_shared>>
        %dma_start3A_116 = arith.constant 0 : i32
        %dma_start3A_117 = tpu.memref_slice %arg9[%add3A_91, %dma_start3A_116] : memref<10000x128xf32, #tpu.memory_space<vmem_shared>> -> memref<50x128xf32, #tpu.memory_space<vmem_shared>>
        %dma_start3A_118 = arith.constant 0 : i32
        %dma_start3A_119 = arith.constant 0 : i32
        %dma_start3A_120 = tpu.memref_slice %arg8[%cond3A, %dma_start3A_118, %dma_start3A_119] : memref<4x50x128xf32, #tpu.memory_space<vmem>> -> memref<1x50x128xf32, #tpu.memory_space<vmem>>
        %dma_start3A_121 = tpu.memref_squeeze %dma_start3A_120 : memref<1x50x128xf32, #tpu.memory_space<vmem>> -> memref<50x128xf32, #tpu.memory_space<vmem>>
        tpu.enqueue_dma source(%dma_start3A_121 : memref<50x128xf32, #tpu.memory_space<vmem>>) target(%dma_start3A_117 : memref<50x128xf32, #tpu.memory_space<vmem_shared>>) target_semaphore(%run_scoped3A : memref<!tpu.dma_semaphore, #tpu.memory_space<semaphore_mem>>)
        %dma_wait3A = arith.constant 0 : i32
        %dma_wait3A_122 = arith.constant 0 : i32
        %dma_wait3A_123 = tpu.memref_slice %arg8[%cond3A, %dma_wait3A, %dma_wait3A_122] : memref<4x50x128xf32, #tpu.memory_space<vmem>> -> memref<1x50x128xf32, #tpu.memory_space<vmem>>
        %dma_wait3A_124 = tpu.memref_squeeze %dma_wait3A_123 : memref<1x50x128xf32, #tpu.memory_space<vmem>> -> memref<50x128xf32, #tpu.memory_space<vmem>>
        %dma_wait3A_125 = arith.constant 0 : i32
        %dma_wait3A_126 = tpu.memref_slice %arg9[%add3A_91, %dma_wait3A_125] : memref<10000x128xf32, #tpu.memory_space<vmem_shared>> -> memref<50x128xf32, #tpu.memory_space<vmem_shared>>
        %dma_wait3A_127 = arith.constant 0 : i32
        %dma_wait3A_128 = tpu.memref_slice %arg9[%add3A_91, %dma_wait3A_127] : memref<10000x128xf32, #tpu.memory_space<vmem_shared>> -> memref<50x128xf32, #tpu.memory_space<vmem_shared>>
        %dma_wait3A_129 = arith.constant 0 : i32
        %dma_wait3A_130 = arith.constant 0 : i32
        %dma_wait3A_131 = tpu.memref_slice %arg8[%cond3A, %dma_wait3A_129, %dma_wait3A_130] : memref<4x50x128xf32, #tpu.memory_space<vmem>> -> memref<1x50x128xf32, #tpu.memory_space<vmem>>
        %dma_wait3A_132 = tpu.memref_squeeze %dma_wait3A_131 : memref<1x50x128xf32, #tpu.memory_space<vmem>> -> memref<50x128xf32, #tpu.memory_space<vmem>>
        tpu.wait_dma2 semaphore(%run_scoped3A : memref<!tpu.dma_semaphore, #tpu.memory_space<semaphore_mem>>) src(%dma_wait3A_132 : memref<50x128xf32, #tpu.memory_space<vmem>>) dst(%dma_wait3A_128 : memref<50x128xf32, #tpu.memory_space<vmem_shared>>)
        tpu.yield
      }) : () -> ()
      %add3A_92 = arith.constant 550 : i32
      %add3A_93 = arith.addi %mul3A_7, %add3A_92 : i32
      "tpu.region"() ({
        %run_scoped3A = tpu.sem_alloc : memref<!tpu.dma_semaphore, #tpu.memory_space<semaphore_mem>>
        %dma_start3A_110 = arith.constant 0 : i32
        %dma_start3A_111 = arith.constant 0 : i32
        %dma_start3A_112 = tpu.memref_slice %arg8[%cond3A, %dma_start3A_110, %dma_start3A_111] : memref<4x50x128xf32, #tpu.memory_space<vmem>> -> memref<1x50x128xf32, #tpu.memory_space<vmem>>
        %dma_start3A_113 = tpu.memref_squeeze %dma_start3A_112 : memref<1x50x128xf32, #tpu.memory_space<vmem>> -> memref<50x128xf32, #tpu.memory_space<vmem>>
        %dma_start3A_114 = arith.constant 0 : i32
        %dma_start3A_115 = tpu.memref_slice %arg9[%add3A_93, %dma_start3A_114] : memref<10000x128xf32, #tpu.memory_space<vmem_shared>> -> memref<50x128xf32, #tpu.memory_space<vmem_shared>>
        %dma_start3A_116 = arith.constant 0 : i32
        %dma_start3A_117 = tpu.memref_slice %arg9[%add3A_93, %dma_start3A_116] : memref<10000x128xf32, #tpu.memory_space<vmem_shared>> -> memref<50x128xf32, #tpu.memory_space<vmem_shared>>
        %dma_start3A_118 = arith.constant 0 : i32
        %dma_start3A_119 = arith.constant 0 : i32
        %dma_start3A_120 = tpu.memref_slice %arg8[%cond3A, %dma_start3A_118, %dma_start3A_119] : memref<4x50x128xf32, #tpu.memory_space<vmem>> -> memref<1x50x128xf32, #tpu.memory_space<vmem>>
        %dma_start3A_121 = tpu.memref_squeeze %dma_start3A_120 : memref<1x50x128xf32, #tpu.memory_space<vmem>> -> memref<50x128xf32, #tpu.memory_space<vmem>>
        tpu.enqueue_dma source(%dma_start3A_121 : memref<50x128xf32, #tpu.memory_space<vmem>>) target(%dma_start3A_117 : memref<50x128xf32, #tpu.memory_space<vmem_shared>>) target_semaphore(%run_scoped3A : memref<!tpu.dma_semaphore, #tpu.memory_space<semaphore_mem>>)
        %dma_wait3A = arith.constant 0 : i32
        %dma_wait3A_122 = arith.constant 0 : i32
        %dma_wait3A_123 = tpu.memref_slice %arg8[%cond3A, %dma_wait3A, %dma_wait3A_122] : memref<4x50x128xf32, #tpu.memory_space<vmem>> -> memref<1x50x128xf32, #tpu.memory_space<vmem>>
        %dma_wait3A_124 = tpu.memref_squeeze %dma_wait3A_123 : memref<1x50x128xf32, #tpu.memory_space<vmem>> -> memref<50x128xf32, #tpu.memory_space<vmem>>
        %dma_wait3A_125 = arith.constant 0 : i32
        %dma_wait3A_126 = tpu.memref_slice %arg9[%add3A_93, %dma_wait3A_125] : memref<10000x128xf32, #tpu.memory_space<vmem_shared>> -> memref<50x128xf32, #tpu.memory_space<vmem_shared>>
        %dma_wait3A_127 = arith.constant 0 : i32
        %dma_wait3A_128 = tpu.memref_slice %arg9[%add3A_93, %dma_wait3A_127] : memref<10000x128xf32, #tpu.memory_space<vmem_shared>> -> memref<50x128xf32, #tpu.memory_space<vmem_shared>>
        %dma_wait3A_129 = arith.constant 0 : i32
        %dma_wait3A_130 = arith.constant 0 : i32
        %dma_wait3A_131 = tpu.memref_slice %arg8[%cond3A, %dma_wait3A_129, %dma_wait3A_130] : memref<4x50x128xf32, #tpu.memory_space<vmem>> -> memref<1x50x128xf32, #tpu.memory_space<vmem>>
        %dma_wait3A_132 = tpu.memref_squeeze %dma_wait3A_131 : memref<1x50x128xf32, #tpu.memory_space<vmem>> -> memref<50x128xf32, #tpu.memory_space<vmem>>
        tpu.wait_dma2 semaphore(%run_scoped3A : memref<!tpu.dma_semaphore, #tpu.memory_space<semaphore_mem>>) src(%dma_wait3A_132 : memref<50x128xf32, #tpu.memory_space<vmem>>) dst(%dma_wait3A_128 : memref<50x128xf32, #tpu.memory_space<vmem_shared>>)
        tpu.yield
      }) : () -> ()
      %add3A_94 = arith.constant 600 : i32
      %add3A_95 = arith.addi %mul3A_7, %add3A_94 : i32
      "tpu.region"() ({
        %run_scoped3A = tpu.sem_alloc : memref<!tpu.dma_semaphore, #tpu.memory_space<semaphore_mem>>
        %dma_start3A_110 = arith.constant 0 : i32
        %dma_start3A_111 = arith.constant 0 : i32
        %dma_start3A_112 = tpu.memref_slice %arg8[%cond3A, %dma_start3A_110, %dma_start3A_111] : memref<4x50x128xf32, #tpu.memory_space<vmem>> -> memref<1x50x128xf32, #tpu.memory_space<vmem>>
        %dma_start3A_113 = tpu.memref_squeeze %dma_start3A_112 : memref<1x50x128xf32, #tpu.memory_space<vmem>> -> memref<50x128xf32, #tpu.memory_space<vmem>>
        %dma_start3A_114 = arith.constant 0 : i32
        %dma_start3A_115 = tpu.memref_slice %arg9[%add3A_95, %dma_start3A_114] : memref<10000x128xf32, #tpu.memory_space<vmem_shared>> -> memref<50x128xf32, #tpu.memory_space<vmem_shared>>
        %dma_start3A_116 = arith.constant 0 : i32
        %dma_start3A_117 = tpu.memref_slice %arg9[%add3A_95, %dma_start3A_116] : memref<10000x128xf32, #tpu.memory_space<vmem_shared>> -> memref<50x128xf32, #tpu.memory_space<vmem_shared>>
        %dma_start3A_118 = arith.constant 0 : i32
        %dma_start3A_119 = arith.constant 0 : i32
        %dma_start3A_120 = tpu.memref_slice %arg8[%cond3A, %dma_start3A_118, %dma_start3A_119] : memref<4x50x128xf32, #tpu.memory_space<vmem>> -> memref<1x50x128xf32, #tpu.memory_space<vmem>>
        %dma_start3A_121 = tpu.memref_squeeze %dma_start3A_120 : memref<1x50x128xf32, #tpu.memory_space<vmem>> -> memref<50x128xf32, #tpu.memory_space<vmem>>
        tpu.enqueue_dma source(%dma_start3A_121 : memref<50x128xf32, #tpu.memory_space<vmem>>) target(%dma_start3A_117 : memref<50x128xf32, #tpu.memory_space<vmem_shared>>) target_semaphore(%run_scoped3A : memref<!tpu.dma_semaphore, #tpu.memory_space<semaphore_mem>>)
        %dma_wait3A = arith.constant 0 : i32
        %dma_wait3A_122 = arith.constant 0 : i32
        %dma_wait3A_123 = tpu.memref_slice %arg8[%cond3A, %dma_wait3A, %dma_wait3A_122] : memref<4x50x128xf32, #tpu.memory_space<vmem>> -> memref<1x50x128xf32, #tpu.memory_space<vmem>>
        %dma_wait3A_124 = tpu.memref_squeeze %dma_wait3A_123 : memref<1x50x128xf32, #tpu.memory_space<vmem>> -> memref<50x128xf32, #tpu.memory_space<vmem>>
        %dma_wait3A_125 = arith.constant 0 : i32
        %dma_wait3A_126 = tpu.memref_slice %arg9[%add3A_95, %dma_wait3A_125] : memref<10000x128xf32, #tpu.memory_space<vmem_shared>> -> memref<50x128xf32, #tpu.memory_space<vmem_shared>>
        %dma_wait3A_127 = arith.constant 0 : i32
        %dma_wait3A_128 = tpu.memref_slice %arg9[%add3A_95, %dma_wait3A_127] : memref<10000x128xf32, #tpu.memory_space<vmem_shared>> -> memref<50x128xf32, #tpu.memory_space<vmem_shared>>
        %dma_wait3A_129 = arith.constant 0 : i32
        %dma_wait3A_130 = arith.constant 0 : i32
        %dma_wait3A_131 = tpu.memref_slice %arg8[%cond3A, %dma_wait3A_129, %dma_wait3A_130] : memref<4x50x128xf32, #tpu.memory_space<vmem>> -> memref<1x50x128xf32, #tpu.memory_space<vmem>>
        %dma_wait3A_132 = tpu.memref_squeeze %dma_wait3A_131 : memref<1x50x128xf32, #tpu.memory_space<vmem>> -> memref<50x128xf32, #tpu.memory_space<vmem>>
        tpu.wait_dma2 semaphore(%run_scoped3A : memref<!tpu.dma_semaphore, #tpu.memory_space<semaphore_mem>>) src(%dma_wait3A_132 : memref<50x128xf32, #tpu.memory_space<vmem>>) dst(%dma_wait3A_128 : memref<50x128xf32, #tpu.memory_space<vmem_shared>>)
        tpu.yield
      }) : () -> ()
      %add3A_96 = arith.constant 650 : i32
      %add3A_97 = arith.addi %mul3A_7, %add3A_96 : i32
      "tpu.region"() ({
        %run_scoped3A = tpu.sem_alloc : memref<!tpu.dma_semaphore, #tpu.memory_space<semaphore_mem>>
        %dma_start3A_110 = arith.constant 0 : i32
        %dma_start3A_111 = arith.constant 0 : i32
        %dma_start3A_112 = tpu.memref_slice %arg8[%cond3A, %dma_start3A_110, %dma_start3A_111] : memref<4x50x128xf32, #tpu.memory_space<vmem>> -> memref<1x50x128xf32, #tpu.memory_space<vmem>>
        %dma_start3A_113 = tpu.memref_squeeze %dma_start3A_112 : memref<1x50x128xf32, #tpu.memory_space<vmem>> -> memref<50x128xf32, #tpu.memory_space<vmem>>
        %dma_start3A_114 = arith.constant 0 : i32
        %dma_start3A_115 = tpu.memref_slice %arg9[%add3A_97, %dma_start3A_114] : memref<10000x128xf32, #tpu.memory_space<vmem_shared>> -> memref<50x128xf32, #tpu.memory_space<vmem_shared>>
        %dma_start3A_116 = arith.constant 0 : i32
        %dma_start3A_117 = tpu.memref_slice %arg9[%add3A_97, %dma_start3A_116] : memref<10000x128xf32, #tpu.memory_space<vmem_shared>> -> memref<50x128xf32, #tpu.memory_space<vmem_shared>>
        %dma_start3A_118 = arith.constant 0 : i32
        %dma_start3A_119 = arith.constant 0 : i32
        %dma_start3A_120 = tpu.memref_slice %arg8[%cond3A, %dma_start3A_118, %dma_start3A_119] : memref<4x50x128xf32, #tpu.memory_space<vmem>> -> memref<1x50x128xf32, #tpu.memory_space<vmem>>
        %dma_start3A_121 = tpu.memref_squeeze %dma_start3A_120 : memref<1x50x128xf32, #tpu.memory_space<vmem>> -> memref<50x128xf32, #tpu.memory_space<vmem>>
        tpu.enqueue_dma source(%dma_start3A_121 : memref<50x128xf32, #tpu.memory_space<vmem>>) target(%dma_start3A_117 : memref<50x128xf32, #tpu.memory_space<vmem_shared>>) target_semaphore(%run_scoped3A : memref<!tpu.dma_semaphore, #tpu.memory_space<semaphore_mem>>)
        %dma_wait3A = arith.constant 0 : i32
        %dma_wait3A_122 = arith.constant 0 : i32
        %dma_wait3A_123 = tpu.memref_slice %arg8[%cond3A, %dma_wait3A, %dma_wait3A_122] : memref<4x50x128xf32, #tpu.memory_space<vmem>> -> memref<1x50x128xf32, #tpu.memory_space<vmem>>
        %dma_wait3A_124 = tpu.memref_squeeze %dma_wait3A_123 : memref<1x50x128xf32, #tpu.memory_space<vmem>> -> memref<50x128xf32, #tpu.memory_space<vmem>>
        %dma_wait3A_125 = arith.constant 0 : i32
        %dma_wait3A_126 = tpu.memref_slice %arg9[%add3A_97, %dma_wait3A_125] : memref<10000x128xf32, #tpu.memory_space<vmem_shared>> -> memref<50x128xf32, #tpu.memory_space<vmem_shared>>
        %dma_wait3A_127 = arith.constant 0 : i32
        %dma_wait3A_128 = tpu.memref_slice %arg9[%add3A_97, %dma_wait3A_127] : memref<10000x128xf32, #tpu.memory_space<vmem_shared>> -> memref<50x128xf32, #tpu.memory_space<vmem_shared>>
        %dma_wait3A_129 = arith.constant 0 : i32
        %dma_wait3A_130 = arith.constant 0 : i32
        %dma_wait3A_131 = tpu.memref_slice %arg8[%cond3A, %dma_wait3A_129, %dma_wait3A_130] : memref<4x50x128xf32, #tpu.memory_space<vmem>> -> memref<1x50x128xf32, #tpu.memory_space<vmem>>
        %dma_wait3A_132 = tpu.memref_squeeze %dma_wait3A_131 : memref<1x50x128xf32, #tpu.memory_space<vmem>> -> memref<50x128xf32, #tpu.memory_space<vmem>>
        tpu.wait_dma2 semaphore(%run_scoped3A : memref<!tpu.dma_semaphore, #tpu.memory_space<semaphore_mem>>) src(%dma_wait3A_132 : memref<50x128xf32, #tpu.memory_space<vmem>>) dst(%dma_wait3A_128 : memref<50x128xf32, #tpu.memory_space<vmem_shared>>)
        tpu.yield
      }) : () -> ()
      %add3A_98 = arith.constant 700 : i32
      %add3A_99 = arith.addi %mul3A_7, %add3A_98 : i32
      "tpu.region"() ({
        %run_scoped3A = tpu.sem_alloc : memref<!tpu.dma_semaphore, #tpu.memory_space<semaphore_mem>>
        %dma_start3A_110 = arith.constant 0 : i32
        %dma_start3A_111 = arith.constant 0 : i32
        %dma_start3A_112 = tpu.memref_slice %arg8[%cond3A, %dma_start3A_110, %dma_start3A_111] : memref<4x50x128xf32, #tpu.memory_space<vmem>> -> memref<1x50x128xf32, #tpu.memory_space<vmem>>
        %dma_start3A_113 = tpu.memref_squeeze %dma_start3A_112 : memref<1x50x128xf32, #tpu.memory_space<vmem>> -> memref<50x128xf32, #tpu.memory_space<vmem>>
        %dma_start3A_114 = arith.constant 0 : i32
        %dma_start3A_115 = tpu.memref_slice %arg9[%add3A_99, %dma_start3A_114] : memref<10000x128xf32, #tpu.memory_space<vmem_shared>> -> memref<50x128xf32, #tpu.memory_space<vmem_shared>>
        %dma_start3A_116 = arith.constant 0 : i32
        %dma_start3A_117 = tpu.memref_slice %arg9[%add3A_99, %dma_start3A_116] : memref<10000x128xf32, #tpu.memory_space<vmem_shared>> -> memref<50x128xf32, #tpu.memory_space<vmem_shared>>
        %dma_start3A_118 = arith.constant 0 : i32
        %dma_start3A_119 = arith.constant 0 : i32
        %dma_start3A_120 = tpu.memref_slice %arg8[%cond3A, %dma_start3A_118, %dma_start3A_119] : memref<4x50x128xf32, #tpu.memory_space<vmem>> -> memref<1x50x128xf32, #tpu.memory_space<vmem>>
        %dma_start3A_121 = tpu.memref_squeeze %dma_start3A_120 : memref<1x50x128xf32, #tpu.memory_space<vmem>> -> memref<50x128xf32, #tpu.memory_space<vmem>>
        tpu.enqueue_dma source(%dma_start3A_121 : memref<50x128xf32, #tpu.memory_space<vmem>>) target(%dma_start3A_117 : memref<50x128xf32, #tpu.memory_space<vmem_shared>>) target_semaphore(%run_scoped3A : memref<!tpu.dma_semaphore, #tpu.memory_space<semaphore_mem>>)
        %dma_wait3A = arith.constant 0 : i32
        %dma_wait3A_122 = arith.constant 0 : i32
        %dma_wait3A_123 = tpu.memref_slice %arg8[%cond3A, %dma_wait3A, %dma_wait3A_122] : memref<4x50x128xf32, #tpu.memory_space<vmem>> -> memref<1x50x128xf32, #tpu.memory_space<vmem>>
        %dma_wait3A_124 = tpu.memref_squeeze %dma_wait3A_123 : memref<1x50x128xf32, #tpu.memory_space<vmem>> -> memref<50x128xf32, #tpu.memory_space<vmem>>
        %dma_wait3A_125 = arith.constant 0 : i32
        %dma_wait3A_126 = tpu.memref_slice %arg9[%add3A_99, %dma_wait3A_125] : memref<10000x128xf32, #tpu.memory_space<vmem_shared>> -> memref<50x128xf32, #tpu.memory_space<vmem_shared>>
        %dma_wait3A_127 = arith.constant 0 : i32
        %dma_wait3A_128 = tpu.memref_slice %arg9[%add3A_99, %dma_wait3A_127] : memref<10000x128xf32, #tpu.memory_space<vmem_shared>> -> memref<50x128xf32, #tpu.memory_space<vmem_shared>>
        %dma_wait3A_129 = arith.constant 0 : i32
        %dma_wait3A_130 = arith.constant 0 : i32
        %dma_wait3A_131 = tpu.memref_slice %arg8[%cond3A, %dma_wait3A_129, %dma_wait3A_130] : memref<4x50x128xf32, #tpu.memory_space<vmem>> -> memref<1x50x128xf32, #tpu.memory_space<vmem>>
        %dma_wait3A_132 = tpu.memref_squeeze %dma_wait3A_131 : memref<1x50x128xf32, #tpu.memory_space<vmem>> -> memref<50x128xf32, #tpu.memory_space<vmem>>
        tpu.wait_dma2 semaphore(%run_scoped3A : memref<!tpu.dma_semaphore, #tpu.memory_space<semaphore_mem>>) src(%dma_wait3A_132 : memref<50x128xf32, #tpu.memory_space<vmem>>) dst(%dma_wait3A_128 : memref<50x128xf32, #tpu.memory_space<vmem_shared>>)
        tpu.yield
      }) : () -> ()
      %add3A_100 = arith.constant 750 : i32
      %add3A_101 = arith.addi %mul3A_7, %add3A_100 : i32
      "tpu.region"() ({
        %run_scoped3A = tpu.sem_alloc : memref<!tpu.dma_semaphore, #tpu.memory_space<semaphore_mem>>
        %dma_start3A_110 = arith.constant 0 : i32
        %dma_start3A_111 = arith.constant 0 : i32
        %dma_start3A_112 = tpu.memref_slice %arg8[%cond3A, %dma_start3A_110, %dma_start3A_111] : memref<4x50x128xf32, #tpu.memory_space<vmem>> -> memref<1x50x128xf32, #tpu.memory_space<vmem>>
        %dma_start3A_113 = tpu.memref_squeeze %dma_start3A_112 : memref<1x50x128xf32, #tpu.memory_space<vmem>> -> memref<50x128xf32, #tpu.memory_space<vmem>>
        %dma_start3A_114 = arith.constant 0 : i32
        %dma_start3A_115 = tpu.memref_slice %arg9[%add3A_101, %dma_start3A_114] : memref<10000x128xf32, #tpu.memory_space<vmem_shared>> -> memref<50x128xf32, #tpu.memory_space<vmem_shared>>
        %dma_start3A_116 = arith.constant 0 : i32
        %dma_start3A_117 = tpu.memref_slice %arg9[%add3A_101, %dma_start3A_116] : memref<10000x128xf32, #tpu.memory_space<vmem_shared>> -> memref<50x128xf32, #tpu.memory_space<vmem_shared>>
        %dma_start3A_118 = arith.constant 0 : i32
        %dma_start3A_119 = arith.constant 0 : i32
        %dma_start3A_120 = tpu.memref_slice %arg8[%cond3A, %dma_start3A_118, %dma_start3A_119] : memref<4x50x128xf32, #tpu.memory_space<vmem>> -> memref<1x50x128xf32, #tpu.memory_space<vmem>>
        %dma_start3A_121 = tpu.memref_squeeze %dma_start3A_120 : memref<1x50x128xf32, #tpu.memory_space<vmem>> -> memref<50x128xf32, #tpu.memory_space<vmem>>
        tpu.enqueue_dma source(%dma_start3A_121 : memref<50x128xf32, #tpu.memory_space<vmem>>) target(%dma_start3A_117 : memref<50x128xf32, #tpu.memory_space<vmem_shared>>) target_semaphore(%run_scoped3A : memref<!tpu.dma_semaphore, #tpu.memory_space<semaphore_mem>>)
        %dma_wait3A = arith.constant 0 : i32
        %dma_wait3A_122 = arith.constant 0 : i32
        %dma_wait3A_123 = tpu.memref_slice %arg8[%cond3A, %dma_wait3A, %dma_wait3A_122] : memref<4x50x128xf32, #tpu.memory_space<vmem>> -> memref<1x50x128xf32, #tpu.memory_space<vmem>>
        %dma_wait3A_124 = tpu.memref_squeeze %dma_wait3A_123 : memref<1x50x128xf32, #tpu.memory_space<vmem>> -> memref<50x128xf32, #tpu.memory_space<vmem>>
        %dma_wait3A_125 = arith.constant 0 : i32
        %dma_wait3A_126 = tpu.memref_slice %arg9[%add3A_101, %dma_wait3A_125] : memref<10000x128xf32, #tpu.memory_space<vmem_shared>> -> memref<50x128xf32, #tpu.memory_space<vmem_shared>>
        %dma_wait3A_127 = arith.constant 0 : i32
        %dma_wait3A_128 = tpu.memref_slice %arg9[%add3A_101, %dma_wait3A_127] : memref<10000x128xf32, #tpu.memory_space<vmem_shared>> -> memref<50x128xf32, #tpu.memory_space<vmem_shared>>
        %dma_wait3A_129 = arith.constant 0 : i32
        %dma_wait3A_130 = arith.constant 0 : i32
        %dma_wait3A_131 = tpu.memref_slice %arg8[%cond3A, %dma_wait3A_129, %dma_wait3A_130] : memref<4x50x128xf32, #tpu.memory_space<vmem>> -> memref<1x50x128xf32, #tpu.memory_space<vmem>>
        %dma_wait3A_132 = tpu.memref_squeeze %dma_wait3A_131 : memref<1x50x128xf32, #tpu.memory_space<vmem>> -> memref<50x128xf32, #tpu.memory_space<vmem>>
        tpu.wait_dma2 semaphore(%run_scoped3A : memref<!tpu.dma_semaphore, #tpu.memory_space<semaphore_mem>>) src(%dma_wait3A_132 : memref<50x128xf32, #tpu.memory_space<vmem>>) dst(%dma_wait3A_128 : memref<50x128xf32, #tpu.memory_space<vmem_shared>>)
        tpu.yield
      }) : () -> ()
      %add3A_102 = arith.constant 800 : i32
      %add3A_103 = arith.addi %mul3A_7, %add3A_102 : i32
      "tpu.region"() ({
        %run_scoped3A = tpu.sem_alloc : memref<!tpu.dma_semaphore, #tpu.memory_space<semaphore_mem>>
        %dma_start3A_110 = arith.constant 0 : i32
        %dma_start3A_111 = arith.constant 0 : i32
        %dma_start3A_112 = tpu.memref_slice %arg8[%cond3A, %dma_start3A_110, %dma_start3A_111] : memref<4x50x128xf32, #tpu.memory_space<vmem>> -> memref<1x50x128xf32, #tpu.memory_space<vmem>>
        %dma_start3A_113 = tpu.memref_squeeze %dma_start3A_112 : memref<1x50x128xf32, #tpu.memory_space<vmem>> -> memref<50x128xf32, #tpu.memory_space<vmem>>
        %dma_start3A_114 = arith.constant 0 : i32
        %dma_start3A_115 = tpu.memref_slice %arg9[%add3A_103, %dma_start3A_114] : memref<10000x128xf32, #tpu.memory_space<vmem_shared>> -> memref<50x128xf32, #tpu.memory_space<vmem_shared>>
        %dma_start3A_116 = arith.constant 0 : i32
        %dma_start3A_117 = tpu.memref_slice %arg9[%add3A_103, %dma_start3A_116] : memref<10000x128xf32, #tpu.memory_space<vmem_shared>> -> memref<50x128xf32, #tpu.memory_space<vmem_shared>>
        %dma_start3A_118 = arith.constant 0 : i32
        %dma_start3A_119 = arith.constant 0 : i32
        %dma_start3A_120 = tpu.memref_slice %arg8[%cond3A, %dma_start3A_118, %dma_start3A_119] : memref<4x50x128xf32, #tpu.memory_space<vmem>> -> memref<1x50x128xf32, #tpu.memory_space<vmem>>
        %dma_start3A_121 = tpu.memref_squeeze %dma_start3A_120 : memref<1x50x128xf32, #tpu.memory_space<vmem>> -> memref<50x128xf32, #tpu.memory_space<vmem>>
        tpu.enqueue_dma source(%dma_start3A_121 : memref<50x128xf32, #tpu.memory_space<vmem>>) target(%dma_start3A_117 : memref<50x128xf32, #tpu.memory_space<vmem_shared>>) target_semaphore(%run_scoped3A : memref<!tpu.dma_semaphore, #tpu.memory_space<semaphore_mem>>)
        %dma_wait3A = arith.constant 0 : i32
        %dma_wait3A_122 = arith.constant 0 : i32
        %dma_wait3A_123 = tpu.memref_slice %arg8[%cond3A, %dma_wait3A, %dma_wait3A_122] : memref<4x50x128xf32, #tpu.memory_space<vmem>> -> memref<1x50x128xf32, #tpu.memory_space<vmem>>
        %dma_wait3A_124 = tpu.memref_squeeze %dma_wait3A_123 : memref<1x50x128xf32, #tpu.memory_space<vmem>> -> memref<50x128xf32, #tpu.memory_space<vmem>>
        %dma_wait3A_125 = arith.constant 0 : i32
        %dma_wait3A_126 = tpu.memref_slice %arg9[%add3A_103, %dma_wait3A_125] : memref<10000x128xf32, #tpu.memory_space<vmem_shared>> -> memref<50x128xf32, #tpu.memory_space<vmem_shared>>
        %dma_wait3A_127 = arith.constant 0 : i32
        %dma_wait3A_128 = tpu.memref_slice %arg9[%add3A_103, %dma_wait3A_127] : memref<10000x128xf32, #tpu.memory_space<vmem_shared>> -> memref<50x128xf32, #tpu.memory_space<vmem_shared>>
        %dma_wait3A_129 = arith.constant 0 : i32
        %dma_wait3A_130 = arith.constant 0 : i32
        %dma_wait3A_131 = tpu.memref_slice %arg8[%cond3A, %dma_wait3A_129, %dma_wait3A_130] : memref<4x50x128xf32, #tpu.memory_space<vmem>> -> memref<1x50x128xf32, #tpu.memory_space<vmem>>
        %dma_wait3A_132 = tpu.memref_squeeze %dma_wait3A_131 : memref<1x50x128xf32, #tpu.memory_space<vmem>> -> memref<50x128xf32, #tpu.memory_space<vmem>>
        tpu.wait_dma2 semaphore(%run_scoped3A : memref<!tpu.dma_semaphore, #tpu.memory_space<semaphore_mem>>) src(%dma_wait3A_132 : memref<50x128xf32, #tpu.memory_space<vmem>>) dst(%dma_wait3A_128 : memref<50x128xf32, #tpu.memory_space<vmem_shared>>)
        tpu.yield
      }) : () -> ()
      %add3A_104 = arith.constant 850 : i32
      %add3A_105 = arith.addi %mul3A_7, %add3A_104 : i32
      "tpu.region"() ({
        %run_scoped3A = tpu.sem_alloc : memref<!tpu.dma_semaphore, #tpu.memory_space<semaphore_mem>>
        %dma_start3A_110 = arith.constant 0 : i32
        %dma_start3A_111 = arith.constant 0 : i32
        %dma_start3A_112 = tpu.memref_slice %arg8[%cond3A, %dma_start3A_110, %dma_start3A_111] : memref<4x50x128xf32, #tpu.memory_space<vmem>> -> memref<1x50x128xf32, #tpu.memory_space<vmem>>
        %dma_start3A_113 = tpu.memref_squeeze %dma_start3A_112 : memref<1x50x128xf32, #tpu.memory_space<vmem>> -> memref<50x128xf32, #tpu.memory_space<vmem>>
        %dma_start3A_114 = arith.constant 0 : i32
        %dma_start3A_115 = tpu.memref_slice %arg9[%add3A_105, %dma_start3A_114] : memref<10000x128xf32, #tpu.memory_space<vmem_shared>> -> memref<50x128xf32, #tpu.memory_space<vmem_shared>>
        %dma_start3A_116 = arith.constant 0 : i32
        %dma_start3A_117 = tpu.memref_slice %arg9[%add3A_105, %dma_start3A_116] : memref<10000x128xf32, #tpu.memory_space<vmem_shared>> -> memref<50x128xf32, #tpu.memory_space<vmem_shared>>
        %dma_start3A_118 = arith.constant 0 : i32
        %dma_start3A_119 = arith.constant 0 : i32
        %dma_start3A_120 = tpu.memref_slice %arg8[%cond3A, %dma_start3A_118, %dma_start3A_119] : memref<4x50x128xf32, #tpu.memory_space<vmem>> -> memref<1x50x128xf32, #tpu.memory_space<vmem>>
        %dma_start3A_121 = tpu.memref_squeeze %dma_start3A_120 : memref<1x50x128xf32, #tpu.memory_space<vmem>> -> memref<50x128xf32, #tpu.memory_space<vmem>>
        tpu.enqueue_dma source(%dma_start3A_121 : memref<50x128xf32, #tpu.memory_space<vmem>>) target(%dma_start3A_117 : memref<50x128xf32, #tpu.memory_space<vmem_shared>>) target_semaphore(%run_scoped3A : memref<!tpu.dma_semaphore, #tpu.memory_space<semaphore_mem>>)
        %dma_wait3A = arith.constant 0 : i32
        %dma_wait3A_122 = arith.constant 0 : i32
        %dma_wait3A_123 = tpu.memref_slice %arg8[%cond3A, %dma_wait3A, %dma_wait3A_122] : memref<4x50x128xf32, #tpu.memory_space<vmem>> -> memref<1x50x128xf32, #tpu.memory_space<vmem>>
        %dma_wait3A_124 = tpu.memref_squeeze %dma_wait3A_123 : memref<1x50x128xf32, #tpu.memory_space<vmem>> -> memref<50x128xf32, #tpu.memory_space<vmem>>
        %dma_wait3A_125 = arith.constant 0 : i32
        %dma_wait3A_126 = tpu.memref_slice %arg9[%add3A_105, %dma_wait3A_125] : memref<10000x128xf32, #tpu.memory_space<vmem_shared>> -> memref<50x128xf32, #tpu.memory_space<vmem_shared>>
        %dma_wait3A_127 = arith.constant 0 : i32
        %dma_wait3A_128 = tpu.memref_slice %arg9[%add3A_105, %dma_wait3A_127] : memref<10000x128xf32, #tpu.memory_space<vmem_shared>> -> memref<50x128xf32, #tpu.memory_space<vmem_shared>>
        %dma_wait3A_129 = arith.constant 0 : i32
        %dma_wait3A_130 = arith.constant 0 : i32
        %dma_wait3A_131 = tpu.memref_slice %arg8[%cond3A, %dma_wait3A_129, %dma_wait3A_130] : memref<4x50x128xf32, #tpu.memory_space<vmem>> -> memref<1x50x128xf32, #tpu.memory_space<vmem>>
        %dma_wait3A_132 = tpu.memref_squeeze %dma_wait3A_131 : memref<1x50x128xf32, #tpu.memory_space<vmem>> -> memref<50x128xf32, #tpu.memory_space<vmem>>
        tpu.wait_dma2 semaphore(%run_scoped3A : memref<!tpu.dma_semaphore, #tpu.memory_space<semaphore_mem>>) src(%dma_wait3A_132 : memref<50x128xf32, #tpu.memory_space<vmem>>) dst(%dma_wait3A_128 : memref<50x128xf32, #tpu.memory_space<vmem_shared>>)
        tpu.yield
      }) : () -> ()
      %add3A_106 = arith.constant 900 : i32
      %add3A_107 = arith.addi %mul3A_7, %add3A_106 : i32
      "tpu.region"() ({
        %run_scoped3A = tpu.sem_alloc : memref<!tpu.dma_semaphore, #tpu.memory_space<semaphore_mem>>
        %dma_start3A_110 = arith.constant 0 : i32
        %dma_start3A_111 = arith.constant 0 : i32
        %dma_start3A_112 = tpu.memref_slice %arg8[%cond3A, %dma_start3A_110, %dma_start3A_111] : memref<4x50x128xf32, #tpu.memory_space<vmem>> -> memref<1x50x128xf32, #tpu.memory_space<vmem>>
        %dma_start3A_113 = tpu.memref_squeeze %dma_start3A_112 : memref<1x50x128xf32, #tpu.memory_space<vmem>> -> memref<50x128xf32, #tpu.memory_space<vmem>>
        %dma_start3A_114 = arith.constant 0 : i32
        %dma_start3A_115 = tpu.memref_slice %arg9[%add3A_107, %dma_start3A_114] : memref<10000x128xf32, #tpu.memory_space<vmem_shared>> -> memref<50x128xf32, #tpu.memory_space<vmem_shared>>
        %dma_start3A_116 = arith.constant 0 : i32
        %dma_start3A_117 = tpu.memref_slice %arg9[%add3A_107, %dma_start3A_116] : memref<10000x128xf32, #tpu.memory_space<vmem_shared>> -> memref<50x128xf32, #tpu.memory_space<vmem_shared>>
        %dma_start3A_118 = arith.constant 0 : i32
        %dma_start3A_119 = arith.constant 0 : i32
        %dma_start3A_120 = tpu.memref_slice %arg8[%cond3A, %dma_start3A_118, %dma_start3A_119] : memref<4x50x128xf32, #tpu.memory_space<vmem>> -> memref<1x50x128xf32, #tpu.memory_space<vmem>>
        %dma_start3A_121 = tpu.memref_squeeze %dma_start3A_120 : memref<1x50x128xf32, #tpu.memory_space<vmem>> -> memref<50x128xf32, #tpu.memory_space<vmem>>
        tpu.enqueue_dma source(%dma_start3A_121 : memref<50x128xf32, #tpu.memory_space<vmem>>) target(%dma_start3A_117 : memref<50x128xf32, #tpu.memory_space<vmem_shared>>) target_semaphore(%run_scoped3A : memref<!tpu.dma_semaphore, #tpu.memory_space<semaphore_mem>>)
        %dma_wait3A = arith.constant 0 : i32
        %dma_wait3A_122 = arith.constant 0 : i32
        %dma_wait3A_123 = tpu.memref_slice %arg8[%cond3A, %dma_wait3A, %dma_wait3A_122] : memref<4x50x128xf32, #tpu.memory_space<vmem>> -> memref<1x50x128xf32, #tpu.memory_space<vmem>>
        %dma_wait3A_124 = tpu.memref_squeeze %dma_wait3A_123 : memref<1x50x128xf32, #tpu.memory_space<vmem>> -> memref<50x128xf32, #tpu.memory_space<vmem>>
        %dma_wait3A_125 = arith.constant 0 : i32
        %dma_wait3A_126 = tpu.memref_slice %arg9[%add3A_107, %dma_wait3A_125] : memref<10000x128xf32, #tpu.memory_space<vmem_shared>> -> memref<50x128xf32, #tpu.memory_space<vmem_shared>>
        %dma_wait3A_127 = arith.constant 0 : i32
        %dma_wait3A_128 = tpu.memref_slice %arg9[%add3A_107, %dma_wait3A_127] : memref<10000x128xf32, #tpu.memory_space<vmem_shared>> -> memref<50x128xf32, #tpu.memory_space<vmem_shared>>
        %dma_wait3A_129 = arith.constant 0 : i32
        %dma_wait3A_130 = arith.constant 0 : i32
        %dma_wait3A_131 = tpu.memref_slice %arg8[%cond3A, %dma_wait3A_129, %dma_wait3A_130] : memref<4x50x128xf32, #tpu.memory_space<vmem>> -> memref<1x50x128xf32, #tpu.memory_space<vmem>>
        %dma_wait3A_132 = tpu.memref_squeeze %dma_wait3A_131 : memref<1x50x128xf32, #tpu.memory_space<vmem>> -> memref<50x128xf32, #tpu.memory_space<vmem>>
        tpu.wait_dma2 semaphore(%run_scoped3A : memref<!tpu.dma_semaphore, #tpu.memory_space<semaphore_mem>>) src(%dma_wait3A_132 : memref<50x128xf32, #tpu.memory_space<vmem>>) dst(%dma_wait3A_128 : memref<50x128xf32, #tpu.memory_space<vmem_shared>>)
        tpu.yield
      }) : () -> ()
      %add3A_108 = arith.constant 950 : i32
      %add3A_109 = arith.addi %mul3A_7, %add3A_108 : i32
      "tpu.region"() ({
        %run_scoped3A = tpu.sem_alloc : memref<!tpu.dma_semaphore, #tpu.memory_space<semaphore_mem>>
        %dma_start3A_110 = arith.constant 0 : i32
        %dma_start3A_111 = arith.constant 0 : i32
        %dma_start3A_112 = tpu.memref_slice %arg8[%cond3A, %dma_start3A_110, %dma_start3A_111] : memref<4x50x128xf32, #tpu.memory_space<vmem>> -> memref<1x50x128xf32, #tpu.memory_space<vmem>>
        %dma_start3A_113 = tpu.memref_squeeze %dma_start3A_112 : memref<1x50x128xf32, #tpu.memory_space<vmem>> -> memref<50x128xf32, #tpu.memory_space<vmem>>
        %dma_start3A_114 = arith.constant 0 : i32
        %dma_start3A_115 = tpu.memref_slice %arg9[%add3A_109, %dma_start3A_114] : memref<10000x128xf32, #tpu.memory_space<vmem_shared>> -> memref<50x128xf32, #tpu.memory_space<vmem_shared>>
        %dma_start3A_116 = arith.constant 0 : i32
        %dma_start3A_117 = tpu.memref_slice %arg9[%add3A_109, %dma_start3A_116] : memref<10000x128xf32, #tpu.memory_space<vmem_shared>> -> memref<50x128xf32, #tpu.memory_space<vmem_shared>>
        %dma_start3A_118 = arith.constant 0 : i32
        %dma_start3A_119 = arith.constant 0 : i32
        %dma_start3A_120 = tpu.memref_slice %arg8[%cond3A, %dma_start3A_118, %dma_start3A_119] : memref<4x50x128xf32, #tpu.memory_space<vmem>> -> memref<1x50x128xf32, #tpu.memory_space<vmem>>
        %dma_start3A_121 = tpu.memref_squeeze %dma_start3A_120 : memref<1x50x128xf32, #tpu.memory_space<vmem>> -> memref<50x128xf32, #tpu.memory_space<vmem>>
        tpu.enqueue_dma source(%dma_start3A_121 : memref<50x128xf32, #tpu.memory_space<vmem>>) target(%dma_start3A_117 : memref<50x128xf32, #tpu.memory_space<vmem_shared>>) target_semaphore(%run_scoped3A : memref<!tpu.dma_semaphore, #tpu.memory_space<semaphore_mem>>)
        %dma_wait3A = arith.constant 0 : i32
        %dma_wait3A_122 = arith.constant 0 : i32
        %dma_wait3A_123 = tpu.memref_slice %arg8[%cond3A, %dma_wait3A, %dma_wait3A_122] : memref<4x50x128xf32, #tpu.memory_space<vmem>> -> memref<1x50x128xf32, #tpu.memory_space<vmem>>
        %dma_wait3A_124 = tpu.memref_squeeze %dma_wait3A_123 : memref<1x50x128xf32, #tpu.memory_space<vmem>> -> memref<50x128xf32, #tpu.memory_space<vmem>>
        %dma_wait3A_125 = arith.constant 0 : i32
        %dma_wait3A_126 = tpu.memref_slice %arg9[%add3A_109, %dma_wait3A_125] : memref<10000x128xf32, #tpu.memory_space<vmem_shared>> -> memref<50x128xf32, #tpu.memory_space<vmem_shared>>
        %dma_wait3A_127 = arith.constant 0 : i32
        %dma_wait3A_128 = tpu.memref_slice %arg9[%add3A_109, %dma_wait3A_127] : memref<10000x128xf32, #tpu.memory_space<vmem_shared>> -> memref<50x128xf32, #tpu.memory_space<vmem_shared>>
        %dma_wait3A_129 = arith.constant 0 : i32
        %dma_wait3A_130 = arith.constant 0 : i32
        %dma_wait3A_131 = tpu.memref_slice %arg8[%cond3A, %dma_wait3A_129, %dma_wait3A_130] : memref<4x50x128xf32, #tpu.memory_space<vmem>> -> memref<1x50x128xf32, #tpu.memory_space<vmem>>
        %dma_wait3A_132 = tpu.memref_squeeze %dma_wait3A_131 : memref<1x50x128xf32, #tpu.memory_space<vmem>> -> memref<50x128xf32, #tpu.memory_space<vmem>>
        tpu.wait_dma2 semaphore(%run_scoped3A : memref<!tpu.dma_semaphore, #tpu.memory_space<semaphore_mem>>) src(%dma_wait3A_132 : memref<50x128xf32, #tpu.memory_space<vmem>>) dst(%dma_wait3A_128 : memref<50x128xf32, #tpu.memory_space<vmem_shared>>)
        tpu.yield
      }) : () -> ()
    } else {
    }
    %barrier3A = arith.constant 0 : index
    tpu.barrier barrier_id(%barrier3A)
    %dma_start3A = arith.constant 0 : i32
    %dma_start3A_11 = arith.constant 0 : i32
    %dma_start3A_12 = arith.constant 0 : i32
    %dma_start3A_13 = arith.constant 0 : i32
    %dma_start3A_14 = tpu.memref_slice %arg8[%dma_start3A_11, %dma_start3A_12, %dma_start3A_13] : memref<4x50x128xf32, #tpu.memory_space<vmem>> -> memref<1x50x128xf32, #tpu.memory_space<vmem>>
    %dma_start3A_15 = tpu.memref_squeeze %dma_start3A_14 : memref<1x50x128xf32, #tpu.memory_space<vmem>> -> memref<50x128xf32, #tpu.memory_space<vmem>>
    %dma_start3A_16 = arith.constant 0 : i32
    %dma_start3A_17 = tpu.memref_slice %arg6[%dma_start3A, %dma_start3A_16] : memref<200x50xi32, #tpu.memory_space<vmem>> -> memref<1x50xi32, #tpu.memory_space<vmem>>
    %dma_start3A_18 = tpu.memref_squeeze %dma_start3A_17 : memref<1x50xi32, #tpu.memory_space<vmem>> -> memref<50xi32, #tpu.memory_space<vmem>>
    %dma_start3A_19 = arith.constant 0 : i32
    %dma_start3A_20 = arith.constant 0 : i32
    %dma_start3A_21 = tpu.memref_slice %arg2[%dma_start3A_19, %dma_start3A_20] : memref<10000x128xf32, #tpu.memory_space<hbm>> -> memref<10000x128xf32, #tpu.memory_space<hbm>>
    tpu.enqueue_indirect_dma source(%dma_start3A_21 : memref<10000x128xf32, #tpu.memory_space<hbm>>) target(%dma_start3A_15 : memref<50x128xf32, #tpu.memory_space<vmem>>) offsets(%dma_start3A_18 : memref<50xi32, #tpu.memory_space<vmem>>) semaphore(%arg10 : memref<!tpu.dma_semaphore, #tpu.memory_space<semaphore_mem>>)
    %dma_start3A_22 = arith.constant 1 : i32
    %dma_start3A_23 = arith.constant 1 : i32
    %dma_start3A_24 = arith.constant 0 : i32
    %dma_start3A_25 = arith.constant 0 : i32
    %dma_start3A_26 = tpu.memref_slice %arg8[%dma_start3A_23, %dma_start3A_24, %dma_start3A_25] : memref<4x50x128xf32, #tpu.memory_space<vmem>> -> memref<1x50x128xf32, #tpu.memory_space<vmem>>
    %dma_start3A_27 = tpu.memref_squeeze %dma_start3A_26 : memref<1x50x128xf32, #tpu.memory_space<vmem>> -> memref<50x128xf32, #tpu.memory_space<vmem>>
    %dma_start3A_28 = arith.constant 0 : i32
    %dma_start3A_29 = tpu.memref_slice %arg6[%dma_start3A_22, %dma_start3A_28] : memref<200x50xi32, #tpu.memory_space<vmem>> -> memref<1x50xi32, #tpu.memory_space<vmem>>
    %dma_start3A_30 = tpu.memref_squeeze %dma_start3A_29 : memref<1x50xi32, #tpu.memory_space<vmem>> -> memref<50xi32, #tpu.memory_space<vmem>>
    %dma_start3A_31 = arith.constant 0 : i32
    %dma_start3A_32 = arith.constant 0 : i32
    %dma_start3A_33 = tpu.memref_slice %arg2[%dma_start3A_31, %dma_start3A_32] : memref<10000x128xf32, #tpu.memory_space<hbm>> -> memref<10000x128xf32, #tpu.memory_space<hbm>>
    tpu.enqueue_indirect_dma source(%dma_start3A_33 : memref<10000x128xf32, #tpu.memory_space<hbm>>) target(%dma_start3A_27 : memref<50x128xf32, #tpu.memory_space<vmem>>) offsets(%dma_start3A_30 : memref<50xi32, #tpu.memory_space<vmem>>) semaphore(%arg11 : memref<!tpu.dma_semaphore, #tpu.memory_space<semaphore_mem>>)
    %dma_start3A_34 = arith.constant 2 : i32
    %dma_start3A_35 = arith.constant 2 : i32
    %dma_start3A_36 = arith.constant 0 : i32
    %dma_start3A_37 = arith.constant 0 : i32
    %dma_start3A_38 = tpu.memref_slice %arg8[%dma_start3A_35, %dma_start3A_36, %dma_start3A_37] : memref<4x50x128xf32, #tpu.memory_space<vmem>> -> memref<1x50x128xf32, #tpu.memory_space<vmem>>
    %dma_start3A_39 = tpu.memref_squeeze %dma_start3A_38 : memref<1x50x128xf32, #tpu.memory_space<vmem>> -> memref<50x128xf32, #tpu.memory_space<vmem>>
    %dma_start3A_40 = arith.constant 0 : i32
    %dma_start3A_41 = tpu.memref_slice %arg6[%dma_start3A_34, %dma_start3A_40] : memref<200x50xi32, #tpu.memory_space<vmem>> -> memref<1x50xi32, #tpu.memory_space<vmem>>
    %dma_start3A_42 = tpu.memref_squeeze %dma_start3A_41 : memref<1x50xi32, #tpu.memory_space<vmem>> -> memref<50xi32, #tpu.memory_space<vmem>>
    %dma_start3A_43 = arith.constant 0 : i32
    %dma_start3A_44 = arith.constant 0 : i32
    %dma_start3A_45 = tpu.memref_slice %arg2[%dma_start3A_43, %dma_start3A_44] : memref<10000x128xf32, #tpu.memory_space<hbm>> -> memref<10000x128xf32, #tpu.memory_space<hbm>>
    tpu.enqueue_indirect_dma source(%dma_start3A_45 : memref<10000x128xf32, #tpu.memory_space<hbm>>) target(%dma_start3A_39 : memref<50x128xf32, #tpu.memory_space<vmem>>) offsets(%dma_start3A_42 : memref<50xi32, #tpu.memory_space<vmem>>) semaphore(%arg12 : memref<!tpu.dma_semaphore, #tpu.memory_space<semaphore_mem>>)
    %dma_start3A_46 = arith.constant 3 : i32
    %dma_start3A_47 = arith.constant 3 : i32
    %dma_start3A_48 = arith.constant 0 : i32
    %dma_start3A_49 = arith.constant 0 : i32
    %dma_start3A_50 = tpu.memref_slice %arg8[%dma_start3A_47, %dma_start3A_48, %dma_start3A_49] : memref<4x50x128xf32, #tpu.memory_space<vmem>> -> memref<1x50x128xf32, #tpu.memory_space<vmem>>
    %dma_start3A_51 = tpu.memref_squeeze %dma_start3A_50 : memref<1x50x128xf32, #tpu.memory_space<vmem>> -> memref<50x128xf32, #tpu.memory_space<vmem>>
    %dma_start3A_52 = arith.constant 0 : i32
    %dma_start3A_53 = tpu.memref_slice %arg6[%dma_start3A_46, %dma_start3A_52] : memref<200x50xi32, #tpu.memory_space<vmem>> -> memref<1x50xi32, #tpu.memory_space<vmem>>
    %dma_start3A_54 = tpu.memref_squeeze %dma_start3A_53 : memref<1x50xi32, #tpu.memory_space<vmem>> -> memref<50xi32, #tpu.memory_space<vmem>>
    %dma_start3A_55 = arith.constant 0 : i32
    %dma_start3A_56 = arith.constant 0 : i32
    %dma_start3A_57 = tpu.memref_slice %arg2[%dma_start3A_55, %dma_start3A_56] : memref<10000x128xf32, #tpu.memory_space<hbm>> -> memref<10000x128xf32, #tpu.memory_space<hbm>>
    tpu.enqueue_indirect_dma source(%dma_start3A_57 : memref<10000x128xf32, #tpu.memory_space<hbm>>) target(%dma_start3A_51 : memref<50x128xf32, #tpu.memory_space<vmem>>) offsets(%dma_start3A_54 : memref<50xi32, #tpu.memory_space<vmem>>) semaphore(%arg13 : memref<!tpu.dma_semaphore, #tpu.memory_space<semaphore_mem>>)
    %scan3A_58 = arith.constant 0 : i32
    %scan3A_59 = arith.constant 0 : i32
    %scan3A_60 = arith.constant 50 : i32
    %scan3A_61 = arith.addi %scan3A_59, %scan3A_60 : i32
    %scan3A_62 = arith.constant 1 : i32
    scf.for %scan3A_70 = %scan3A_59 to %scan3A_61 step %scan3A_62  : i32 {
      %mul3A_71 = arith.constant 4 : i32
      %mul3A_72 = arith.muli %mul3A_71, %scan3A_70 : i32
      %add3A_73 = arith.constant 0 : i32
      %add3A_74 = arith.addi %mul3A_72, %add3A_73 : i32
      %dma_wait3A = arith.constant 0 : i32
      %dma_wait3A_75 = arith.constant 0 : i32
      %dma_wait3A_76 = arith.constant 0 : i32
      %dma_wait3A_77 = tpu.memref_slice %arg8[%dma_wait3A, %dma_wait3A_75, %dma_wait3A_76] : memref<4x50x128xf32, #tpu.memory_space<vmem>> -> memref<1x50x128xf32, #tpu.memory_space<vmem>>
      %dma_wait3A_78 = tpu.memref_squeeze %dma_wait3A_77 : memref<1x50x128xf32, #tpu.memory_space<vmem>> -> memref<50x128xf32, #tpu.memory_space<vmem>>
      %dma_wait3A_79 = arith.constant 0 : i32
      %dma_wait3A_80 = tpu.memref_slice %arg6[%add3A_74, %dma_wait3A_79] : memref<200x50xi32, #tpu.memory_space<vmem>> -> memref<1x50xi32, #tpu.memory_space<vmem>>
      %dma_wait3A_81 = tpu.memref_squeeze %dma_wait3A_80 : memref<1x50xi32, #tpu.memory_space<vmem>> -> memref<50xi32, #tpu.memory_space<vmem>>
      %dma_wait3A_82 = arith.constant 0 : i32
      %dma_wait3A_83 = arith.constant 0 : i32
      %dma_wait3A_84 = tpu.memref_slice %arg2[%dma_wait3A_82, %dma_wait3A_83] : memref<10000x128xf32, #tpu.memory_space<hbm>> -> memref<10000x128xf32, #tpu.memory_space<hbm>>
      tpu.wait_indirect_dma semaphore(%arg10 : memref<!tpu.dma_semaphore, #tpu.memory_space<semaphore_mem>>) src(%dma_wait3A_84 : memref<10000x128xf32, #tpu.memory_space<hbm>>) dst(%dma_wait3A_78 : memref<50x128xf32, #tpu.memory_space<vmem>>)
      %dma_start3A_85 = arith.constant 0 : i32
      %dma_start3A_86 = arith.constant 0 : i32
      %dma_start3A_87 = arith.constant 0 : i32
      %dma_start3A_88 = tpu.memref_slice %arg8[%dma_start3A_85, %dma_start3A_86, %dma_start3A_87] : memref<4x50x128xf32, #tpu.memory_space<vmem>> -> memref<1x50x128xf32, #tpu.memory_space<vmem>>
      %dma_start3A_89 = tpu.memref_squeeze %dma_start3A_88 : memref<1x50x128xf32, #tpu.memory_space<vmem>> -> memref<50x128xf32, #tpu.memory_space<vmem>>
      %dma_start3A_90 = arith.constant 0 : i32
      %dma_start3A_91 = tpu.memref_slice %arg7[%add3A_74, %dma_start3A_90] : memref<200x50xi32, #tpu.memory_space<vmem>> -> memref<1x50xi32, #tpu.memory_space<vmem>>
      %dma_start3A_92 = tpu.memref_squeeze %dma_start3A_91 : memref<1x50xi32, #tpu.memory_space<vmem>> -> memref<50xi32, #tpu.memory_space<vmem>>
      %dma_start3A_93 = arith.constant 0 : i32
      %dma_start3A_94 = arith.constant 0 : i32
      %dma_start3A_95 = tpu.memref_slice %arg9[%dma_start3A_93, %dma_start3A_94] : memref<10000x128xf32, #tpu.memory_space<vmem_shared>> -> memref<10000x128xf32, #tpu.memory_space<vmem_shared>>
      tpu.enqueue_indirect_dma source(%dma_start3A_89 : memref<50x128xf32, #tpu.memory_space<vmem>>) target(%dma_start3A_95 : memref<10000x128xf32, #tpu.memory_space<vmem_shared>>) offsets(%dma_start3A_92 : memref<50xi32, #tpu.memory_space<vmem>>) semaphore(%arg14 : memref<!tpu.dma_semaphore, #tpu.memory_space<semaphore_mem>>) {add = true}
      %add3A_96 = arith.constant 1 : i32
      %add3A_97 = arith.addi %mul3A_72, %add3A_96 : i32
      %dma_wait3A_98 = arith.constant 1 : i32
      %dma_wait3A_99 = arith.constant 0 : i32
      %dma_wait3A_100 = arith.constant 0 : i32
      %dma_wait3A_101 = tpu.memref_slice %arg8[%dma_wait3A_98, %dma_wait3A_99, %dma_wait3A_100] : memref<4x50x128xf32, #tpu.memory_space<vmem>> -> memref<1x50x128xf32, #tpu.memory_space<vmem>>
      %dma_wait3A_102 = tpu.memref_squeeze %dma_wait3A_101 : memref<1x50x128xf32, #tpu.memory_space<vmem>> -> memref<50x128xf32, #tpu.memory_space<vmem>>
      %dma_wait3A_103 = arith.constant 0 : i32
      %dma_wait3A_104 = tpu.memref_slice %arg6[%add3A_97, %dma_wait3A_103] : memref<200x50xi32, #tpu.memory_space<vmem>> -> memref<1x50xi32, #tpu.memory_space<vmem>>
      %dma_wait3A_105 = tpu.memref_squeeze %dma_wait3A_104 : memref<1x50xi32, #tpu.memory_space<vmem>> -> memref<50xi32, #tpu.memory_space<vmem>>
      %dma_wait3A_106 = arith.constant 0 : i32
      %dma_wait3A_107 = arith.constant 0 : i32
      %dma_wait3A_108 = tpu.memref_slice %arg2[%dma_wait3A_106, %dma_wait3A_107] : memref<10000x128xf32, #tpu.memory_space<hbm>> -> memref<10000x128xf32, #tpu.memory_space<hbm>>
      tpu.wait_indirect_dma semaphore(%arg11 : memref<!tpu.dma_semaphore, #tpu.memory_space<semaphore_mem>>) src(%dma_wait3A_108 : memref<10000x128xf32, #tpu.memory_space<hbm>>) dst(%dma_wait3A_102 : memref<50x128xf32, #tpu.memory_space<vmem>>)
      %dma_start3A_109 = arith.constant 1 : i32
      %dma_start3A_110 = arith.constant 0 : i32
      %dma_start3A_111 = arith.constant 0 : i32
      %dma_start3A_112 = tpu.memref_slice %arg8[%dma_start3A_109, %dma_start3A_110, %dma_start3A_111] : memref<4x50x128xf32, #tpu.memory_space<vmem>> -> memref<1x50x128xf32, #tpu.memory_space<vmem>>
      %dma_start3A_113 = tpu.memref_squeeze %dma_start3A_112 : memref<1x50x128xf32, #tpu.memory_space<vmem>> -> memref<50x128xf32, #tpu.memory_space<vmem>>
      %dma_start3A_114 = arith.constant 0 : i32
      %dma_start3A_115 = tpu.memref_slice %arg7[%add3A_97, %dma_start3A_114] : memref<200x50xi32, #tpu.memory_space<vmem>> -> memref<1x50xi32, #tpu.memory_space<vmem>>
      %dma_start3A_116 = tpu.memref_squeeze %dma_start3A_115 : memref<1x50xi32, #tpu.memory_space<vmem>> -> memref<50xi32, #tpu.memory_space<vmem>>
      %dma_start3A_117 = arith.constant 0 : i32
      %dma_start3A_118 = arith.constant 0 : i32
      %dma_start3A_119 = tpu.memref_slice %arg9[%dma_start3A_117, %dma_start3A_118] : memref<10000x128xf32, #tpu.memory_space<vmem_shared>> -> memref<10000x128xf32, #tpu.memory_space<vmem_shared>>
      tpu.enqueue_indirect_dma source(%dma_start3A_113 : memref<50x128xf32, #tpu.memory_space<vmem>>) target(%dma_start3A_119 : memref<10000x128xf32, #tpu.memory_space<vmem_shared>>) offsets(%dma_start3A_116 : memref<50xi32, #tpu.memory_space<vmem>>) semaphore(%arg15 : memref<!tpu.dma_semaphore, #tpu.memory_space<semaphore_mem>>) {add = true}
      %add3A_120 = arith.constant 2 : i32
      %add3A_121 = arith.addi %mul3A_72, %add3A_120 : i32
      %dma_wait3A_122 = arith.constant 2 : i32
      %dma_wait3A_123 = arith.constant 0 : i32
      %dma_wait3A_124 = arith.constant 0 : i32
      %dma_wait3A_125 = tpu.memref_slice %arg8[%dma_wait3A_122, %dma_wait3A_123, %dma_wait3A_124] : memref<4x50x128xf32, #tpu.memory_space<vmem>> -> memref<1x50x128xf32, #tpu.memory_space<vmem>>
      %dma_wait3A_126 = tpu.memref_squeeze %dma_wait3A_125 : memref<1x50x128xf32, #tpu.memory_space<vmem>> -> memref<50x128xf32, #tpu.memory_space<vmem>>
      %dma_wait3A_127 = arith.constant 0 : i32
      %dma_wait3A_128 = tpu.memref_slice %arg6[%add3A_121, %dma_wait3A_127] : memref<200x50xi32, #tpu.memory_space<vmem>> -> memref<1x50xi32, #tpu.memory_space<vmem>>
      %dma_wait3A_129 = tpu.memref_squeeze %dma_wait3A_128 : memref<1x50xi32, #tpu.memory_space<vmem>> -> memref<50xi32, #tpu.memory_space<vmem>>
      %dma_wait3A_130 = arith.constant 0 : i32
      %dma_wait3A_131 = arith.constant 0 : i32
      %dma_wait3A_132 = tpu.memref_slice %arg2[%dma_wait3A_130, %dma_wait3A_131] : memref<10000x128xf32, #tpu.memory_space<hbm>> -> memref<10000x128xf32, #tpu.memory_space<hbm>>
      tpu.wait_indirect_dma semaphore(%arg12 : memref<!tpu.dma_semaphore, #tpu.memory_space<semaphore_mem>>) src(%dma_wait3A_132 : memref<10000x128xf32, #tpu.memory_space<hbm>>) dst(%dma_wait3A_126 : memref<50x128xf32, #tpu.memory_space<vmem>>)
      %dma_start3A_133 = arith.constant 2 : i32
      %dma_start3A_134 = arith.constant 0 : i32
      %dma_start3A_135 = arith.constant 0 : i32
      %dma_start3A_136 = tpu.memref_slice %arg8[%dma_start3A_133, %dma_start3A_134, %dma_start3A_135] : memref<4x50x128xf32, #tpu.memory_space<vmem>> -> memref<1x50x128xf32, #tpu.memory_space<vmem>>
      %dma_start3A_137 = tpu.memref_squeeze %dma_start3A_136 : memref<1x50x128xf32, #tpu.memory_space<vmem>> -> memref<50x128xf32, #tpu.memory_space<vmem>>
      %dma_start3A_138 = arith.constant 0 : i32
      %dma_start3A_139 = tpu.memref_slice %arg7[%add3A_121, %dma_start3A_138] : memref<200x50xi32, #tpu.memory_space<vmem>> -> memref<1x50xi32, #tpu.memory_space<vmem>>
      %dma_start3A_140 = tpu.memref_squeeze %dma_start3A_139 : memref<1x50xi32, #tpu.memory_space<vmem>> -> memref<50xi32, #tpu.memory_space<vmem>>
      %dma_start3A_141 = arith.constant 0 : i32
      %dma_start3A_142 = arith.constant 0 : i32
      %dma_start3A_143 = tpu.memref_slice %arg9[%dma_start3A_141, %dma_start3A_142] : memref<10000x128xf32, #tpu.memory_space<vmem_shared>> -> memref<10000x128xf32, #tpu.memory_space<vmem_shared>>
      tpu.enqueue_indirect_dma source(%dma_start3A_137 : memref<50x128xf32, #tpu.memory_space<vmem>>) target(%dma_start3A_143 : memref<10000x128xf32, #tpu.memory_space<vmem_shared>>) offsets(%dma_start3A_140 : memref<50xi32, #tpu.memory_space<vmem>>) semaphore(%arg16 : memref<!tpu.dma_semaphore, #tpu.memory_space<semaphore_mem>>) {add = true}
      %add3A_144 = arith.constant 3 : i32
      %add3A_145 = arith.addi %mul3A_72, %add3A_144 : i32
      %dma_wait3A_146 = arith.constant 3 : i32
      %dma_wait3A_147 = arith.constant 0 : i32
      %dma_wait3A_148 = arith.constant 0 : i32
      %dma_wait3A_149 = tpu.memref_slice %arg8[%dma_wait3A_146, %dma_wait3A_147, %dma_wait3A_148] : memref<4x50x128xf32, #tpu.memory_space<vmem>> -> memref<1x50x128xf32, #tpu.memory_space<vmem>>
      %dma_wait3A_150 = tpu.memref_squeeze %dma_wait3A_149 : memref<1x50x128xf32, #tpu.memory_space<vmem>> -> memref<50x128xf32, #tpu.memory_space<vmem>>
      %dma_wait3A_151 = arith.constant 0 : i32
      %dma_wait3A_152 = tpu.memref_slice %arg6[%add3A_145, %dma_wait3A_151] : memref<200x50xi32, #tpu.memory_space<vmem>> -> memref<1x50xi32, #tpu.memory_space<vmem>>
      %dma_wait3A_153 = tpu.memref_squeeze %dma_wait3A_152 : memref<1x50xi32, #tpu.memory_space<vmem>> -> memref<50xi32, #tpu.memory_space<vmem>>
      %dma_wait3A_154 = arith.constant 0 : i32
      %dma_wait3A_155 = arith.constant 0 : i32
      %dma_wait3A_156 = tpu.memref_slice %arg2[%dma_wait3A_154, %dma_wait3A_155] : memref<10000x128xf32, #tpu.memory_space<hbm>> -> memref<10000x128xf32, #tpu.memory_space<hbm>>
      tpu.wait_indirect_dma semaphore(%arg13 : memref<!tpu.dma_semaphore, #tpu.memory_space<semaphore_mem>>) src(%dma_wait3A_156 : memref<10000x128xf32, #tpu.memory_space<hbm>>) dst(%dma_wait3A_150 : memref<50x128xf32, #tpu.memory_space<vmem>>)
      %dma_start3A_157 = arith.constant 3 : i32
      %dma_start3A_158 = arith.constant 0 : i32
      %dma_start3A_159 = arith.constant 0 : i32
      %dma_start3A_160 = tpu.memref_slice %arg8[%dma_start3A_157, %dma_start3A_158, %dma_start3A_159] : memref<4x50x128xf32, #tpu.memory_space<vmem>> -> memref<1x50x128xf32, #tpu.memory_space<vmem>>
      %dma_start3A_161 = tpu.memref_squeeze %dma_start3A_160 : memref<1x50x128xf32, #tpu.memory_space<vmem>> -> memref<50x128xf32, #tpu.memory_space<vmem>>
      %dma_start3A_162 = arith.constant 0 : i32
      %dma_start3A_163 = tpu.memref_slice %arg7[%add3A_145, %dma_start3A_162] : memref<200x50xi32, #tpu.memory_space<vmem>> -> memref<1x50xi32, #tpu.memory_space<vmem>>
      %dma_start3A_164 = tpu.memref_squeeze %dma_start3A_163 : memref<1x50xi32, #tpu.memory_space<vmem>> -> memref<50xi32, #tpu.memory_space<vmem>>
      %dma_start3A_165 = arith.constant 0 : i32
      %dma_start3A_166 = arith.constant 0 : i32
      %dma_start3A_167 = tpu.memref_slice %arg9[%dma_start3A_165, %dma_start3A_166] : memref<10000x128xf32, #tpu.memory_space<vmem_shared>> -> memref<10000x128xf32, #tpu.memory_space<vmem_shared>>
      tpu.enqueue_indirect_dma source(%dma_start3A_161 : memref<50x128xf32, #tpu.memory_space<vmem>>) target(%dma_start3A_167 : memref<10000x128xf32, #tpu.memory_space<vmem_shared>>) offsets(%dma_start3A_164 : memref<50xi32, #tpu.memory_space<vmem>>) semaphore(%arg17 : memref<!tpu.dma_semaphore, #tpu.memory_space<semaphore_mem>>) {add = true}
      %add3A_168 = arith.constant 0 : i32
      %add3A_169 = arith.addi %mul3A_72, %add3A_168 : i32
      %add3A_170 = arith.constant 4 : i32
      %add3A_171 = arith.addi %add3A_169, %add3A_170 : i32
      %dma_wait3A_172 = arith.constant 0 : i32
      %dma_wait3A_173 = arith.constant 0 : i32
      %dma_wait3A_174 = arith.constant 0 : i32
      %dma_wait3A_175 = tpu.memref_slice %arg8[%dma_wait3A_172, %dma_wait3A_173, %dma_wait3A_174] : memref<4x50x128xf32, #tpu.memory_space<vmem>> -> memref<1x50x128xf32, #tpu.memory_space<vmem>>
      %dma_wait3A_176 = tpu.memref_squeeze %dma_wait3A_175 : memref<1x50x128xf32, #tpu.memory_space<vmem>> -> memref<50x128xf32, #tpu.memory_space<vmem>>
      %dma_wait3A_177 = arith.constant 0 : i32
      %dma_wait3A_178 = tpu.memref_slice %arg7[%add3A_169, %dma_wait3A_177] : memref<200x50xi32, #tpu.memory_space<vmem>> -> memref<1x50xi32, #tpu.memory_space<vmem>>
      %dma_wait3A_179 = tpu.memref_squeeze %dma_wait3A_178 : memref<1x50xi32, #tpu.memory_space<vmem>> -> memref<50xi32, #tpu.memory_space<vmem>>
      %dma_wait3A_180 = arith.constant 0 : i32
      %dma_wait3A_181 = arith.constant 0 : i32
      %dma_wait3A_182 = tpu.memref_slice %arg9[%dma_wait3A_180, %dma_wait3A_181] : memref<10000x128xf32, #tpu.memory_space<vmem_shared>> -> memref<10000x128xf32, #tpu.memory_space<vmem_shared>>
      tpu.wait_indirect_dma semaphore(%arg14 : memref<!tpu.dma_semaphore, #tpu.memory_space<semaphore_mem>>) src(%dma_wait3A_176 : memref<50x128xf32, #tpu.memory_space<vmem>>) dst(%dma_wait3A_182 : memref<10000x128xf32, #tpu.memory_space<vmem_shared>>)
      %lt3A_183 = arith.constant 200 : i32
      %lt3A_184 = arith.cmpi slt, %add3A_171, %lt3A_183 : i32
      %convert_element_type3A_185 = arith.extui %lt3A_184 : i1 to i32
      %cond3A_186 = arith.constant 0 : i32
      %cond3A_187 = arith.cmpi ne, %convert_element_type3A_185, %cond3A_186 : i32
      scf.if %cond3A_187 {
        %dma_start3A_248 = arith.constant 0 : i32
        %dma_start3A_249 = arith.constant 0 : i32
        %dma_start3A_250 = arith.constant 0 : i32
        %dma_start3A_251 = tpu.memref_slice %arg8[%dma_start3A_248, %dma_start3A_249, %dma_start3A_250] : memref<4x50x128xf32, #tpu.memory_space<vmem>> -> memref<1x50x128xf32, #tpu.memory_space<vmem>>
        %dma_start3A_252 = tpu.memref_squeeze %dma_start3A_251 : memref<1x50x128xf32, #tpu.memory_space<vmem>> -> memref<50x128xf32, #tpu.memory_space<vmem>>
        %dma_start3A_253 = arith.constant 0 : i32
        %dma_start3A_254 = tpu.memref_slice %arg6[%add3A_171, %dma_start3A_253] : memref<200x50xi32, #tpu.memory_space<vmem>> -> memref<1x50xi32, #tpu.memory_space<vmem>>
        %dma_start3A_255 = tpu.memref_squeeze %dma_start3A_254 : memref<1x50xi32, #tpu.memory_space<vmem>> -> memref<50xi32, #tpu.memory_space<vmem>>
        %dma_start3A_256 = arith.constant 0 : i32
        %dma_start3A_257 = arith.constant 0 : i32
        %dma_start3A_258 = tpu.memref_slice %arg2[%dma_start3A_256, %dma_start3A_257] : memref<10000x128xf32, #tpu.memory_space<hbm>> -> memref<10000x128xf32, #tpu.memory_space<hbm>>
        tpu.enqueue_indirect_dma source(%dma_start3A_258 : memref<10000x128xf32, #tpu.memory_space<hbm>>) target(%dma_start3A_252 : memref<50x128xf32, #tpu.memory_space<vmem>>) offsets(%dma_start3A_255 : memref<50xi32, #tpu.memory_space<vmem>>) semaphore(%arg10 : memref<!tpu.dma_semaphore, #tpu.memory_space<semaphore_mem>>)
      } else {
      }
      %add3A_188 = arith.constant 1 : i32
      %add3A_189 = arith.addi %mul3A_72, %add3A_188 : i32
      %add3A_190 = arith.constant 4 : i32
      %add3A_191 = arith.addi %add3A_189, %add3A_190 : i32
      %dma_wait3A_192 = arith.constant 1 : i32
      %dma_wait3A_193 = arith.constant 0 : i32
      %dma_wait3A_194 = arith.constant 0 : i32
      %dma_wait3A_195 = tpu.memref_slice %arg8[%dma_wait3A_192, %dma_wait3A_193, %dma_wait3A_194] : memref<4x50x128xf32, #tpu.memory_space<vmem>> -> memref<1x50x128xf32, #tpu.memory_space<vmem>>
      %dma_wait3A_196 = tpu.memref_squeeze %dma_wait3A_195 : memref<1x50x128xf32, #tpu.memory_space<vmem>> -> memref<50x128xf32, #tpu.memory_space<vmem>>
      %dma_wait3A_197 = arith.constant 0 : i32
      %dma_wait3A_198 = tpu.memref_slice %arg7[%add3A_189, %dma_wait3A_197] : memref<200x50xi32, #tpu.memory_space<vmem>> -> memref<1x50xi32, #tpu.memory_space<vmem>>
      %dma_wait3A_199 = tpu.memref_squeeze %dma_wait3A_198 : memref<1x50xi32, #tpu.memory_space<vmem>> -> memref<50xi32, #tpu.memory_space<vmem>>
      %dma_wait3A_200 = arith.constant 0 : i32
      %dma_wait3A_201 = arith.constant 0 : i32
      %dma_wait3A_202 = tpu.memref_slice %arg9[%dma_wait3A_200, %dma_wait3A_201] : memref<10000x128xf32, #tpu.memory_space<vmem_shared>> -> memref<10000x128xf32, #tpu.memory_space<vmem_shared>>
      tpu.wait_indirect_dma semaphore(%arg15 : memref<!tpu.dma_semaphore, #tpu.memory_space<semaphore_mem>>) src(%dma_wait3A_196 : memref<50x128xf32, #tpu.memory_space<vmem>>) dst(%dma_wait3A_202 : memref<10000x128xf32, #tpu.memory_space<vmem_shared>>)
      %lt3A_203 = arith.constant 200 : i32
      %lt3A_204 = arith.cmpi slt, %add3A_191, %lt3A_203 : i32
      %convert_element_type3A_205 = arith.extui %lt3A_204 : i1 to i32
      %cond3A_206 = arith.constant 0 : i32
      %cond3A_207 = arith.cmpi ne, %convert_element_type3A_205, %cond3A_206 : i32
      scf.if %cond3A_207 {
        %dma_start3A_248 = arith.constant 1 : i32
        %dma_start3A_249 = arith.constant 0 : i32
        %dma_start3A_250 = arith.constant 0 : i32
        %dma_start3A_251 = tpu.memref_slice %arg8[%dma_start3A_248, %dma_start3A_249, %dma_start3A_250] : memref<4x50x128xf32, #tpu.memory_space<vmem>> -> memref<1x50x128xf32, #tpu.memory_space<vmem>>
        %dma_start3A_252 = tpu.memref_squeeze %dma_start3A_251 : memref<1x50x128xf32, #tpu.memory_space<vmem>> -> memref<50x128xf32, #tpu.memory_space<vmem>>
        %dma_start3A_253 = arith.constant 0 : i32
        %dma_start3A_254 = tpu.memref_slice %arg6[%add3A_191, %dma_start3A_253] : memref<200x50xi32, #tpu.memory_space<vmem>> -> memref<1x50xi32, #tpu.memory_space<vmem>>
        %dma_start3A_255 = tpu.memref_squeeze %dma_start3A_254 : memref<1x50xi32, #tpu.memory_space<vmem>> -> memref<50xi32, #tpu.memory_space<vmem>>
        %dma_start3A_256 = arith.constant 0 : i32
        %dma_start3A_257 = arith.constant 0 : i32
        %dma_start3A_258 = tpu.memref_slice %arg2[%dma_start3A_256, %dma_start3A_257] : memref<10000x128xf32, #tpu.memory_space<hbm>> -> memref<10000x128xf32, #tpu.memory_space<hbm>>
        tpu.enqueue_indirect_dma source(%dma_start3A_258 : memref<10000x128xf32, #tpu.memory_space<hbm>>) target(%dma_start3A_252 : memref<50x128xf32, #tpu.memory_space<vmem>>) offsets(%dma_start3A_255 : memref<50xi32, #tpu.memory_space<vmem>>) semaphore(%arg11 : memref<!tpu.dma_semaphore, #tpu.memory_space<semaphore_mem>>)
      } else {
      }
      %add3A_208 = arith.constant 2 : i32
      %add3A_209 = arith.addi %mul3A_72, %add3A_208 : i32
      %add3A_210 = arith.constant 4 : i32
      %add3A_211 = arith.addi %add3A_209, %add3A_210 : i32
      %dma_wait3A_212 = arith.constant 2 : i32
      %dma_wait3A_213 = arith.constant 0 : i32
      %dma_wait3A_214 = arith.constant 0 : i32
      %dma_wait3A_215 = tpu.memref_slice %arg8[%dma_wait3A_212, %dma_wait3A_213, %dma_wait3A_214] : memref<4x50x128xf32, #tpu.memory_space<vmem>> -> memref<1x50x128xf32, #tpu.memory_space<vmem>>
      %dma_wait3A_216 = tpu.memref_squeeze %dma_wait3A_215 : memref<1x50x128xf32, #tpu.memory_space<vmem>> -> memref<50x128xf32, #tpu.memory_space<vmem>>
      %dma_wait3A_217 = arith.constant 0 : i32
      %dma_wait3A_218 = tpu.memref_slice %arg7[%add3A_209, %dma_wait3A_217] : memref<200x50xi32, #tpu.memory_space<vmem>> -> memref<1x50xi32, #tpu.memory_space<vmem>>
      %dma_wait3A_219 = tpu.memref_squeeze %dma_wait3A_218 : memref<1x50xi32, #tpu.memory_space<vmem>> -> memref<50xi32, #tpu.memory_space<vmem>>
      %dma_wait3A_220 = arith.constant 0 : i32
      %dma_wait3A_221 = arith.constant 0 : i32
      %dma_wait3A_222 = tpu.memref_slice %arg9[%dma_wait3A_220, %dma_wait3A_221] : memref<10000x128xf32, #tpu.memory_space<vmem_shared>> -> memref<10000x128xf32, #tpu.memory_space<vmem_shared>>
      tpu.wait_indirect_dma semaphore(%arg16 : memref<!tpu.dma_semaphore, #tpu.memory_space<semaphore_mem>>) src(%dma_wait3A_216 : memref<50x128xf32, #tpu.memory_space<vmem>>) dst(%dma_wait3A_222 : memref<10000x128xf32, #tpu.memory_space<vmem_shared>>)
      %lt3A_223 = arith.constant 200 : i32
      %lt3A_224 = arith.cmpi slt, %add3A_211, %lt3A_223 : i32
      %convert_element_type3A_225 = arith.extui %lt3A_224 : i1 to i32
      %cond3A_226 = arith.constant 0 : i32
      %cond3A_227 = arith.cmpi ne, %convert_element_type3A_225, %cond3A_226 : i32
      scf.if %cond3A_227 {
        %dma_start3A_248 = arith.constant 2 : i32
        %dma_start3A_249 = arith.constant 0 : i32
        %dma_start3A_250 = arith.constant 0 : i32
        %dma_start3A_251 = tpu.memref_slice %arg8[%dma_start3A_248, %dma_start3A_249, %dma_start3A_250] : memref<4x50x128xf32, #tpu.memory_space<vmem>> -> memref<1x50x128xf32, #tpu.memory_space<vmem>>
        %dma_start3A_252 = tpu.memref_squeeze %dma_start3A_251 : memref<1x50x128xf32, #tpu.memory_space<vmem>> -> memref<50x128xf32, #tpu.memory_space<vmem>>
        %dma_start3A_253 = arith.constant 0 : i32
        %dma_start3A_254 = tpu.memref_slice %arg6[%add3A_211, %dma_start3A_253] : memref<200x50xi32, #tpu.memory_space<vmem>> -> memref<1x50xi32, #tpu.memory_space<vmem>>
        %dma_start3A_255 = tpu.memref_squeeze %dma_start3A_254 : memref<1x50xi32, #tpu.memory_space<vmem>> -> memref<50xi32, #tpu.memory_space<vmem>>
        %dma_start3A_256 = arith.constant 0 : i32
        %dma_start3A_257 = arith.constant 0 : i32
        %dma_start3A_258 = tpu.memref_slice %arg2[%dma_start3A_256, %dma_start3A_257] : memref<10000x128xf32, #tpu.memory_space<hbm>> -> memref<10000x128xf32, #tpu.memory_space<hbm>>
        tpu.enqueue_indirect_dma source(%dma_start3A_258 : memref<10000x128xf32, #tpu.memory_space<hbm>>) target(%dma_start3A_252 : memref<50x128xf32, #tpu.memory_space<vmem>>) offsets(%dma_start3A_255 : memref<50xi32, #tpu.memory_space<vmem>>) semaphore(%arg12 : memref<!tpu.dma_semaphore, #tpu.memory_space<semaphore_mem>>)
      } else {
      }
      %add3A_228 = arith.constant 3 : i32
      %add3A_229 = arith.addi %mul3A_72, %add3A_228 : i32
      %add3A_230 = arith.constant 4 : i32
      %add3A_231 = arith.addi %add3A_229, %add3A_230 : i32
      %dma_wait3A_232 = arith.constant 3 : i32
      %dma_wait3A_233 = arith.constant 0 : i32
      %dma_wait3A_234 = arith.constant 0 : i32
      %dma_wait3A_235 = tpu.memref_slice %arg8[%dma_wait3A_232, %dma_wait3A_233, %dma_wait3A_234] : memref<4x50x128xf32, #tpu.memory_space<vmem>> -> memref<1x50x128xf32, #tpu.memory_space<vmem>>
      %dma_wait3A_236 = tpu.memref_squeeze %dma_wait3A_235 : memref<1x50x128xf32, #tpu.memory_space<vmem>> -> memref<50x128xf32, #tpu.memory_space<vmem>>
      %dma_wait3A_237 = arith.constant 0 : i32
      %dma_wait3A_238 = tpu.memref_slice %arg7[%add3A_229, %dma_wait3A_237] : memref<200x50xi32, #tpu.memory_space<vmem>> -> memref<1x50xi32, #tpu.memory_space<vmem>>
      %dma_wait3A_239 = tpu.memref_squeeze %dma_wait3A_238 : memref<1x50xi32, #tpu.memory_space<vmem>> -> memref<50xi32, #tpu.memory_space<vmem>>
      %dma_wait3A_240 = arith.constant 0 : i32
      %dma_wait3A_241 = arith.constant 0 : i32
      %dma_wait3A_242 = tpu.memref_slice %arg9[%dma_wait3A_240, %dma_wait3A_241] : memref<10000x128xf32, #tpu.memory_space<vmem_shared>> -> memref<10000x128xf32, #tpu.memory_space<vmem_shared>>
      tpu.wait_indirect_dma semaphore(%arg17 : memref<!tpu.dma_semaphore, #tpu.memory_space<semaphore_mem>>) src(%dma_wait3A_236 : memref<50x128xf32, #tpu.memory_space<vmem>>) dst(%dma_wait3A_242 : memref<10000x128xf32, #tpu.memory_space<vmem_shared>>)
      %lt3A_243 = arith.constant 200 : i32
      %lt3A_244 = arith.cmpi slt, %add3A_231, %lt3A_243 : i32
      %convert_element_type3A_245 = arith.extui %lt3A_244 : i1 to i32
      %cond3A_246 = arith.constant 0 : i32
      %cond3A_247 = arith.cmpi ne, %convert_element_type3A_245, %cond3A_246 : i32
      scf.if %cond3A_247 {
        %dma_start3A_248 = arith.constant 3 : i32
        %dma_start3A_249 = arith.constant 0 : i32
        %dma_start3A_250 = arith.constant 0 : i32
        %dma_start3A_251 = tpu.memref_slice %arg8[%dma_start3A_248, %dma_start3A_249, %dma_start3A_250] : memref<4x50x128xf32, #tpu.memory_space<vmem>> -> memref<1x50x128xf32, #tpu.memory_space<vmem>>
        %dma_start3A_252 = tpu.memref_squeeze %dma_start3A_251 : memref<1x50x128xf32, #tpu.memory_space<vmem>> -> memref<50x128xf32, #tpu.memory_space<vmem>>
        %dma_start3A_253 = arith.constant 0 : i32
        %dma_start3A_254 = tpu.memref_slice %arg6[%add3A_231, %dma_start3A_253] : memref<200x50xi32, #tpu.memory_space<vmem>> -> memref<1x50xi32, #tpu.memory_space<vmem>>
        %dma_start3A_255 = tpu.memref_squeeze %dma_start3A_254 : memref<1x50xi32, #tpu.memory_space<vmem>> -> memref<50xi32, #tpu.memory_space<vmem>>
        %dma_start3A_256 = arith.constant 0 : i32
        %dma_start3A_257 = arith.constant 0 : i32
        %dma_start3A_258 = tpu.memref_slice %arg2[%dma_start3A_256, %dma_start3A_257] : memref<10000x128xf32, #tpu.memory_space<hbm>> -> memref<10000x128xf32, #tpu.memory_space<hbm>>
        tpu.enqueue_indirect_dma source(%dma_start3A_258 : memref<10000x128xf32, #tpu.memory_space<hbm>>) target(%dma_start3A_252 : memref<50x128xf32, #tpu.memory_space<vmem>>) offsets(%dma_start3A_255 : memref<50xi32, #tpu.memory_space<vmem>>) semaphore(%arg13 : memref<!tpu.dma_semaphore, #tpu.memory_space<semaphore_mem>>)
      } else {
      }
    }
    %scan3A_63 = arith.constant 50 : i32
    %barrier3A_64 = arith.constant 0 : index
    tpu.barrier barrier_id(%barrier3A_64)
    %lt3A_65 = arith.constant 10 : i32
    %lt3A_66 = arith.cmpi slt, %arg1, %lt3A_65 : i32
    %convert_element_type3A_67 = arith.extui %lt3A_66 : i1 to i32
    %cond3A_68 = arith.constant 0 : i32
    %cond3A_69 = arith.cmpi ne, %convert_element_type3A_67, %cond3A_68 : i32
    scf.if %cond3A_69 {
      "tpu.region"() ({
        %run_scoped3A = tpu.sem_alloc : memref<!tpu.dma_semaphore, #tpu.memory_space<semaphore_mem>>
        %dma_start3A_70 = arith.constant 0 : i32
        %dma_start3A_71 = tpu.memref_slice %arg5[%arg0, %mul3A_7, %dma_start3A_70] : memref<2x10000x128xf32, #tpu.memory_space<hbm>> -> memref<1x1000x128xf32, #tpu.memory_space<hbm>>
        %dma_start3A_72 = tpu.memref_squeeze %dma_start3A_71 : memref<1x1000x128xf32, #tpu.memory_space<hbm>> -> memref<1000x128xf32, #tpu.memory_space<hbm>>
        %dma_start3A_73 = arith.constant 0 : i32
        %dma_start3A_74 = tpu.memref_slice %arg9[%mul3A_7, %dma_start3A_73] : memref<10000x128xf32, #tpu.memory_space<vmem_shared>> -> memref<1000x128xf32, #tpu.memory_space<vmem_shared>>
        tpu.enqueue_dma source(%dma_start3A_74 : memref<1000x128xf32, #tpu.memory_space<vmem_shared>>) target(%dma_start3A_72 : memref<1000x128xf32, #tpu.memory_space<hbm>>) target_semaphore(%run_scoped3A : memref<!tpu.dma_semaphore, #tpu.memory_space<semaphore_mem>>)
        %dma_wait3A = arith.constant 0 : i32
        %dma_wait3A_75 = tpu.memref_slice %arg5[%arg0, %mul3A_7, %dma_wait3A] : memref<2x10000x128xf32, #tpu.memory_space<hbm>> -> memref<1x1000x128xf32, #tpu.memory_space<hbm>>
        %dma_wait3A_76 = tpu.memref_squeeze %dma_wait3A_75 : memref<1x1000x128xf32, #tpu.memory_space<hbm>> -> memref<1000x128xf32, #tpu.memory_space<hbm>>
        %dma_wait3A_77 = arith.constant 0 : i32
        %dma_wait3A_78 = tpu.memref_slice %arg9[%mul3A_7, %dma_wait3A_77] : memref<10000x128xf32, #tpu.memory_space<vmem_shared>> -> memref<1000x128xf32, #tpu.memory_space<vmem_shared>>
        tpu.wait_dma2 semaphore(%run_scoped3A : memref<!tpu.dma_semaphore, #tpu.memory_space<semaphore_mem>>) src(%dma_wait3A_78 : memref<1000x128xf32, #tpu.memory_space<vmem_shared>>) dst(%dma_wait3A_76 : memref<1000x128xf32, #tpu.memory_space<hbm>>)
        tpu.yield
      }) : () -> ()
    } else {
    }
    return
  }
}

module attributes {stable_mosaic.version = 14 : i64} {
  func.func @_mm_body(%arg0: memref<10000x128xf32, #tpu.memory_space<vmem>>, %arg1: memref<128x128xf32, #tpu.memory_space<vmem>>, %arg2: memref<10000x128xf32, #tpu.memory_space<vmem>>) attributes {dimension_semantics = [], scalar_prefetch = 0 : i64, scratch_operands = 0 : i64, tpu.core_type = #tpu.core_type<tc>} {
    %get3A = arith.constant 0 : index
    %get3A_0 = arith.constant 0 : index
    %get3A_1 = vector.load %arg0[%get3A, %get3A_0] : memref<10000x128xf32, #tpu.memory_space<vmem>>, vector<10000x128xf32>
    %get3A_2 = arith.constant 0 : index
    %get3A_3 = arith.constant 0 : index
    %get3A_4 = vector.load %arg1[%get3A_2, %get3A_3] : memref<128x128xf32, #tpu.memory_space<vmem>>, vector<128x128xf32>
    %dot_general3A = arith.constant dense<0.000000e+00> : vector<10000x128xf32>
    %dot_general3A_5 = tpu.matmul %get3A_1, %get3A_4, %dot_general3A {dimension_numbers = #tpu.dot_dimension_numbers<[1], [0], [0], [1], [0, 0, 1, 1], [], []>, transpose_lhs_hint = false} : vector<10000x128xf32>, vector<128x128xf32>, vector<10000x128xf32> -> vector<10000x128xf32>
    %swap3A = arith.constant 0 : index
    %swap3A_6 = arith.constant 0 : index
    %swap3A_7 = vector.load %arg2[%swap3A, %swap3A_6] : memref<10000x128xf32, #tpu.memory_space<vmem>>, vector<10000x128xf32>
    tpu.vector_store %arg2[%swap3A, %swap3A_6], %dot_general3A_5 {strides = array<i32>} : memref<10000x128xf32, #tpu.memory_space<vmem>>, vector<10000x128xf32>,
    return
  }
}

module attributes {stable_mosaic.version = 14 : i64} {
  func.func @_prescale_body(%arg0: memref<10000x128xf32, #tpu.memory_space<vmem>>, %arg1: memref<2x10000x16xf32, #tpu.memory_space<vmem>>, %arg2: memref<10000x128xf32, #tpu.memory_space<vmem>>, %arg3: memref<10000x1xf32, #tpu.memory_space<vmem>>, %arg4: memref<10000x1xf32, #tpu.memory_space<vmem>>) attributes {dimension_semantics = [], scalar_prefetch = 0 : i64, scratch_operands = 0 : i64, tpu.core_type = #tpu.core_type<tc>} {
    %get3A = arith.constant 0 : index
    %get3A_0 = arith.constant 0 : index
    %get3A_1 = arith.constant 0 : index
    %get3A_2 = vector.load %arg1[%get3A, %get3A_0, %get3A_1] : memref<2x10000x16xf32, #tpu.memory_space<vmem>>, vector<1x10000x1xf32>
    %get3A_3 = vector.shape_cast %get3A_2 : vector<1x10000x1xf32> to vector<10000x1xf32>
    %get3A_4 = arith.constant 1 : index
    %get3A_5 = arith.constant 0 : index
    %get3A_6 = arith.constant 0 : index
    %get3A_7 = vector.load %arg1[%get3A_4, %get3A_5, %get3A_6] : memref<2x10000x16xf32, #tpu.memory_space<vmem>>, vector<1x10000x1xf32>
    %get3A_8 = vector.shape_cast %get3A_7 : vector<1x10000x1xf32> to vector<10000x1xf32>
    %add3A = arith.addf %get3A_3, %get3A_8 : vector<10000x1xf32>
    %add3A_9 = arith.constant 1.000000e+00 : f32
    %add3A_10 = vector.broadcast %add3A_9 : f32 to vector<10000x1xf32>
    %add3A_11 = arith.addf %add3A, %add3A_10 : vector<10000x1xf32>
    %rsqrt3A = math.rsqrt %add3A_11 : vector<10000x1xf32>
    %get3A_12 = arith.constant 0 : index
    %get3A_13 = arith.constant 0 : index
    %get3A_14 = vector.load %arg0[%get3A_12, %get3A_13] : memref<10000x128xf32, #tpu.memory_space<vmem>>, vector<10000x128xf32>
    %mul3A = vector.broadcast %rsqrt3A : vector<10000x1xf32> to vector<10000x128xf32>
    %mul3A_15 = arith.mulf %mul3A, %get3A_14 : vector<10000x128xf32>
    %swap3A = arith.constant 0 : index
    %swap3A_16 = arith.constant 0 : index
    %swap3A_17 = vector.load %arg2[%swap3A, %swap3A_16] : memref<10000x128xf32, #tpu.memory_space<vmem>>, vector<10000x128xf32>
    tpu.vector_store %arg2[%swap3A, %swap3A_16], %mul3A_15 {strides = array<i32>} : memref<10000x128xf32, #tpu.memory_space<vmem>>, vector<10000x128xf32>,
    %swap3A_18 = arith.constant 0 : index
    %swap3A_19 = arith.constant 0 : index
    %swap3A_20 = vector.load %arg3[%swap3A_18, %swap3A_19] : memref<10000x1xf32, #tpu.memory_space<vmem>>, vector<10000x1xf32>
    tpu.vector_store %arg3[%swap3A_18, %swap3A_19], %rsqrt3A {strides = array<i32>} : memref<10000x1xf32, #tpu.memory_space<vmem>>, vector<10000x1xf32>,
    %max3A = arith.constant 1.000000e+00 : f32
    %max3A_21 = vector.broadcast %max3A : f32 to vector<10000x1xf32>
    %max3A_22 = arith.maximumf %add3A, %max3A_21 : vector<10000x1xf32>
    %div3A = arith.constant 1.000000e+00 : f32
    %div3A_23 = vector.broadcast %div3A : f32 to vector<10000x1xf32>
    %div3A_24 = arith.divf %div3A_23, %max3A_22 : vector<10000x1xf32>
    %swap3A_25 = arith.constant 0 : index
    %swap3A_26 = arith.constant 0 : index
    %swap3A_27 = vector.load %arg4[%swap3A_25, %swap3A_26] : memref<10000x1xf32, #tpu.memory_space<vmem>>, vector<10000x1xf32>
    tpu.vector_store %arg4[%swap3A_25, %swap3A_26], %div3A_24 {strides = array<i32>} : memref<10000x1xf32, #tpu.memory_space<vmem>>, vector<10000x1xf32>,
    return
  }
}

module attributes {stable_mosaic.version = 14 : i64} {
  func.func @_gcn_finish_body(%arg0: memref<2x10000x128xf32, #tpu.memory_space<vmem>>, %arg1: memref<10000x128xf32, #tpu.memory_space<vmem>>, %arg2: memref<10000x1xf32, #tpu.memory_space<vmem>>, %arg3: memref<1x128xf32, #tpu.memory_space<vmem>>, %arg4: memref<10000x128xf32, #tpu.memory_space<vmem>>) attributes {dimension_semantics = [], scalar_prefetch = 0 : i64, scratch_operands = 0 : i64, tpu.core_type = #tpu.core_type<tc>} {
    %get3A = arith.constant 0 : index
    %get3A_0 = arith.constant 0 : index
    %get3A_1 = arith.constant 0 : index
    %get3A_2 = vector.load %arg0[%get3A, %get3A_0, %get3A_1] : memref<2x10000x128xf32, #tpu.memory_space<vmem>>, vector<1x10000x128xf32>
    %get3A_3 = vector.shape_cast %get3A_2 : vector<1x10000x128xf32> to vector<10000x128xf32>
    %get3A_4 = arith.constant 1 : index
    %get3A_5 = arith.constant 0 : index
    %get3A_6 = arith.constant 0 : index
    %get3A_7 = vector.load %arg0[%get3A_4, %get3A_5, %get3A_6] : memref<2x10000x128xf32, #tpu.memory_space<vmem>>, vector<1x10000x128xf32>
    %get3A_8 = vector.shape_cast %get3A_7 : vector<1x10000x128xf32> to vector<10000x128xf32>
    %add3A = arith.addf %get3A_3, %get3A_8 : vector<10000x128xf32>
    %get3A_9 = arith.constant 0 : index
    %get3A_10 = arith.constant 0 : index
    %get3A_11 = vector.load %arg1[%get3A_9, %get3A_10] : memref<10000x128xf32, #tpu.memory_space<vmem>>, vector<10000x128xf32>
    %add3A_12 = arith.addf %add3A, %get3A_11 : vector<10000x128xf32>
    %get3A_13 = arith.constant 0 : index
    %get3A_14 = arith.constant 0 : index
    %get3A_15 = vector.load %arg2[%get3A_13, %get3A_14] : memref<10000x1xf32, #tpu.memory_space<vmem>>, vector<10000x1xf32>
    %mul3A = vector.broadcast %get3A_15 : vector<10000x1xf32> to vector<10000x128xf32>
    %mul3A_16 = arith.mulf %mul3A, %add3A_12 : vector<10000x128xf32>
    %get3A_17 = arith.constant 0 : index
    %get3A_18 = arith.constant 0 : index
    %get3A_19 = vector.load %arg3[%get3A_17, %get3A_18] : memref<1x128xf32, #tpu.memory_space<vmem>>, vector<1x128xf32>
    %add3A_20 = vector.broadcast %get3A_19 : vector<1x128xf32> to vector<10000x128xf32>
    %add3A_21 = arith.addf %mul3A_16, %add3A_20 : vector<10000x128xf32>
    %max3A = arith.constant 0.000000e+00 : f32
    %max3A_22 = vector.broadcast %max3A : f32 to vector<10000x128xf32>
    %max3A_23 = arith.maximumf %add3A_21, %max3A_22 : vector<10000x128xf32>
    %swap3A = arith.constant 0 : index
    %swap3A_24 = arith.constant 0 : index
    %swap3A_25 = vector.load %arg4[%swap3A, %swap3A_24] : memref<10000x128xf32, #tpu.memory_space<vmem>>, vector<10000x128xf32>
    tpu.vector_store %arg4[%swap3A, %swap3A_24], %max3A_23 {strides = array<i32>} : memref<10000x128xf32, #tpu.memory_space<vmem>>, vector<10000x128xf32>,
    return
  }
}

module attributes {stable_mosaic.version = 14 : i64} {
  func.func @_sage_body(%arg0: memref<2x10000x128xf32, #tpu.memory_space<vmem>>, %arg1: memref<10000x128xf32, #tpu.memory_space<vmem>>, %arg2: memref<10000x1xf32, #tpu.memory_space<vmem>>, %arg3: memref<128x128xf32, #tpu.memory_space<vmem>>, %arg4: memref<1x128xf32, #tpu.memory_space<vmem>>, %arg5: memref<128x128xf32, #tpu.memory_space<vmem>>, %arg6: memref<10000x128xf32, #tpu.memory_space<vmem>>) attributes {dimension_semantics = [], scalar_prefetch = 0 : i64, scratch_operands = 0 : i64, tpu.core_type = #tpu.core_type<tc>} {
    %get3A = arith.constant 0 : index
    %get3A_0 = arith.constant 0 : index
    %get3A_1 = arith.constant 0 : index
    %get3A_2 = vector.load %arg0[%get3A, %get3A_0, %get3A_1] : memref<2x10000x128xf32, #tpu.memory_space<vmem>>, vector<1x10000x128xf32>
    %get3A_3 = vector.shape_cast %get3A_2 : vector<1x10000x128xf32> to vector<10000x128xf32>
    %get3A_4 = arith.constant 1 : index
    %get3A_5 = arith.constant 0 : index
    %get3A_6 = arith.constant 0 : index
    %get3A_7 = vector.load %arg0[%get3A_4, %get3A_5, %get3A_6] : memref<2x10000x128xf32, #tpu.memory_space<vmem>>, vector<1x10000x128xf32>
    %get3A_8 = vector.shape_cast %get3A_7 : vector<1x10000x128xf32> to vector<10000x128xf32>
    %add3A = arith.addf %get3A_3, %get3A_8 : vector<10000x128xf32>
    %get3A_9 = arith.constant 0 : index
    %get3A_10 = arith.constant 0 : index
    %get3A_11 = vector.load %arg2[%get3A_9, %get3A_10] : memref<10000x1xf32, #tpu.memory_space<vmem>>, vector<10000x1xf32>
    %mul3A = vector.broadcast %get3A_11 : vector<10000x1xf32> to vector<10000x128xf32>
    %mul3A_12 = arith.mulf %add3A, %mul3A : vector<10000x128xf32>
    %get3A_13 = arith.constant 0 : index
    %get3A_14 = arith.constant 0 : index
    %get3A_15 = vector.load %arg3[%get3A_13, %get3A_14] : memref<128x128xf32, #tpu.memory_space<vmem>>, vector<128x128xf32>
    %dot_general3A = arith.constant dense<0.000000e+00> : vector<10000x128xf32>
    %dot_general3A_16 = tpu.matmul %mul3A_12, %get3A_15, %dot_general3A {dimension_numbers = #tpu.dot_dimension_numbers<[1], [0], [0], [1], [0, 0, 1, 1], [], []>, transpose_lhs_hint = false} : vector<10000x128xf32>, vector<128x128xf32>, vector<10000x128xf32> -> vector<10000x128xf32>
    %get3A_17 = arith.constant 0 : index
    %get3A_18 = arith.constant 0 : index
    %get3A_19 = vector.load %arg4[%get3A_17, %get3A_18] : memref<1x128xf32, #tpu.memory_space<vmem>>, vector<1x128xf32>
    %add3A_20 = vector.broadcast %get3A_19 : vector<1x128xf32> to vector<10000x128xf32>
    %add3A_21 = arith.addf %dot_general3A_16, %add3A_20 : vector<10000x128xf32>
    %get3A_22 = arith.constant 0 : index
    %get3A_23 = arith.constant 0 : index
    %get3A_24 = vector.load %arg1[%get3A_22, %get3A_23] : memref<10000x128xf32, #tpu.memory_space<vmem>>, vector<10000x128xf32>
    %get3A_25 = arith.constant 0 : index
    %get3A_26 = arith.constant 0 : index
    %get3A_27 = vector.load %arg5[%get3A_25, %get3A_26] : memref<128x128xf32, #tpu.memory_space<vmem>>, vector<128x128xf32>
    %dot_general3A_28 = arith.constant dense<0.000000e+00> : vector<10000x128xf32>
    %dot_general3A_29 = tpu.matmul %get3A_24, %get3A_27, %dot_general3A_28 {dimension_numbers = #tpu.dot_dimension_numbers<[1], [0], [0], [1], [0, 0, 1, 1], [], []>, transpose_lhs_hint = false} : vector<10000x128xf32>, vector<128x128xf32>, vector<10000x128xf32> -> vector<10000x128xf32>
    %add3A_30 = arith.addf %add3A_21, %dot_general3A_29 : vector<10000x128xf32>
    %max3A = arith.constant 0.000000e+00 : f32
    %max3A_31 = vector.broadcast %max3A : f32 to vector<10000x128xf32>
    %max3A_32 = arith.maximumf %add3A_30, %max3A_31 : vector<10000x128xf32>
    %swap3A = arith.constant 0 : index
    %swap3A_33 = arith.constant 0 : index
    %swap3A_34 = vector.load %arg6[%swap3A, %swap3A_33] : memref<10000x128xf32, #tpu.memory_space<vmem>>, vector<10000x128xf32>
    tpu.vector_store %arg6[%swap3A, %swap3A_33], %max3A_32 {strides = array<i32>} : memref<10000x128xf32, #tpu.memory_space<vmem>>, vector<10000x128xf32>,
    return
  }
}

</mosaic_0001>

<sc_bundles>
// kernel: kernel.12.cloned.1.call-start
scs
__scs_entry_jumppad:
0x0: {  	(pc) =	sbr.rel $0x88, $3  }
0x1: {  	(tag) =	ssettag $0x0;
	lr =	simm.s32 $0x1  }
0x2: {  	[smem:$0x3F9A] =	sst lr;
	_ =	strace $0xD0000000  }
0x3: {  	_ = 	snop  }
0x4: {  	_ = 	snop  }
0x5: {  	_ = 	snop  }
0x6: {  	_ = 	snop  }
0x7: {  	_ = 	snop  }
__scs_overlays_trampoline_lowered:
0x8: {  	[smem:$0x3FA9] =	sst s0  }
0x9: {  	[smem:$0x3FAA] =	sst s1  }
0xa: {  	[smem:$0x3FAB] =	sst s2  }
0xb: {  	[smem:$0x3FAC] =	sst s3  }
0xc: {  	[smem:$0x3FAD] =	sst s4  }
0xd: {  	[smem:$0x3FAE] =	sst s5  }
0xe: {  	[smem:$0x3FAF] =	sst s6  }
0xf: {  	[smem:$0x3FB0] =	sst s7  }
0x10: {  	[smem:$0x3FB1] =	sst s8  }
0x11: {  	[smem:$0x3FB2] =	sst s9;
	s0 =	simm.s32 @!p0 $0x0  }
0x12: {  	s1 =	sld [smem:$0x3F98];
	s0 =	simm.s32 @p0 $0x1  }
0x13: {  	[smem:$0x3FB3] =	sst s0;
	s0 =	simm.s32 @!p1 $0x0  }
0x14: {  	s2 =	sld [smem:$0x3F97];
	s0 =	simm.s32 @p1 $0x1  }
0x15: {  	[smem:$0x3FB4] =	sst s0;
	s0 =	simm.s32 @!p2 $0x0  }
0x16: {  	s3 =	sld [smem:$0x3FDB];
	s0 =	simm.s32 @p2 $0x1  }
0x17: {  	s4 =	simm.s32 $0x1BF5;
	[smem:$0x3FB6] =	sst s0  }
0x18: {  	s0 =	sld [smem:$0x3F99];
	_ =	swait.ge [sflag:s4], $0x0  }
0x19: {  	s7 =	sld [smem:$0x3F9A]  }
0x1a: {  	s8 =	sadd.s32 $0xFFFFE003, lr  }
0x1b: {  	s9 =	sadd.s32 $0xFFFFFEF7, lr;
	s5 =	simm.s32 $0xFFFFFFFF;
	p2 =	slt.u32 s8, $0xFFFFF086  }
0x1c: {  	p1 =	slt.u32 s9, $0xF7A;
	s5 =	simm.s32 @!p2 $0x0  }
0x1d: {  	s5 =	simm.s32 @p1 $0x1;
	p0 =	seq.s32 s7, s2  }
0x1e: {  	s7 =	smul.u32 @!p0 $0xF7A, s2;
	p2 =	seq.s32 @!p0 s5, $0x0  }
0x1f: {  	s9 =	smul.u32 $0xF7A, s1;
	s8 =	simm.s32 @!p0 $0x1BF5;
	p2 =	por !p2, p0  }
0x20: {  	[sflag:s8] =	ssyncset.s32 @!p0 $0xFFFFF086;
	s6 =	sadd.s32 @!p0 s3, s7;
	s7 =	simm.s32 @!p0 $0x108  }
0x21: {  	s3 =	sadd.s32 s3, s9;
	s6 =	sadd.s32 @!p0 $0x88, s6;
	s7 =	simm.s32 @p2 $0x1082  }
0x22: {  	[simem:s7], [sflag:s8] =	dma.local @!p0 [hbm:s6], $0xF7A  }
0x23: {  	s9 =	sor.u32 $0xD0000000, s2;
	s6 =	simm.s32 $0x108;
	_ =	swait.ge @!p0 [sflag:s8], $0x0  }
0x24: {  	s3 =	sadd.s32 $0x88, s3;
	s6 =	simm.s32 @!p1 $0x1082;
	[sflag:s4] =	ssyncset.s32 $0xFFFFF086  }
0x25: {  	[simem:s6], [sflag:s4] =	dma.local [hbm:s3], $0xF7A  }
0x26: {  	[smem:$0x3F9A] =	sst s1;
	(tag) =	ssettag s2;
	_ =	strace s9  }
0x27: {  	s1 =	sld [smem:$0x3FAA]  }
0x28: {  	s2 =	sld [smem:$0x3FAB]  }
0x29: {  	s4 =	sld [smem:$0x3FAD]  }
0x2a: {  	p0 =	seq.s32 s5, $0x0;
	s5 =	sld [smem:$0x3FAE]  }
0x2b: {  	s6 =	sld [smem:$0x3FAF]  }
0x2c: {  	s7 =	sld [smem:$0x3FB0]  }
0x2d: {  	s3 =	simm.s32 $0x108;
	s8 =	sld [smem:$0x3FB1]  }
0x2e: {  	s3 =	simm.s32 @!p0 $0x1082;
	s9 =	sld [smem:$0x3FB2]  }
0x2f: {  	lr =	sadd.s32 s0, s3;
	s0 =	sld [smem:$0x3FA9]  }
0x30: {  	s3 =	sld [smem:$0x3FAC]  }
0x31: {  	[smem:$0x3FB5] =	sst s10  }
0x32: {  	s10 =	sld [smem:$0x3FB3];
	_ =	sdelay $0x3  }
0x33: {  	p0 =	seq.s32 s10, $0x1;
	s10 =	sld [smem:$0x3FB5];
	_ =	sdelay $0x3  }
0x34: {  	[smem:$0x3FB5] =	sst s10  }
0x35: {  	s10 =	sld [smem:$0x3FB4];
	_ =	sdelay $0x3  }
0x36: {  	p1 =	seq.s32 s10, $0x1;
	s10 =	sld [smem:$0x3FB5];
	_ =	sdelay $0x3  }
0x37: {  	[smem:$0x3FB5] =	sst s10  }
0x38: {  	s10 =	sld [smem:$0x3FB6]  }
0x39: {  	_ = 	snop;
	(pc) =	sbr.ind lr, $3  }
0x3a: {  	_ = 	snop  }
0x3b: {  	_ = 	snop  }
0x3c: {  	p2 =	seq.s32 s10, $0x1;
	s10 =	sld [smem:$0x3FB5]  }
0x3d: {  	_ =	shalt  }
0x3e: {  	_ =	shalt  }
0x3f: {  	_ =	shalt  }
0x40: {  	_ =	shalt  }
0x41: {  	_ =	shalt  }
0x42: {  	_ =	shalt  }
0x43: {  	_ =	shalt  }
0x44: {  	_ =	shalt  }
0x45: {  	_ =	shalt  }
0x46: {  	_ =	shalt  }
0x47: {  	_ =	shalt  }
0x48: {  	_ =	shalt  }
0x49: {  	_ =	shalt  }
0x4a: {  	_ =	shalt  }
0x4b: {  	_ =	shalt  }
0x4c: {  	_ =	shalt  }
0x4d: {  	_ =	shalt  }
0x4e: {  	_ =	shalt  }
0x4f: {  	_ =	shalt  }
0x50: {  	_ =	shalt  }
0x51: {  	_ =	shalt  }
0x52: {  	_ =	shalt  }
0x53: {  	_ =	shalt  }
0x54: {  	_ =	shalt  }
0x55: {  	_ =	shalt  }
0x56: {  	_ =	shalt  }
0x57: {  	_ =	shalt  }
0x58: {  	_ =	shalt  }
0x59: {  	_ =	shalt  }
0x5a: {  	_ =	shalt  }
0x5b: {  	_ =	shalt  }
0x5c: {  	_ =	shalt  }
0x5d: {  	_ =	shalt  }
0x5e: {  	_ =	shalt  }
0x5f: {  	_ =	shalt  }
0x60: {  	_ =	shalt  }
0x61: {  	_ =	shalt  }
0x62: {  	_ =	shalt  }
0x63: {  	_ =	shalt  }
0x64: {  	_ =	shalt  }
0x65: {  	_ =	shalt  }
0x66: {  	_ =	shalt  }
0x67: {  	_ =	shalt  }
0x68: {  	_ =	shalt  }
0x69: {  	_ =	shalt  }
0x6a: {  	_ =	shalt  }
0x6b: {  	_ =	shalt  }
0x6c: {  	_ =	shalt  }
0x6d: {  	_ =	shalt  }
0x6e: {  	_ =	shalt  }
0x6f: {  	_ =	shalt  }
0x70: {  	_ =	shalt  }
0x71: {  	_ =	shalt  }
0x72: {  	_ =	shalt  }
0x73: {  	_ =	shalt  }
0x74: {  	_ =	shalt  }
0x75: {  	_ =	shalt  }
0x76: {  	_ =	shalt  }
0x77: {  	_ =	shalt  }
0x78: {  	_ =	shalt  }
0x79: {  	_ =	shalt  }
0x7a: {  	_ =	shalt  }
0x7b: {  	_ =	shalt  }
0x7c: {  	_ =	shalt  }
0x7d: {  	_ =	shalt  }
0x7e: {  	_ =	shalt  }
0x7f: {  	_ =	shalt  }
0x80: {  	_ =	shalt  }
0x81: {  	_ =	shalt  }
0x82: {  	_ =	shalt  }
0x83: {  	_ =	shalt  }
0x84: {  	_ =	shalt  }
0x85: {  	_ =	shalt  }
0x86: {  	_ =	shalt  }
0x87: {  	_ =	shalt  }
.Lfunc_end0:
.L_simem_size_0:
called_computation.1_lowered:
.L_overlay_start_0:
0x88: {  	s2 =	sld [smem:$0x3FD9]  }
0x89: {  	s3 =	sld [smem:$0x3FFE];
	_ =	sdelay $0x1  }
0x8a: {  	s1 =	srdreg.scid  }
0x8b: {  	s0 =	sand.u32 $0x1, s1  }
0x8c: {  	s17 =	sshll.u32 s0, $0xA;
	s2 =	sadd.s32 s3, s2  }
0x8d: {  	s2 =	sadd.s32 s2, s17  }
0x8e: {  	[smem:$0x3FC1] =	sst s2  }
0x8f: {  	_ = 	snop  }
0x90: {  	s2 =	sld [smem:$0x3FD0];
	(tm) =	ssettm $0x1  }
0x91: {  	s18 =	sld [smem:$0x3FFB];
	_ =	sdelay $0x3  }
0x92: {  	_ =	strace s18  }
0x93: {  	s3 =	sld [smem:$0x3FFC];
	_ =	sdelay $0x3  }
0x94: {  	_ =	strace s3  }
0x95: {  	s3 =	sld [smem:$0x3FFD];
	_ =	sdelay $0x3  }
0x96: {  	_ =	strace s3  }
0x97: {  	_ =	strace $0x8FFFFFFF  }
0x98: {  	s19 =	sld [smem:$0x3FDB];
	_ =	sdelay $0x1  }
0x99: {  	s4 =	simm.s32 $_scs_section_size  }
0x9a: {  	s5 =	simm.s32 $_size__tile_overlayer_lowered;
	s6 =	simm.s32 $_tile_overlayer_lowered  }
0x9b: {  	s22 =	simm.s32 $0x1BFF;
	s21 =	sshll.u32 s6, $0x1;
	s3 =	sadd.s32 s4, s19  }
0x9c: {  	s7 =	simm.s32 $0x0;
	s20 =	sshll.u32 s5, $0x1;
	s5 =	sadd.s32 s21, s3  }
0x9d: {  	[timem:s7], [sflag:s22] =	dma.local [hbm:s5], s20  }
0x9e: {  	_ =	swait.ge [sflag:s22], s20  }
0x9f: {  	s4 =	ssub.s32 $0x0, s20;
	[sflag:s22] =	ssyncset.done $0x0  }
0xa0: {  	[sflag:s22] =	ssyncadd.s32 s4;
	_ =	sdelay $0x1  }
0xa1: {  	s23 =	simm.s32 $0x1B8B  }
0xa2: {  	_ =	swait.ge [sflag:s23], $0x1  }
0xa3: {  	[sflag:s23] =	ssyncset.done $0x0  }
0xa4: {  	s25 =	simm.s32 $0x1B8E;
	s24 =	sld [smem:$0x3FFE];
	[sflag:s23] =	ssyncadd.s32 $0xFFFFFFFF  }
0xa5: {  	s26 =	simm.s32 $execute0_lowered;
	[smem:$0x3FD2] =	sst s25  }
0xa6: {  	s5 =	sshll.u32 s26, $0x1;
	_ =	strace $0x80000049;
	[dreg:$0x1] =	wrdreg $0xFFFFFFFF  }
0xa7: {  	s28 =	simm.s32 $_size_execute0_lowered;
	s3 =	sadd.s32 s3, s5;
	[dreg:$0x0] =	wrdreg $0x0  }
0xa8: {  	s5 =	sshll.u32 s28, $0x1;
	[dreg:$0x2] =	wrdreg s3  }
0xa9: {  	[dreg:$0x3] =	wrdreg s5  }
0xaa: {  	[dreg:$0x4] =	wrdreg $0xC0  }
0xab: {  	_ =	task [dreg:s7], $0x5FFFF  }
0xac: {  	[dreg:$0x1] =	wrdreg $0xFFFFFFFF  }
0xad: {  	[dreg:$0x0] =	wrdreg $0x60  }
0xae: {  	[dreg:$0x2] =	wrdreg s2  }
0xaf: {  	[dreg:$0x3] =	wrdreg s24  }
0xb0: {  	[dreg:$0x4] =	wrdreg $0xBB800  }
0xb1: {  	[dreg:$0x5] =	wrdreg $0x9  }
0xb2: {  	_ =	task.clear_ibuf [dreg:s7], $0x6FFFF;
	_ =	strace $0x90000049  }
0xb3: {  	s29 =	simm.s32 $0x9;
	_ =	strace $0x8000004B  }
0xb4: {  	_ =	swait.ge [sflag:s29], $0x1  }
0xb5: {  	[sflag:s29] =	ssyncadd.s32 $0xFFFFFFFF  }
0xb6: {  	_ =	strace $0x9000004B  }
0xb7: {  	_ =	sfence  }
0xb8: {  	s30 =	sld [smem:$0x0];
	_ =	sdelay $0x2  }
0xb9: {  	s31 =	sshll.u32 s1, $0xD;
	s1 =	sshrl.u32 s1, $0x2  }
0xba: {  	s3 =	sand.u32 $0x4000, s31;
	s1 =	sadd.s32 s1, s30  }
0xbb: {  	s0 =	sor.u32 s3, s0;
	s1 =	sshll.u32 s1, $0x11  }
0xbc: {  	s0 =	sor.u32 s1, s0  }
0xbd: {  	s0 =	sadd.s32 $0x8F2B, s0  }
0xbe: {  	[sflag:s0] =	ssyncadd.remote.s32 $0x1  }
0xbf: {  	_ =	sfence.sel $0xFFFF  }
0xc0: {  	[dreg:$0x0] =	wrdreg $0xFFFFFFFF;
	(pc) =	sbr.abs _section_cstart, $3  }
0xc1: {  	[dreg:$0x1] =	wrdreg $0xFFFFFFFF  }
0xc2: {  	_ =	task.clear_ibuf [dreg:s7], $0x2FFFF;
	_ =	strace $0x9FFFFFFF  }
0xc3: {  	(tm) =	ssettm $0x7FFFFFFF  }
tec
execute0_lowered:
.L_overlay_start_1:
0x0: {  	(tag) =	ssettag $0x1  }
0x1: {  	s2 =	rddreg [dreg:$0x0];
	s10 =	stileid.u32  }
0x2: {  	s1 =	srdreg.scid;
	s8 =	smul.u32 $0x1F400, s10  }
0x3: {  	s0 =	rddreg [dreg:$0x1];
	s1 =	sand.u32 $0x1, s1;
	s7 =	smul.u32 $0x7D000, s10  }
0x4: {  	s3 =	rddreg [dreg:$0x2];
	s4 =	simm.s32 $0x0;
	s6 =	smul.u32 $0x138800, s1  }
0x5: {  	s31 =	simm.s32 $0x9;
	s28 =	simm.s32 $0x0;
	s5 =	sshll.u32 s10, $0x1  }
0x6: {  	[smem:$0x7FF] =	sst s4;
	s24 =	sshrl.u32 s7, $0x2;
	s6 =	sadd.s32 s8, s6  }
0x7: {  	p0 =	sgt.u32 s10, $0x9;
	s22 =	sshrl.u32 s6, $0x3;
	s6 =	sadd.s32 s24, s3  }
0x8: {  	s10 =	simm.s32 $0x56D8;
	s5 =	sor.u32 s1, s5;
	s25 =	sadd.s32 $0x1900, s6  }
0x9: {  	_ =	strace $0x8000004A;
	s26 =	sadd.s32 $0x3200, s6;
	[dreg:$0x4] =	wrdreg s25  }
0xa: {  	s1 =	ssub.s32 $0x2, s1;
	s29 =	sadd.s32 $0x4B00, s6;
	[dreg:$0x5] =	wrdreg s26  }
0xb: {  	s5 =	smul.u32 $0x578, s5;
	s30 =	sadd.s32 $0x6400, s6;
	[dreg:$0x6] =	wrdreg s29  }
0xc: {  	s23 =	sshrl.u32 s1, $0x1;
	s11 =	sadd.s32 $0x7D00, s6;
	[dreg:$0x7] =	wrdreg s30  }
0xd: {  	s1 =	ssub.s32 s1, s23;
	s12 =	sadd.s32 $0x9600, s6;
	[dreg:$0x8] =	wrdreg s11  }
0xe: {  	s8 =	sadd.s32 s8, s3;
	s13 =	sadd.s32 $0xAF00, s6;
	[dreg:$0x9] =	wrdreg s12  }
0xf: {  	s9 =	sadd.s32 s5, s0;
	s14 =	sadd.s32 $0xC800, s6;
	[dreg:$0xa] =	wrdreg s13  }
0x10: {  	s24 =	smax.u32 s1, $0x1;
	s15 =	sadd.s32 $0xE100, s6;
	[dreg:$0xb] =	wrdreg s14  }
0x11: {  	s1 =	simm.s32 $0x8;
	s16 =	sadd.s32 $0xFA00, s6;
	[dreg:$0xc] =	wrdreg s15  }
0x12: {  	s0 =	sadd.s32 s22, s0;
	s17 =	sadd.s32 $0x11300, s6;
	[dreg:$0xd] =	wrdreg s16  }
0x13: {  	s5 =	sadd.s32 $0xE000, s9;
	s18 =	sadd.s32 $0x12C00, s6;
	[dreg:$0xe] =	wrdreg s17  }
0x14: {  	s7 =	sadd.s32 $0x2E00, s9;
	s19 =	sadd.s32 $0x14500, s6;
	[dreg:$0xf] =	wrdreg s18  }
0x15: {  	s20 =	sadd.s32 $0x15E00, s6;
	s21 =	sadd.s32 $0x17700, s6;
	[dreg:$0x10] =	wrdreg s19  }
0x16: {  	s22 =	sadd.s32 $0x19000, s6;
	s9 =	simm.s32 $0x32;
	[dreg:$0x11] =	wrdreg s20  }
0x17: {  	[dreg:$0x12] =	wrdreg s21;
	s23 =	sadd.s32 $0x19000, s0;
	s25 =	sshrl.u32 @!p0 s8, $0x3  }
0x18: {  	[dreg:$0x13] =	wrdreg s22;
	s26 =	sadd.s32 $0x1A900, s6;
	s29 =	sadd.s32 $0x1C200, s6  }
0x19: {  	s30 =	sadd.s32 $0x1DB00, s6;
	s8 =	simm.s32 $0x5780;
	s11 =	simm.s32 $0x7080  }
0x1a: {  	s13 =	simm.s32 $0x8980;
	s15 =	simm.s32 $0xA280;
	s16 =	simm.s32 $0x1  }
0x1b: {  	s17 =	simm.s32 $0x2;
	s18 =	simm.s32 $0x3;
	s19 =	simm.s32 $0x4  }
0x1c: {  	s20 =	simm.s32 $0x5;
	s21 =	simm.s32 $0x6;
	[dreg:$0x14] =	wrdreg s26  }
0x1d: {  	s22 =	simm.s32 $0x7;
	s0 =	simm.s32 $0x56A0;
	[dreg:$0x15] =	wrdreg s29  }
0x1e: {  	v0 =	vimm.f32 $0.0e+00;
	s12 =	simm.s32 $0x5710;
	[dreg:$0x16] =	wrdreg s30;
	s26 =	simm.s32 $0x5748  }
.LBB2_1:
0x1f: {  	[tilespmem:s4], [sflag:$0x9] =	stream.linear.gather [hbm4b:s5+s4], $0x2BC0, $0x38;
	[tilespmem:$0x1F400] =	vst v63  }
0x20: {  	_ =	swait.ge [sflag:s31], $0x2BC0  }
0x21: {  	[sflag:s31] =	ssyncset.done $0x0  }
0x22: {  	s14 =	simm.s32 $0x2BC0;
	[sflag:s31] =	ssyncadd.s32 $0xFFFFD440  }
0x23: {  	[tilespmem:s14], [sflag:$0x9] =	stream.linear.gather [hbm4b:s7+s4], $0x2BC0, $0x38;
	[tilespmem:$0x1F400] =	vst v63  }
0x24: {  	_ =	swait.ge [sflag:s31], $0x2BC0  }
0x25: {  	[sflag:s31] =	ssyncset.done $0x0  }
0x26: {  	s29 =	simm.s32 $0x3C0;
	s14 =	simm.s32 $0x70;
	[sflag:s31] =	ssyncadd.s32 $0xFFFFD440  }
.LBB2_2:
0x27: {  	p1 =	sne.s32 s29, $0x63C0;
	[tilespmem:s14+$0x5780] =	vst v0  }
0x28: {  	[tilespmem:s14+$0x5710] =	vst v0  }
0x29: {  	[tilespmem:s14+$0x5720] =	vst v0  }
.Ltmp0:
0x2a: {  	[tilespmem:s14+$0x5730] =	vst v0;
	(pc) =	sbr.rel @p1 .LBB2_2-.Ltmp0, $4  }
0x2b: {  	[tilespmem:s14+$0x5740] =	vst v0  }
0x2c: {  	[tilespmem:s14+$0x5750] =	vst v0  }
0x2d: {  	[tilespmem:s14+$0x5760] =	vst v0  }
0x2e: {  	[tilespmem:s14+$0x5770] =	vst v0;
	s14 =	sshra.s32 s29, $0x2;
	s29 =	sadd.s32 $0x200, s29  }
0x2f: {  	[tilespmem:s14+$0x5780] =	vst v0  }
0x30: {  	[tilespmem:s14+$0x5710] =	vst v0  }
0x31: {  	[tilespmem:s14+$0x5720] =	vst v0  }
.Ltmp1:
0x32: {  	[tilespmem:s14+$0x5730] =	vst v0;
	(pc) =	sbr.rel @p0 .LBB2_5-.Ltmp1, $4  }
0x33: {  	[tilespmem:s14+$0x5740] =	vst v0  }
0x34: {  	[tilespmem:s14+$0x5750] =	vst v0  }
0x35: {  	[tilespmem:s14+$0x5760] =	vst v0  }
0x36: {  	[tilespmem:s14+$0x5770] =	vst v0  }
0x37: {  	[spmem:s6] =	stream.linear.scatter [tilespmem:s8], [sflag:$0x9], $0x1900, $0x38;
	[tilespmem:$0x1F400] =	vst v63  }
0x38: {  	_ =	swait.ge [sflag:s31], $0x1900  }
0x39: {  	[sflag:s31] =	ssyncset.done $0x0  }
0x3a: {  	s14 =	rddreg [dreg:$0x4];
	[sflag:s31] =	ssyncadd.s32 $0xFFFFE700  }
0x3b: {  	[spmem:s14] =	stream.linear.scatter [tilespmem:s8], [sflag:$0x9], $0x1900, $0x38;
	[tilespmem:$0x1F400] =	vst v63  }
0x3c: {  	_ =	swait.ge [sflag:s31], $0x1900  }
0x3d: {  	[sflag:s31] =	ssyncset.done $0x0  }
0x3e: {  	s29 =	rddreg [dreg:$0x5];
	[sflag:s31] =	ssyncadd.s32 $0xFFFFE700  }
0x3f: {  	[spmem:s29] =	stream.linear.scatter [tilespmem:s8], [sflag:$0x9], $0x1900, $0x38;
	[tilespmem:$0x1F400] =	vst v63  }
0x40: {  	_ =	swait.ge [sflag:s31], $0x1900  }
0x41: {  	[sflag:s31] =	ssyncset.done $0x0  }
0x42: {  	s30 =	rddreg [dreg:$0x6];
	[sflag:s31] =	ssyncadd.s32 $0xFFFFE700  }
0x43: {  	[spmem:s30] =	stream.linear.scatter [tilespmem:s8], [sflag:$0x9], $0x1900, $0x38;
	[tilespmem:$0x1F400] =	vst v63  }
0x44: {  	_ =	swait.ge [sflag:s31], $0x1900  }
0x45: {  	[sflag:s31] =	ssyncset.done $0x0  }
0x46: {  	s29 =	rddreg [dreg:$0x7];
	[sflag:s31] =	ssyncadd.s32 $0xFFFFE700  }
0x47: {  	[spmem:s29] =	stream.linear.scatter [tilespmem:s8], [sflag:$0x9], $0x1900, $0x38;
	[tilespmem:$0x1F400] =	vst v63  }
0x48: {  	_ =	swait.ge [sflag:s31], $0x1900  }
0x49: {  	[sflag:s31] =	ssyncset.done $0x0  }
0x4a: {  	s30 =	rddreg [dreg:$0x8];
	[sflag:s31] =	ssyncadd.s32 $0xFFFFE700  }
0x4b: {  	[spmem:s30] =	stream.linear.scatter [tilespmem:s8], [sflag:$0x9], $0x1900, $0x38;
	[tilespmem:$0x1F400] =	vst v63  }
0x4c: {  	_ =	swait.ge [sflag:s31], $0x1900  }
0x4d: {  	[sflag:s31] =	ssyncset.done $0x0  }
0x4e: {  	s29 =	rddreg [dreg:$0x9];
	[sflag:s31] =	ssyncadd.s32 $0xFFFFE700  }
0x4f: {  	[spmem:s29] =	stream.linear.scatter [tilespmem:s8], [sflag:$0x9], $0x1900, $0x38;
	[tilespmem:$0x1F400] =	vst v63  }
0x50: {  	_ =	swait.ge [sflag:s31], $0x1900  }
0x51: {  	[sflag:s31] =	ssyncset.done $0x0  }
0x52: {  	s30 =	rddreg [dreg:$0xa];
	[sflag:s31] =	ssyncadd.s32 $0xFFFFE700  }
0x53: {  	[spmem:s30] =	stream.linear.scatter [tilespmem:s8], [sflag:$0x9], $0x1900, $0x38;
	[tilespmem:$0x1F400] =	vst v63  }
0x54: {  	_ =	swait.ge [sflag:s31], $0x1900  }
0x55: {  	[sflag:s31] =	ssyncset.done $0x0  }
0x56: {  	s29 =	rddreg [dreg:$0xb];
	[sflag:s31] =	ssyncadd.s32 $0xFFFFE700  }
0x57: {  	[spmem:s29] =	stream.linear.scatter [tilespmem:s8], [sflag:$0x9], $0x1900, $0x38;
	[tilespmem:$0x1F400] =	vst v63  }
0x58: {  	_ =	swait.ge [sflag:s31], $0x1900  }
0x59: {  	[sflag:s31] =	ssyncset.done $0x0  }
0x5a: {  	s30 =	rddreg [dreg:$0xc];
	[sflag:s31] =	ssyncadd.s32 $0xFFFFE700  }
0x5b: {  	[spmem:s30] =	stream.linear.scatter [tilespmem:s8], [sflag:$0x9], $0x1900, $0x38;
	[tilespmem:$0x1F400] =	vst v63  }
0x5c: {  	_ =	swait.ge [sflag:s31], $0x1900  }
0x5d: {  	[sflag:s31] =	ssyncset.done $0x0  }
0x5e: {  	s29 =	rddreg [dreg:$0xd];
	[sflag:s31] =	ssyncadd.s32 $0xFFFFE700  }
0x5f: {  	[spmem:s29] =	stream.linear.scatter [tilespmem:s8], [sflag:$0x9], $0x1900, $0x38;
	[tilespmem:$0x1F400] =	vst v63  }
0x60: {  	_ =	swait.ge [sflag:s31], $0x1900  }
0x61: {  	[sflag:s31] =	ssyncset.done $0x0  }
0x62: {  	s30 =	rddreg [dreg:$0xe];
	[sflag:s31] =	ssyncadd.s32 $0xFFFFE700  }
0x63: {  	[spmem:s30] =	stream.linear.scatter [tilespmem:s8], [sflag:$0x9], $0x1900, $0x38;
	[tilespmem:$0x1F400] =	vst v63  }
0x64: {  	_ =	swait.ge [sflag:s31], $0x1900  }
0x65: {  	[sflag:s31] =	ssyncset.done $0x0  }
0x66: {  	s29 =	rddreg [dreg:$0xf];
	[sflag:s31] =	ssyncadd.s32 $0xFFFFE700  }
0x67: {  	[spmem:s29] =	stream.linear.scatter [tilespmem:s8], [sflag:$0x9], $0x1900, $0x38;
	[tilespmem:$0x1F400] =	vst v63  }
0x68: {  	_ =	swait.ge [sflag:s31], $0x1900  }
0x69: {  	[sflag:s31] =	ssyncset.done $0x0  }
0x6a: {  	s30 =	rddreg [dreg:$0x10];
	[sflag:s31] =	ssyncadd.s32 $0xFFFFE700  }
0x6b: {  	[spmem:s30] =	stream.linear.scatter [tilespmem:s8], [sflag:$0x9], $0x1900, $0x38;
	[tilespmem:$0x1F400] =	vst v63  }
0x6c: {  	_ =	swait.ge [sflag:s31], $0x1900  }
0x6d: {  	[sflag:s31] =	ssyncset.done $0x0  }
0x6e: {  	s29 =	rddreg [dreg:$0x11];
	[sflag:s31] =	ssyncadd.s32 $0xFFFFE700  }
0x6f: {  	[spmem:s29] =	stream.linear.scatter [tilespmem:s8], [sflag:$0x9], $0x1900, $0x38;
	[tilespmem:$0x1F400] =	vst v63  }
0x70: {  	_ =	swait.ge [sflag:s31], $0x1900  }
0x71: {  	[sflag:s31] =	ssyncset.done $0x0  }
0x72: {  	s30 =	rddreg [dreg:$0x12];
	[sflag:s31] =	ssyncadd.s32 $0xFFFFE700  }
0x73: {  	[spmem:s30] =	stream.linear.scatter [tilespmem:s8], [sflag:$0x9], $0x1900, $0x38;
	[tilespmem:$0x1F400] =	vst v63  }
0x74: {  	_ =	swait.ge [sflag:s31], $0x1900  }
0x75: {  	[sflag:s31] =	ssyncset.done $0x0  }
0x76: {  	s29 =	rddreg [dreg:$0x13];
	[sflag:s31] =	ssyncadd.s32 $0xFFFFE700  }
0x77: {  	[spmem:s29] =	stream.linear.scatter [tilespmem:s8], [sflag:$0x9], $0x1900, $0x38;
	[tilespmem:$0x1F400] =	vst v63  }
0x78: {  	_ =	swait.ge [sflag:s31], $0x1900  }
0x79: {  	[sflag:s31] =	ssyncset.done $0x0  }
0x7a: {  	s30 =	rddreg [dreg:$0x14];
	[sflag:s31] =	ssyncadd.s32 $0xFFFFE700  }
0x7b: {  	[spmem:s30] =	stream.linear.scatter [tilespmem:s8], [sflag:$0x9], $0x1900, $0x38;
	[tilespmem:$0x1F400] =	vst v63  }
0x7c: {  	_ =	swait.ge [sflag:s31], $0x1900  }
0x7d: {  	[sflag:s31] =	ssyncset.done $0x0  }
0x7e: {  	s29 =	rddreg [dreg:$0x15];
	[sflag:s31] =	ssyncadd.s32 $0xFFFFE700  }
0x7f: {  	[spmem:s29] =	stream.linear.scatter [tilespmem:s8], [sflag:$0x9], $0x1900, $0x38;
	[tilespmem:$0x1F400] =	vst v63  }
0x80: {  	_ =	swait.ge [sflag:s31], $0x1900  }
0x81: {  	[sflag:s31] =	ssyncset.done $0x0  }
0x82: {  	s30 =	rddreg [dreg:$0x16];
	[sflag:s31] =	ssyncadd.s32 $0xFFFFE700  }
0x83: {  	[spmem:s30] =	stream.linear.scatter [tilespmem:s8], [sflag:$0x9], $0x1900, $0x38;
	[tilespmem:$0x1F400] =	vst v63  }
0x84: {  	_ =	swait.ge [sflag:s31], $0x1900  }
0x85: {  	[sflag:s31] =	ssyncset.done $0x0  }
0x86: {  	[sflag:s31] =	ssyncadd.s32 $0xFFFFE700  }
.LBB2_5:
0x87: {  	[bflag:$0x0] =	sbarrier.arrive $0xFFFF;
	s14 =	simm.s32 $0x0  }
0x88: {  	[tilespmem:s8], [sflag:$0x1] =	stream.indirect.gather [hbm4b:s2+s9], $0x80, s14, s9, $0xb8;
	[tilespmem:$0x1F400] =	vst v63  }
0x89: {  	s30 =	simm.s32 $0x38  }
0x8a: {  	[tilespmem:s11], [sflag:$0x2] =	stream.indirect.gather [hbm4b:s2+s9], $0x80, s30, s9, $0xb8;
	[tilespmem:$0x1F400] =	vst v63  }
0x8b: {  	s30 =	simm.s32 $0x70  }
0x8c: {  	[tilespmem:s13], [sflag:$0x3] =	stream.indirect.gather [hbm4b:s2+s9], $0x80, s30, s9, $0xb8;
	[tilespmem:$0x1F400] =	vst v63  }
0x8d: {  	s30 =	simm.s32 $0xA8  }
0x8e: {  	[tilespmem:s15], [sflag:$0x4] =	stream.indirect.gather [hbm4b:s2+s9], $0x80, s30, s9, $0xb8;
	[tilespmem:$0x1F400] =	vst v63  }
0x8f: {  	_ =	swait.ge [sflag:s16], $0x1900  }
0x90: {  	[sflag:s16] =	ssyncset.done $0x0  }
0x91: {  	s30 =	simm.s32 $0x2BC0;
	[sflag:s16] =	ssyncadd.s32 $0xFFFFE700  }
0x92: {  	[spmem:s3] =	stream.indirect.scatter.add.f32 [tilespmem:s8], [sflag:$0x5], $0x80, s30, s9, $0xb8;
	[tilespmem:$0x1F400] =	vst v63  }
0x93: {  	_ =	swait.ge [sflag:s17], $0x1900  }
0x94: {  	[sflag:s17] =	ssyncset.done $0x0  }
0x95: {  	s30 =	simm.s32 $0x2BF8;
	[sflag:s17] =	ssyncadd.s32 $0xFFFFE700  }
0x96: {  	[spmem:s3] =	stream.indirect.scatter.add.f32 [tilespmem:s11], [sflag:$0x6], $0x80, s30, s9, $0xb8;
	[tilespmem:$0x1F400] =	vst v63  }
0x97: {  	_ =	swait.ge [sflag:s18], $0x1900  }
0x98: {  	[sflag:s18] =	ssyncset.done $0x0  }
0x99: {  	s30 =	simm.s32 $0x2C30;
	[sflag:s18] =	ssyncadd.s32 $0xFFFFE700  }
0x9a: {  	[spmem:s3] =	stream.indirect.scatter.add.f32 [tilespmem:s13], [sflag:$0x7], $0x80, s30, s9, $0xb8;
	[tilespmem:$0x1F400] =	vst v63  }
0x9b: {  	_ =	swait.ge [sflag:s19], $0x1900  }
0x9c: {  	[sflag:s19] =	ssyncset.done $0x0  }
0x9d: {  	s30 =	simm.s32 $0x2C68;
	[sflag:s19] =	ssyncadd.s32 $0xFFFFE700  }
0x9e: {  	[spmem:s3] =	stream.indirect.scatter.add.f32 [tilespmem:s15], [sflag:$0x8], $0x80, s30, s9, $0xb8;
	[tilespmem:$0x1F400] =	vst v63  }
0x9f: {  	_ =	swait.ge [sflag:s20], $0x1900  }
0xa0: {  	[sflag:s20] =	ssyncset.done $0x0  }
0xa1: {  	s30 =	simm.s32 $0xE0;
	[sflag:s20] =	ssyncadd.s32 $0xFFFFE700  }
0xa2: {  	[tilespmem:s8], [sflag:$0x1] =	stream.indirect.gather [hbm4b:s2+s9], $0x80, s30, s9, $0xb8;
	[tilespmem:$0x1F400] =	vst v63  }
0xa3: {  	_ =	swait.ge [sflag:s21], $0x1900  }
0xa4: {  	[sflag:s21] =	ssyncset.done $0x0  }
0xa5: {  	s30 =	simm.s32 $0x118;
	[sflag:s21] =	ssyncadd.s32 $0xFFFFE700  }
0xa6: {  	[tilespmem:s11], [sflag:$0x2] =	stream.indirect.gather [hbm4b:s2+s9], $0x80, s30, s9, $0xb8;
	[tilespmem:$0x1F400] =	vst v63  }
0xa7: {  	_ =	swait.ge [sflag:s22], $0x1900  }
0xa8: {  	[sflag:s22] =	ssyncset.done $0x0  }
0xa9: {  	s30 =	simm.s32 $0x150;
	[sflag:s22] =	ssyncadd.s32 $0xFFFFE700  }
0xaa: {  	[tilespmem:s13], [sflag:$0x3] =	stream.indirect.gather [hbm4b:s2+s9], $0x80, s30, s9, $0xb8;
	[tilespmem:$0x1F400] =	vst v63  }
0xab: {  	_ =	swait.ge [sflag:s1], $0x1900  }
0xac: {  	[sflag:s1] =	ssyncset.done $0x0  }
0xad: {  	s29 =	simm.s32 $0x188;
	s14 =	simm.s32 $0x380;
	[sflag:s1] =	ssyncadd.s32 $0xFFFFE700  }
.LBB2_6:
0xae: {  	[tilespmem:s15], [sflag:$0x4] =	stream.indirect.gather [hbm4b:s2+s9], $0x80, s29, s9, $0xb8;
	[tilespmem:$0x1F400] =	vst v63  }
0xaf: {  	s29 =	smov.u32 s14  }
0xb0: {  	p1 =	sne.s32 s14, $0xA800;
	s14 =	sadd.s32 $0x380, s14;
	_ =	swait.ge [sflag:s16], $0x1900  }
0xb1: {  	s29 =	sshra.s32 s29, $0x2;
	[sflag:s16] =	ssyncset.done $0x0  }
0xb2: {  	s30 =	sadd.s32 $0x2BC0, s29;
	[sflag:s16] =	ssyncadd.s32 $0xFFFFE700  }
0xb3: {  	[spmem:s3] =	stream.indirect.scatter.add.f32 [tilespmem:s8], [sflag:$0x5], $0x80, s30, s9, $0xb8;
	[tilespmem:$0x1F400] =	vst v63  }
0xb4: {  	_ =	swait.ge [sflag:s17], $0x1900  }
0xb5: {  	[sflag:s17] =	ssyncset.done $0x0  }
0xb6: {  	s30 =	sadd.s32 $0x2BF8, s29;
	[sflag:s17] =	ssyncadd.s32 $0xFFFFE700  }
0xb7: {  	[spmem:s3] =	stream.indirect.scatter.add.f32 [tilespmem:s11], [sflag:$0x6], $0x80, s30, s9, $0xb8;
	[tilespmem:$0x1F400] =	vst v63  }
0xb8: {  	_ =	swait.ge [sflag:s18], $0x1900  }
0xb9: {  	[sflag:s18] =	ssyncset.done $0x0  }
0xba: {  	s30 =	sadd.s32 $0x2C30, s29;
	[sflag:s18] =	ssyncadd.s32 $0xFFFFE700  }
0xbb: {  	[spmem:s3] =	stream.indirect.scatter.add.f32 [tilespmem:s13], [sflag:$0x7], $0x80, s30, s9, $0xb8;
	[tilespmem:$0x1F400] =	vst v63  }
0xbc: {  	_ =	swait.ge [sflag:s19], $0x1900  }
0xbd: {  	[sflag:s19] =	ssyncset.done $0x0  }
0xbe: {  	s30 =	sadd.s32 $0x2C68, s29;
	[sflag:s19] =	ssyncadd.s32 $0xFFFFE700  }
0xbf: {  	[spmem:s3] =	stream.indirect.scatter.add.f32 [tilespmem:s15], [sflag:$0x8], $0x80, s30, s9, $0xb8;
	[tilespmem:$0x1F400] =	vst v63  }
0xc0: {  	_ =	swait.ge [sflag:s20], $0x1900  }
0xc1: {  	[sflag:s20] =	ssyncset.done $0x0  }
0xc2: {  	s30 =	sadd.s32 $0xE0, s29;
	[sflag:s20] =	ssyncadd.s32 $0xFFFFE700  }
0xc3: {  	[tilespmem:s8], [sflag:$0x1] =	stream.indirect.gather [hbm4b:s2+s9], $0x80, s30, s9, $0xb8;
	[tilespmem:$0x1F400] =	vst v63  }
0xc4: {  	_ =	swait.ge [sflag:s21], $0x1900  }
0xc5: {  	[sflag:s21] =	ssyncset.done $0x0  }
0xc6: {  	s30 =	sadd.s32 $0x118, s29;
	[sflag:s21] =	ssyncadd.s32 $0xFFFFE700  }
0xc7: {  	[tilespmem:s11], [sflag:$0x2] =	stream.indirect.gather [hbm4b:s2+s9], $0x80, s30, s9, $0xb8;
	[tilespmem:$0x1F400] =	vst v63  }
0xc8: {  	_ =	swait.ge [sflag:s22], $0x1900  }
0xc9: {  	[sflag:s22] =	ssyncset.done $0x0  }
.Ltmp2:
0xca: {  	s30 =	sadd.s32 $0x150, s29;
	[sflag:s22] =	ssyncadd.s32 $0xFFFFE700;
	(pc) =	sbr.rel @p1 .LBB2_6-.Ltmp2, $4  }
0xcb: {  	[tilespmem:s13], [sflag:$0x3] =	stream.indirect.gather [hbm4b:s2+s9], $0x80, s30, s9, $0xb8;
	[tilespmem:$0x1F400] =	vst v63  }
0xcc: {  	_ =	swait.ge [sflag:s1], $0x1900  }
0xcd: {  	[sflag:s1] =	ssyncset.done $0x0  }
0xce: {  	s29 =	sadd.s32 $0x188, s29;
	[sflag:s1] =	ssyncadd.s32 $0xFFFFE700  }
0xcf: {  	[tilespmem:s15], [sflag:$0x4] =	stream.indirect.gather [hbm4b:s2+s9], $0x80, s29, s9, $0xb8;
	[tilespmem:$0x1F400] =	vst v63  }
0xd0: {  	_ =	swait.ge [sflag:s16], $0x1900  }
0xd1: {  	[sflag:s16] =	ssyncset.done $0x0  }
0xd2: {  	[sflag:s16] =	ssyncadd.s32 $0xFFFFE700  }
0xd3: {  	[spmem:s3] =	stream.indirect.scatter.add.f32 [tilespmem:s8], [sflag:$0x5], $0x80, s0, s9, $0xb8;
	[tilespmem:$0x1F400] =	vst v63  }
0xd4: {  	_ =	swait.ge [sflag:s17], $0x1900  }
0xd5: {  	[sflag:s17] =	ssyncset.done $0x0  }
0xd6: {  	[sflag:s17] =	ssyncadd.s32 $0xFFFFE700  }
0xd7: {  	[spmem:s3] =	stream.indirect.scatter.add.f32 [tilespmem:s11], [sflag:$0x6], $0x80, s10, s9, $0xb8;
	[tilespmem:$0x1F400] =	vst v63  }
0xd8: {  	_ =	swait.ge [sflag:s18], $0x1900  }
0xd9: {  	[sflag:s18] =	ssyncset.done $0x0  }
0xda: {  	[sflag:s18] =	ssyncadd.s32 $0xFFFFE700  }
0xdb: {  	[spmem:s3] =	stream.indirect.scatter.add.f32 [tilespmem:s13], [sflag:$0x7], $0x80, s12, s9, $0xb8;
	[tilespmem:$0x1F400] =	vst v63  }
0xdc: {  	_ =	swait.ge [sflag:s19], $0x1900  }
0xdd: {  	[sflag:s19] =	ssyncset.done $0x0  }
0xde: {  	[sflag:s19] =	ssyncadd.s32 $0xFFFFE700  }
0xdf: {  	[spmem:s3] =	stream.indirect.scatter.add.f32 [tilespmem:s15], [sflag:$0x8], $0x80, s26, s9, $0xb8;
	[tilespmem:$0x1F400] =	vst v63  }
0xe0: {  	_ =	swait.ge [sflag:s20], $0x1900  }
0xe1: {  	[sflag:s20] =	ssyncset.done $0x0  }
0xe2: {  	[sflag:s20] =	ssyncadd.s32 $0xFFFFE700  }
0xe3: {  	_ =	swait.ge [sflag:s21], $0x1900  }
0xe4: {  	[sflag:s21] =	ssyncset.done $0x0  }
0xe5: {  	[sflag:s21] =	ssyncadd.s32 $0xFFFFE700  }
0xe6: {  	_ =	swait.ge [sflag:s22], $0x1900  }
0xe7: {  	[sflag:s22] =	ssyncset.done $0x0  }
0xe8: {  	[sflag:s22] =	ssyncadd.s32 $0xFFFFE700  }
0xe9: {  	_ =	swait.ge [sflag:s1], $0x1900  }
0xea: {  	s14 =	stileid.u32;
	[sflag:s1] =	ssyncset.done $0x0  }
0xeb: {  	s28 =	sadd.s32 $0x1, s28;
	s14 =	sshll.u32 @!p0 s14, $0x6;
	[sflag:s1] =	ssyncadd.s32 $0xFFFFE700  }
0xec: {  	p1 =	sne.s32 s28, s24;
	s14 =	sor.u32 @!p0 $0x1C09, s14;
	[bflag:$0x0] =	sbarrier.arrive $0xFFFF  }
0xed: {  	[hbm:s23], [sflag:s14] =	dma.local @!p0 [spmem:s25], $0x3E80  }
.Ltmp3:
0xee: {  	_ = 	snop;
	(pc) =	sbr.rel @p1 .LBB2_1-.Ltmp3, $4  }
0xef: {  	s14 =	simm.s32 @!p0 $0x9  }
0xf0: {  	_ =	swait.ge @!p0 [sflag:s14], $0x3E80  }
0xf1: {  	[sflag:s14] =	ssyncset.done @!p0 $0x0  }
0xf2: {  	[sflag:s14] =	ssyncadd.s32 @!p0 $0xFFFFC180  }
0xf3: {  	_ =	sfence.sel $0x180000  }
0xf4: {  	[bflag:$0x0] =	sbarrier.arrive $0xFFFF  }
0xf5: {  	_ =	strace $0x9000004A  }
0xf6: {  	s0 =	stileid.u32;
	[bflag:$0x2] =	sbarrier.arrive $0xFFFF  }
0xf7: {  	p0 =	sne.s32 s0, $0x0;
	s0 =	rddreg [dreg:$0x3]  }
0xf8: {  	s0 =	sadd.s32 @!p0 $0x100000, s0  }
0xf9: {  	[sflag:s0] =	ssyncadd.tile.s32 @!p0 $0x1;
	_ =	shalt  }
.Lfunc_end2:
_tile_overlayer_lowered:
.L_overlay_start_2:
0xfa: {  	(tag) =	ssettag $0x2  }
0xfb: {  	s0 =	rddreg [dreg:$0x0];
	s2 =	stileid.u32  }
0xfc: {  	s1 =	rddreg [dreg:$0x1];
	p0 =	sne.s32 s2, $0x0  }
0xfd: {  	s3 =	rddreg [dreg:$0x2];
	[bflag:$0x3] =	sbarrier.arrive $0xFFFF;
	s2 =	simm.s32 @!p0 $0x1C09  }
0xfe: {  	[timem:s3], [sflag:s2] =	dma.local @!p0 [hbm:s0], s1  }
0xff: {  	s0 =	simm.s32 @!p0 $0x9  }
0x100: {  	_ =	swait.ge @!p0 [sflag:s0], s1  }
0x101: {  	s1 =	ssub.s32 @!p0 $0x0, s1;
	[sflag:s0] =	ssyncset.done @!p0 $0x0  }
0x102: {  	[sflag:s0] =	ssyncadd.s32 @!p0 s1  }
0x103: {  	[bflag:$0x3] =	sbarrier.arrive $0xFFFF  }
0x104: {  	_ =	shalt  }

// kernel: kernel.15.cloned.1.call-start
scs
__scs_entry_jumppad:
0x0: {  	(pc) =	sbr.rel $0x88, $3  }
0x1: {  	(tag) =	ssettag $0x0;
	lr =	simm.s32 $0x1  }
0x2: {  	[smem:$0x3F9A] =	sst lr;
	_ =	strace $0xD0000000  }
0x3: {  	_ = 	snop  }
0x4: {  	_ = 	snop  }
0x5: {  	_ = 	snop  }
0x6: {  	_ = 	snop  }
0x7: {  	_ = 	snop  }
__scs_overlays_trampoline_lowered:
0x8: {  	[smem:$0x3FA9] =	sst s0  }
0x9: {  	[smem:$0x3FAA] =	sst s1  }
0xa: {  	[smem:$0x3FAB] =	sst s2  }
0xb: {  	[smem:$0x3FAC] =	sst s3  }
0xc: {  	[smem:$0x3FAD] =	sst s4  }
0xd: {  	[smem:$0x3FAE] =	sst s5  }
0xe: {  	[smem:$0x3FAF] =	sst s6  }
0xf: {  	[smem:$0x3FB0] =	sst s7  }
0x10: {  	[smem:$0x3FB1] =	sst s8  }
0x11: {  	[smem:$0x3FB2] =	sst s9;
	s0 =	simm.s32 @!p0 $0x0  }
0x12: {  	s1 =	sld [smem:$0x3F98];
	s0 =	simm.s32 @p0 $0x1  }
0x13: {  	[smem:$0x3FB3] =	sst s0;
	s0 =	simm.s32 @!p1 $0x0  }
0x14: {  	s2 =	sld [smem:$0x3F97];
	s0 =	simm.s32 @p1 $0x1  }
0x15: {  	[smem:$0x3FB4] =	sst s0;
	s0 =	simm.s32 @!p2 $0x0  }
0x16: {  	s3 =	sld [smem:$0x3FDB];
	s0 =	simm.s32 @p2 $0x1  }
0x17: {  	s4 =	simm.s32 $0x1BF5;
	[smem:$0x3FB6] =	sst s0  }
0x18: {  	s0 =	sld [smem:$0x3F99];
	_ =	swait.ge [sflag:s4], $0x0  }
0x19: {  	s7 =	sld [smem:$0x3F9A]  }
0x1a: {  	s8 =	sadd.s32 $0xFFFFE003, lr  }
0x1b: {  	s9 =	sadd.s32 $0xFFFFFEF7, lr;
	s5 =	simm.s32 $0xFFFFFFFF;
	p2 =	slt.u32 s8, $0xFFFFF086  }
0x1c: {  	p1 =	slt.u32 s9, $0xF7A;
	s5 =	simm.s32 @!p2 $0x0  }
0x1d: {  	s5 =	simm.s32 @p1 $0x1;
	p0 =	seq.s32 s7, s2  }
0x1e: {  	s7 =	smul.u32 @!p0 $0xF7A, s2;
	p2 =	seq.s32 @!p0 s5, $0x0  }
0x1f: {  	s9 =	smul.u32 $0xF7A, s1;
	s8 =	simm.s32 @!p0 $0x1BF5;
	p2 =	por !p2, p0  }
0x20: {  	[sflag:s8] =	ssyncset.s32 @!p0 $0xFFFFF086;
	s6 =	sadd.s32 @!p0 s3, s7;
	s7 =	simm.s32 @!p0 $0x108  }
0x21: {  	s3 =	sadd.s32 s3, s9;
	s6 =	sadd.s32 @!p0 $0x88, s6;
	s7 =	simm.s32 @p2 $0x1082  }
0x22: {  	[simem:s7], [sflag:s8] =	dma.local @!p0 [hbm:s6], $0xF7A  }
0x23: {  	s9 =	sor.u32 $0xD0000000, s2;
	s6 =	simm.s32 $0x108;
	_ =	swait.ge @!p0 [sflag:s8], $0x0  }
0x24: {  	s3 =	sadd.s32 $0x88, s3;
	s6 =	simm.s32 @!p1 $0x1082;
	[sflag:s4] =	ssyncset.s32 $0xFFFFF086  }
0x25: {  	[simem:s6], [sflag:s4] =	dma.local [hbm:s3], $0xF7A  }
0x26: {  	[smem:$0x3F9A] =	sst s1;
	(tag) =	ssettag s2;
	_ =	strace s9  }
0x27: {  	s1 =	sld [smem:$0x3FAA]  }
0x28: {  	s2 =	sld [smem:$0x3FAB]  }
0x29: {  	s4 =	sld [smem:$0x3FAD]  }
0x2a: {  	p0 =	seq.s32 s5, $0x0;
	s5 =	sld [smem:$0x3FAE]  }
0x2b: {  	s6 =	sld [smem:$0x3FAF]  }
0x2c: {  	s7 =	sld [smem:$0x3FB0]  }
0x2d: {  	s3 =	simm.s32 $0x108;
	s8 =	sld [smem:$0x3FB1]  }
0x2e: {  	s3 =	simm.s32 @!p0 $0x1082;
	s9 =	sld [smem:$0x3FB2]  }
0x2f: {  	lr =	sadd.s32 s0, s3;
	s0 =	sld [smem:$0x3FA9]  }
0x30: {  	s3 =	sld [smem:$0x3FAC]  }
0x31: {  	[smem:$0x3FB5] =	sst s10  }
0x32: {  	s10 =	sld [smem:$0x3FB3];
	_ =	sdelay $0x3  }
0x33: {  	p0 =	seq.s32 s10, $0x1;
	s10 =	sld [smem:$0x3FB5];
	_ =	sdelay $0x3  }
0x34: {  	[smem:$0x3FB5] =	sst s10  }
0x35: {  	s10 =	sld [smem:$0x3FB4];
	_ =	sdelay $0x3  }
0x36: {  	p1 =	seq.s32 s10, $0x1;
	s10 =	sld [smem:$0x3FB5];
	_ =	sdelay $0x3  }
0x37: {  	[smem:$0x3FB5] =	sst s10  }
0x38: {  	s10 =	sld [smem:$0x3FB6]  }
0x39: {  	_ = 	snop;
	(pc) =	sbr.ind lr, $3  }
0x3a: {  	_ = 	snop  }
0x3b: {  	_ = 	snop  }
0x3c: {  	p2 =	seq.s32 s10, $0x1;
	s10 =	sld [smem:$0x3FB5]  }
0x3d: {  	_ =	shalt  }
0x3e: {  	_ =	shalt  }
0x3f: {  	_ =	shalt  }
0x40: {  	_ =	shalt  }
0x41: {  	_ =	shalt  }
0x42: {  	_ =	shalt  }
0x43: {  	_ =	shalt  }
0x44: {  	_ =	shalt  }
0x45: {  	_ =	shalt  }
0x46: {  	_ =	shalt  }
0x47: {  	_ =	shalt  }
0x48: {  	_ =	shalt  }
0x49: {  	_ =	shalt  }
0x4a: {  	_ =	shalt  }
0x4b: {  	_ =	shalt  }
0x4c: {  	_ =	shalt  }
0x4d: {  	_ =	shalt  }
0x4e: {  	_ =	shalt  }
0x4f: {  	_ =	shalt  }
0x50: {  	_ =	shalt  }
0x51: {  	_ =	shalt  }
0x52: {  	_ =	shalt  }
0x53: {  	_ =	shalt  }
0x54: {  	_ =	shalt  }
0x55: {  	_ =	shalt  }
0x56: {  	_ =	shalt  }
0x57: {  	_ =	shalt  }
0x58: {  	_ =	shalt  }
0x59: {  	_ =	shalt  }
0x5a: {  	_ =	shalt  }
0x5b: {  	_ =	shalt  }
0x5c: {  	_ =	shalt  }
0x5d: {  	_ =	shalt  }
0x5e: {  	_ =	shalt  }
0x5f: {  	_ =	shalt  }
0x60: {  	_ =	shalt  }
0x61: {  	_ =	shalt  }
0x62: {  	_ =	shalt  }
0x63: {  	_ =	shalt  }
0x64: {  	_ =	shalt  }
0x65: {  	_ =	shalt  }
0x66: {  	_ =	shalt  }
0x67: {  	_ =	shalt  }
0x68: {  	_ =	shalt  }
0x69: {  	_ =	shalt  }
0x6a: {  	_ =	shalt  }
0x6b: {  	_ =	shalt  }
0x6c: {  	_ =	shalt  }
0x6d: {  	_ =	shalt  }
0x6e: {  	_ =	shalt  }
0x6f: {  	_ =	shalt  }
0x70: {  	_ =	shalt  }
0x71: {  	_ =	shalt  }
0x72: {  	_ =	shalt  }
0x73: {  	_ =	shalt  }
0x74: {  	_ =	shalt  }
0x75: {  	_ =	shalt  }
0x76: {  	_ =	shalt  }
0x77: {  	_ =	shalt  }
0x78: {  	_ =	shalt  }
0x79: {  	_ =	shalt  }
0x7a: {  	_ =	shalt  }
0x7b: {  	_ =	shalt  }
0x7c: {  	_ =	shalt  }
0x7d: {  	_ =	shalt  }
0x7e: {  	_ =	shalt  }
0x7f: {  	_ =	shalt  }
0x80: {  	_ =	shalt  }
0x81: {  	_ =	shalt  }
0x82: {  	_ =	shalt  }
0x83: {  	_ =	shalt  }
0x84: {  	_ =	shalt  }
0x85: {  	_ =	shalt  }
0x86: {  	_ =	shalt  }
0x87: {  	_ =	shalt  }
.Lfunc_end0:
.L_simem_size_0:
called_computation.2_lowered:
.L_overlay_start_0:
0x88: {  	s2 =	sld [smem:$0x3FD9]  }
0x89: {  	s3 =	sld [smem:$0x3FFE];
	_ =	sdelay $0x1  }
0x8a: {  	s1 =	srdreg.scid  }
0x8b: {  	s0 =	sand.u32 $0x1, s1  }
0x8c: {  	s17 =	sshll.u32 s0, $0xA;
	s2 =	sadd.s32 s3, s2  }
0x8d: {  	s2 =	sadd.s32 s2, s17  }
0x8e: {  	[smem:$0x3FC1] =	sst s2  }
0x8f: {  	_ = 	snop  }
0x90: {  	s2 =	sld [smem:$0x3FD0];
	(tm) =	ssettm $0x1  }
0x91: {  	s18 =	sld [smem:$0x3FFB];
	_ =	sdelay $0x3  }
0x92: {  	_ =	strace s18  }
0x93: {  	s3 =	sld [smem:$0x3FFC];
	_ =	sdelay $0x3  }
0x94: {  	_ =	strace s3  }
0x95: {  	s3 =	sld [smem:$0x3FFD];
	_ =	sdelay $0x3  }
0x96: {  	_ =	strace s3  }
0x97: {  	_ =	strace $0x8FFFFFFF  }
0x98: {  	s19 =	sld [smem:$0x3FDB];
	_ =	sdelay $0x1  }
0x99: {  	s4 =	simm.s32 $_scs_section_size  }
0x9a: {  	s5 =	simm.s32 $_size__tile_overlayer_lowered;
	s6 =	simm.s32 $_tile_overlayer_lowered  }
0x9b: {  	s22 =	simm.s32 $0x1BFF;
	s21 =	sshll.u32 s6, $0x1;
	s3 =	sadd.s32 s4, s19  }
0x9c: {  	s7 =	simm.s32 $0x0;
	s20 =	sshll.u32 s5, $0x1;
	s5 =	sadd.s32 s21, s3  }
0x9d: {  	[timem:s7], [sflag:s22] =	dma.local [hbm:s5], s20  }
0x9e: {  	_ =	swait.ge [sflag:s22], s20  }
0x9f: {  	s4 =	ssub.s32 $0x0, s20;
	[sflag:s22] =	ssyncset.done $0x0  }
0xa0: {  	[sflag:s22] =	ssyncadd.s32 s4;
	_ =	sdelay $0x1  }
0xa1: {  	s23 =	simm.s32 $0x1B8B  }
0xa2: {  	_ =	swait.ge [sflag:s23], $0x1  }
0xa3: {  	[sflag:s23] =	ssyncset.done $0x0  }
0xa4: {  	s25 =	simm.s32 $0x1B8E;
	s24 =	sld [smem:$0x3FFE];
	[sflag:s23] =	ssyncadd.s32 $0xFFFFFFFF  }
0xa5: {  	s26 =	simm.s32 $execute0_lowered;
	[smem:$0x3FD2] =	sst s25  }
0xa6: {  	s5 =	sshll.u32 s26, $0x1;
	_ =	strace $0x8000004C;
	[dreg:$0x1] =	wrdreg $0xFFFFFFFF  }
0xa7: {  	s28 =	simm.s32 $_size_execute0_lowered;
	s3 =	sadd.s32 s3, s5;
	[dreg:$0x0] =	wrdreg $0x0  }
0xa8: {  	s5 =	sshll.u32 s28, $0x1;
	[dreg:$0x2] =	wrdreg s3  }
0xa9: {  	[dreg:$0x3] =	wrdreg s5  }
0xaa: {  	[dreg:$0x4] =	wrdreg $0xC0  }
0xab: {  	_ =	task [dreg:s7], $0x5FFFF  }
0xac: {  	[dreg:$0x1] =	wrdreg $0xFFFFFFFF  }
0xad: {  	[dreg:$0x0] =	wrdreg $0x60  }
0xae: {  	[dreg:$0x2] =	wrdreg s2  }
0xaf: {  	[dreg:$0x3] =	wrdreg s24  }
0xb0: {  	[dreg:$0x4] =	wrdreg $0xBB800  }
0xb1: {  	[dreg:$0x5] =	wrdreg $0x9  }
0xb2: {  	_ =	task.clear_ibuf [dreg:s7], $0x6FFFF;
	_ =	strace $0x9000004C  }
0xb3: {  	s29 =	simm.s32 $0x9;
	_ =	strace $0x8000004E  }
0xb4: {  	_ =	swait.ge [sflag:s29], $0x1  }
0xb5: {  	[sflag:s29] =	ssyncadd.s32 $0xFFFFFFFF  }
0xb6: {  	_ =	strace $0x9000004E  }
0xb7: {  	_ =	sfence  }
0xb8: {  	s30 =	sld [smem:$0x0];
	_ =	sdelay $0x2  }
0xb9: {  	s31 =	sshll.u32 s1, $0xD;
	s1 =	sshrl.u32 s1, $0x2  }
0xba: {  	s3 =	sand.u32 $0x4000, s31;
	s1 =	sadd.s32 s1, s30  }
0xbb: {  	s0 =	sor.u32 s3, s0;
	s1 =	sshll.u32 s1, $0x11  }
0xbc: {  	s0 =	sor.u32 s1, s0  }
0xbd: {  	s0 =	sadd.s32 $0x8F2B, s0  }
0xbe: {  	[sflag:s0] =	ssyncadd.remote.s32 $0x1  }
0xbf: {  	_ =	sfence.sel $0xFFFF  }
0xc0: {  	[dreg:$0x0] =	wrdreg $0xFFFFFFFF;
	(pc) =	sbr.abs _section_cstart, $3  }
0xc1: {  	[dreg:$0x1] =	wrdreg $0xFFFFFFFF  }
0xc2: {  	_ =	task.clear_ibuf [dreg:s7], $0x2FFFF;
	_ =	strace $0x9FFFFFFF  }
0xc3: {  	(tm) =	ssettm $0x7FFFFFFF  }
tec
execute0_lowered:
.L_overlay_start_1:
0x0: {  	(tag) =	ssettag $0x1  }
0x1: {  	s2 =	rddreg [dreg:$0x0];
	s10 =	stileid.u32  }
0x2: {  	s1 =	srdreg.scid;
	s8 =	smul.u32 $0x1F400, s10  }
0x3: {  	s0 =	rddreg [dreg:$0x1];
	s1 =	sand.u32 $0x1, s1;
	s7 =	smul.u32 $0x7D000, s10  }
0x4: {  	s3 =	rddreg [dreg:$0x2];
	s4 =	simm.s32 $0x0;
	s6 =	smul.u32 $0x138800, s1  }
0x5: {  	s31 =	simm.s32 $0x9;
	s28 =	simm.s32 $0x0;
	s5 =	sshll.u32 s10, $0x1  }
0x6: {  	[smem:$0x7FF] =	sst s4;
	s24 =	sshrl.u32 s7, $0x2;
	s6 =	sadd.s32 s8, s6  }
0x7: {  	p0 =	sgt.u32 s10, $0x9;
	s22 =	sshrl.u32 s6, $0x3;
	s6 =	sadd.s32 s24, s3  }
0x8: {  	s10 =	simm.s32 $0x56D8;
	s5 =	sor.u32 s1, s5;
	s25 =	sadd.s32 $0x1900, s6  }
0x9: {  	_ =	strace $0x8000004D;
	s26 =	sadd.s32 $0x3200, s6;
	[dreg:$0x4] =	wrdreg s25  }
0xa: {  	s1 =	ssub.s32 $0x2, s1;
	s29 =	sadd.s32 $0x4B00, s6;
	[dreg:$0x5] =	wrdreg s26  }
0xb: {  	s5 =	smul.u32 $0x578, s5;
	s30 =	sadd.s32 $0x6400, s6;
	[dreg:$0x6] =	wrdreg s29  }
0xc: {  	s23 =	sshrl.u32 s1, $0x1;
	s11 =	sadd.s32 $0x7D00, s6;
	[dreg:$0x7] =	wrdreg s30  }
0xd: {  	s1 =	ssub.s32 s1, s23;
	s12 =	sadd.s32 $0x9600, s6;
	[dreg:$0x8] =	wrdreg s11  }
0xe: {  	s8 =	sadd.s32 s8, s3;
	s13 =	sadd.s32 $0xAF00, s6;
	[dreg:$0x9] =	wrdreg s12  }
0xf: {  	s9 =	sadd.s32 s5, s0;
	s14 =	sadd.s32 $0xC800, s6;
	[dreg:$0xa] =	wrdreg s13  }
0x10: {  	s24 =	smax.u32 s1, $0x1;
	s15 =	sadd.s32 $0xE100, s6;
	[dreg:$0xb] =	wrdreg s14  }
0x11: {  	s1 =	simm.s32 $0x8;
	s16 =	sadd.s32 $0xFA00, s6;
	[dreg:$0xc] =	wrdreg s15  }
0x12: {  	s0 =	sadd.s32 s22, s0;
	s17 =	sadd.s32 $0x11300, s6;
	[dreg:$0xd] =	wrdreg s16  }
0x13: {  	s5 =	sadd.s32 $0xE000, s9;
	s18 =	sadd.s32 $0x12C00, s6;
	[dreg:$0xe] =	wrdreg s17  }
0x14: {  	s7 =	sadd.s32 $0x2E00, s9;
	s19 =	sadd.s32 $0x14500, s6;
	[dreg:$0xf] =	wrdreg s18  }
0x15: {  	s20 =	sadd.s32 $0x15E00, s6;
	s21 =	sadd.s32 $0x17700, s6;
	[dreg:$0x10] =	wrdreg s19  }
0x16: {  	s22 =	sadd.s32 $0x19000, s6;
	s9 =	simm.s32 $0x32;
	[dreg:$0x11] =	wrdreg s20  }
0x17: {  	[dreg:$0x12] =	wrdreg s21;
	s23 =	sadd.s32 $0x19000, s0;
	s25 =	sshrl.u32 @!p0 s8, $0x3  }
0x18: {  	[dreg:$0x13] =	wrdreg s22;
	s26 =	sadd.s32 $0x1A900, s6;
	s29 =	sadd.s32 $0x1C200, s6  }
0x19: {  	s30 =	sadd.s32 $0x1DB00, s6;
	s8 =	simm.s32 $0x5780;
	s11 =	simm.s32 $0x7080  }
0x1a: {  	s13 =	simm.s32 $0x8980;
	s15 =	simm.s32 $0xA280;
	s16 =	simm.s32 $0x1  }
0x1b: {  	s17 =	simm.s32 $0x2;
	s18 =	simm.s32 $0x3;
	s19 =	simm.s32 $0x4  }
0x1c: {  	s20 =	simm.s32 $0x5;
	s21 =	simm.s32 $0x6;
	[dreg:$0x14] =	wrdreg s26  }
0x1d: {  	s22 =	simm.s32 $0x7;
	s0 =	simm.s32 $0x56A0;
	[dreg:$0x15] =	wrdreg s29  }
0x1e: {  	v0 =	vimm.f32 $0.0e+00;
	s12 =	simm.s32 $0x5710;
	[dreg:$0x16] =	wrdreg s30;
	s26 =	simm.s32 $0x5748  }
.LBB2_1:
0x1f: {  	[tilespmem:s4], [sflag:$0x9] =	stream.linear.gather [hbm4b:s5+s4], $0x2BC0, $0x38;
	[tilespmem:$0x1F400] =	vst v63  }
0x20: {  	_ =	swait.ge [sflag:s31], $0x2BC0  }
0x21: {  	[sflag:s31] =	ssyncset.done $0x0  }
0x22: {  	s14 =	simm.s32 $0x2BC0;
	[sflag:s31] =	ssyncadd.s32 $0xFFFFD440  }
0x23: {  	[tilespmem:s14], [sflag:$0x9] =	stream.linear.gather [hbm4b:s7+s4], $0x2BC0, $0x38;
	[tilespmem:$0x1F400] =	vst v63  }
0x24: {  	_ =	swait.ge [sflag:s31], $0x2BC0  }
0x25: {  	[sflag:s31] =	ssyncset.done $0x0  }
0x26: {  	s29 =	simm.s32 $0x3C0;
	s14 =	simm.s32 $0x70;
	[sflag:s31] =	ssyncadd.s32 $0xFFFFD440  }
.LBB2_2:
0x27: {  	p1 =	sne.s32 s29, $0x63C0;
	[tilespmem:s14+$0x5780] =	vst v0  }
0x28: {  	[tilespmem:s14+$0x5710] =	vst v0  }
0x29: {  	[tilespmem:s14+$0x5720] =	vst v0  }
.Ltmp0:
0x2a: {  	[tilespmem:s14+$0x5730] =	vst v0;
	(pc) =	sbr.rel @p1 .LBB2_2-.Ltmp0, $4  }
0x2b: {  	[tilespmem:s14+$0x5740] =	vst v0  }
0x2c: {  	[tilespmem:s14+$0x5750] =	vst v0  }
0x2d: {  	[tilespmem:s14+$0x5760] =	vst v0  }
0x2e: {  	[tilespmem:s14+$0x5770] =	vst v0;
	s14 =	sshra.s32 s29, $0x2;
	s29 =	sadd.s32 $0x200, s29  }
0x2f: {  	[tilespmem:s14+$0x5780] =	vst v0  }
0x30: {  	[tilespmem:s14+$0x5710] =	vst v0  }
0x31: {  	[tilespmem:s14+$0x5720] =	vst v0  }
.Ltmp1:
0x32: {  	[tilespmem:s14+$0x5730] =	vst v0;
	(pc) =	sbr.rel @p0 .LBB2_5-.Ltmp1, $4  }
0x33: {  	[tilespmem:s14+$0x5740] =	vst v0  }
0x34: {  	[tilespmem:s14+$0x5750] =	vst v0  }
0x35: {  	[tilespmem:s14+$0x5760] =	vst v0  }
0x36: {  	[tilespmem:s14+$0x5770] =	vst v0  }
0x37: {  	[spmem:s6] =	stream.linear.scatter [tilespmem:s8], [sflag:$0x9], $0x1900, $0x38;
	[tilespmem:$0x1F400] =	vst v63  }
0x38: {  	_ =	swait.ge [sflag:s31], $0x1900  }
0x39: {  	[sflag:s31] =	ssyncset.done $0x0  }
0x3a: {  	s14 =	rddreg [dreg:$0x4];
	[sflag:s31] =	ssyncadd.s32 $0xFFFFE700  }
0x3b: {  	[spmem:s14] =	stream.linear.scatter [tilespmem:s8], [sflag:$0x9], $0x1900, $0x38;
	[tilespmem:$0x1F400] =	vst v63  }
0x3c: {  	_ =	swait.ge [sflag:s31], $0x1900  }
0x3d: {  	[sflag:s31] =	ssyncset.done $0x0  }
0x3e: {  	s29 =	rddreg [dreg:$0x5];
	[sflag:s31] =	ssyncadd.s32 $0xFFFFE700  }
0x3f: {  	[spmem:s29] =	stream.linear.scatter [tilespmem:s8], [sflag:$0x9], $0x1900, $0x38;
	[tilespmem:$0x1F400] =	vst v63  }
0x40: {  	_ =	swait.ge [sflag:s31], $0x1900  }
0x41: {  	[sflag:s31] =	ssyncset.done $0x0  }
0x42: {  	s30 =	rddreg [dreg:$0x6];
	[sflag:s31] =	ssyncadd.s32 $0xFFFFE700  }
0x43: {  	[spmem:s30] =	stream.linear.scatter [tilespmem:s8], [sflag:$0x9], $0x1900, $0x38;
	[tilespmem:$0x1F400] =	vst v63  }
0x44: {  	_ =	swait.ge [sflag:s31], $0x1900  }
0x45: {  	[sflag:s31] =	ssyncset.done $0x0  }
0x46: {  	s29 =	rddreg [dreg:$0x7];
	[sflag:s31] =	ssyncadd.s32 $0xFFFFE700  }
0x47: {  	[spmem:s29] =	stream.linear.scatter [tilespmem:s8], [sflag:$0x9], $0x1900, $0x38;
	[tilespmem:$0x1F400] =	vst v63  }
0x48: {  	_ =	swait.ge [sflag:s31], $0x1900  }
0x49: {  	[sflag:s31] =	ssyncset.done $0x0  }
0x4a: {  	s30 =	rddreg [dreg:$0x8];
	[sflag:s31] =	ssyncadd.s32 $0xFFFFE700  }
0x4b: {  	[spmem:s30] =	stream.linear.scatter [tilespmem:s8], [sflag:$0x9], $0x1900, $0x38;
	[tilespmem:$0x1F400] =	vst v63  }
0x4c: {  	_ =	swait.ge [sflag:s31], $0x1900  }
0x4d: {  	[sflag:s31] =	ssyncset.done $0x0  }
0x4e: {  	s29 =	rddreg [dreg:$0x9];
	[sflag:s31] =	ssyncadd.s32 $0xFFFFE700  }
0x4f: {  	[spmem:s29] =	stream.linear.scatter [tilespmem:s8], [sflag:$0x9], $0x1900, $0x38;
	[tilespmem:$0x1F400] =	vst v63  }
0x50: {  	_ =	swait.ge [sflag:s31], $0x1900  }
0x51: {  	[sflag:s31] =	ssyncset.done $0x0  }
0x52: {  	s30 =	rddreg [dreg:$0xa];
	[sflag:s31] =	ssyncadd.s32 $0xFFFFE700  }
0x53: {  	[spmem:s30] =	stream.linear.scatter [tilespmem:s8], [sflag:$0x9], $0x1900, $0x38;
	[tilespmem:$0x1F400] =	vst v63  }
0x54: {  	_ =	swait.ge [sflag:s31], $0x1900  }
0x55: {  	[sflag:s31] =	ssyncset.done $0x0  }
0x56: {  	s29 =	rddreg [dreg:$0xb];
	[sflag:s31] =	ssyncadd.s32 $0xFFFFE700  }
0x57: {  	[spmem:s29] =	stream.linear.scatter [tilespmem:s8], [sflag:$0x9], $0x1900, $0x38;
	[tilespmem:$0x1F400] =	vst v63  }
0x58: {  	_ =	swait.ge [sflag:s31], $0x1900  }
0x59: {  	[sflag:s31] =	ssyncset.done $0x0  }
0x5a: {  	s30 =	rddreg [dreg:$0xc];
	[sflag:s31] =	ssyncadd.s32 $0xFFFFE700  }
0x5b: {  	[spmem:s30] =	stream.linear.scatter [tilespmem:s8], [sflag:$0x9], $0x1900, $0x38;
	[tilespmem:$0x1F400] =	vst v63  }
0x5c: {  	_ =	swait.ge [sflag:s31], $0x1900  }
0x5d: {  	[sflag:s31] =	ssyncset.done $0x0  }
0x5e: {  	s29 =	rddreg [dreg:$0xd];
	[sflag:s31] =	ssyncadd.s32 $0xFFFFE700  }
0x5f: {  	[spmem:s29] =	stream.linear.scatter [tilespmem:s8], [sflag:$0x9], $0x1900, $0x38;
	[tilespmem:$0x1F400] =	vst v63  }
0x60: {  	_ =	swait.ge [sflag:s31], $0x1900  }
0x61: {  	[sflag:s31] =	ssyncset.done $0x0  }
0x62: {  	s30 =	rddreg [dreg:$0xe];
	[sflag:s31] =	ssyncadd.s32 $0xFFFFE700  }
0x63: {  	[spmem:s30] =	stream.linear.scatter [tilespmem:s8], [sflag:$0x9], $0x1900, $0x38;
	[tilespmem:$0x1F400] =	vst v63  }
0x64: {  	_ =	swait.ge [sflag:s31], $0x1900  }
0x65: {  	[sflag:s31] =	ssyncset.done $0x0  }
0x66: {  	s29 =	rddreg [dreg:$0xf];
	[sflag:s31] =	ssyncadd.s32 $0xFFFFE700  }
0x67: {  	[spmem:s29] =	stream.linear.scatter [tilespmem:s8], [sflag:$0x9], $0x1900, $0x38;
	[tilespmem:$0x1F400] =	vst v63  }
0x68: {  	_ =	swait.ge [sflag:s31], $0x1900  }
0x69: {  	[sflag:s31] =	ssyncset.done $0x0  }
0x6a: {  	s30 =	rddreg [dreg:$0x10];
	[sflag:s31] =	ssyncadd.s32 $0xFFFFE700  }
0x6b: {  	[spmem:s30] =	stream.linear.scatter [tilespmem:s8], [sflag:$0x9], $0x1900, $0x38;
	[tilespmem:$0x1F400] =	vst v63  }
0x6c: {  	_ =	swait.ge [sflag:s31], $0x1900  }
0x6d: {  	[sflag:s31] =	ssyncset.done $0x0  }
0x6e: {  	s29 =	rddreg [dreg:$0x11];
	[sflag:s31] =	ssyncadd.s32 $0xFFFFE700  }
0x6f: {  	[spmem:s29] =	stream.linear.scatter [tilespmem:s8], [sflag:$0x9], $0x1900, $0x38;
	[tilespmem:$0x1F400] =	vst v63  }
0x70: {  	_ =	swait.ge [sflag:s31], $0x1900  }
0x71: {  	[sflag:s31] =	ssyncset.done $0x0  }
0x72: {  	s30 =	rddreg [dreg:$0x12];
	[sflag:s31] =	ssyncadd.s32 $0xFFFFE700  }
0x73: {  	[spmem:s30] =	stream.linear.scatter [tilespmem:s8], [sflag:$0x9], $0x1900, $0x38;
	[tilespmem:$0x1F400] =	vst v63  }
0x74: {  	_ =	swait.ge [sflag:s31], $0x1900  }
0x75: {  	[sflag:s31] =	ssyncset.done $0x0  }
0x76: {  	s29 =	rddreg [dreg:$0x13];
	[sflag:s31] =	ssyncadd.s32 $0xFFFFE700  }
0x77: {  	[spmem:s29] =	stream.linear.scatter [tilespmem:s8], [sflag:$0x9], $0x1900, $0x38;
	[tilespmem:$0x1F400] =	vst v63  }
0x78: {  	_ =	swait.ge [sflag:s31], $0x1900  }
0x79: {  	[sflag:s31] =	ssyncset.done $0x0  }
0x7a: {  	s30 =	rddreg [dreg:$0x14];
	[sflag:s31] =	ssyncadd.s32 $0xFFFFE700  }
0x7b: {  	[spmem:s30] =	stream.linear.scatter [tilespmem:s8], [sflag:$0x9], $0x1900, $0x38;
	[tilespmem:$0x1F400] =	vst v63  }
0x7c: {  	_ =	swait.ge [sflag:s31], $0x1900  }
0x7d: {  	[sflag:s31] =	ssyncset.done $0x0  }
0x7e: {  	s29 =	rddreg [dreg:$0x15];
	[sflag:s31] =	ssyncadd.s32 $0xFFFFE700  }
0x7f: {  	[spmem:s29] =	stream.linear.scatter [tilespmem:s8], [sflag:$0x9], $0x1900, $0x38;
	[tilespmem:$0x1F400] =	vst v63  }
0x80: {  	_ =	swait.ge [sflag:s31], $0x1900  }
0x81: {  	[sflag:s31] =	ssyncset.done $0x0  }
0x82: {  	s30 =	rddreg [dreg:$0x16];
	[sflag:s31] =	ssyncadd.s32 $0xFFFFE700  }
0x83: {  	[spmem:s30] =	stream.linear.scatter [tilespmem:s8], [sflag:$0x9], $0x1900, $0x38;
	[tilespmem:$0x1F400] =	vst v63  }
0x84: {  	_ =	swait.ge [sflag:s31], $0x1900  }
0x85: {  	[sflag:s31] =	ssyncset.done $0x0  }
0x86: {  	[sflag:s31] =	ssyncadd.s32 $0xFFFFE700  }
.LBB2_5:
0x87: {  	[bflag:$0x0] =	sbarrier.arrive $0xFFFF;
	s14 =	simm.s32 $0x0  }
0x88: {  	[tilespmem:s8], [sflag:$0x1] =	stream.indirect.gather [hbm4b:s2+s9], $0x80, s14, s9, $0xb8;
	[tilespmem:$0x1F400] =	vst v63  }
0x89: {  	s30 =	simm.s32 $0x38  }
0x8a: {  	[tilespmem:s11], [sflag:$0x2] =	stream.indirect.gather [hbm4b:s2+s9], $0x80, s30, s9, $0xb8;
	[tilespmem:$0x1F400] =	vst v63  }
0x8b: {  	s30 =	simm.s32 $0x70  }
0x8c: {  	[tilespmem:s13], [sflag:$0x3] =	stream.indirect.gather [hbm4b:s2+s9], $0x80, s30, s9, $0xb8;
	[tilespmem:$0x1F400] =	vst v63  }
0x8d: {  	s30 =	simm.s32 $0xA8  }
0x8e: {  	[tilespmem:s15], [sflag:$0x4] =	stream.indirect.gather [hbm4b:s2+s9], $0x80, s30, s9, $0xb8;
	[tilespmem:$0x1F400] =	vst v63  }
0x8f: {  	_ =	swait.ge [sflag:s16], $0x1900  }
0x90: {  	[sflag:s16] =	ssyncset.done $0x0  }
0x91: {  	s30 =	simm.s32 $0x2BC0;
	[sflag:s16] =	ssyncadd.s32 $0xFFFFE700  }
0x92: {  	[spmem:s3] =	stream.indirect.scatter.add.f32 [tilespmem:s8], [sflag:$0x5], $0x80, s30, s9, $0xb8;
	[tilespmem:$0x1F400] =	vst v63  }
0x93: {  	_ =	swait.ge [sflag:s17], $0x1900  }
0x94: {  	[sflag:s17] =	ssyncset.done $0x0  }
0x95: {  	s30 =	simm.s32 $0x2BF8;
	[sflag:s17] =	ssyncadd.s32 $0xFFFFE700  }
0x96: {  	[spmem:s3] =	stream.indirect.scatter.add.f32 [tilespmem:s11], [sflag:$0x6], $0x80, s30, s9, $0xb8;
	[tilespmem:$0x1F400] =	vst v63  }
0x97: {  	_ =	swait.ge [sflag:s18], $0x1900  }
0x98: {  	[sflag:s18] =	ssyncset.done $0x0  }
0x99: {  	s30 =	simm.s32 $0x2C30;
	[sflag:s18] =	ssyncadd.s32 $0xFFFFE700  }
0x9a: {  	[spmem:s3] =	stream.indirect.scatter.add.f32 [tilespmem:s13], [sflag:$0x7], $0x80, s30, s9, $0xb8;
	[tilespmem:$0x1F400] =	vst v63  }
0x9b: {  	_ =	swait.ge [sflag:s19], $0x1900  }
0x9c: {  	[sflag:s19] =	ssyncset.done $0x0  }
0x9d: {  	s30 =	simm.s32 $0x2C68;
	[sflag:s19] =	ssyncadd.s32 $0xFFFFE700  }
0x9e: {  	[spmem:s3] =	stream.indirect.scatter.add.f32 [tilespmem:s15], [sflag:$0x8], $0x80, s30, s9, $0xb8;
	[tilespmem:$0x1F400] =	vst v63  }
0x9f: {  	_ =	swait.ge [sflag:s20], $0x1900  }
0xa0: {  	[sflag:s20] =	ssyncset.done $0x0  }
0xa1: {  	s30 =	simm.s32 $0xE0;
	[sflag:s20] =	ssyncadd.s32 $0xFFFFE700  }
0xa2: {  	[tilespmem:s8], [sflag:$0x1] =	stream.indirect.gather [hbm4b:s2+s9], $0x80, s30, s9, $0xb8;
	[tilespmem:$0x1F400] =	vst v63  }
0xa3: {  	_ =	swait.ge [sflag:s21], $0x1900  }
0xa4: {  	[sflag:s21] =	ssyncset.done $0x0  }
0xa5: {  	s30 =	simm.s32 $0x118;
	[sflag:s21] =	ssyncadd.s32 $0xFFFFE700  }
0xa6: {  	[tilespmem:s11], [sflag:$0x2] =	stream.indirect.gather [hbm4b:s2+s9], $0x80, s30, s9, $0xb8;
	[tilespmem:$0x1F400] =	vst v63  }
0xa7: {  	_ =	swait.ge [sflag:s22], $0x1900  }
0xa8: {  	[sflag:s22] =	ssyncset.done $0x0  }
0xa9: {  	s30 =	simm.s32 $0x150;
	[sflag:s22] =	ssyncadd.s32 $0xFFFFE700  }
0xaa: {  	[tilespmem:s13], [sflag:$0x3] =	stream.indirect.gather [hbm4b:s2+s9], $0x80, s30, s9, $0xb8;
	[tilespmem:$0x1F400] =	vst v63  }
0xab: {  	_ =	swait.ge [sflag:s1], $0x1900  }
0xac: {  	[sflag:s1] =	ssyncset.done $0x0  }
0xad: {  	s29 =	simm.s32 $0x188;
	s14 =	simm.s32 $0x380;
	[sflag:s1] =	ssyncadd.s32 $0xFFFFE700  }
.LBB2_6:
0xae: {  	[tilespmem:s15], [sflag:$0x4] =	stream.indirect.gather [hbm4b:s2+s9], $0x80, s29, s9, $0xb8;
	[tilespmem:$0x1F400] =	vst v63  }
0xaf: {  	s29 =	smov.u32 s14  }
0xb0: {  	p1 =	sne.s32 s14, $0xA800;
	s14 =	sadd.s32 $0x380, s14;
	_ =	swait.ge [sflag:s16], $0x1900  }
0xb1: {  	s29 =	sshra.s32 s29, $0x2;
	[sflag:s16] =	ssyncset.done $0x0  }
0xb2: {  	s30 =	sadd.s32 $0x2BC0, s29;
	[sflag:s16] =	ssyncadd.s32 $0xFFFFE700  }
0xb3: {  	[spmem:s3] =	stream.indirect.scatter.add.f32 [tilespmem:s8], [sflag:$0x5], $0x80, s30, s9, $0xb8;
	[tilespmem:$0x1F400] =	vst v63  }
0xb4: {  	_ =	swait.ge [sflag:s17], $0x1900  }
0xb5: {  	[sflag:s17] =	ssyncset.done $0x0  }
0xb6: {  	s30 =	sadd.s32 $0x2BF8, s29;
	[sflag:s17] =	ssyncadd.s32 $0xFFFFE700  }
0xb7: {  	[spmem:s3] =	stream.indirect.scatter.add.f32 [tilespmem:s11], [sflag:$0x6], $0x80, s30, s9, $0xb8;
	[tilespmem:$0x1F400] =	vst v63  }
0xb8: {  	_ =	swait.ge [sflag:s18], $0x1900  }
0xb9: {  	[sflag:s18] =	ssyncset.done $0x0  }
0xba: {  	s30 =	sadd.s32 $0x2C30, s29;
	[sflag:s18] =	ssyncadd.s32 $0xFFFFE700  }
0xbb: {  	[spmem:s3] =	stream.indirect.scatter.add.f32 [tilespmem:s13], [sflag:$0x7], $0x80, s30, s9, $0xb8;
	[tilespmem:$0x1F400] =	vst v63  }
0xbc: {  	_ =	swait.ge [sflag:s19], $0x1900  }
0xbd: {  	[sflag:s19] =	ssyncset.done $0x0  }
0xbe: {  	s30 =	sadd.s32 $0x2C68, s29;
	[sflag:s19] =	ssyncadd.s32 $0xFFFFE700  }
0xbf: {  	[spmem:s3] =	stream.indirect.scatter.add.f32 [tilespmem:s15], [sflag:$0x8], $0x80, s30, s9, $0xb8;
	[tilespmem:$0x1F400] =	vst v63  }
0xc0: {  	_ =	swait.ge [sflag:s20], $0x1900  }
0xc1: {  	[sflag:s20] =	ssyncset.done $0x0  }
0xc2: {  	s30 =	sadd.s32 $0xE0, s29;
	[sflag:s20] =	ssyncadd.s32 $0xFFFFE700  }
0xc3: {  	[tilespmem:s8], [sflag:$0x1] =	stream.indirect.gather [hbm4b:s2+s9], $0x80, s30, s9, $0xb8;
	[tilespmem:$0x1F400] =	vst v63  }
0xc4: {  	_ =	swait.ge [sflag:s21], $0x1900  }
0xc5: {  	[sflag:s21] =	ssyncset.done $0x0  }
0xc6: {  	s30 =	sadd.s32 $0x118, s29;
	[sflag:s21] =	ssyncadd.s32 $0xFFFFE700  }
0xc7: {  	[tilespmem:s11], [sflag:$0x2] =	stream.indirect.gather [hbm4b:s2+s9], $0x80, s30, s9, $0xb8;
	[tilespmem:$0x1F400] =	vst v63  }
0xc8: {  	_ =	swait.ge [sflag:s22], $0x1900  }
0xc9: {  	[sflag:s22] =	ssyncset.done $0x0  }
.Ltmp2:
0xca: {  	s30 =	sadd.s32 $0x150, s29;
	[sflag:s22] =	ssyncadd.s32 $0xFFFFE700;
	(pc) =	sbr.rel @p1 .LBB2_6-.Ltmp2, $4  }
0xcb: {  	[tilespmem:s13], [sflag:$0x3] =	stream.indirect.gather [hbm4b:s2+s9], $0x80, s30, s9, $0xb8;
	[tilespmem:$0x1F400] =	vst v63  }
0xcc: {  	_ =	swait.ge [sflag:s1], $0x1900  }
0xcd: {  	[sflag:s1] =	ssyncset.done $0x0  }
0xce: {  	s29 =	sadd.s32 $0x188, s29;
	[sflag:s1] =	ssyncadd.s32 $0xFFFFE700  }
0xcf: {  	[tilespmem:s15], [sflag:$0x4] =	stream.indirect.gather [hbm4b:s2+s9], $0x80, s29, s9, $0xb8;
	[tilespmem:$0x1F400] =	vst v63  }
0xd0: {  	_ =	swait.ge [sflag:s16], $0x1900  }
0xd1: {  	[sflag:s16] =	ssyncset.done $0x0  }
0xd2: {  	[sflag:s16] =	ssyncadd.s32 $0xFFFFE700  }
0xd3: {  	[spmem:s3] =	stream.indirect.scatter.add.f32 [tilespmem:s8], [sflag:$0x5], $0x80, s0, s9, $0xb8;
	[tilespmem:$0x1F400] =	vst v63  }
0xd4: {  	_ =	swait.ge [sflag:s17], $0x1900  }
0xd5: {  	[sflag:s17] =	ssyncset.done $0x0  }
0xd6: {  	[sflag:s17] =	ssyncadd.s32 $0xFFFFE700  }
0xd7: {  	[spmem:s3] =	stream.indirect.scatter.add.f32 [tilespmem:s11], [sflag:$0x6], $0x80, s10, s9, $0xb8;
	[tilespmem:$0x1F400] =	vst v63  }
0xd8: {  	_ =	swait.ge [sflag:s18], $0x1900  }
0xd9: {  	[sflag:s18] =	ssyncset.done $0x0  }
0xda: {  	[sflag:s18] =	ssyncadd.s32 $0xFFFFE700  }
0xdb: {  	[spmem:s3] =	stream.indirect.scatter.add.f32 [tilespmem:s13], [sflag:$0x7], $0x80, s12, s9, $0xb8;
	[tilespmem:$0x1F400] =	vst v63  }
0xdc: {  	_ =	swait.ge [sflag:s19], $0x1900  }
0xdd: {  	[sflag:s19] =	ssyncset.done $0x0  }
0xde: {  	[sflag:s19] =	ssyncadd.s32 $0xFFFFE700  }
0xdf: {  	[spmem:s3] =	stream.indirect.scatter.add.f32 [tilespmem:s15], [sflag:$0x8], $0x80, s26, s9, $0xb8;
	[tilespmem:$0x1F400] =	vst v63  }
0xe0: {  	_ =	swait.ge [sflag:s20], $0x1900  }
0xe1: {  	[sflag:s20] =	ssyncset.done $0x0  }
0xe2: {  	[sflag:s20] =	ssyncadd.s32 $0xFFFFE700  }
0xe3: {  	_ =	swait.ge [sflag:s21], $0x1900  }
0xe4: {  	[sflag:s21] =	ssyncset.done $0x0  }
0xe5: {  	[sflag:s21] =	ssyncadd.s32 $0xFFFFE700  }
0xe6: {  	_ =	swait.ge [sflag:s22], $0x1900  }
0xe7: {  	[sflag:s22] =	ssyncset.done $0x0  }
0xe8: {  	[sflag:s22] =	ssyncadd.s32 $0xFFFFE700  }
0xe9: {  	_ =	swait.ge [sflag:s1], $0x1900  }
0xea: {  	s14 =	stileid.u32;
	[sflag:s1] =	ssyncset.done $0x0  }
0xeb: {  	s28 =	sadd.s32 $0x1, s28;
	s14 =	sshll.u32 @!p0 s14, $0x6;
	[sflag:s1] =	ssyncadd.s32 $0xFFFFE700  }
0xec: {  	p1 =	sne.s32 s28, s24;
	s14 =	sor.u32 @!p0 $0x1C09, s14;
	[bflag:$0x0] =	sbarrier.arrive $0xFFFF  }
0xed: {  	[hbm:s23], [sflag:s14] =	dma.local @!p0 [spmem:s25], $0x3E80  }
.Ltmp3:
0xee: {  	_ = 	snop;
	(pc) =	sbr.rel @p1 .LBB2_1-.Ltmp3, $4  }
0xef: {  	s14 =	simm.s32 @!p0 $0x9  }
0xf0: {  	_ =	swait.ge @!p0 [sflag:s14], $0x3E80  }
0xf1: {  	[sflag:s14] =	ssyncset.done @!p0 $0x0  }
0xf2: {  	[sflag:s14] =	ssyncadd.s32 @!p0 $0xFFFFC180  }
0xf3: {  	_ =	sfence.sel $0x180000  }
0xf4: {  	[bflag:$0x0] =	sbarrier.arrive $0xFFFF  }
0xf5: {  	_ =	strace $0x9000004D  }
0xf6: {  	s0 =	stileid.u32;
	[bflag:$0x2] =	sbarrier.arrive $0xFFFF  }
0xf7: {  	p0 =	sne.s32 s0, $0x0;
	s0 =	rddreg [dreg:$0x3]  }
0xf8: {  	s0 =	sadd.s32 @!p0 $0x100000, s0  }
0xf9: {  	[sflag:s0] =	ssyncadd.tile.s32 @!p0 $0x1;
	_ =	shalt  }
.Lfunc_end2:
_tile_overlayer_lowered:
.L_overlay_start_2:
0xfa: {  	(tag) =	ssettag $0x2  }
0xfb: {  	s0 =	rddreg [dreg:$0x0];
	s2 =	stileid.u32  }
0xfc: {  	s1 =	rddreg [dreg:$0x1];
	p0 =	sne.s32 s2, $0x0  }
0xfd: {  	s3 =	rddreg [dreg:$0x2];
	[bflag:$0x3] =	sbarrier.arrive $0xFFFF;
	s2 =	simm.s32 @!p0 $0x1C09  }
0xfe: {  	[timem:s3], [sflag:s2] =	dma.local @!p0 [hbm:s0], s1  }
0xff: {  	s0 =	simm.s32 @!p0 $0x9  }
0x100: {  	_ =	swait.ge @!p0 [sflag:s0], s1  }
0x101: {  	s1 =	ssub.s32 @!p0 $0x0, s1;
	[sflag:s0] =	ssyncset.done @!p0 $0x0  }
0x102: {  	[sflag:s0] =	ssyncadd.s32 @!p0 s1  }
0x103: {  	[bflag:$0x3] =	sbarrier.arrive $0xFFFF  }
0x104: {  	_ =	shalt  }

// kernel: kernel.9.cloned.1.call-start
scs
__scs_entry_jumppad:
0x0: {  	(pc) =	sbr.rel $0x88, $3  }
0x1: {  	(tag) =	ssettag $0x0;
	lr =	simm.s32 $0x1  }
0x2: {  	[smem:$0x3F9A] =	sst lr;
	_ =	strace $0xD0000000  }
0x3: {  	_ = 	snop  }
0x4: {  	_ = 	snop  }
0x5: {  	_ = 	snop  }
0x6: {  	_ = 	snop  }
0x7: {  	_ = 	snop  }
__scs_overlays_trampoline_lowered:
0x8: {  	[smem:$0x3FA9] =	sst s0  }
0x9: {  	[smem:$0x3FAA] =	sst s1  }
0xa: {  	[smem:$0x3FAB] =	sst s2  }
0xb: {  	[smem:$0x3FAC] =	sst s3  }
0xc: {  	[smem:$0x3FAD] =	sst s4  }
0xd: {  	[smem:$0x3FAE] =	sst s5  }
0xe: {  	[smem:$0x3FAF] =	sst s6  }
0xf: {  	[smem:$0x3FB0] =	sst s7  }
0x10: {  	[smem:$0x3FB1] =	sst s8  }
0x11: {  	[smem:$0x3FB2] =	sst s9;
	s0 =	simm.s32 @!p0 $0x0  }
0x12: {  	s1 =	sld [smem:$0x3F98];
	s0 =	simm.s32 @p0 $0x1  }
0x13: {  	[smem:$0x3FB3] =	sst s0;
	s0 =	simm.s32 @!p1 $0x0  }
0x14: {  	s2 =	sld [smem:$0x3F97];
	s0 =	simm.s32 @p1 $0x1  }
0x15: {  	[smem:$0x3FB4] =	sst s0;
	s0 =	simm.s32 @!p2 $0x0  }
0x16: {  	s3 =	sld [smem:$0x3FDB];
	s0 =	simm.s32 @p2 $0x1  }
0x17: {  	s4 =	simm.s32 $0x1BF5;
	[smem:$0x3FB6] =	sst s0  }
0x18: {  	s0 =	sld [smem:$0x3F99];
	_ =	swait.ge [sflag:s4], $0x0  }
0x19: {  	s7 =	sld [smem:$0x3F9A]  }
0x1a: {  	s8 =	sadd.s32 $0xFFFFE003, lr  }
0x1b: {  	s9 =	sadd.s32 $0xFFFFFEF7, lr;
	s5 =	simm.s32 $0xFFFFFFFF;
	p2 =	slt.u32 s8, $0xFFFFF086  }
0x1c: {  	p1 =	slt.u32 s9, $0xF7A;
	s5 =	simm.s32 @!p2 $0x0  }
0x1d: {  	s5 =	simm.s32 @p1 $0x1;
	p0 =	seq.s32 s7, s2  }
0x1e: {  	s7 =	smul.u32 @!p0 $0xF7A, s2;
	p2 =	seq.s32 @!p0 s5, $0x0  }
0x1f: {  	s9 =	smul.u32 $0xF7A, s1;
	s8 =	simm.s32 @!p0 $0x1BF5;
	p2 =	por !p2, p0  }
0x20: {  	[sflag:s8] =	ssyncset.s32 @!p0 $0xFFFFF086;
	s6 =	sadd.s32 @!p0 s3, s7;
	s7 =	simm.s32 @!p0 $0x108  }
0x21: {  	s3 =	sadd.s32 s3, s9;
	s6 =	sadd.s32 @!p0 $0x88, s6;
	s7 =	simm.s32 @p2 $0x1082  }
0x22: {  	[simem:s7], [sflag:s8] =	dma.local @!p0 [hbm:s6], $0xF7A  }
0x23: {  	s9 =	sor.u32 $0xD0000000, s2;
	s6 =	simm.s32 $0x108;
	_ =	swait.ge @!p0 [sflag:s8], $0x0  }
0x24: {  	s3 =	sadd.s32 $0x88, s3;
	s6 =	simm.s32 @!p1 $0x1082;
	[sflag:s4] =	ssyncset.s32 $0xFFFFF086  }
0x25: {  	[simem:s6], [sflag:s4] =	dma.local [hbm:s3], $0xF7A  }
0x26: {  	[smem:$0x3F9A] =	sst s1;
	(tag) =	ssettag s2;
	_ =	strace s9  }
0x27: {  	s1 =	sld [smem:$0x3FAA]  }
0x28: {  	s2 =	sld [smem:$0x3FAB]  }
0x29: {  	s4 =	sld [smem:$0x3FAD]  }
0x2a: {  	p0 =	seq.s32 s5, $0x0;
	s5 =	sld [smem:$0x3FAE]  }
0x2b: {  	s6 =	sld [smem:$0x3FAF]  }
0x2c: {  	s7 =	sld [smem:$0x3FB0]  }
0x2d: {  	s3 =	simm.s32 $0x108;
	s8 =	sld [smem:$0x3FB1]  }
0x2e: {  	s3 =	simm.s32 @!p0 $0x1082;
	s9 =	sld [smem:$0x3FB2]  }
0x2f: {  	lr =	sadd.s32 s0, s3;
	s0 =	sld [smem:$0x3FA9]  }
0x30: {  	s3 =	sld [smem:$0x3FAC]  }
0x31: {  	[smem:$0x3FB5] =	sst s10  }
0x32: {  	s10 =	sld [smem:$0x3FB3];
	_ =	sdelay $0x3  }
0x33: {  	p0 =	seq.s32 s10, $0x1;
	s10 =	sld [smem:$0x3FB5];
	_ =	sdelay $0x3  }
0x34: {  	[smem:$0x3FB5] =	sst s10  }
0x35: {  	s10 =	sld [smem:$0x3FB4];
	_ =	sdelay $0x3  }
0x36: {  	p1 =	seq.s32 s10, $0x1;
	s10 =	sld [smem:$0x3FB5];
	_ =	sdelay $0x3  }
0x37: {  	[smem:$0x3FB5] =	sst s10  }
0x38: {  	s10 =	sld [smem:$0x3FB6]  }
0x39: {  	_ = 	snop;
	(pc) =	sbr.ind lr, $3  }
0x3a: {  	_ = 	snop  }
0x3b: {  	_ = 	snop  }
0x3c: {  	p2 =	seq.s32 s10, $0x1;
	s10 =	sld [smem:$0x3FB5]  }
0x3d: {  	_ =	shalt  }
0x3e: {  	_ =	shalt  }
0x3f: {  	_ =	shalt  }
0x40: {  	_ =	shalt  }
0x41: {  	_ =	shalt  }
0x42: {  	_ =	shalt  }
0x43: {  	_ =	shalt  }
0x44: {  	_ =	shalt  }
0x45: {  	_ =	shalt  }
0x46: {  	_ =	shalt  }
0x47: {  	_ =	shalt  }
0x48: {  	_ =	shalt  }
0x49: {  	_ =	shalt  }
0x4a: {  	_ =	shalt  }
0x4b: {  	_ =	shalt  }
0x4c: {  	_ =	shalt  }
0x4d: {  	_ =	shalt  }
0x4e: {  	_ =	shalt  }
0x4f: {  	_ =	shalt  }
0x50: {  	_ =	shalt  }
0x51: {  	_ =	shalt  }
0x52: {  	_ =	shalt  }
0x53: {  	_ =	shalt  }
0x54: {  	_ =	shalt  }
0x55: {  	_ =	shalt  }
0x56: {  	_ =	shalt  }
0x57: {  	_ =	shalt  }
0x58: {  	_ =	shalt  }
0x59: {  	_ =	shalt  }
0x5a: {  	_ =	shalt  }
0x5b: {  	_ =	shalt  }
0x5c: {  	_ =	shalt  }
0x5d: {  	_ =	shalt  }
0x5e: {  	_ =	shalt  }
0x5f: {  	_ =	shalt  }
0x60: {  	_ =	shalt  }
0x61: {  	_ =	shalt  }
0x62: {  	_ =	shalt  }
0x63: {  	_ =	shalt  }
0x64: {  	_ =	shalt  }
0x65: {  	_ =	shalt  }
0x66: {  	_ =	shalt  }
0x67: {  	_ =	shalt  }
0x68: {  	_ =	shalt  }
0x69: {  	_ =	shalt  }
0x6a: {  	_ =	shalt  }
0x6b: {  	_ =	shalt  }
0x6c: {  	_ =	shalt  }
0x6d: {  	_ =	shalt  }
0x6e: {  	_ =	shalt  }
0x6f: {  	_ =	shalt  }
0x70: {  	_ =	shalt  }
0x71: {  	_ =	shalt  }
0x72: {  	_ =	shalt  }
0x73: {  	_ =	shalt  }
0x74: {  	_ =	shalt  }
0x75: {  	_ =	shalt  }
0x76: {  	_ =	shalt  }
0x77: {  	_ =	shalt  }
0x78: {  	_ =	shalt  }
0x79: {  	_ =	shalt  }
0x7a: {  	_ =	shalt  }
0x7b: {  	_ =	shalt  }
0x7c: {  	_ =	shalt  }
0x7d: {  	_ =	shalt  }
0x7e: {  	_ =	shalt  }
0x7f: {  	_ =	shalt  }
0x80: {  	_ =	shalt  }
0x81: {  	_ =	shalt  }
0x82: {  	_ =	shalt  }
0x83: {  	_ =	shalt  }
0x84: {  	_ =	shalt  }
0x85: {  	_ =	shalt  }
0x86: {  	_ =	shalt  }
0x87: {  	_ =	shalt  }
.Lfunc_end0:
.L_simem_size_0:
called_computation_lowered:
.L_overlay_start_0:
0x88: {  	s2 =	sld [smem:$0x3FD9]  }
0x89: {  	s3 =	sld [smem:$0x3FFE];
	_ =	sdelay $0x1  }
0x8a: {  	s1 =	srdreg.scid  }
0x8b: {  	s0 =	sand.u32 $0x1, s1  }
0x8c: {  	s17 =	sshll.u32 s0, $0xA;
	s2 =	sadd.s32 s3, s2  }
0x8d: {  	s2 =	sadd.s32 s2, s17  }
0x8e: {  	[smem:$0x3FC1] =	sst s2  }
0x8f: {  	_ = 	snop  }
0x90: {  	s2 =	sld [smem:$0x3FD0];
	(tm) =	ssettm $0x1  }
0x91: {  	s18 =	sld [smem:$0x3FFB];
	_ =	sdelay $0x3  }
0x92: {  	_ =	strace s18  }
0x93: {  	s3 =	sld [smem:$0x3FFC];
	_ =	sdelay $0x3  }
0x94: {  	_ =	strace s3  }
0x95: {  	s3 =	sld [smem:$0x3FFD];
	_ =	sdelay $0x3  }
0x96: {  	_ =	strace s3  }
0x97: {  	_ =	strace $0x8FFFFFFF  }
0x98: {  	s19 =	sld [smem:$0x3FDB];
	_ =	sdelay $0x1  }
0x99: {  	s4 =	simm.s32 $_scs_section_size  }
0x9a: {  	s5 =	simm.s32 $_size__tile_overlayer_lowered;
	s6 =	simm.s32 $_tile_overlayer_lowered  }
0x9b: {  	s22 =	simm.s32 $0x1BFF;
	s21 =	sshll.u32 s6, $0x1;
	s3 =	sadd.s32 s4, s19  }
0x9c: {  	s7 =	simm.s32 $0x0;
	s20 =	sshll.u32 s5, $0x1;
	s5 =	sadd.s32 s21, s3  }
0x9d: {  	[timem:s7], [sflag:s22] =	dma.local [hbm:s5], s20  }
0x9e: {  	_ =	swait.ge [sflag:s22], s20  }
0x9f: {  	s4 =	ssub.s32 $0x0, s20;
	[sflag:s22] =	ssyncset.done $0x0  }
0xa0: {  	[sflag:s22] =	ssyncadd.s32 s4;
	_ =	sdelay $0x1  }
0xa1: {  	s23 =	simm.s32 $0x1B8B  }
0xa2: {  	_ =	swait.ge [sflag:s23], $0x1  }
0xa3: {  	[sflag:s23] =	ssyncset.done $0x0  }
0xa4: {  	s25 =	simm.s32 $0x1B8E;
	s24 =	sld [smem:$0x3FFE];
	[sflag:s23] =	ssyncadd.s32 $0xFFFFFFFF  }
0xa5: {  	s26 =	simm.s32 $execute0_lowered;
	[smem:$0x3FD2] =	sst s25  }
0xa6: {  	s5 =	sshll.u32 s26, $0x1;
	_ =	strace $0x80000046;
	[dreg:$0x1] =	wrdreg $0xFFFFFFFF  }
0xa7: {  	s28 =	simm.s32 $_size_execute0_lowered;
	s3 =	sadd.s32 s3, s5;
	[dreg:$0x0] =	wrdreg $0x0  }
0xa8: {  	s5 =	sshll.u32 s28, $0x1;
	[dreg:$0x2] =	wrdreg s3  }
0xa9: {  	[dreg:$0x3] =	wrdreg s5  }
0xaa: {  	[dreg:$0x4] =	wrdreg $0xC0  }
0xab: {  	_ =	task [dreg:s7], $0x5FFFF  }
0xac: {  	[dreg:$0x1] =	wrdreg $0xFFFFFFFF  }
0xad: {  	[dreg:$0x0] =	wrdreg $0x60  }
0xae: {  	[dreg:$0x2] =	wrdreg s24  }
0xaf: {  	[dreg:$0x3] =	wrdreg s2  }
0xb0: {  	[dreg:$0x4] =	wrdreg $0x6D600  }
0xb1: {  	[dreg:$0x5] =	wrdreg $0x9  }
0xb2: {  	_ =	task.clear_ibuf [dreg:s7], $0x6FFFF;
	_ =	strace $0x90000046  }
0xb3: {  	s29 =	simm.s32 $0x9;
	_ =	strace $0x80000048  }
0xb4: {  	_ =	swait.ge [sflag:s29], $0x1  }
0xb5: {  	[sflag:s29] =	ssyncadd.s32 $0xFFFFFFFF  }
0xb6: {  	_ =	strace $0x90000048  }
0xb7: {  	_ =	sfence  }
0xb8: {  	s30 =	sld [smem:$0x0];
	_ =	sdelay $0x2  }
0xb9: {  	s31 =	sshll.u32 s1, $0xD;
	s1 =	sshrl.u32 s1, $0x2  }
0xba: {  	s3 =	sand.u32 $0x4000, s31;
	s1 =	sadd.s32 s1, s30  }
0xbb: {  	s0 =	sor.u32 s3, s0;
	s1 =	sshll.u32 s1, $0x11  }
0xbc: {  	s0 =	sor.u32 s1, s0  }
0xbd: {  	s0 =	sadd.s32 $0x8F2B, s0  }
0xbe: {  	[sflag:s0] =	ssyncadd.remote.s32 $0x1  }
0xbf: {  	_ =	sfence.sel $0xFFFF  }
0xc0: {  	[dreg:$0x0] =	wrdreg $0xFFFFFFFF;
	(pc) =	sbr.abs _section_cstart, $3  }
0xc1: {  	[dreg:$0x1] =	wrdreg $0xFFFFFFFF  }
0xc2: {  	_ =	task.clear_ibuf [dreg:s7], $0x2FFFF;
	_ =	strace $0x9FFFFFFF  }
0xc3: {  	(tm) =	ssettm $0x7FFFFFFF  }
tec
execute0_lowered:
.L_overlay_start_1:
0x0: {  	(tag) =	ssettag $0x1  }
0x1: {  	s4 =	rddreg [dreg:$0x0]  }
0x2: {  	s1 =	srdreg.scid;
	s7 =	rddreg [dreg:$0x1]  }
0x3: {  	s0 =	stileid.u32;
	s2 =	rddreg [dreg:$0x2]  }
0x4: {  	s3 =	simm.s32 $0x0;
	s12 =	simm.s32 $0x1;
	s15 =	simm.s32 $0x0  }
0x5: {  	s5 =	sand.u32 $0x1, s1;
	s30 =	sshll.u32 s0, $0x1;
	s8 =	smul.u32 $0xFA00, s0  }
0x6: {  	[smem:$0x7FF] =	sst s3;
	s10 =	smul.u32 $0x3E80, s0;
	p0 =	sgt.u32 s0, $0x9  }
0x7: {  	s1 =	sor.u32 s5, s30;
	s9 =	smul.u32 $0x27100, s5;
	s5 =	ssub.s32 $0x2, s5  }
0x8: {  	s13 =	sshll.u32 @!p0 s0, $0x6;
	s6 =	smul.u32 $0x578, s1;
	s1 =	rddreg [dreg:$0x3]  }
0x9: {  	_ =	strace $0x80000047;
	s11 =	sshrl.u32 s5, $0x1;
	s8 =	sshrl.u32 s8, $0x2  }
0xa: {  	s14 =	sadd.s32 s10, s2;
	s13 =	sor.u32 @!p0 $0x1C02, s13;
	s11 =	ssub.s32 s5, s11  }
0xb: {  	s9 =	sadd.s32 s10, s9;
	s10 =	simm.s32 $0x2BC0;
	s14 =	sshrl.u32 @!p0 s14, $0x3  }
0xc: {  	s6 =	sadd.s32 s6, s4;
	s4 =	sadd.s32 $0xDE00, s4;
	s31 =	sshrl.u32 s9, $0x3  }
0xd: {  	s9 =	simm.s32 $0x2;
	s5 =	sadd.s32 $0x2E00, s6;
	s6 =	sadd.s32 s8, s2  }
0xe: {  	v0 =	vimm.f32 $0.0e+00;
	s7 =	sadd.s32 s7, s31;
	s8 =	smax.u32 s11, $0x1;
	s11 =	simm.s32 $0x32  }
.LBB2_1:
0xf: {  	[tilespmem:s3], [sflag:$0x2] =	stream.linear.gather [hbm4b:s5+s3], $0x2BC0, $0x38;
	[tilespmem:$0x9470] =	vst v63  }
0x10: {  	_ =	swait.ge [sflag:s9], $0x2BC0  }
0x11: {  	[sflag:s9] =	ssyncset.done $0x0  }
0x12: {  	[sflag:s9] =	ssyncadd.s32 $0xFFFFD440  }
0x13: {  	[tilespmem:s10], [sflag:$0x2] =	stream.linear.gather [hbm4b:s4+s3], $0x320, $0x38;
	[tilespmem:$0x9470] =	vst v63  }
0x14: {  	_ =	swait.ge [sflag:s9], $0x320  }
0x15: {  	[sflag:s9] =	ssyncset.done $0x0  }
0x16: {  	s16 =	simm.s32 $0x40;
	s17 =	simm.s32 $0x0;
	[sflag:s9] =	ssyncadd.s32 $0xFFFFFCE0  }
.LBB2_2:
0x17: {  	p1 =	sne.s32 s16, $0xF9C0;
	[tilespmem:s17+$0x2EE0] =	vst v0;
	s17 =	smov.u32 s16;
	s16 =	sadd.s32 $0x40, s16  }
.Ltmp0:
0x18: {  	(pc) =	sbr.rel @p1 .LBB2_2-.Ltmp0, $2  }
0x19: {  	_ =	sdelay $0x2  }
0x1a: {  	s17 =	sshra.s32 s17, $0x2  }
0x1b: {  	[tilespmem:s17+$0x2EE0] =	vst v0;
	s16 =	simm.s32 @!p0 $0x2EE0  }
0x1c: {  	[spmem:s6] =	stream.linear.scatter @!p0 [tilespmem:s16], [sflag:$0x2], $0x3E80, $0x38;
	[tilespmem:$0x9470] =	vst v63  }
0x1d: {  	s16 =	simm.s32 @!p0 $0x2  }
0x1e: {  	_ =	swait.ge @!p0 [sflag:s16], $0x3E80  }
0x1f: {  	[sflag:s16] =	ssyncset.done @!p0 $0x0  }
0x20: {  	[sflag:s16] =	ssyncadd.s32 @!p0 $0xFFFFC180  }
0x21: {  	s16 =	simm.s32 $0x0;
	[bflag:$0x0] =	sbarrier.arrive $0xFFFF  }
.LBB2_4:
0x22: {  	p1 =	sne.s32 s16, $0xAE20  }
.Ltmp1:
0x23: {  	_ = 	snop;
	(pc) =	sbr.rel @p1 .LBB2_4-.Ltmp1, $3  }
0x24: {  	_ =	sdelay $0x1  }
0x25: {  	s17 =	sshra.s32 s16, $0x2;
	s16 =	sadd.s32 $0xE0, s16  }
0x26: {  	[spmem:s2] =	stream.indirect.scatter.add.f32 [tilespmem:s10], [sflag:$0x1], $0x10, s17, s11, $0xb8;
	[tilespmem:$0x9470] =	vst v63  }
0x27: {  	_ =	swait.ge [sflag:s12], $0x320  }
0x28: {  	s16 =	simm.s32 $0xC7;
	[sflag:s12] =	ssyncset.done $0x0  }
.LBB2_6:
0x29: {  	p1 =	sne.s32 s16, $0x1;
	s16 =	sadd.s32 $0xFFFFFFFF, s16;
	[sflag:s12] =	ssyncadd.s32 $0xFFFFFCE0  }
.Ltmp2:
0x2a: {  	(pc) =	sbr.rel @p1 .LBB2_6-.Ltmp2, $3  }
0x2b: {  	_ =	sdelay $0x1  }
0x2c: {  	_ =	swait.ge [sflag:s12], $0x320  }
0x2d: {  	[sflag:s12] =	ssyncset.done $0x0  }
0x2e: {  	s15 =	sadd.s32 $0x1, s15  }
0x2f: {  	[sflag:s12] =	ssyncadd.s32 $0xFFFFFCE0;
	p1 =	sne.s32 s15, s8  }
.Ltmp3:
0x30: {  	s16 =	simm.s32 @!p0 $0x2;
	[bflag:$0x0] =	sbarrier.arrive $0xFFFF;
	(pc) =	sbr.rel @p1 .LBB2_1-.Ltmp3, $4  }
0x31: {  	[hbm:s7], [sflag:s13] =	dma.local @!p0 [spmem:s14], $0x7D0  }
0x32: {  	_ =	swait.ge @!p0 [sflag:s16], $0x7D0  }
0x33: {  	[sflag:s16] =	ssyncset.done @!p0 $0x0  }
0x34: {  	[sflag:s16] =	ssyncadd.s32 @!p0 $0xFFFFF830  }
0x35: {  	_ =	sfence.sel $0x180000  }
0x36: {  	[bflag:$0x0] =	sbarrier.arrive $0xFFFF  }
0x37: {  	p0 =	sne.s32 s0, $0x0;
	_ =	strace $0x90000047  }
0x38: {  	s0 =	sadd.s32 @!p0 $0x100000, s1;
	[bflag:$0x2] =	sbarrier.arrive $0xFFFF  }
0x39: {  	[sflag:s0] =	ssyncadd.tile.s32 @!p0 $0x1;
	_ =	shalt  }
.Lfunc_end2:
_tile_overlayer_lowered:
.L_overlay_start_2:
0x3a: {  	(tag) =	ssettag $0x2  }
0x3b: {  	s0 =	rddreg [dreg:$0x0];
	s2 =	stileid.u32  }
0x3c: {  	s1 =	rddreg [dreg:$0x1];
	p0 =	sne.s32 s2, $0x0  }
0x3d: {  	s3 =	rddreg [dreg:$0x2];
	[bflag:$0x3] =	sbarrier.arrive $0xFFFF;
	s2 =	simm.s32 @!p0 $0x1C02  }
0x3e: {  	[timem:s3], [sflag:s2] =	dma.local @!p0 [hbm:s0], s1  }
0x3f: {  	s0 =	simm.s32 @!p0 $0x2  }
0x40: {  	_ =	swait.ge @!p0 [sflag:s0], s1  }
0x41: {  	s1 =	ssub.s32 @!p0 $0x0, s1;
	[sflag:s0] =	ssyncset.done @!p0 $0x0  }
0x42: {  	[sflag:s0] =	ssyncadd.s32 @!p0 s1  }
0x43: {  	[bflag:$0x3] =	sbarrier.arrive $0xFFFF  }
0x44: {  	_ =	shalt  }

</sc_bundles>
